<compile_context>
chip_gen: v7x
topology: tpu7x:2x2x1
jax: 0.10.2.dev20260603
libtpu: 0.0.44.dev20260713+nightly
codegen_flags: <defaults>
</compile_context>

<pallas_src>
import functools

import jax
import jax.numpy as jnp
from jax import lax
from jax.experimental import pallas as pl
from jax.experimental.pallas import tpu as pltpu
from jax.experimental.pallas import tpu_sc as plsc

N = 10000
D = 128
E = 320000
L = 16
NPAD = 10240
NS = 16
CH = 128
RPT = 160
E2 = NS * RPT * CH
STR = NPAD // NS
NH = 5120
NR = NH + 256
NRS = NR // NS

_sc_mesh = plsc.VectorSubcoreMesh(core_axis_name="c", subcore_axis_name="s")


@functools.partial(
    pl.kernel,
    out_type=jax.ShapeDtypeStruct((4, 2, NR, D), jnp.float32),
    mesh=_sc_mesh,
    scratch_types=[
        pltpu.VMEM((RPT, CH), jnp.int32),
        pltpu.VMEM((RPT, CH), jnp.int32),
        pltpu.VMEM((2, CH, D), jnp.float32),
        pltpu.VMEM_SHARED((NR, D), jnp.float32),
        pltpu.SemaphoreType.DMA,
        pltpu.SemaphoreType.DMA,
    ],
)
def _scatter_kernel(ytab, srcs, dsts2, zstr, out, idxs, idxd, rows,
                    acc, sem0, sem1):
    c = lax.axis_index("c")
    s = lax.axis_index("s")

    for li in range(2):
        rel = 2 * c + li
        pltpu.sync_copy(srcs.at[rel, pl.ds(s * RPT, RPT)], idxs)

        for p in range(2):
            pltpu.sync_copy(dsts2.at[rel, p, pl.ds(s * RPT, RPT)], idxd)
            pltpu.sync_copy(zstr, acc.at[pl.ds(s * NRS, NRS)])
            plsc.subcore_barrier()

            pltpu.async_copy(ytab.at[idxs.at[0]], rows.at[0], sem0)

            @pl.loop(0, RPT, step=2)
            def _chunk(r):
                pltpu.make_async_copy(ytab.at[idxs.at[r]], rows.at[0],
                                      sem0).wait()

                @pl.when(r + 1 < RPT)
                def _fire1():
                    pltpu.async_copy(ytab.at[idxs.at[r + 1]], rows.at[1],
                                     sem1)

                pltpu.sync_copy(rows.at[0], acc.at[idxd.at[r]], add=True)

                @pl.when(r + 1 < RPT)
                def _second():
                    pltpu.make_async_copy(ytab.at[idxs.at[r + 1]],
                                          rows.at[1], sem1).wait()

                    @pl.when(r + 2 < RPT)
                    def _fire0():
                        pltpu.async_copy(ytab.at[idxs.at[r + 2]],
                                         rows.at[0], sem0)

                    pltpu.sync_copy(rows.at[1], acc.at[idxd.at[r + 1]],
                                    add=True)
            plsc.subcore_barrier()
            pltpu.sync_copy(acc.at[pl.ds(s * NRS, NRS)],
                            out.at[rel, p, pl.ds(s * NRS, NRS)])


def _dinv_body(degs_ref, out_ref):
    d = degs_ref[...]
    row = lax.broadcasted_iota(jnp.int32, d.shape, 0)
    deff = jnp.where(row < 2, d + 1.0, jnp.maximum(d, 1.0))
    out_ref[...] = lax.rsqrt(deff)


def _prep_body(x_ref, w_ref, dinv_ref, y_ref):
    xw = jnp.dot(x_ref[0], w_ref[0], preferred_element_type=jnp.float32)
    y_ref[0] = xw * dinv_ref[0]


def _final_body(acc_ref, y01_ref, dinvd_ref, b_ref, drug_ref, gene_ref):
    outs = []
    for r in range(4):
        a = acc_ref[r]
        if r < 2:
            a = a + y01_ref[r]
        pre = a * dinvd_ref[r] + b_ref[pl.ds(r, 1), :]
        v = jnp.maximum(pre, 0.0)
        ssq = jnp.sum(v * v, axis=1, keepdims=True)
        outs.append(v * (1.0 / jnp.maximum(jnp.sqrt(ssq), 1e-12)))
    drug_ref[...] = outs[1] + outs[2]
    gene_ref[...] = outs[0] + outs[3]


_RB = 2000
_PADE = E2 - E


def _pad_idx(v, fill):
    return jnp.concatenate([v, fill]).reshape(E2 // CH, CH)


def kernel(gene_feat, drug_feat, edge_index_gene_gene, edge_index_drug_drug,
           edge_index_target_drug, edge_index_drug_target,
           W_gg, b_gg, W_dd, b_dd, W_td, b_td, W_dt, b_dt):
    e = [edge_index_gene_gene, edge_index_drug_drug,
         edge_index_target_drug, edge_index_drug_target]
    pad_pos = jnp.arange(_PADE, dtype=jnp.int32)
    pad_junk = N + (pad_pos % CH)
    pad_src = pad_pos % 1024
    lists6 = jnp.stack([
        _pad_idx(e[0][1], pad_junk), _pad_idx(e[1][1], pad_junk),
        _pad_idx(e[2][0], pad_junk), _pad_idx(e[2][1], pad_junk),
        _pad_idx(e[3][0], pad_junk), _pad_idx(e[3][1], pad_junk)])
    srcs = jnp.stack([_pad_idx(e[r][0], pad_src) + r * N for r in range(4)])
    dsts = jnp.stack([_pad_idx(e[r][1], pad_junk) for r in range(4)])
    lane = jnp.arange(CH, dtype=jnp.int32)[None, None, None, :]
    dsts2 = jnp.stack([dsts - p * NH for p in range(2)], axis=1)
    dsts2 = jnp.where((dsts2 >= 0) & (dsts2 < NH), dsts2, NH + lane)

    zstr = jnp.zeros((NRS, D), jnp.float32)

    degs = jnp.stack([jnp.zeros((NPAD,), jnp.float32).at[lists6[j].reshape(-1)
                                                         ].add(1.0)
                      for j in range(6)])

    dinv6 = pl.pallas_call(
        _dinv_body,
        out_shape=jax.ShapeDtypeStruct((6, NPAD), jnp.float32),
    )(degs)[:, :N]

    dinv_src = jnp.stack([dinv6[0], dinv6[1], dinv6[2], dinv6[4]])[..., None]
    dinv_dst = jnp.stack([dinv6[0], dinv6[1], dinv6[3], dinv6[5]])[..., None]

    X = jnp.stack([gene_feat, drug_feat, gene_feat, drug_feat])
    W4 = jnp.stack([W_gg, W_dd, W_td, W_dt])
    B4 = jnp.stack([b_gg, b_dd, b_td, b_dt])

    y = pl.pallas_call(
        _prep_body,
        grid=(4, N // _RB),
        in_specs=[
            pl.BlockSpec((1, _RB, D), lambda r, i: (r, i, 0)),
            pl.BlockSpec((1, D, D), lambda r, i: (r, 0, 0)),
            pl.BlockSpec((1, _RB, 1), lambda r, i: (r, i, 0)),
        ],
        out_specs=pl.BlockSpec((1, _RB, D), lambda r, i: (r, i, 0)),
        out_shape=jax.ShapeDtypeStruct((4, N, D), jnp.float32),
    )(X, W4, dinv_src)

    accO = _scatter_kernel(y.reshape(4 * N, D), srcs, dsts2, zstr)
    acc = jnp.concatenate([accO[:, 0, :NH], accO[:, 1, :N - NH]], axis=1)

    drug_out, gene_out = pl.pallas_call(
        _final_body,
        grid=(N // _RB,),
        in_specs=[
            pl.BlockSpec((4, _RB, D), lambda i: (0, i, 0)),
            pl.BlockSpec((2, _RB, D), lambda i: (0, i, 0)),
            pl.BlockSpec((4, _RB, 1), lambda i: (0, i, 0)),
            pl.BlockSpec((4, D), lambda i: (0, 0)),
        ],
        out_specs=[
            pl.BlockSpec((_RB, D), lambda i: (i, 0)),
            pl.BlockSpec((_RB, D), lambda i: (i, 0)),
        ],
        out_shape=[
            jax.ShapeDtypeStruct((N, D), jnp.float32),
            jax.ShapeDtypeStruct((N, D), jnp.float32),
        ],
    )(acc, y, dinv_dst, B4)
    return drug_out, gene_out

# --- scband reference (transcript-rebuilt; emitter-appended) ---
"""Pipeline reference for scband-encoder-86801289052297 (READ-ONLY COPY).

The authoritative reference and input builder live on the scoring server;
editing this copy changes nothing except your own understanding.
"""

import jax, jax.numpy as jnp
import numpy as np

N_GENES = 10000
N_DRUGS = 10000
D_IN = 128
D_OUT = 128
E = 320000


def gcn_conv(x, edge_index, W, b, n_nodes):
    # PyG GCNConv with add_self_loops=True, symmetric normalization
    xw = x @ W
    src = edge_index[0]
    dst = edge_index[1]
    loop = jnp.arange(n_nodes, dtype=src.dtype)
    src = jnp.concatenate([src, loop])
    dst = jnp.concatenate([dst, loop])
    deg = jnp.zeros((n_nodes,), dtype=x.dtype).at[dst].add(1.0)
    dinv = 1.0 / jnp.sqrt(jnp.clip(deg, 1.0))
    norm = dinv[src] * dinv[dst]
    msg = xw[src] * norm[:, None]
    out = jnp.zeros((n_nodes, xw.shape[1]), dtype=x.dtype).at[dst].add(msg)
    return out + b


def bipartite_gcn(x_src, edge_index, W, b, n_src, n_dst):
    # symmetric-degree-normalized bipartite message passing src -> dst
    xw = x_src @ W
    src = edge_index[0]
    dst = edge_index[1]
    deg_s = jnp.zeros((n_src,), dtype=x_src.dtype).at[src].add(1.0)
    deg_d = jnp.zeros((n_dst,), dtype=x_src.dtype).at[dst].add(1.0)
    norm = (1.0 / jnp.sqrt(jnp.clip(deg_s, 1.0)))[src] * (1.0 / jnp.sqrt(jnp.clip(deg_d, 1.0)))[dst]
    out = jnp.zeros((n_dst, xw.shape[1]), dtype=x_src.dtype).at[dst].add(xw[src] * norm[:, None])
    return out + b


def l2_normalize(x, eps=1e-12):
    n = jnp.sqrt(jnp.sum(x * x, axis=1, keepdims=True))
    return x / jnp.clip(n, eps)


def setup_inputs(seed: int = 0) -> dict:
    key = jax.random.key(seed)
    ks = jax.random.split(key, 14)
    scale = 1.0 / np.sqrt(D_IN)
    inp = {}
    inp["gene_feat"] = jax.random.normal(ks[0], (N_GENES, D_IN), dtype=jnp.float32)
    inp["drug_feat"] = jax.random.normal(ks[1], (N_DRUGS, D_IN), dtype=jnp.float32)
    inp["edge_index_gene_gene"] = jax.random.randint(ks[2], (2, E), 0, N_GENES, dtype=jnp.int32)
    inp["edge_index_drug_drug"] = jax.random.randint(ks[3], (2, E), 0, N_DRUGS, dtype=jnp.int32)
    inp["edge_index_target_drug"] = jax.random.randint(ks[4], (2, E), 0, N_GENES, dtype=jnp.int32)
    inp["edge_index_target_drug"] = inp["edge_index_target_drug"].at[1].set(
        jax.random.randint(ks[5], (E,), 0, N_DRUGS, dtype=jnp.int32))
    inp["edge_index_drug_target"] = jax.random.randint(ks[6], (2, E), 0, N_DRUGS, dtype=jnp.int32)
    inp["edge_index_drug_target"] = inp["edge_index_drug_target"].at[1].set(
        jax.random.randint(ks[7], (E,), 0, N_GENES, dtype=jnp.int32))
    inp["W_gg"] = jax.random.normal(ks[8], (D_IN, D_OUT), dtype=jnp.float32) * scale
    inp["b_gg"] = jnp.zeros((D_OUT,), dtype=jnp.float32)
    inp["W_dd"] = jax.random.normal(ks[9], (D_IN, D_OUT), dtype=jnp.float32) * scale
    inp["b_dd"] = jnp.zeros((D_OUT,), dtype=jnp.float32)
    inp["W_td"] = jax.random.normal(ks[10], (D_IN, D_OUT), dtype=jnp.float32) * scale
    inp["b_td"] = jnp.zeros((D_OUT,), dtype=jnp.float32)
    inp["W_dt"] = jax.random.normal(ks[11], (D_IN, D_OUT), dtype=jnp.float32) * scale
    inp["b_dt"] = jnp.zeros((D_OUT,), dtype=jnp.float32)
    return inp


def reference(gene_feat, drug_feat,
              edge_index_gene_gene, edge_index_drug_drug,
              edge_index_target_drug, edge_index_drug_target,
              W_gg, b_gg, W_dd, b_dd, W_td, b_td, W_dt, b_dt):
    # Encoder forward, encoder_type='global', h_sizes=[128], dr=0.0 (deterministic)
    # gene_gene -> gene output
    gg = l2_normalize(jax.nn.relu(gcn_conv(gene_feat, edge_index_gene_gene, W_gg, b_gg, N_GENES)))
    # drug_drug -> drug output
    dd = l2_normalize(jax.nn.relu(gcn_conv(drug_feat, edge_index_drug_drug, W_dd, b_dd, N_DRUGS)))
    # target_drug: gene(source) -> drug(target)
    td = l2_normalize(jax.nn.relu(bipartite_gcn(gene_feat, edge_index_target_drug, W_td, b_td, N_GENES, N_DRUGS)))
    # drug_target: drug(source) -> gene(target)
    dt = l2_normalize(jax.nn.relu(bipartite_gcn(drug_feat, edge_index_drug_target, W_dt, b_dt, N_DRUGS, N_GENES)))
    drug_out = dd + td
    gene_out = gg + dt
    return drug_out, gene_out

if __name__ == "__main__":
    import jax
    _d = setup_inputs()
    print(jax.jit(kernel)(*tuple(_d.values())))

</pallas_src>

<mosaic_0001>
#map = affine_map<(d0, d1) -> (0, 0)>
#map1 = affine_map<(d0, d1) -> (0, 0, 0)>
#map2 = affine_map<(d0, d1) -> (0, 0, 0, 0)>
module attributes {stable_mosaic.version = 14 : i64} {
  func.func @_scatter_kernel(%arg0: i32, %arg1: i32, %arg2: memref<40000x128xf32, #tpu.memory_space<hbm>>, %arg3: memref<4x2560x128xi32, #tpu.memory_space<hbm>>, %arg4: memref<4x2x2560x128xi32, #tpu.memory_space<hbm>>, %arg5: memref<336x128xf32, #tpu.memory_space<hbm>>, %arg6: memref<4x2x5376x128xf32, #tpu.memory_space<hbm>>, %arg7: memref<160x128xi32, #tpu.memory_space<vmem>>, %arg8: memref<160x128xi32, #tpu.memory_space<vmem>>, %arg9: memref<2x128x128xf32, #tpu.memory_space<vmem>>, %arg10: memref<5376x128xf32, #tpu.memory_space<vmem_shared>>, %arg11: memref<!tpu.dma_semaphore, #tpu.memory_space<semaphore_mem>>, %arg12: memref<!tpu.dma_semaphore, #tpu.memory_space<semaphore_mem>>) attributes {dimension_semantics = [#tpu.dimension_semantics<core_parallel>, #tpu.dimension_semantics<subcore_parallel>], iteration_bounds = array<i64: 2, 16>, scalar_prefetch = 0 : i64, scratch_operands = 6 : i64, tpu.core_type = #tpu.core_type<sc_vector_subcore>, window_params = [{transform_indices = #map}, {transform_indices = #map1}, {transform_indices = #map2}, {transform_indices = #map}, {transform_indices = #map2}]} {
    %mul3A = arith.constant 2 : i32
    %mul3A_0 = arith.muli %mul3A, %arg0 : i32
    %add3A = arith.constant 0 : i32
    %add3A_1 = arith.addi %mul3A_0, %add3A : i32
    %mul3A_2 = arith.constant 160 : i32
    %mul3A_3 = arith.muli %arg1, %mul3A_2 : i32
    "tpu.region"() ({
      %run_scoped3A_122 = tpu.sem_alloc : memref<!tpu.dma_semaphore, #tpu.memory_space<semaphore_mem>>
      %dma_start3A_123 = arith.constant 0 : i32
      %dma_start3A_124 = tpu.memref_slice %arg3[%add3A_1, %mul3A_3, %dma_start3A_123] : memref<4x2560x128xi32, #tpu.memory_space<hbm>> -> memref<1x160x128xi32, #tpu.memory_space<hbm>>
      %dma_start3A_125 = tpu.memref_squeeze %dma_start3A_124 : memref<1x160x128xi32, #tpu.memory_space<hbm>> -> memref<160x128xi32, #tpu.memory_space<hbm>>
      %dma_start3A_126 = arith.constant 0 : i32
      %dma_start3A_127 = tpu.memref_slice %arg3[%add3A_1, %mul3A_3, %dma_start3A_126] : memref<4x2560x128xi32, #tpu.memory_space<hbm>> -> memref<1x160x128xi32, #tpu.memory_space<hbm>>
      %dma_start3A_128 = tpu.memref_squeeze %dma_start3A_127 : memref<1x160x128xi32, #tpu.memory_space<hbm>> -> memref<160x128xi32, #tpu.memory_space<hbm>>
      tpu.enqueue_dma source(%dma_start3A_128 : memref<160x128xi32, #tpu.memory_space<hbm>>) target(%arg7 : memref<160x128xi32, #tpu.memory_space<vmem>>) target_semaphore(%run_scoped3A_122 : memref<!tpu.dma_semaphore, #tpu.memory_space<semaphore_mem>>)
      %dma_wait3A = arith.constant 0 : i32
      %dma_wait3A_129 = tpu.memref_slice %arg3[%add3A_1, %mul3A_3, %dma_wait3A] : memref<4x2560x128xi32, #tpu.memory_space<hbm>> -> memref<1x160x128xi32, #tpu.memory_space<hbm>>
      %dma_wait3A_130 = tpu.memref_squeeze %dma_wait3A_129 : memref<1x160x128xi32, #tpu.memory_space<hbm>> -> memref<160x128xi32, #tpu.memory_space<hbm>>
      %dma_wait3A_131 = arith.constant 0 : i32
      %dma_wait3A_132 = tpu.memref_slice %arg3[%add3A_1, %mul3A_3, %dma_wait3A_131] : memref<4x2560x128xi32, #tpu.memory_space<hbm>> -> memref<1x160x128xi32, #tpu.memory_space<hbm>>
      %dma_wait3A_133 = tpu.memref_squeeze %dma_wait3A_132 : memref<1x160x128xi32, #tpu.memory_space<hbm>> -> memref<160x128xi32, #tpu.memory_space<hbm>>
      tpu.wait_dma2 semaphore(%run_scoped3A_122 : memref<!tpu.dma_semaphore, #tpu.memory_space<semaphore_mem>>) src(%dma_wait3A_133 : memref<160x128xi32, #tpu.memory_space<hbm>>) dst(%arg7 : memref<160x128xi32, #tpu.memory_space<vmem>>)
      tpu.yield
    }) : () -> ()
    %mul3A_4 = arith.constant 160 : i32
    %mul3A_5 = arith.muli %arg1, %mul3A_4 : i32
    %run_scoped3A = arith.constant 0 : i32
    "tpu.region"() ({
      %run_scoped3A_122 = tpu.sem_alloc : memref<!tpu.dma_semaphore, #tpu.memory_space<semaphore_mem>>
      %dma_start3A_123 = arith.constant 0 : i32
      %dma_start3A_124 = tpu.memref_slice %arg4[%add3A_1, %run_scoped3A, %mul3A_5, %dma_start3A_123] : memref<4x2x2560x128xi32, #tpu.memory_space<hbm>> -> memref<1x1x160x128xi32, #tpu.memory_space<hbm>>
      %dma_start3A_125 = tpu.memref_squeeze %dma_start3A_124 : memref<1x1x160x128xi32, #tpu.memory_space<hbm>> -> memref<160x128xi32, #tpu.memory_space<hbm>>
      %dma_start3A_126 = arith.constant 0 : i32
      %dma_start3A_127 = tpu.memref_slice %arg4[%add3A_1, %run_scoped3A, %mul3A_5, %dma_start3A_126] : memref<4x2x2560x128xi32, #tpu.memory_space<hbm>> -> memref<1x1x160x128xi32, #tpu.memory_space<hbm>>
      %dma_start3A_128 = tpu.memref_squeeze %dma_start3A_127 : memref<1x1x160x128xi32, #tpu.memory_space<hbm>> -> memref<160x128xi32, #tpu.memory_space<hbm>>
      tpu.enqueue_dma source(%dma_start3A_128 : memref<160x128xi32, #tpu.memory_space<hbm>>) target(%arg8 : memref<160x128xi32, #tpu.memory_space<vmem>>) target_semaphore(%run_scoped3A_122 : memref<!tpu.dma_semaphore, #tpu.memory_space<semaphore_mem>>)
      %dma_wait3A = arith.constant 0 : i32
      %dma_wait3A_129 = tpu.memref_slice %arg4[%add3A_1, %run_scoped3A, %mul3A_5, %dma_wait3A] : memref<4x2x2560x128xi32, #tpu.memory_space<hbm>> -> memref<1x1x160x128xi32, #tpu.memory_space<hbm>>
      %dma_wait3A_130 = tpu.memref_squeeze %dma_wait3A_129 : memref<1x1x160x128xi32, #tpu.memory_space<hbm>> -> memref<160x128xi32, #tpu.memory_space<hbm>>
      %dma_wait3A_131 = arith.constant 0 : i32
      %dma_wait3A_132 = tpu.memref_slice %arg4[%add3A_1, %run_scoped3A, %mul3A_5, %dma_wait3A_131] : memref<4x2x2560x128xi32, #tpu.memory_space<hbm>> -> memref<1x1x160x128xi32, #tpu.memory_space<hbm>>
      %dma_wait3A_133 = tpu.memref_squeeze %dma_wait3A_132 : memref<1x1x160x128xi32, #tpu.memory_space<hbm>> -> memref<160x128xi32, #tpu.memory_space<hbm>>
      tpu.wait_dma2 semaphore(%run_scoped3A_122 : memref<!tpu.dma_semaphore, #tpu.memory_space<semaphore_mem>>) src(%dma_wait3A_133 : memref<160x128xi32, #tpu.memory_space<hbm>>) dst(%arg8 : memref<160x128xi32, #tpu.memory_space<vmem>>)
      tpu.yield
    }) : () -> ()
    %mul3A_6 = arith.constant 336 : i32
    %mul3A_7 = arith.muli %arg1, %mul3A_6 : i32
    "tpu.region"() ({
      %run_scoped3A_122 = tpu.sem_alloc : memref<!tpu.dma_semaphore, #tpu.memory_space<semaphore_mem>>
      %dma_start3A_123 = arith.constant 0 : i32
      %dma_start3A_124 = tpu.memref_slice %arg10[%mul3A_7, %dma_start3A_123] : memref<5376x128xf32, #tpu.memory_space<vmem_shared>> -> memref<336x128xf32, #tpu.memory_space<vmem_shared>>
      tpu.enqueue_dma source(%arg5 : memref<336x128xf32, #tpu.memory_space<hbm>>) target(%dma_start3A_124 : memref<336x128xf32, #tpu.memory_space<vmem_shared>>) target_semaphore(%run_scoped3A_122 : memref<!tpu.dma_semaphore, #tpu.memory_space<semaphore_mem>>)
      %dma_wait3A = arith.constant 0 : i32
      %dma_wait3A_125 = tpu.memref_slice %arg10[%mul3A_7, %dma_wait3A] : memref<5376x128xf32, #tpu.memory_space<vmem_shared>> -> memref<336x128xf32, #tpu.memory_space<vmem_shared>>
      tpu.wait_dma2 semaphore(%run_scoped3A_122 : memref<!tpu.dma_semaphore, #tpu.memory_space<semaphore_mem>>) src(%arg5 : memref<336x128xf32, #tpu.memory_space<hbm>>) dst(%dma_wait3A_125 : memref<336x128xf32, #tpu.memory_space<vmem_shared>>)
      tpu.yield
    }) : () -> ()
    %barrier3A = arith.constant 0 : index
    tpu.barrier barrier_id(%barrier3A)
    %dma_start3A = arith.constant 0 : i32
    %dma_start3A_8 = arith.constant 0 : i32
    %dma_start3A_9 = arith.constant 0 : i32
    %dma_start3A_10 = arith.constant 0 : i32
    %dma_start3A_11 = tpu.memref_slice %arg9[%dma_start3A_8, %dma_start3A_9, %dma_start3A_10] : memref<2x128x128xf32, #tpu.memory_space<vmem>> -> memref<1x128x128xf32, #tpu.memory_space<vmem>>
    %dma_start3A_12 = tpu.memref_squeeze %dma_start3A_11 : memref<1x128x128xf32, #tpu.memory_space<vmem>> -> memref<128x128xf32, #tpu.memory_space<vmem>>
    %dma_start3A_13 = arith.constant 0 : i32
    %dma_start3A_14 = tpu.memref_slice %arg7[%dma_start3A, %dma_start3A_13] : memref<160x128xi32, #tpu.memory_space<vmem>> -> memref<1x128xi32, #tpu.memory_space<vmem>>
    %dma_start3A_15 = tpu.memref_squeeze %dma_start3A_14 : memref<1x128xi32, #tpu.memory_space<vmem>> -> memref<128xi32, #tpu.memory_space<vmem>>
    %dma_start3A_16 = arith.constant 0 : i32
    %dma_start3A_17 = arith.constant 0 : i32
    %dma_start3A_18 = tpu.memref_slice %arg2[%dma_start3A_16, %dma_start3A_17] : memref<40000x128xf32, #tpu.memory_space<hbm>> -> memref<40000x128xf32, #tpu.memory_space<hbm>>
    tpu.enqueue_indirect_dma source(%dma_start3A_18 : memref<40000x128xf32, #tpu.memory_space<hbm>>) target(%dma_start3A_12 : memref<128x128xf32, #tpu.memory_space<vmem>>) offsets(%dma_start3A_15 : memref<128xi32, #tpu.memory_space<vmem>>) semaphore(%arg11 : memref<!tpu.dma_semaphore, #tpu.memory_space<semaphore_mem>>)
    %scan3A = arith.constant 0 : i32
    %scan3A_19 = arith.constant 80 : i32
    %scan3A_20 = arith.addi %scan3A, %scan3A_19 : i32
    %scan3A_21 = arith.constant 1 : i32
    scf.for %scan3A_122 = %scan3A to %scan3A_20 step %scan3A_21  : i32 {
      %mul3A_123 = arith.constant 2 : i32
      %mul3A_124 = arith.muli %scan3A_122, %mul3A_123 : i32
      %add3A_125 = arith.constant 0 : i32
      %add3A_126 = arith.addi %add3A_125, %mul3A_124 : i32
      %dma_wait3A = arith.constant 0 : i32
      %dma_wait3A_127 = arith.constant 0 : i32
      %dma_wait3A_128 = arith.constant 0 : i32
      %dma_wait3A_129 = tpu.memref_slice %arg9[%dma_wait3A, %dma_wait3A_127, %dma_wait3A_128] : memref<2x128x128xf32, #tpu.memory_space<vmem>> -> memref<1x128x128xf32, #tpu.memory_space<vmem>>
      %dma_wait3A_130 = tpu.memref_squeeze %dma_wait3A_129 : memref<1x128x128xf32, #tpu.memory_space<vmem>> -> memref<128x128xf32, #tpu.memory_space<vmem>>
      %dma_wait3A_131 = arith.constant 0 : i32
      %dma_wait3A_132 = tpu.memref_slice %arg7[%add3A_126, %dma_wait3A_131] : memref<160x128xi32, #tpu.memory_space<vmem>> -> memref<1x128xi32, #tpu.memory_space<vmem>>
      %dma_wait3A_133 = tpu.memref_squeeze %dma_wait3A_132 : memref<1x128xi32, #tpu.memory_space<vmem>> -> memref<128xi32, #tpu.memory_space<vmem>>
      %dma_wait3A_134 = arith.constant 0 : i32
      %dma_wait3A_135 = arith.constant 0 : i32
      %dma_wait3A_136 = tpu.memref_slice %arg2[%dma_wait3A_134, %dma_wait3A_135] : memref<40000x128xf32, #tpu.memory_space<hbm>> -> memref<40000x128xf32, #tpu.memory_space<hbm>>
      tpu.wait_indirect_dma semaphore(%arg11 : memref<!tpu.dma_semaphore, #tpu.memory_space<semaphore_mem>>) src(%dma_wait3A_136 : memref<40000x128xf32, #tpu.memory_space<hbm>>) dst(%dma_wait3A_130 : memref<128x128xf32, #tpu.memory_space<vmem>>)
      %add3A_137 = arith.constant 1 : i32
      %add3A_138 = arith.addi %add3A_126, %add3A_137 : i32
      %lt3A = arith.constant 160 : i32
      %lt3A_139 = arith.cmpi slt, %add3A_138, %lt3A : i32
      %convert_element_type3A = arith.extui %lt3A_139 : i1 to i32
      %cond3A = arith.constant 0 : i32
      %cond3A_140 = arith.cmpi ne, %convert_element_type3A, %cond3A : i32
      scf.if %cond3A_140 {
        %add3A_149 = arith.constant 1 : i32
        %add3A_150 = arith.addi %add3A_126, %add3A_149 : i32
        %dma_start3A_151 = arith.constant 1 : i32
        %dma_start3A_152 = arith.constant 0 : i32
        %dma_start3A_153 = arith.constant 0 : i32
        %dma_start3A_154 = tpu.memref_slice %arg9[%dma_start3A_151, %dma_start3A_152, %dma_start3A_153] : memref<2x128x128xf32, #tpu.memory_space<vmem>> -> memref<1x128x128xf32, #tpu.memory_space<vmem>>
        %dma_start3A_155 = tpu.memref_squeeze %dma_start3A_154 : memref<1x128x128xf32, #tpu.memory_space<vmem>> -> memref<128x128xf32, #tpu.memory_space<vmem>>
        %dma_start3A_156 = arith.constant 0 : i32
        %dma_start3A_157 = tpu.memref_slice %arg7[%add3A_150, %dma_start3A_156] : memref<160x128xi32, #tpu.memory_space<vmem>> -> memref<1x128xi32, #tpu.memory_space<vmem>>
        %dma_start3A_158 = tpu.memref_squeeze %dma_start3A_157 : memref<1x128xi32, #tpu.memory_space<vmem>> -> memref<128xi32, #tpu.memory_space<vmem>>
        %dma_start3A_159 = arith.constant 0 : i32
        %dma_start3A_160 = arith.constant 0 : i32
        %dma_start3A_161 = tpu.memref_slice %arg2[%dma_start3A_159, %dma_start3A_160] : memref<40000x128xf32, #tpu.memory_space<hbm>> -> memref<40000x128xf32, #tpu.memory_space<hbm>>
        tpu.enqueue_indirect_dma source(%dma_start3A_161 : memref<40000x128xf32, #tpu.memory_space<hbm>>) target(%dma_start3A_155 : memref<128x128xf32, #tpu.memory_space<vmem>>) offsets(%dma_start3A_158 : memref<128xi32, #tpu.memory_space<vmem>>) semaphore(%arg12 : memref<!tpu.dma_semaphore, #tpu.memory_space<semaphore_mem>>)
      } else {
      }
      %run_scoped3A_141 = arith.constant 0 : i32
      "tpu.region"() ({
        %run_scoped3A_149 = tpu.sem_alloc : memref<!tpu.dma_semaphore, #tpu.memory_space<semaphore_mem>>
        %dma_start3A_150 = arith.constant 0 : i32
        %dma_start3A_151 = arith.constant 0 : i32
        %dma_start3A_152 = tpu.memref_slice %arg9[%run_scoped3A_141, %dma_start3A_150, %dma_start3A_151] : memref<2x128x128xf32, #tpu.memory_space<vmem>> -> memref<1x128x128xf32, #tpu.memory_space<vmem>>
        %dma_start3A_153 = tpu.memref_squeeze %dma_start3A_152 : memref<1x128x128xf32, #tpu.memory_space<vmem>> -> memref<128x128xf32, #tpu.memory_space<vmem>>
        %dma_start3A_154 = arith.constant 0 : i32
        %dma_start3A_155 = tpu.memref_slice %arg8[%add3A_126, %dma_start3A_154] : memref<160x128xi32, #tpu.memory_space<vmem>> -> memref<1x128xi32, #tpu.memory_space<vmem>>
        %dma_start3A_156 = tpu.memref_squeeze %dma_start3A_155 : memref<1x128xi32, #tpu.memory_space<vmem>> -> memref<128xi32, #tpu.memory_space<vmem>>
        %dma_start3A_157 = arith.constant 0 : i32
        %dma_start3A_158 = arith.constant 0 : i32
        %dma_start3A_159 = tpu.memref_slice %arg10[%dma_start3A_157, %dma_start3A_158] : memref<5376x128xf32, #tpu.memory_space<vmem_shared>> -> memref<5376x128xf32, #tpu.memory_space<vmem_shared>>
        tpu.enqueue_indirect_dma source(%dma_start3A_153 : memref<128x128xf32, #tpu.memory_space<vmem>>) target(%dma_start3A_159 : memref<5376x128xf32, #tpu.memory_space<vmem_shared>>) offsets(%dma_start3A_156 : memref<128xi32, #tpu.memory_space<vmem>>) semaphore(%run_scoped3A_149 : memref<!tpu.dma_semaphore, #tpu.memory_space<semaphore_mem>>) {add = true}
        %dma_wait3A_160 = arith.constant 0 : i32
        %dma_wait3A_161 = arith.constant 0 : i32
        %dma_wait3A_162 = tpu.memref_slice %arg9[%run_scoped3A_141, %dma_wait3A_160, %dma_wait3A_161] : memref<2x128x128xf32, #tpu.memory_space<vmem>> -> memref<1x128x128xf32, #tpu.memory_space<vmem>>
        %dma_wait3A_163 = tpu.memref_squeeze %dma_wait3A_162 : memref<1x128x128xf32, #tpu.memory_space<vmem>> -> memref<128x128xf32, #tpu.memory_space<vmem>>
        %dma_wait3A_164 = arith.constant 0 : i32
        %dma_wait3A_165 = tpu.memref_slice %arg8[%add3A_126, %dma_wait3A_164] : memref<160x128xi32, #tpu.memory_space<vmem>> -> memref<1x128xi32, #tpu.memory_space<vmem>>
        %dma_wait3A_166 = tpu.memref_squeeze %dma_wait3A_165 : memref<1x128xi32, #tpu.memory_space<vmem>> -> memref<128xi32, #tpu.memory_space<vmem>>
        %dma_wait3A_167 = arith.constant 0 : i32
        %dma_wait3A_168 = arith.constant 0 : i32
        %dma_wait3A_169 = tpu.memref_slice %arg10[%dma_wait3A_167, %dma_wait3A_168] : memref<5376x128xf32, #tpu.memory_space<vmem_shared>> -> memref<5376x128xf32, #tpu.memory_space<vmem_shared>>
        tpu.wait_indirect_dma semaphore(%run_scoped3A_149 : memref<!tpu.dma_semaphore, #tpu.memory_space<semaphore_mem>>) src(%dma_wait3A_163 : memref<128x128xf32, #tpu.memory_space<vmem>>) dst(%dma_wait3A_169 : memref<5376x128xf32, #tpu.memory_space<vmem_shared>>)
        tpu.yield
      }) : () -> ()
      %add3A_142 = arith.constant 1 : i32
      %add3A_143 = arith.addi %add3A_126, %add3A_142 : i32
      %lt3A_144 = arith.constant 160 : i32
      %lt3A_145 = arith.cmpi slt, %add3A_143, %lt3A_144 : i32
      %convert_element_type3A_146 = arith.extui %lt3A_145 : i1 to i32
      %cond3A_147 = arith.constant 0 : i32
      %cond3A_148 = arith.cmpi ne, %convert_element_type3A_146, %cond3A_147 : i32
      scf.if %cond3A_148 {
        %add3A_149 = arith.constant 1 : i32
        %add3A_150 = arith.addi %add3A_126, %add3A_149 : i32
        %dma_wait3A_151 = arith.constant 1 : i32
        %dma_wait3A_152 = arith.constant 0 : i32
        %dma_wait3A_153 = arith.constant 0 : i32
        %dma_wait3A_154 = tpu.memref_slice %arg9[%dma_wait3A_151, %dma_wait3A_152, %dma_wait3A_153] : memref<2x128x128xf32, #tpu.memory_space<vmem>> -> memref<1x128x128xf32, #tpu.memory_space<vmem>>
        %dma_wait3A_155 = tpu.memref_squeeze %dma_wait3A_154 : memref<1x128x128xf32, #tpu.memory_space<vmem>> -> memref<128x128xf32, #tpu.memory_space<vmem>>
        %dma_wait3A_156 = arith.constant 0 : i32
        %dma_wait3A_157 = tpu.memref_slice %arg7[%add3A_150, %dma_wait3A_156] : memref<160x128xi32, #tpu.memory_space<vmem>> -> memref<1x128xi32, #tpu.memory_space<vmem>>
        %dma_wait3A_158 = tpu.memref_squeeze %dma_wait3A_157 : memref<1x128xi32, #tpu.memory_space<vmem>> -> memref<128xi32, #tpu.memory_space<vmem>>
        %dma_wait3A_159 = arith.constant 0 : i32
        %dma_wait3A_160 = arith.constant 0 : i32
        %dma_wait3A_161 = tpu.memref_slice %arg2[%dma_wait3A_159, %dma_wait3A_160] : memref<40000x128xf32, #tpu.memory_space<hbm>> -> memref<40000x128xf32, #tpu.memory_space<hbm>>
        tpu.wait_indirect_dma semaphore(%arg12 : memref<!tpu.dma_semaphore, #tpu.memory_space<semaphore_mem>>) src(%dma_wait3A_161 : memref<40000x128xf32, #tpu.memory_space<hbm>>) dst(%dma_wait3A_155 : memref<128x128xf32, #tpu.memory_space<vmem>>)
        %add3A_162 = arith.constant 2 : i32
        %add3A_163 = arith.addi %add3A_126, %add3A_162 : i32
        %lt3A_164 = arith.constant 160 : i32
        %lt3A_165 = arith.cmpi slt, %add3A_163, %lt3A_164 : i32
        %convert_element_type3A_166 = arith.extui %lt3A_165 : i1 to i32
        %cond3A_167 = arith.constant 0 : i32
        %cond3A_168 = arith.cmpi ne, %convert_element_type3A_166, %cond3A_167 : i32
        scf.if %cond3A_168 {
          %add3A_172 = arith.constant 2 : i32
          %add3A_173 = arith.addi %add3A_126, %add3A_172 : i32
          %dma_start3A_174 = arith.constant 0 : i32
          %dma_start3A_175 = arith.constant 0 : i32
          %dma_start3A_176 = arith.constant 0 : i32
          %dma_start3A_177 = tpu.memref_slice %arg9[%dma_start3A_174, %dma_start3A_175, %dma_start3A_176] : memref<2x128x128xf32, #tpu.memory_space<vmem>> -> memref<1x128x128xf32, #tpu.memory_space<vmem>>
          %dma_start3A_178 = tpu.memref_squeeze %dma_start3A_177 : memref<1x128x128xf32, #tpu.memory_space<vmem>> -> memref<128x128xf32, #tpu.memory_space<vmem>>
          %dma_start3A_179 = arith.constant 0 : i32
          %dma_start3A_180 = tpu.memref_slice %arg7[%add3A_173, %dma_start3A_179] : memref<160x128xi32, #tpu.memory_space<vmem>> -> memref<1x128xi32, #tpu.memory_space<vmem>>
          %dma_start3A_181 = tpu.memref_squeeze %dma_start3A_180 : memref<1x128xi32, #tpu.memory_space<vmem>> -> memref<128xi32, #tpu.memory_space<vmem>>
          %dma_start3A_182 = arith.constant 0 : i32
          %dma_start3A_183 = arith.constant 0 : i32
          %dma_start3A_184 = tpu.memref_slice %arg2[%dma_start3A_182, %dma_start3A_183] : memref<40000x128xf32, #tpu.memory_space<hbm>> -> memref<40000x128xf32, #tpu.memory_space<hbm>>
          tpu.enqueue_indirect_dma source(%dma_start3A_184 : memref<40000x128xf32, #tpu.memory_space<hbm>>) target(%dma_start3A_178 : memref<128x128xf32, #tpu.memory_space<vmem>>) offsets(%dma_start3A_181 : memref<128xi32, #tpu.memory_space<vmem>>) semaphore(%arg11 : memref<!tpu.dma_semaphore, #tpu.memory_space<semaphore_mem>>)
        } else {
        }
        %add3A_169 = arith.constant 1 : i32
        %add3A_170 = arith.addi %add3A_126, %add3A_169 : i32
        %run_scoped3A_171 = arith.constant 1 : i32
        "tpu.region"() ({
          %run_scoped3A_172 = tpu.sem_alloc : memref<!tpu.dma_semaphore, #tpu.memory_space<semaphore_mem>>
          %dma_start3A_173 = arith.constant 0 : i32
          %dma_start3A_174 = arith.constant 0 : i32
          %dma_start3A_175 = tpu.memref_slice %arg9[%run_scoped3A_171, %dma_start3A_173, %dma_start3A_174] : memref<2x128x128xf32, #tpu.memory_space<vmem>> -> memref<1x128x128xf32, #tpu.memory_space<vmem>>
          %dma_start3A_176 = tpu.memref_squeeze %dma_start3A_175 : memref<1x128x128xf32, #tpu.memory_space<vmem>> -> memref<128x128xf32, #tpu.memory_space<vmem>>
          %dma_start3A_177 = arith.constant 0 : i32
          %dma_start3A_178 = tpu.memref_slice %arg8[%add3A_170, %dma_start3A_177] : memref<160x128xi32, #tpu.memory_space<vmem>> -> memref<1x128xi32, #tpu.memory_space<vmem>>
          %dma_start3A_179 = tpu.memref_squeeze %dma_start3A_178 : memref<1x128xi32, #tpu.memory_space<vmem>> -> memref<128xi32, #tpu.memory_space<vmem>>
          %dma_start3A_180 = arith.constant 0 : i32
          %dma_start3A_181 = arith.constant 0 : i32
          %dma_start3A_182 = tpu.memref_slice %arg10[%dma_start3A_180, %dma_start3A_181] : memref<5376x128xf32, #tpu.memory_space<vmem_shared>> -> memref<5376x128xf32, #tpu.memory_space<vmem_shared>>
          tpu.enqueue_indirect_dma source(%dma_start3A_176 : memref<128x128xf32, #tpu.memory_space<vmem>>) target(%dma_start3A_182 : memref<5376x128xf32, #tpu.memory_space<vmem_shared>>) offsets(%dma_start3A_179 : memref<128xi32, #tpu.memory_space<vmem>>) semaphore(%run_scoped3A_172 : memref<!tpu.dma_semaphore, #tpu.memory_space<semaphore_mem>>) {add = true}
          %dma_wait3A_183 = arith.constant 0 : i32
          %dma_wait3A_184 = arith.constant 0 : i32
          %dma_wait3A_185 = tpu.memref_slice %arg9[%run_scoped3A_171, %dma_wait3A_183, %dma_wait3A_184] : memref<2x128x128xf32, #tpu.memory_space<vmem>> -> memref<1x128x128xf32, #tpu.memory_space<vmem>>
          %dma_wait3A_186 = tpu.memref_squeeze %dma_wait3A_185 : memref<1x128x128xf32, #tpu.memory_space<vmem>> -> memref<128x128xf32, #tpu.memory_space<vmem>>
          %dma_wait3A_187 = arith.constant 0 : i32
          %dma_wait3A_188 = tpu.memref_slice %arg8[%add3A_170, %dma_wait3A_187] : memref<160x128xi32, #tpu.memory_space<vmem>> -> memref<1x128xi32, #tpu.memory_space<vmem>>
          %dma_wait3A_189 = tpu.memref_squeeze %dma_wait3A_188 : memref<1x128xi32, #tpu.memory_space<vmem>> -> memref<128xi32, #tpu.memory_space<vmem>>
          %dma_wait3A_190 = arith.constant 0 : i32
          %dma_wait3A_191 = arith.constant 0 : i32
          %dma_wait3A_192 = tpu.memref_slice %arg10[%dma_wait3A_190, %dma_wait3A_191] : memref<5376x128xf32, #tpu.memory_space<vmem_shared>> -> memref<5376x128xf32, #tpu.memory_space<vmem_shared>>
          tpu.wait_indirect_dma semaphore(%run_scoped3A_172 : memref<!tpu.dma_semaphore, #tpu.memory_space<semaphore_mem>>) src(%dma_wait3A_186 : memref<128x128xf32, #tpu.memory_space<vmem>>) dst(%dma_wait3A_192 : memref<5376x128xf32, #tpu.memory_space<vmem_shared>>)
          tpu.yield
        }) : () -> ()
      } else {
      }
    }
    %scan3A_22 = arith.constant 80 : i32
    %barrier3A_23 = arith.constant 0 : index
    tpu.barrier barrier_id(%barrier3A_23)
    %mul3A_24 = arith.constant 336 : i32
    %mul3A_25 = arith.muli %arg1, %mul3A_24 : i32
    %mul3A_26 = arith.constant 336 : i32
    %mul3A_27 = arith.muli %arg1, %mul3A_26 : i32
    %run_scoped3A_28 = arith.constant 0 : i32
    "tpu.region"() ({
      %run_scoped3A_122 = tpu.sem_alloc : memref<!tpu.dma_semaphore, #tpu.memory_space<semaphore_mem>>
      %dma_start3A_123 = arith.constant 0 : i32
      %dma_start3A_124 = tpu.memref_slice %arg6[%add3A_1, %run_scoped3A_28, %mul3A_27, %dma_start3A_123] : memref<4x2x5376x128xf32, #tpu.memory_space<hbm>> -> memref<1x1x336x128xf32, #tpu.memory_space<hbm>>
      %dma_start3A_125 = tpu.memref_squeeze %dma_start3A_124 : memref<1x1x336x128xf32, #tpu.memory_space<hbm>> -> memref<336x128xf32, #tpu.memory_space<hbm>>
      %dma_start3A_126 = arith.constant 0 : i32
      %dma_start3A_127 = tpu.memref_slice %arg10[%mul3A_25, %dma_start3A_126] : memref<5376x128xf32, #tpu.memory_space<vmem_shared>> -> memref<336x128xf32, #tpu.memory_space<vmem_shared>>
      tpu.enqueue_dma source(%dma_start3A_127 : memref<336x128xf32, #tpu.memory_space<vmem_shared>>) target(%dma_start3A_125 : memref<336x128xf32, #tpu.memory_space<hbm>>) target_semaphore(%run_scoped3A_122 : memref<!tpu.dma_semaphore, #tpu.memory_space<semaphore_mem>>)
      %dma_wait3A = arith.constant 0 : i32
      %dma_wait3A_128 = tpu.memref_slice %arg6[%add3A_1, %run_scoped3A_28, %mul3A_27, %dma_wait3A] : memref<4x2x5376x128xf32, #tpu.memory_space<hbm>> -> memref<1x1x336x128xf32, #tpu.memory_space<hbm>>
      %dma_wait3A_129 = tpu.memref_squeeze %dma_wait3A_128 : memref<1x1x336x128xf32, #tpu.memory_space<hbm>> -> memref<336x128xf32, #tpu.memory_space<hbm>>
      %dma_wait3A_130 = arith.constant 0 : i32
      %dma_wait3A_131 = tpu.memref_slice %arg10[%mul3A_25, %dma_wait3A_130] : memref<5376x128xf32, #tpu.memory_space<vmem_shared>> -> memref<336x128xf32, #tpu.memory_space<vmem_shared>>
      tpu.wait_dma2 semaphore(%run_scoped3A_122 : memref<!tpu.dma_semaphore, #tpu.memory_space<semaphore_mem>>) src(%dma_wait3A_131 : memref<336x128xf32, #tpu.memory_space<vmem_shared>>) dst(%dma_wait3A_129 : memref<336x128xf32, #tpu.memory_space<hbm>>)
      tpu.yield
    }) : () -> ()
    %mul3A_29 = arith.constant 160 : i32
    %mul3A_30 = arith.muli %arg1, %mul3A_29 : i32
    %run_scoped3A_31 = arith.constant 1 : i32
    "tpu.region"() ({
      %run_scoped3A_122 = tpu.sem_alloc : memref<!tpu.dma_semaphore, #tpu.memory_space<semaphore_mem>>
      %dma_start3A_123 = arith.constant 0 : i32
      %dma_start3A_124 = tpu.memref_slice %arg4[%add3A_1, %run_scoped3A_31, %mul3A_30, %dma_start3A_123] : memref<4x2x2560x128xi32, #tpu.memory_space<hbm>> -> memref<1x1x160x128xi32, #tpu.memory_space<hbm>>
      %dma_start3A_125 = tpu.memref_squeeze %dma_start3A_124 : memref<1x1x160x128xi32, #tpu.memory_space<hbm>> -> memref<160x128xi32, #tpu.memory_space<hbm>>
      %dma_start3A_126 = arith.constant 0 : i32
      %dma_start3A_127 = tpu.memref_slice %arg4[%add3A_1, %run_scoped3A_31, %mul3A_30, %dma_start3A_126] : memref<4x2x2560x128xi32, #tpu.memory_space<hbm>> -> memref<1x1x160x128xi32, #tpu.memory_space<hbm>>
      %dma_start3A_128 = tpu.memref_squeeze %dma_start3A_127 : memref<1x1x160x128xi32, #tpu.memory_space<hbm>> -> memref<160x128xi32, #tpu.memory_space<hbm>>
      tpu.enqueue_dma source(%dma_start3A_128 : memref<160x128xi32, #tpu.memory_space<hbm>>) target(%arg8 : memref<160x128xi32, #tpu.memory_space<vmem>>) target_semaphore(%run_scoped3A_122 : memref<!tpu.dma_semaphore, #tpu.memory_space<semaphore_mem>>)
      %dma_wait3A = arith.constant 0 : i32
      %dma_wait3A_129 = tpu.memref_slice %arg4[%add3A_1, %run_scoped3A_31, %mul3A_30, %dma_wait3A] : memref<4x2x2560x128xi32, #tpu.memory_space<hbm>> -> memref<1x1x160x128xi32, #tpu.memory_space<hbm>>
      %dma_wait3A_130 = tpu.memref_squeeze %dma_wait3A_129 : memref<1x1x160x128xi32, #tpu.memory_space<hbm>> -> memref<160x128xi32, #tpu.memory_space<hbm>>
      %dma_wait3A_131 = arith.constant 0 : i32
      %dma_wait3A_132 = tpu.memref_slice %arg4[%add3A_1, %run_scoped3A_31, %mul3A_30, %dma_wait3A_131] : memref<4x2x2560x128xi32, #tpu.memory_space<hbm>> -> memref<1x1x160x128xi32, #tpu.memory_space<hbm>>
      %dma_wait3A_133 = tpu.memref_squeeze %dma_wait3A_132 : memref<1x1x160x128xi32, #tpu.memory_space<hbm>> -> memref<160x128xi32, #tpu.memory_space<hbm>>
      tpu.wait_dma2 semaphore(%run_scoped3A_122 : memref<!tpu.dma_semaphore, #tpu.memory_space<semaphore_mem>>) src(%dma_wait3A_133 : memref<160x128xi32, #tpu.memory_space<hbm>>) dst(%arg8 : memref<160x128xi32, #tpu.memory_space<vmem>>)
      tpu.yield
    }) : () -> ()
    %mul3A_32 = arith.constant 336 : i32
    %mul3A_33 = arith.muli %arg1, %mul3A_32 : i32
    "tpu.region"() ({
      %run_scoped3A_122 = tpu.sem_alloc : memref<!tpu.dma_semaphore, #tpu.memory_space<semaphore_mem>>
      %dma_start3A_123 = arith.constant 0 : i32
      %dma_start3A_124 = tpu.memref_slice %arg10[%mul3A_33, %dma_start3A_123] : memref<5376x128xf32, #tpu.memory_space<vmem_shared>> -> memref<336x128xf32, #tpu.memory_space<vmem_shared>>
      tpu.enqueue_dma source(%arg5 : memref<336x128xf32, #tpu.memory_space<hbm>>) target(%dma_start3A_124 : memref<336x128xf32, #tpu.memory_space<vmem_shared>>) target_semaphore(%run_scoped3A_122 : memref<!tpu.dma_semaphore, #tpu.memory_space<semaphore_mem>>)
      %dma_wait3A = arith.constant 0 : i32
      %dma_wait3A_125 = tpu.memref_slice %arg10[%mul3A_33, %dma_wait3A] : memref<5376x128xf32, #tpu.memory_space<vmem_shared>> -> memref<336x128xf32, #tpu.memory_space<vmem_shared>>
      tpu.wait_dma2 semaphore(%run_scoped3A_122 : memref<!tpu.dma_semaphore, #tpu.memory_space<semaphore_mem>>) src(%arg5 : memref<336x128xf32, #tpu.memory_space<hbm>>) dst(%dma_wait3A_125 : memref<336x128xf32, #tpu.memory_space<vmem_shared>>)
      tpu.yield
    }) : () -> ()
    %barrier3A_34 = arith.constant 0 : index
    tpu.barrier barrier_id(%barrier3A_34)
    %dma_start3A_35 = arith.constant 0 : i32
    %dma_start3A_36 = arith.constant 0 : i32
    %dma_start3A_37 = arith.constant 0 : i32
    %dma_start3A_38 = arith.constant 0 : i32
    %dma_start3A_39 = tpu.memref_slice %arg9[%dma_start3A_36, %dma_start3A_37, %dma_start3A_38] : memref<2x128x128xf32, #tpu.memory_space<vmem>> -> memref<1x128x128xf32, #tpu.memory_space<vmem>>
    %dma_start3A_40 = tpu.memref_squeeze %dma_start3A_39 : memref<1x128x128xf32, #tpu.memory_space<vmem>> -> memref<128x128xf32, #tpu.memory_space<vmem>>
    %dma_start3A_41 = arith.constant 0 : i32
    %dma_start3A_42 = tpu.memref_slice %arg7[%dma_start3A_35, %dma_start3A_41] : memref<160x128xi32, #tpu.memory_space<vmem>> -> memref<1x128xi32, #tpu.memory_space<vmem>>
    %dma_start3A_43 = tpu.memref_squeeze %dma_start3A_42 : memref<1x128xi32, #tpu.memory_space<vmem>> -> memref<128xi32, #tpu.memory_space<vmem>>
    %dma_start3A_44 = arith.constant 0 : i32
    %dma_start3A_45 = arith.constant 0 : i32
    %dma_start3A_46 = tpu.memref_slice %arg2[%dma_start3A_44, %dma_start3A_45] : memref<40000x128xf32, #tpu.memory_space<hbm>> -> memref<40000x128xf32, #tpu.memory_space<hbm>>
    tpu.enqueue_indirect_dma source(%dma_start3A_46 : memref<40000x128xf32, #tpu.memory_space<hbm>>) target(%dma_start3A_40 : memref<128x128xf32, #tpu.memory_space<vmem>>) offsets(%dma_start3A_43 : memref<128xi32, #tpu.memory_space<vmem>>) semaphore(%arg11 : memref<!tpu.dma_semaphore, #tpu.memory_space<semaphore_mem>>)
    %scan3A_47 = arith.constant 0 : i32
    %scan3A_48 = arith.constant 80 : i32
    %scan3A_49 = arith.addi %scan3A_47, %scan3A_48 : i32
    %scan3A_50 = arith.constant 1 : i32
    scf.for %scan3A_122 = %scan3A_47 to %scan3A_49 step %scan3A_50  : i32 {
      %mul3A_123 = arith.constant 2 : i32
      %mul3A_124 = arith.muli %scan3A_122, %mul3A_123 : i32
      %add3A_125 = arith.constant 0 : i32
      %add3A_126 = arith.addi %add3A_125, %mul3A_124 : i32
      %dma_wait3A = arith.constant 0 : i32
      %dma_wait3A_127 = arith.constant 0 : i32
      %dma_wait3A_128 = arith.constant 0 : i32
      %dma_wait3A_129 = tpu.memref_slice %arg9[%dma_wait3A, %dma_wait3A_127, %dma_wait3A_128] : memref<2x128x128xf32, #tpu.memory_space<vmem>> -> memref<1x128x128xf32, #tpu.memory_space<vmem>>
      %dma_wait3A_130 = tpu.memref_squeeze %dma_wait3A_129 : memref<1x128x128xf32, #tpu.memory_space<vmem>> -> memref<128x128xf32, #tpu.memory_space<vmem>>
      %dma_wait3A_131 = arith.constant 0 : i32
      %dma_wait3A_132 = tpu.memref_slice %arg7[%add3A_126, %dma_wait3A_131] : memref<160x128xi32, #tpu.memory_space<vmem>> -> memref<1x128xi32, #tpu.memory_space<vmem>>
      %dma_wait3A_133 = tpu.memref_squeeze %dma_wait3A_132 : memref<1x128xi32, #tpu.memory_space<vmem>> -> memref<128xi32, #tpu.memory_space<vmem>>
      %dma_wait3A_134 = arith.constant 0 : i32
      %dma_wait3A_135 = arith.constant 0 : i32
      %dma_wait3A_136 = tpu.memref_slice %arg2[%dma_wait3A_134, %dma_wait3A_135] : memref<40000x128xf32, #tpu.memory_space<hbm>> -> memref<40000x128xf32, #tpu.memory_space<hbm>>
      tpu.wait_indirect_dma semaphore(%arg11 : memref<!tpu.dma_semaphore, #tpu.memory_space<semaphore_mem>>) src(%dma_wait3A_136 : memref<40000x128xf32, #tpu.memory_space<hbm>>) dst(%dma_wait3A_130 : memref<128x128xf32, #tpu.memory_space<vmem>>)
      %add3A_137 = arith.constant 1 : i32
      %add3A_138 = arith.addi %add3A_126, %add3A_137 : i32
      %lt3A = arith.constant 160 : i32
      %lt3A_139 = arith.cmpi slt, %add3A_138, %lt3A : i32
      %convert_element_type3A = arith.extui %lt3A_139 : i1 to i32
      %cond3A = arith.constant 0 : i32
      %cond3A_140 = arith.cmpi ne, %convert_element_type3A, %cond3A : i32
      scf.if %cond3A_140 {
        %add3A_149 = arith.constant 1 : i32
        %add3A_150 = arith.addi %add3A_126, %add3A_149 : i32
        %dma_start3A_151 = arith.constant 1 : i32
        %dma_start3A_152 = arith.constant 0 : i32
        %dma_start3A_153 = arith.constant 0 : i32
        %dma_start3A_154 = tpu.memref_slice %arg9[%dma_start3A_151, %dma_start3A_152, %dma_start3A_153] : memref<2x128x128xf32, #tpu.memory_space<vmem>> -> memref<1x128x128xf32, #tpu.memory_space<vmem>>
        %dma_start3A_155 = tpu.memref_squeeze %dma_start3A_154 : memref<1x128x128xf32, #tpu.memory_space<vmem>> -> memref<128x128xf32, #tpu.memory_space<vmem>>
        %dma_start3A_156 = arith.constant 0 : i32
        %dma_start3A_157 = tpu.memref_slice %arg7[%add3A_150, %dma_start3A_156] : memref<160x128xi32, #tpu.memory_space<vmem>> -> memref<1x128xi32, #tpu.memory_space<vmem>>
        %dma_start3A_158 = tpu.memref_squeeze %dma_start3A_157 : memref<1x128xi32, #tpu.memory_space<vmem>> -> memref<128xi32, #tpu.memory_space<vmem>>
        %dma_start3A_159 = arith.constant 0 : i32
        %dma_start3A_160 = arith.constant 0 : i32
        %dma_start3A_161 = tpu.memref_slice %arg2[%dma_start3A_159, %dma_start3A_160] : memref<40000x128xf32, #tpu.memory_space<hbm>> -> memref<40000x128xf32, #tpu.memory_space<hbm>>
        tpu.enqueue_indirect_dma source(%dma_start3A_161 : memref<40000x128xf32, #tpu.memory_space<hbm>>) target(%dma_start3A_155 : memref<128x128xf32, #tpu.memory_space<vmem>>) offsets(%dma_start3A_158 : memref<128xi32, #tpu.memory_space<vmem>>) semaphore(%arg12 : memref<!tpu.dma_semaphore, #tpu.memory_space<semaphore_mem>>)
      } else {
      }
      %run_scoped3A_141 = arith.constant 0 : i32
      "tpu.region"() ({
        %run_scoped3A_149 = tpu.sem_alloc : memref<!tpu.dma_semaphore, #tpu.memory_space<semaphore_mem>>
        %dma_start3A_150 = arith.constant 0 : i32
        %dma_start3A_151 = arith.constant 0 : i32
        %dma_start3A_152 = tpu.memref_slice %arg9[%run_scoped3A_141, %dma_start3A_150, %dma_start3A_151] : memref<2x128x128xf32, #tpu.memory_space<vmem>> -> memref<1x128x128xf32, #tpu.memory_space<vmem>>
        %dma_start3A_153 = tpu.memref_squeeze %dma_start3A_152 : memref<1x128x128xf32, #tpu.memory_space<vmem>> -> memref<128x128xf32, #tpu.memory_space<vmem>>
        %dma_start3A_154 = arith.constant 0 : i32
        %dma_start3A_155 = tpu.memref_slice %arg8[%add3A_126, %dma_start3A_154] : memref<160x128xi32, #tpu.memory_space<vmem>> -> memref<1x128xi32, #tpu.memory_space<vmem>>
        %dma_start3A_156 = tpu.memref_squeeze %dma_start3A_155 : memref<1x128xi32, #tpu.memory_space<vmem>> -> memref<128xi32, #tpu.memory_space<vmem>>
        %dma_start3A_157 = arith.constant 0 : i32
        %dma_start3A_158 = arith.constant 0 : i32
        %dma_start3A_159 = tpu.memref_slice %arg10[%dma_start3A_157, %dma_start3A_158] : memref<5376x128xf32, #tpu.memory_space<vmem_shared>> -> memref<5376x128xf32, #tpu.memory_space<vmem_shared>>
        tpu.enqueue_indirect_dma source(%dma_start3A_153 : memref<128x128xf32, #tpu.memory_space<vmem>>) target(%dma_start3A_159 : memref<5376x128xf32, #tpu.memory_space<vmem_shared>>) offsets(%dma_start3A_156 : memref<128xi32, #tpu.memory_space<vmem>>) semaphore(%run_scoped3A_149 : memref<!tpu.dma_semaphore, #tpu.memory_space<semaphore_mem>>) {add = true}
        %dma_wait3A_160 = arith.constant 0 : i32
        %dma_wait3A_161 = arith.constant 0 : i32
        %dma_wait3A_162 = tpu.memref_slice %arg9[%run_scoped3A_141, %dma_wait3A_160, %dma_wait3A_161] : memref<2x128x128xf32, #tpu.memory_space<vmem>> -> memref<1x128x128xf32, #tpu.memory_space<vmem>>
        %dma_wait3A_163 = tpu.memref_squeeze %dma_wait3A_162 : memref<1x128x128xf32, #tpu.memory_space<vmem>> -> memref<128x128xf32, #tpu.memory_space<vmem>>
        %dma_wait3A_164 = arith.constant 0 : i32
        %dma_wait3A_165 = tpu.memref_slice %arg8[%add3A_126, %dma_wait3A_164] : memref<160x128xi32, #tpu.memory_space<vmem>> -> memref<1x128xi32, #tpu.memory_space<vmem>>
        %dma_wait3A_166 = tpu.memref_squeeze %dma_wait3A_165 : memref<1x128xi32, #tpu.memory_space<vmem>> -> memref<128xi32, #tpu.memory_space<vmem>>
        %dma_wait3A_167 = arith.constant 0 : i32
        %dma_wait3A_168 = arith.constant 0 : i32
        %dma_wait3A_169 = tpu.memref_slice %arg10[%dma_wait3A_167, %dma_wait3A_168] : memref<5376x128xf32, #tpu.memory_space<vmem_shared>> -> memref<5376x128xf32, #tpu.memory_space<vmem_shared>>
        tpu.wait_indirect_dma semaphore(%run_scoped3A_149 : memref<!tpu.dma_semaphore, #tpu.memory_space<semaphore_mem>>) src(%dma_wait3A_163 : memref<128x128xf32, #tpu.memory_space<vmem>>) dst(%dma_wait3A_169 : memref<5376x128xf32, #tpu.memory_space<vmem_shared>>)
        tpu.yield
      }) : () -> ()
      %add3A_142 = arith.constant 1 : i32
      %add3A_143 = arith.addi %add3A_126, %add3A_142 : i32
      %lt3A_144 = arith.constant 160 : i32
      %lt3A_145 = arith.cmpi slt, %add3A_143, %lt3A_144 : i32
      %convert_element_type3A_146 = arith.extui %lt3A_145 : i1 to i32
      %cond3A_147 = arith.constant 0 : i32
      %cond3A_148 = arith.cmpi ne, %convert_element_type3A_146, %cond3A_147 : i32
      scf.if %cond3A_148 {
        %add3A_149 = arith.constant 1 : i32
        %add3A_150 = arith.addi %add3A_126, %add3A_149 : i32
        %dma_wait3A_151 = arith.constant 1 : i32
        %dma_wait3A_152 = arith.constant 0 : i32
        %dma_wait3A_153 = arith.constant 0 : i32
        %dma_wait3A_154 = tpu.memref_slice %arg9[%dma_wait3A_151, %dma_wait3A_152, %dma_wait3A_153] : memref<2x128x128xf32, #tpu.memory_space<vmem>> -> memref<1x128x128xf32, #tpu.memory_space<vmem>>
        %dma_wait3A_155 = tpu.memref_squeeze %dma_wait3A_154 : memref<1x128x128xf32, #tpu.memory_space<vmem>> -> memref<128x128xf32, #tpu.memory_space<vmem>>
        %dma_wait3A_156 = arith.constant 0 : i32
        %dma_wait3A_157 = tpu.memref_slice %arg7[%add3A_150, %dma_wait3A_156] : memref<160x128xi32, #tpu.memory_space<vmem>> -> memref<1x128xi32, #tpu.memory_space<vmem>>
        %dma_wait3A_158 = tpu.memref_squeeze %dma_wait3A_157 : memref<1x128xi32, #tpu.memory_space<vmem>> -> memref<128xi32, #tpu.memory_space<vmem>>
        %dma_wait3A_159 = arith.constant 0 : i32
        %dma_wait3A_160 = arith.constant 0 : i32
        %dma_wait3A_161 = tpu.memref_slice %arg2[%dma_wait3A_159, %dma_wait3A_160] : memref<40000x128xf32, #tpu.memory_space<hbm>> -> memref<40000x128xf32, #tpu.memory_space<hbm>>
        tpu.wait_indirect_dma semaphore(%arg12 : memref<!tpu.dma_semaphore, #tpu.memory_space<semaphore_mem>>) src(%dma_wait3A_161 : memref<40000x128xf32, #tpu.memory_space<hbm>>) dst(%dma_wait3A_155 : memref<128x128xf32, #tpu.memory_space<vmem>>)
        %add3A_162 = arith.constant 2 : i32
        %add3A_163 = arith.addi %add3A_126, %add3A_162 : i32
        %lt3A_164 = arith.constant 160 : i32
        %lt3A_165 = arith.cmpi slt, %add3A_163, %lt3A_164 : i32
        %convert_element_type3A_166 = arith.extui %lt3A_165 : i1 to i32
        %cond3A_167 = arith.constant 0 : i32
        %cond3A_168 = arith.cmpi ne, %convert_element_type3A_166, %cond3A_167 : i32
        scf.if %cond3A_168 {
          %add3A_172 = arith.constant 2 : i32
          %add3A_173 = arith.addi %add3A_126, %add3A_172 : i32
          %dma_start3A_174 = arith.constant 0 : i32
          %dma_start3A_175 = arith.constant 0 : i32
          %dma_start3A_176 = arith.constant 0 : i32
          %dma_start3A_177 = tpu.memref_slice %arg9[%dma_start3A_174, %dma_start3A_175, %dma_start3A_176] : memref<2x128x128xf32, #tpu.memory_space<vmem>> -> memref<1x128x128xf32, #tpu.memory_space<vmem>>
          %dma_start3A_178 = tpu.memref_squeeze %dma_start3A_177 : memref<1x128x128xf32, #tpu.memory_space<vmem>> -> memref<128x128xf32, #tpu.memory_space<vmem>>
          %dma_start3A_179 = arith.constant 0 : i32
          %dma_start3A_180 = tpu.memref_slice %arg7[%add3A_173, %dma_start3A_179] : memref<160x128xi32, #tpu.memory_space<vmem>> -> memref<1x128xi32, #tpu.memory_space<vmem>>
          %dma_start3A_181 = tpu.memref_squeeze %dma_start3A_180 : memref<1x128xi32, #tpu.memory_space<vmem>> -> memref<128xi32, #tpu.memory_space<vmem>>
          %dma_start3A_182 = arith.constant 0 : i32
          %dma_start3A_183 = arith.constant 0 : i32
          %dma_start3A_184 = tpu.memref_slice %arg2[%dma_start3A_182, %dma_start3A_183] : memref<40000x128xf32, #tpu.memory_space<hbm>> -> memref<40000x128xf32, #tpu.memory_space<hbm>>
          tpu.enqueue_indirect_dma source(%dma_start3A_184 : memref<40000x128xf32, #tpu.memory_space<hbm>>) target(%dma_start3A_178 : memref<128x128xf32, #tpu.memory_space<vmem>>) offsets(%dma_start3A_181 : memref<128xi32, #tpu.memory_space<vmem>>) semaphore(%arg11 : memref<!tpu.dma_semaphore, #tpu.memory_space<semaphore_mem>>)
        } else {
        }
        %add3A_169 = arith.constant 1 : i32
        %add3A_170 = arith.addi %add3A_126, %add3A_169 : i32
        %run_scoped3A_171 = arith.constant 1 : i32
        "tpu.region"() ({
          %run_scoped3A_172 = tpu.sem_alloc : memref<!tpu.dma_semaphore, #tpu.memory_space<semaphore_mem>>
          %dma_start3A_173 = arith.constant 0 : i32
          %dma_start3A_174 = arith.constant 0 : i32
          %dma_start3A_175 = tpu.memref_slice %arg9[%run_scoped3A_171, %dma_start3A_173, %dma_start3A_174] : memref<2x128x128xf32, #tpu.memory_space<vmem>> -> memref<1x128x128xf32, #tpu.memory_space<vmem>>
          %dma_start3A_176 = tpu.memref_squeeze %dma_start3A_175 : memref<1x128x128xf32, #tpu.memory_space<vmem>> -> memref<128x128xf32, #tpu.memory_space<vmem>>
          %dma_start3A_177 = arith.constant 0 : i32
          %dma_start3A_178 = tpu.memref_slice %arg8[%add3A_170, %dma_start3A_177] : memref<160x128xi32, #tpu.memory_space<vmem>> -> memref<1x128xi32, #tpu.memory_space<vmem>>
          %dma_start3A_179 = tpu.memref_squeeze %dma_start3A_178 : memref<1x128xi32, #tpu.memory_space<vmem>> -> memref<128xi32, #tpu.memory_space<vmem>>
          %dma_start3A_180 = arith.constant 0 : i32
          %dma_start3A_181 = arith.constant 0 : i32
          %dma_start3A_182 = tpu.memref_slice %arg10[%dma_start3A_180, %dma_start3A_181] : memref<5376x128xf32, #tpu.memory_space<vmem_shared>> -> memref<5376x128xf32, #tpu.memory_space<vmem_shared>>
          tpu.enqueue_indirect_dma source(%dma_start3A_176 : memref<128x128xf32, #tpu.memory_space<vmem>>) target(%dma_start3A_182 : memref<5376x128xf32, #tpu.memory_space<vmem_shared>>) offsets(%dma_start3A_179 : memref<128xi32, #tpu.memory_space<vmem>>) semaphore(%run_scoped3A_172 : memref<!tpu.dma_semaphore, #tpu.memory_space<semaphore_mem>>) {add = true}
          %dma_wait3A_183 = arith.constant 0 : i32
          %dma_wait3A_184 = arith.constant 0 : i32
          %dma_wait3A_185 = tpu.memref_slice %arg9[%run_scoped3A_171, %dma_wait3A_183, %dma_wait3A_184] : memref<2x128x128xf32, #tpu.memory_space<vmem>> -> memref<1x128x128xf32, #tpu.memory_space<vmem>>
          %dma_wait3A_186 = tpu.memref_squeeze %dma_wait3A_185 : memref<1x128x128xf32, #tpu.memory_space<vmem>> -> memref<128x128xf32, #tpu.memory_space<vmem>>
          %dma_wait3A_187 = arith.constant 0 : i32
          %dma_wait3A_188 = tpu.memref_slice %arg8[%add3A_170, %dma_wait3A_187] : memref<160x128xi32, #tpu.memory_space<vmem>> -> memref<1x128xi32, #tpu.memory_space<vmem>>
          %dma_wait3A_189 = tpu.memref_squeeze %dma_wait3A_188 : memref<1x128xi32, #tpu.memory_space<vmem>> -> memref<128xi32, #tpu.memory_space<vmem>>
          %dma_wait3A_190 = arith.constant 0 : i32
          %dma_wait3A_191 = arith.constant 0 : i32
          %dma_wait3A_192 = tpu.memref_slice %arg10[%dma_wait3A_190, %dma_wait3A_191] : memref<5376x128xf32, #tpu.memory_space<vmem_shared>> -> memref<5376x128xf32, #tpu.memory_space<vmem_shared>>
          tpu.wait_indirect_dma semaphore(%run_scoped3A_172 : memref<!tpu.dma_semaphore, #tpu.memory_space<semaphore_mem>>) src(%dma_wait3A_186 : memref<128x128xf32, #tpu.memory_space<vmem>>) dst(%dma_wait3A_192 : memref<5376x128xf32, #tpu.memory_space<vmem_shared>>)
          tpu.yield
        }) : () -> ()
      } else {
      }
    }
    %scan3A_51 = arith.constant 80 : i32
    %barrier3A_52 = arith.constant 0 : index
    tpu.barrier barrier_id(%barrier3A_52)
    %mul3A_53 = arith.constant 336 : i32
    %mul3A_54 = arith.muli %arg1, %mul3A_53 : i32
    %mul3A_55 = arith.constant 336 : i32
    %mul3A_56 = arith.muli %arg1, %mul3A_55 : i32
    %run_scoped3A_57 = arith.constant 1 : i32
    "tpu.region"() ({
      %run_scoped3A_122 = tpu.sem_alloc : memref<!tpu.dma_semaphore, #tpu.memory_space<semaphore_mem>>
      %dma_start3A_123 = arith.constant 0 : i32
      %dma_start3A_124 = tpu.memref_slice %arg6[%add3A_1, %run_scoped3A_57, %mul3A_56, %dma_start3A_123] : memref<4x2x5376x128xf32, #tpu.memory_space<hbm>> -> memref<1x1x336x128xf32, #tpu.memory_space<hbm>>
      %dma_start3A_125 = tpu.memref_squeeze %dma_start3A_124 : memref<1x1x336x128xf32, #tpu.memory_space<hbm>> -> memref<336x128xf32, #tpu.memory_space<hbm>>
      %dma_start3A_126 = arith.constant 0 : i32
      %dma_start3A_127 = tpu.memref_slice %arg10[%mul3A_54, %dma_start3A_126] : memref<5376x128xf32, #tpu.memory_space<vmem_shared>> -> memref<336x128xf32, #tpu.memory_space<vmem_shared>>
      tpu.enqueue_dma source(%dma_start3A_127 : memref<336x128xf32, #tpu.memory_space<vmem_shared>>) target(%dma_start3A_125 : memref<336x128xf32, #tpu.memory_space<hbm>>) target_semaphore(%run_scoped3A_122 : memref<!tpu.dma_semaphore, #tpu.memory_space<semaphore_mem>>)
      %dma_wait3A = arith.constant 0 : i32
      %dma_wait3A_128 = tpu.memref_slice %arg6[%add3A_1, %run_scoped3A_57, %mul3A_56, %dma_wait3A] : memref<4x2x5376x128xf32, #tpu.memory_space<hbm>> -> memref<1x1x336x128xf32, #tpu.memory_space<hbm>>
      %dma_wait3A_129 = tpu.memref_squeeze %dma_wait3A_128 : memref<1x1x336x128xf32, #tpu.memory_space<hbm>> -> memref<336x128xf32, #tpu.memory_space<hbm>>
      %dma_wait3A_130 = arith.constant 0 : i32
      %dma_wait3A_131 = tpu.memref_slice %arg10[%mul3A_54, %dma_wait3A_130] : memref<5376x128xf32, #tpu.memory_space<vmem_shared>> -> memref<336x128xf32, #tpu.memory_space<vmem_shared>>
      tpu.wait_dma2 semaphore(%run_scoped3A_122 : memref<!tpu.dma_semaphore, #tpu.memory_space<semaphore_mem>>) src(%dma_wait3A_131 : memref<336x128xf32, #tpu.memory_space<vmem_shared>>) dst(%dma_wait3A_129 : memref<336x128xf32, #tpu.memory_space<hbm>>)
      tpu.yield
    }) : () -> ()
    %mul3A_58 = arith.constant 2 : i32
    %mul3A_59 = arith.muli %mul3A_58, %arg0 : i32
    %add3A_60 = arith.constant 1 : i32
    %add3A_61 = arith.addi %mul3A_59, %add3A_60 : i32
    %mul3A_62 = arith.constant 160 : i32
    %mul3A_63 = arith.muli %arg1, %mul3A_62 : i32
    "tpu.region"() ({
      %run_scoped3A_122 = tpu.sem_alloc : memref<!tpu.dma_semaphore, #tpu.memory_space<semaphore_mem>>
      %dma_start3A_123 = arith.constant 0 : i32
      %dma_start3A_124 = tpu.memref_slice %arg3[%add3A_61, %mul3A_63, %dma_start3A_123] : memref<4x2560x128xi32, #tpu.memory_space<hbm>> -> memref<1x160x128xi32, #tpu.memory_space<hbm>>
      %dma_start3A_125 = tpu.memref_squeeze %dma_start3A_124 : memref<1x160x128xi32, #tpu.memory_space<hbm>> -> memref<160x128xi32, #tpu.memory_space<hbm>>
      %dma_start3A_126 = arith.constant 0 : i32
      %dma_start3A_127 = tpu.memref_slice %arg3[%add3A_61, %mul3A_63, %dma_start3A_126] : memref<4x2560x128xi32, #tpu.memory_space<hbm>> -> memref<1x160x128xi32, #tpu.memory_space<hbm>>
      %dma_start3A_128 = tpu.memref_squeeze %dma_start3A_127 : memref<1x160x128xi32, #tpu.memory_space<hbm>> -> memref<160x128xi32, #tpu.memory_space<hbm>>
      tpu.enqueue_dma source(%dma_start3A_128 : memref<160x128xi32, #tpu.memory_space<hbm>>) target(%arg7 : memref<160x128xi32, #tpu.memory_space<vmem>>) target_semaphore(%run_scoped3A_122 : memref<!tpu.dma_semaphore, #tpu.memory_space<semaphore_mem>>)
      %dma_wait3A = arith.constant 0 : i32
      %dma_wait3A_129 = tpu.memref_slice %arg3[%add3A_61, %mul3A_63, %dma_wait3A] : memref<4x2560x128xi32, #tpu.memory_space<hbm>> -> memref<1x160x128xi32, #tpu.memory_space<hbm>>
      %dma_wait3A_130 = tpu.memref_squeeze %dma_wait3A_129 : memref<1x160x128xi32, #tpu.memory_space<hbm>> -> memref<160x128xi32, #tpu.memory_space<hbm>>
      %dma_wait3A_131 = arith.constant 0 : i32
      %dma_wait3A_132 = tpu.memref_slice %arg3[%add3A_61, %mul3A_63, %dma_wait3A_131] : memref<4x2560x128xi32, #tpu.memory_space<hbm>> -> memref<1x160x128xi32, #tpu.memory_space<hbm>>
      %dma_wait3A_133 = tpu.memref_squeeze %dma_wait3A_132 : memref<1x160x128xi32, #tpu.memory_space<hbm>> -> memref<160x128xi32, #tpu.memory_space<hbm>>
      tpu.wait_dma2 semaphore(%run_scoped3A_122 : memref<!tpu.dma_semaphore, #tpu.memory_space<semaphore_mem>>) src(%dma_wait3A_133 : memref<160x128xi32, #tpu.memory_space<hbm>>) dst(%arg7 : memref<160x128xi32, #tpu.memory_space<vmem>>)
      tpu.yield
    }) : () -> ()
    %mul3A_64 = arith.constant 160 : i32
    %mul3A_65 = arith.muli %arg1, %mul3A_64 : i32
    %run_scoped3A_66 = arith.constant 0 : i32
    "tpu.region"() ({
      %run_scoped3A_122 = tpu.sem_alloc : memref<!tpu.dma_semaphore, #tpu.memory_space<semaphore_mem>>
      %dma_start3A_123 = arith.constant 0 : i32
      %dma_start3A_124 = tpu.memref_slice %arg4[%add3A_61, %run_scoped3A_66, %mul3A_65, %dma_start3A_123] : memref<4x2x2560x128xi32, #tpu.memory_space<hbm>> -> memref<1x1x160x128xi32, #tpu.memory_space<hbm>>
      %dma_start3A_125 = tpu.memref_squeeze %dma_start3A_124 : memref<1x1x160x128xi32, #tpu.memory_space<hbm>> -> memref<160x128xi32, #tpu.memory_space<hbm>>
      %dma_start3A_126 = arith.constant 0 : i32
      %dma_start3A_127 = tpu.memref_slice %arg4[%add3A_61, %run_scoped3A_66, %mul3A_65, %dma_start3A_126] : memref<4x2x2560x128xi32, #tpu.memory_space<hbm>> -> memref<1x1x160x128xi32, #tpu.memory_space<hbm>>
      %dma_start3A_128 = tpu.memref_squeeze %dma_start3A_127 : memref<1x1x160x128xi32, #tpu.memory_space<hbm>> -> memref<160x128xi32, #tpu.memory_space<hbm>>
      tpu.enqueue_dma source(%dma_start3A_128 : memref<160x128xi32, #tpu.memory_space<hbm>>) target(%arg8 : memref<160x128xi32, #tpu.memory_space<vmem>>) target_semaphore(%run_scoped3A_122 : memref<!tpu.dma_semaphore, #tpu.memory_space<semaphore_mem>>)
      %dma_wait3A = arith.constant 0 : i32
      %dma_wait3A_129 = tpu.memref_slice %arg4[%add3A_61, %run_scoped3A_66, %mul3A_65, %dma_wait3A] : memref<4x2x2560x128xi32, #tpu.memory_space<hbm>> -> memref<1x1x160x128xi32, #tpu.memory_space<hbm>>
      %dma_wait3A_130 = tpu.memref_squeeze %dma_wait3A_129 : memref<1x1x160x128xi32, #tpu.memory_space<hbm>> -> memref<160x128xi32, #tpu.memory_space<hbm>>
      %dma_wait3A_131 = arith.constant 0 : i32
      %dma_wait3A_132 = tpu.memref_slice %arg4[%add3A_61, %run_scoped3A_66, %mul3A_65, %dma_wait3A_131] : memref<4x2x2560x128xi32, #tpu.memory_space<hbm>> -> memref<1x1x160x128xi32, #tpu.memory_space<hbm>>
      %dma_wait3A_133 = tpu.memref_squeeze %dma_wait3A_132 : memref<1x1x160x128xi32, #tpu.memory_space<hbm>> -> memref<160x128xi32, #tpu.memory_space<hbm>>
      tpu.wait_dma2 semaphore(%run_scoped3A_122 : memref<!tpu.dma_semaphore, #tpu.memory_space<semaphore_mem>>) src(%dma_wait3A_133 : memref<160x128xi32, #tpu.memory_space<hbm>>) dst(%arg8 : memref<160x128xi32, #tpu.memory_space<vmem>>)
      tpu.yield
    }) : () -> ()
    %mul3A_67 = arith.constant 336 : i32
    %mul3A_68 = arith.muli %arg1, %mul3A_67 : i32
    "tpu.region"() ({
      %run_scoped3A_122 = tpu.sem_alloc : memref<!tpu.dma_semaphore, #tpu.memory_space<semaphore_mem>>
      %dma_start3A_123 = arith.constant 0 : i32
      %dma_start3A_124 = tpu.memref_slice %arg10[%mul3A_68, %dma_start3A_123] : memref<5376x128xf32, #tpu.memory_space<vmem_shared>> -> memref<336x128xf32, #tpu.memory_space<vmem_shared>>
      tpu.enqueue_dma source(%arg5 : memref<336x128xf32, #tpu.memory_space<hbm>>) target(%dma_start3A_124 : memref<336x128xf32, #tpu.memory_space<vmem_shared>>) target_semaphore(%run_scoped3A_122 : memref<!tpu.dma_semaphore, #tpu.memory_space<semaphore_mem>>)
      %dma_wait3A = arith.constant 0 : i32
      %dma_wait3A_125 = tpu.memref_slice %arg10[%mul3A_68, %dma_wait3A] : memref<5376x128xf32, #tpu.memory_space<vmem_shared>> -> memref<336x128xf32, #tpu.memory_space<vmem_shared>>
      tpu.wait_dma2 semaphore(%run_scoped3A_122 : memref<!tpu.dma_semaphore, #tpu.memory_space<semaphore_mem>>) src(%arg5 : memref<336x128xf32, #tpu.memory_space<hbm>>) dst(%dma_wait3A_125 : memref<336x128xf32, #tpu.memory_space<vmem_shared>>)
      tpu.yield
    }) : () -> ()
    %barrier3A_69 = arith.constant 0 : index
    tpu.barrier barrier_id(%barrier3A_69)
    %dma_start3A_70 = arith.constant 0 : i32
    %dma_start3A_71 = arith.constant 0 : i32
    %dma_start3A_72 = arith.constant 0 : i32
    %dma_start3A_73 = arith.constant 0 : i32
    %dma_start3A_74 = tpu.memref_slice %arg9[%dma_start3A_71, %dma_start3A_72, %dma_start3A_73] : memref<2x128x128xf32, #tpu.memory_space<vmem>> -> memref<1x128x128xf32, #tpu.memory_space<vmem>>
    %dma_start3A_75 = tpu.memref_squeeze %dma_start3A_74 : memref<1x128x128xf32, #tpu.memory_space<vmem>> -> memref<128x128xf32, #tpu.memory_space<vmem>>
    %dma_start3A_76 = arith.constant 0 : i32
    %dma_start3A_77 = tpu.memref_slice %arg7[%dma_start3A_70, %dma_start3A_76] : memref<160x128xi32, #tpu.memory_space<vmem>> -> memref<1x128xi32, #tpu.memory_space<vmem>>
    %dma_start3A_78 = tpu.memref_squeeze %dma_start3A_77 : memref<1x128xi32, #tpu.memory_space<vmem>> -> memref<128xi32, #tpu.memory_space<vmem>>
    %dma_start3A_79 = arith.constant 0 : i32
    %dma_start3A_80 = arith.constant 0 : i32
    %dma_start3A_81 = tpu.memref_slice %arg2[%dma_start3A_79, %dma_start3A_80] : memref<40000x128xf32, #tpu.memory_space<hbm>> -> memref<40000x128xf32, #tpu.memory_space<hbm>>
    tpu.enqueue_indirect_dma source(%dma_start3A_81 : memref<40000x128xf32, #tpu.memory_space<hbm>>) target(%dma_start3A_75 : memref<128x128xf32, #tpu.memory_space<vmem>>) offsets(%dma_start3A_78 : memref<128xi32, #tpu.memory_space<vmem>>) semaphore(%arg11 : memref<!tpu.dma_semaphore, #tpu.memory_space<semaphore_mem>>)
    %scan3A_82 = arith.constant 0 : i32
    %scan3A_83 = arith.constant 80 : i32
    %scan3A_84 = arith.addi %scan3A_82, %scan3A_83 : i32
    %scan3A_85 = arith.constant 1 : i32
    scf.for %scan3A_122 = %scan3A_82 to %scan3A_84 step %scan3A_85  : i32 {
      %mul3A_123 = arith.constant 2 : i32
      %mul3A_124 = arith.muli %scan3A_122, %mul3A_123 : i32
      %add3A_125 = arith.constant 0 : i32
      %add3A_126 = arith.addi %add3A_125, %mul3A_124 : i32
      %dma_wait3A = arith.constant 0 : i32
      %dma_wait3A_127 = arith.constant 0 : i32
      %dma_wait3A_128 = arith.constant 0 : i32
      %dma_wait3A_129 = tpu.memref_slice %arg9[%dma_wait3A, %dma_wait3A_127, %dma_wait3A_128] : memref<2x128x128xf32, #tpu.memory_space<vmem>> -> memref<1x128x128xf32, #tpu.memory_space<vmem>>
      %dma_wait3A_130 = tpu.memref_squeeze %dma_wait3A_129 : memref<1x128x128xf32, #tpu.memory_space<vmem>> -> memref<128x128xf32, #tpu.memory_space<vmem>>
      %dma_wait3A_131 = arith.constant 0 : i32
      %dma_wait3A_132 = tpu.memref_slice %arg7[%add3A_126, %dma_wait3A_131] : memref<160x128xi32, #tpu.memory_space<vmem>> -> memref<1x128xi32, #tpu.memory_space<vmem>>
      %dma_wait3A_133 = tpu.memref_squeeze %dma_wait3A_132 : memref<1x128xi32, #tpu.memory_space<vmem>> -> memref<128xi32, #tpu.memory_space<vmem>>
      %dma_wait3A_134 = arith.constant 0 : i32
      %dma_wait3A_135 = arith.constant 0 : i32
      %dma_wait3A_136 = tpu.memref_slice %arg2[%dma_wait3A_134, %dma_wait3A_135] : memref<40000x128xf32, #tpu.memory_space<hbm>> -> memref<40000x128xf32, #tpu.memory_space<hbm>>
      tpu.wait_indirect_dma semaphore(%arg11 : memref<!tpu.dma_semaphore, #tpu.memory_space<semaphore_mem>>) src(%dma_wait3A_136 : memref<40000x128xf32, #tpu.memory_space<hbm>>) dst(%dma_wait3A_130 : memref<128x128xf32, #tpu.memory_space<vmem>>)
      %add3A_137 = arith.constant 1 : i32
      %add3A_138 = arith.addi %add3A_126, %add3A_137 : i32
      %lt3A = arith.constant 160 : i32
      %lt3A_139 = arith.cmpi slt, %add3A_138, %lt3A : i32
      %convert_element_type3A = arith.extui %lt3A_139 : i1 to i32
      %cond3A = arith.constant 0 : i32
      %cond3A_140 = arith.cmpi ne, %convert_element_type3A, %cond3A : i32
      scf.if %cond3A_140 {
        %add3A_149 = arith.constant 1 : i32
        %add3A_150 = arith.addi %add3A_126, %add3A_149 : i32
        %dma_start3A_151 = arith.constant 1 : i32
        %dma_start3A_152 = arith.constant 0 : i32
        %dma_start3A_153 = arith.constant 0 : i32
        %dma_start3A_154 = tpu.memref_slice %arg9[%dma_start3A_151, %dma_start3A_152, %dma_start3A_153] : memref<2x128x128xf32, #tpu.memory_space<vmem>> -> memref<1x128x128xf32, #tpu.memory_space<vmem>>
        %dma_start3A_155 = tpu.memref_squeeze %dma_start3A_154 : memref<1x128x128xf32, #tpu.memory_space<vmem>> -> memref<128x128xf32, #tpu.memory_space<vmem>>
        %dma_start3A_156 = arith.constant 0 : i32
        %dma_start3A_157 = tpu.memref_slice %arg7[%add3A_150, %dma_start3A_156] : memref<160x128xi32, #tpu.memory_space<vmem>> -> memref<1x128xi32, #tpu.memory_space<vmem>>
        %dma_start3A_158 = tpu.memref_squeeze %dma_start3A_157 : memref<1x128xi32, #tpu.memory_space<vmem>> -> memref<128xi32, #tpu.memory_space<vmem>>
        %dma_start3A_159 = arith.constant 0 : i32
        %dma_start3A_160 = arith.constant 0 : i32
        %dma_start3A_161 = tpu.memref_slice %arg2[%dma_start3A_159, %dma_start3A_160] : memref<40000x128xf32, #tpu.memory_space<hbm>> -> memref<40000x128xf32, #tpu.memory_space<hbm>>
        tpu.enqueue_indirect_dma source(%dma_start3A_161 : memref<40000x128xf32, #tpu.memory_space<hbm>>) target(%dma_start3A_155 : memref<128x128xf32, #tpu.memory_space<vmem>>) offsets(%dma_start3A_158 : memref<128xi32, #tpu.memory_space<vmem>>) semaphore(%arg12 : memref<!tpu.dma_semaphore, #tpu.memory_space<semaphore_mem>>)
      } else {
      }
      %run_scoped3A_141 = arith.constant 0 : i32
      "tpu.region"() ({
        %run_scoped3A_149 = tpu.sem_alloc : memref<!tpu.dma_semaphore, #tpu.memory_space<semaphore_mem>>
        %dma_start3A_150 = arith.constant 0 : i32
        %dma_start3A_151 = arith.constant 0 : i32
        %dma_start3A_152 = tpu.memref_slice %arg9[%run_scoped3A_141, %dma_start3A_150, %dma_start3A_151] : memref<2x128x128xf32, #tpu.memory_space<vmem>> -> memref<1x128x128xf32, #tpu.memory_space<vmem>>
        %dma_start3A_153 = tpu.memref_squeeze %dma_start3A_152 : memref<1x128x128xf32, #tpu.memory_space<vmem>> -> memref<128x128xf32, #tpu.memory_space<vmem>>
        %dma_start3A_154 = arith.constant 0 : i32
        %dma_start3A_155 = tpu.memref_slice %arg8[%add3A_126, %dma_start3A_154] : memref<160x128xi32, #tpu.memory_space<vmem>> -> memref<1x128xi32, #tpu.memory_space<vmem>>
        %dma_start3A_156 = tpu.memref_squeeze %dma_start3A_155 : memref<1x128xi32, #tpu.memory_space<vmem>> -> memref<128xi32, #tpu.memory_space<vmem>>
        %dma_start3A_157 = arith.constant 0 : i32
        %dma_start3A_158 = arith.constant 0 : i32
        %dma_start3A_159 = tpu.memref_slice %arg10[%dma_start3A_157, %dma_start3A_158] : memref<5376x128xf32, #tpu.memory_space<vmem_shared>> -> memref<5376x128xf32, #tpu.memory_space<vmem_shared>>
        tpu.enqueue_indirect_dma source(%dma_start3A_153 : memref<128x128xf32, #tpu.memory_space<vmem>>) target(%dma_start3A_159 : memref<5376x128xf32, #tpu.memory_space<vmem_shared>>) offsets(%dma_start3A_156 : memref<128xi32, #tpu.memory_space<vmem>>) semaphore(%run_scoped3A_149 : memref<!tpu.dma_semaphore, #tpu.memory_space<semaphore_mem>>) {add = true}
        %dma_wait3A_160 = arith.constant 0 : i32
        %dma_wait3A_161 = arith.constant 0 : i32
        %dma_wait3A_162 = tpu.memref_slice %arg9[%run_scoped3A_141, %dma_wait3A_160, %dma_wait3A_161] : memref<2x128x128xf32, #tpu.memory_space<vmem>> -> memref<1x128x128xf32, #tpu.memory_space<vmem>>
        %dma_wait3A_163 = tpu.memref_squeeze %dma_wait3A_162 : memref<1x128x128xf32, #tpu.memory_space<vmem>> -> memref<128x128xf32, #tpu.memory_space<vmem>>
        %dma_wait3A_164 = arith.constant 0 : i32
        %dma_wait3A_165 = tpu.memref_slice %arg8[%add3A_126, %dma_wait3A_164] : memref<160x128xi32, #tpu.memory_space<vmem>> -> memref<1x128xi32, #tpu.memory_space<vmem>>
        %dma_wait3A_166 = tpu.memref_squeeze %dma_wait3A_165 : memref<1x128xi32, #tpu.memory_space<vmem>> -> memref<128xi32, #tpu.memory_space<vmem>>
        %dma_wait3A_167 = arith.constant 0 : i32
        %dma_wait3A_168 = arith.constant 0 : i32
        %dma_wait3A_169 = tpu.memref_slice %arg10[%dma_wait3A_167, %dma_wait3A_168] : memref<5376x128xf32, #tpu.memory_space<vmem_shared>> -> memref<5376x128xf32, #tpu.memory_space<vmem_shared>>
        tpu.wait_indirect_dma semaphore(%run_scoped3A_149 : memref<!tpu.dma_semaphore, #tpu.memory_space<semaphore_mem>>) src(%dma_wait3A_163 : memref<128x128xf32, #tpu.memory_space<vmem>>) dst(%dma_wait3A_169 : memref<5376x128xf32, #tpu.memory_space<vmem_shared>>)
        tpu.yield
      }) : () -> ()
      %add3A_142 = arith.constant 1 : i32
      %add3A_143 = arith.addi %add3A_126, %add3A_142 : i32
      %lt3A_144 = arith.constant 160 : i32
      %lt3A_145 = arith.cmpi slt, %add3A_143, %lt3A_144 : i32
      %convert_element_type3A_146 = arith.extui %lt3A_145 : i1 to i32
      %cond3A_147 = arith.constant 0 : i32
      %cond3A_148 = arith.cmpi ne, %convert_element_type3A_146, %cond3A_147 : i32
      scf.if %cond3A_148 {
        %add3A_149 = arith.constant 1 : i32
        %add3A_150 = arith.addi %add3A_126, %add3A_149 : i32
        %dma_wait3A_151 = arith.constant 1 : i32
        %dma_wait3A_152 = arith.constant 0 : i32
        %dma_wait3A_153 = arith.constant 0 : i32
        %dma_wait3A_154 = tpu.memref_slice %arg9[%dma_wait3A_151, %dma_wait3A_152, %dma_wait3A_153] : memref<2x128x128xf32, #tpu.memory_space<vmem>> -> memref<1x128x128xf32, #tpu.memory_space<vmem>>
        %dma_wait3A_155 = tpu.memref_squeeze %dma_wait3A_154 : memref<1x128x128xf32, #tpu.memory_space<vmem>> -> memref<128x128xf32, #tpu.memory_space<vmem>>
        %dma_wait3A_156 = arith.constant 0 : i32
        %dma_wait3A_157 = tpu.memref_slice %arg7[%add3A_150, %dma_wait3A_156] : memref<160x128xi32, #tpu.memory_space<vmem>> -> memref<1x128xi32, #tpu.memory_space<vmem>>
        %dma_wait3A_158 = tpu.memref_squeeze %dma_wait3A_157 : memref<1x128xi32, #tpu.memory_space<vmem>> -> memref<128xi32, #tpu.memory_space<vmem>>
        %dma_wait3A_159 = arith.constant 0 : i32
        %dma_wait3A_160 = arith.constant 0 : i32
        %dma_wait3A_161 = tpu.memref_slice %arg2[%dma_wait3A_159, %dma_wait3A_160] : memref<40000x128xf32, #tpu.memory_space<hbm>> -> memref<40000x128xf32, #tpu.memory_space<hbm>>
        tpu.wait_indirect_dma semaphore(%arg12 : memref<!tpu.dma_semaphore, #tpu.memory_space<semaphore_mem>>) src(%dma_wait3A_161 : memref<40000x128xf32, #tpu.memory_space<hbm>>) dst(%dma_wait3A_155 : memref<128x128xf32, #tpu.memory_space<vmem>>)
        %add3A_162 = arith.constant 2 : i32
        %add3A_163 = arith.addi %add3A_126, %add3A_162 : i32
        %lt3A_164 = arith.constant 160 : i32
        %lt3A_165 = arith.cmpi slt, %add3A_163, %lt3A_164 : i32
        %convert_element_type3A_166 = arith.extui %lt3A_165 : i1 to i32
        %cond3A_167 = arith.constant 0 : i32
        %cond3A_168 = arith.cmpi ne, %convert_element_type3A_166, %cond3A_167 : i32
        scf.if %cond3A_168 {
          %add3A_172 = arith.constant 2 : i32
          %add3A_173 = arith.addi %add3A_126, %add3A_172 : i32
          %dma_start3A_174 = arith.constant 0 : i32
          %dma_start3A_175 = arith.constant 0 : i32
          %dma_start3A_176 = arith.constant 0 : i32
          %dma_start3A_177 = tpu.memref_slice %arg9[%dma_start3A_174, %dma_start3A_175, %dma_start3A_176] : memref<2x128x128xf32, #tpu.memory_space<vmem>> -> memref<1x128x128xf32, #tpu.memory_space<vmem>>
          %dma_start3A_178 = tpu.memref_squeeze %dma_start3A_177 : memref<1x128x128xf32, #tpu.memory_space<vmem>> -> memref<128x128xf32, #tpu.memory_space<vmem>>
          %dma_start3A_179 = arith.constant 0 : i32
          %dma_start3A_180 = tpu.memref_slice %arg7[%add3A_173, %dma_start3A_179] : memref<160x128xi32, #tpu.memory_space<vmem>> -> memref<1x128xi32, #tpu.memory_space<vmem>>
          %dma_start3A_181 = tpu.memref_squeeze %dma_start3A_180 : memref<1x128xi32, #tpu.memory_space<vmem>> -> memref<128xi32, #tpu.memory_space<vmem>>
          %dma_start3A_182 = arith.constant 0 : i32
          %dma_start3A_183 = arith.constant 0 : i32
          %dma_start3A_184 = tpu.memref_slice %arg2[%dma_start3A_182, %dma_start3A_183] : memref<40000x128xf32, #tpu.memory_space<hbm>> -> memref<40000x128xf32, #tpu.memory_space<hbm>>
          tpu.enqueue_indirect_dma source(%dma_start3A_184 : memref<40000x128xf32, #tpu.memory_space<hbm>>) target(%dma_start3A_178 : memref<128x128xf32, #tpu.memory_space<vmem>>) offsets(%dma_start3A_181 : memref<128xi32, #tpu.memory_space<vmem>>) semaphore(%arg11 : memref<!tpu.dma_semaphore, #tpu.memory_space<semaphore_mem>>)
        } else {
        }
        %add3A_169 = arith.constant 1 : i32
        %add3A_170 = arith.addi %add3A_126, %add3A_169 : i32
        %run_scoped3A_171 = arith.constant 1 : i32
        "tpu.region"() ({
          %run_scoped3A_172 = tpu.sem_alloc : memref<!tpu.dma_semaphore, #tpu.memory_space<semaphore_mem>>
          %dma_start3A_173 = arith.constant 0 : i32
          %dma_start3A_174 = arith.constant 0 : i32
          %dma_start3A_175 = tpu.memref_slice %arg9[%run_scoped3A_171, %dma_start3A_173, %dma_start3A_174] : memref<2x128x128xf32, #tpu.memory_space<vmem>> -> memref<1x128x128xf32, #tpu.memory_space<vmem>>
          %dma_start3A_176 = tpu.memref_squeeze %dma_start3A_175 : memref<1x128x128xf32, #tpu.memory_space<vmem>> -> memref<128x128xf32, #tpu.memory_space<vmem>>
          %dma_start3A_177 = arith.constant 0 : i32
          %dma_start3A_178 = tpu.memref_slice %arg8[%add3A_170, %dma_start3A_177] : memref<160x128xi32, #tpu.memory_space<vmem>> -> memref<1x128xi32, #tpu.memory_space<vmem>>
          %dma_start3A_179 = tpu.memref_squeeze %dma_start3A_178 : memref<1x128xi32, #tpu.memory_space<vmem>> -> memref<128xi32, #tpu.memory_space<vmem>>
          %dma_start3A_180 = arith.constant 0 : i32
          %dma_start3A_181 = arith.constant 0 : i32
          %dma_start3A_182 = tpu.memref_slice %arg10[%dma_start3A_180, %dma_start3A_181] : memref<5376x128xf32, #tpu.memory_space<vmem_shared>> -> memref<5376x128xf32, #tpu.memory_space<vmem_shared>>
          tpu.enqueue_indirect_dma source(%dma_start3A_176 : memref<128x128xf32, #tpu.memory_space<vmem>>) target(%dma_start3A_182 : memref<5376x128xf32, #tpu.memory_space<vmem_shared>>) offsets(%dma_start3A_179 : memref<128xi32, #tpu.memory_space<vmem>>) semaphore(%run_scoped3A_172 : memref<!tpu.dma_semaphore, #tpu.memory_space<semaphore_mem>>) {add = true}
          %dma_wait3A_183 = arith.constant 0 : i32
          %dma_wait3A_184 = arith.constant 0 : i32
          %dma_wait3A_185 = tpu.memref_slice %arg9[%run_scoped3A_171, %dma_wait3A_183, %dma_wait3A_184] : memref<2x128x128xf32, #tpu.memory_space<vmem>> -> memref<1x128x128xf32, #tpu.memory_space<vmem>>
          %dma_wait3A_186 = tpu.memref_squeeze %dma_wait3A_185 : memref<1x128x128xf32, #tpu.memory_space<vmem>> -> memref<128x128xf32, #tpu.memory_space<vmem>>
          %dma_wait3A_187 = arith.constant 0 : i32
          %dma_wait3A_188 = tpu.memref_slice %arg8[%add3A_170, %dma_wait3A_187] : memref<160x128xi32, #tpu.memory_space<vmem>> -> memref<1x128xi32, #tpu.memory_space<vmem>>
          %dma_wait3A_189 = tpu.memref_squeeze %dma_wait3A_188 : memref<1x128xi32, #tpu.memory_space<vmem>> -> memref<128xi32, #tpu.memory_space<vmem>>
          %dma_wait3A_190 = arith.constant 0 : i32
          %dma_wait3A_191 = arith.constant 0 : i32
          %dma_wait3A_192 = tpu.memref_slice %arg10[%dma_wait3A_190, %dma_wait3A_191] : memref<5376x128xf32, #tpu.memory_space<vmem_shared>> -> memref<5376x128xf32, #tpu.memory_space<vmem_shared>>
          tpu.wait_indirect_dma semaphore(%run_scoped3A_172 : memref<!tpu.dma_semaphore, #tpu.memory_space<semaphore_mem>>) src(%dma_wait3A_186 : memref<128x128xf32, #tpu.memory_space<vmem>>) dst(%dma_wait3A_192 : memref<5376x128xf32, #tpu.memory_space<vmem_shared>>)
          tpu.yield
        }) : () -> ()
      } else {
      }
    }
    %scan3A_86 = arith.constant 80 : i32
    %barrier3A_87 = arith.constant 0 : index
    tpu.barrier barrier_id(%barrier3A_87)
    %mul3A_88 = arith.constant 336 : i32
    %mul3A_89 = arith.muli %arg1, %mul3A_88 : i32
    %mul3A_90 = arith.constant 336 : i32
    %mul3A_91 = arith.muli %arg1, %mul3A_90 : i32
    %run_scoped3A_92 = arith.constant 0 : i32
    "tpu.region"() ({
      %run_scoped3A_122 = tpu.sem_alloc : memref<!tpu.dma_semaphore, #tpu.memory_space<semaphore_mem>>
      %dma_start3A_123 = arith.constant 0 : i32
      %dma_start3A_124 = tpu.memref_slice %arg6[%add3A_61, %run_scoped3A_92, %mul3A_91, %dma_start3A_123] : memref<4x2x5376x128xf32, #tpu.memory_space<hbm>> -> memref<1x1x336x128xf32, #tpu.memory_space<hbm>>
      %dma_start3A_125 = tpu.memref_squeeze %dma_start3A_124 : memref<1x1x336x128xf32, #tpu.memory_space<hbm>> -> memref<336x128xf32, #tpu.memory_space<hbm>>
      %dma_start3A_126 = arith.constant 0 : i32
      %dma_start3A_127 = tpu.memref_slice %arg10[%mul3A_89, %dma_start3A_126] : memref<5376x128xf32, #tpu.memory_space<vmem_shared>> -> memref<336x128xf32, #tpu.memory_space<vmem_shared>>
      tpu.enqueue_dma source(%dma_start3A_127 : memref<336x128xf32, #tpu.memory_space<vmem_shared>>) target(%dma_start3A_125 : memref<336x128xf32, #tpu.memory_space<hbm>>) target_semaphore(%run_scoped3A_122 : memref<!tpu.dma_semaphore, #tpu.memory_space<semaphore_mem>>)
      %dma_wait3A = arith.constant 0 : i32
      %dma_wait3A_128 = tpu.memref_slice %arg6[%add3A_61, %run_scoped3A_92, %mul3A_91, %dma_wait3A] : memref<4x2x5376x128xf32, #tpu.memory_space<hbm>> -> memref<1x1x336x128xf32, #tpu.memory_space<hbm>>
      %dma_wait3A_129 = tpu.memref_squeeze %dma_wait3A_128 : memref<1x1x336x128xf32, #tpu.memory_space<hbm>> -> memref<336x128xf32, #tpu.memory_space<hbm>>
      %dma_wait3A_130 = arith.constant 0 : i32
      %dma_wait3A_131 = tpu.memref_slice %arg10[%mul3A_89, %dma_wait3A_130] : memref<5376x128xf32, #tpu.memory_space<vmem_shared>> -> memref<336x128xf32, #tpu.memory_space<vmem_shared>>
      tpu.wait_dma2 semaphore(%run_scoped3A_122 : memref<!tpu.dma_semaphore, #tpu.memory_space<semaphore_mem>>) src(%dma_wait3A_131 : memref<336x128xf32, #tpu.memory_space<vmem_shared>>) dst(%dma_wait3A_129 : memref<336x128xf32, #tpu.memory_space<hbm>>)
      tpu.yield
    }) : () -> ()
    %mul3A_93 = arith.constant 160 : i32
    %mul3A_94 = arith.muli %arg1, %mul3A_93 : i32
    %run_scoped3A_95 = arith.constant 1 : i32
    "tpu.region"() ({
      %run_scoped3A_122 = tpu.sem_alloc : memref<!tpu.dma_semaphore, #tpu.memory_space<semaphore_mem>>
      %dma_start3A_123 = arith.constant 0 : i32
      %dma_start3A_124 = tpu.memref_slice %arg4[%add3A_61, %run_scoped3A_95, %mul3A_94, %dma_start3A_123] : memref<4x2x2560x128xi32, #tpu.memory_space<hbm>> -> memref<1x1x160x128xi32, #tpu.memory_space<hbm>>
      %dma_start3A_125 = tpu.memref_squeeze %dma_start3A_124 : memref<1x1x160x128xi32, #tpu.memory_space<hbm>> -> memref<160x128xi32, #tpu.memory_space<hbm>>
      %dma_start3A_126 = arith.constant 0 : i32
      %dma_start3A_127 = tpu.memref_slice %arg4[%add3A_61, %run_scoped3A_95, %mul3A_94, %dma_start3A_126] : memref<4x2x2560x128xi32, #tpu.memory_space<hbm>> -> memref<1x1x160x128xi32, #tpu.memory_space<hbm>>
      %dma_start3A_128 = tpu.memref_squeeze %dma_start3A_127 : memref<1x1x160x128xi32, #tpu.memory_space<hbm>> -> memref<160x128xi32, #tpu.memory_space<hbm>>
      tpu.enqueue_dma source(%dma_start3A_128 : memref<160x128xi32, #tpu.memory_space<hbm>>) target(%arg8 : memref<160x128xi32, #tpu.memory_space<vmem>>) target_semaphore(%run_scoped3A_122 : memref<!tpu.dma_semaphore, #tpu.memory_space<semaphore_mem>>)
      %dma_wait3A = arith.constant 0 : i32
      %dma_wait3A_129 = tpu.memref_slice %arg4[%add3A_61, %run_scoped3A_95, %mul3A_94, %dma_wait3A] : memref<4x2x2560x128xi32, #tpu.memory_space<hbm>> -> memref<1x1x160x128xi32, #tpu.memory_space<hbm>>
      %dma_wait3A_130 = tpu.memref_squeeze %dma_wait3A_129 : memref<1x1x160x128xi32, #tpu.memory_space<hbm>> -> memref<160x128xi32, #tpu.memory_space<hbm>>
      %dma_wait3A_131 = arith.constant 0 : i32
      %dma_wait3A_132 = tpu.memref_slice %arg4[%add3A_61, %run_scoped3A_95, %mul3A_94, %dma_wait3A_131] : memref<4x2x2560x128xi32, #tpu.memory_space<hbm>> -> memref<1x1x160x128xi32, #tpu.memory_space<hbm>>
      %dma_wait3A_133 = tpu.memref_squeeze %dma_wait3A_132 : memref<1x1x160x128xi32, #tpu.memory_space<hbm>> -> memref<160x128xi32, #tpu.memory_space<hbm>>
      tpu.wait_dma2 semaphore(%run_scoped3A_122 : memref<!tpu.dma_semaphore, #tpu.memory_space<semaphore_mem>>) src(%dma_wait3A_133 : memref<160x128xi32, #tpu.memory_space<hbm>>) dst(%arg8 : memref<160x128xi32, #tpu.memory_space<vmem>>)
      tpu.yield
    }) : () -> ()
    %mul3A_96 = arith.constant 336 : i32
    %mul3A_97 = arith.muli %arg1, %mul3A_96 : i32
    "tpu.region"() ({
      %run_scoped3A_122 = tpu.sem_alloc : memref<!tpu.dma_semaphore, #tpu.memory_space<semaphore_mem>>
      %dma_start3A_123 = arith.constant 0 : i32
      %dma_start3A_124 = tpu.memref_slice %arg10[%mul3A_97, %dma_start3A_123] : memref<5376x128xf32, #tpu.memory_space<vmem_shared>> -> memref<336x128xf32, #tpu.memory_space<vmem_shared>>
      tpu.enqueue_dma source(%arg5 : memref<336x128xf32, #tpu.memory_space<hbm>>) target(%dma_start3A_124 : memref<336x128xf32, #tpu.memory_space<vmem_shared>>) target_semaphore(%run_scoped3A_122 : memref<!tpu.dma_semaphore, #tpu.memory_space<semaphore_mem>>)
      %dma_wait3A = arith.constant 0 : i32
      %dma_wait3A_125 = tpu.memref_slice %arg10[%mul3A_97, %dma_wait3A] : memref<5376x128xf32, #tpu.memory_space<vmem_shared>> -> memref<336x128xf32, #tpu.memory_space<vmem_shared>>
      tpu.wait_dma2 semaphore(%run_scoped3A_122 : memref<!tpu.dma_semaphore, #tpu.memory_space<semaphore_mem>>) src(%arg5 : memref<336x128xf32, #tpu.memory_space<hbm>>) dst(%dma_wait3A_125 : memref<336x128xf32, #tpu.memory_space<vmem_shared>>)
      tpu.yield
    }) : () -> ()
    %barrier3A_98 = arith.constant 0 : index
    tpu.barrier barrier_id(%barrier3A_98)
    %dma_start3A_99 = arith.constant 0 : i32
    %dma_start3A_100 = arith.constant 0 : i32
    %dma_start3A_101 = arith.constant 0 : i32
    %dma_start3A_102 = arith.constant 0 : i32
    %dma_start3A_103 = tpu.memref_slice %arg9[%dma_start3A_100, %dma_start3A_101, %dma_start3A_102] : memref<2x128x128xf32, #tpu.memory_space<vmem>> -> memref<1x128x128xf32, #tpu.memory_space<vmem>>
    %dma_start3A_104 = tpu.memref_squeeze %dma_start3A_103 : memref<1x128x128xf32, #tpu.memory_space<vmem>> -> memref<128x128xf32, #tpu.memory_space<vmem>>
    %dma_start3A_105 = arith.constant 0 : i32
    %dma_start3A_106 = tpu.memref_slice %arg7[%dma_start3A_99, %dma_start3A_105] : memref<160x128xi32, #tpu.memory_space<vmem>> -> memref<1x128xi32, #tpu.memory_space<vmem>>
    %dma_start3A_107 = tpu.memref_squeeze %dma_start3A_106 : memref<1x128xi32, #tpu.memory_space<vmem>> -> memref<128xi32, #tpu.memory_space<vmem>>
    %dma_start3A_108 = arith.constant 0 : i32
    %dma_start3A_109 = arith.constant 0 : i32
    %dma_start3A_110 = tpu.memref_slice %arg2[%dma_start3A_108, %dma_start3A_109] : memref<40000x128xf32, #tpu.memory_space<hbm>> -> memref<40000x128xf32, #tpu.memory_space<hbm>>
    tpu.enqueue_indirect_dma source(%dma_start3A_110 : memref<40000x128xf32, #tpu.memory_space<hbm>>) target(%dma_start3A_104 : memref<128x128xf32, #tpu.memory_space<vmem>>) offsets(%dma_start3A_107 : memref<128xi32, #tpu.memory_space<vmem>>) semaphore(%arg11 : memref<!tpu.dma_semaphore, #tpu.memory_space<semaphore_mem>>)
    %scan3A_111 = arith.constant 0 : i32
    %scan3A_112 = arith.constant 80 : i32
    %scan3A_113 = arith.addi %scan3A_111, %scan3A_112 : i32
    %scan3A_114 = arith.constant 1 : i32
    scf.for %scan3A_122 = %scan3A_111 to %scan3A_113 step %scan3A_114  : i32 {
      %mul3A_123 = arith.constant 2 : i32
      %mul3A_124 = arith.muli %scan3A_122, %mul3A_123 : i32
      %add3A_125 = arith.constant 0 : i32
      %add3A_126 = arith.addi %add3A_125, %mul3A_124 : i32
      %dma_wait3A = arith.constant 0 : i32
      %dma_wait3A_127 = arith.constant 0 : i32
      %dma_wait3A_128 = arith.constant 0 : i32
      %dma_wait3A_129 = tpu.memref_slice %arg9[%dma_wait3A, %dma_wait3A_127, %dma_wait3A_128] : memref<2x128x128xf32, #tpu.memory_space<vmem>> -> memref<1x128x128xf32, #tpu.memory_space<vmem>>
      %dma_wait3A_130 = tpu.memref_squeeze %dma_wait3A_129 : memref<1x128x128xf32, #tpu.memory_space<vmem>> -> memref<128x128xf32, #tpu.memory_space<vmem>>
      %dma_wait3A_131 = arith.constant 0 : i32
      %dma_wait3A_132 = tpu.memref_slice %arg7[%add3A_126, %dma_wait3A_131] : memref<160x128xi32, #tpu.memory_space<vmem>> -> memref<1x128xi32, #tpu.memory_space<vmem>>
      %dma_wait3A_133 = tpu.memref_squeeze %dma_wait3A_132 : memref<1x128xi32, #tpu.memory_space<vmem>> -> memref<128xi32, #tpu.memory_space<vmem>>
      %dma_wait3A_134 = arith.constant 0 : i32
      %dma_wait3A_135 = arith.constant 0 : i32
      %dma_wait3A_136 = tpu.memref_slice %arg2[%dma_wait3A_134, %dma_wait3A_135] : memref<40000x128xf32, #tpu.memory_space<hbm>> -> memref<40000x128xf32, #tpu.memory_space<hbm>>
      tpu.wait_indirect_dma semaphore(%arg11 : memref<!tpu.dma_semaphore, #tpu.memory_space<semaphore_mem>>) src(%dma_wait3A_136 : memref<40000x128xf32, #tpu.memory_space<hbm>>) dst(%dma_wait3A_130 : memref<128x128xf32, #tpu.memory_space<vmem>>)
      %add3A_137 = arith.constant 1 : i32
      %add3A_138 = arith.addi %add3A_126, %add3A_137 : i32
      %lt3A = arith.constant 160 : i32
      %lt3A_139 = arith.cmpi slt, %add3A_138, %lt3A : i32
      %convert_element_type3A = arith.extui %lt3A_139 : i1 to i32
      %cond3A = arith.constant 0 : i32
      %cond3A_140 = arith.cmpi ne, %convert_element_type3A, %cond3A : i32
      scf.if %cond3A_140 {
        %add3A_149 = arith.constant 1 : i32
        %add3A_150 = arith.addi %add3A_126, %add3A_149 : i32
        %dma_start3A_151 = arith.constant 1 : i32
        %dma_start3A_152 = arith.constant 0 : i32
        %dma_start3A_153 = arith.constant 0 : i32
        %dma_start3A_154 = tpu.memref_slice %arg9[%dma_start3A_151, %dma_start3A_152, %dma_start3A_153] : memref<2x128x128xf32, #tpu.memory_space<vmem>> -> memref<1x128x128xf32, #tpu.memory_space<vmem>>
        %dma_start3A_155 = tpu.memref_squeeze %dma_start3A_154 : memref<1x128x128xf32, #tpu.memory_space<vmem>> -> memref<128x128xf32, #tpu.memory_space<vmem>>
        %dma_start3A_156 = arith.constant 0 : i32
        %dma_start3A_157 = tpu.memref_slice %arg7[%add3A_150, %dma_start3A_156] : memref<160x128xi32, #tpu.memory_space<vmem>> -> memref<1x128xi32, #tpu.memory_space<vmem>>
        %dma_start3A_158 = tpu.memref_squeeze %dma_start3A_157 : memref<1x128xi32, #tpu.memory_space<vmem>> -> memref<128xi32, #tpu.memory_space<vmem>>
        %dma_start3A_159 = arith.constant 0 : i32
        %dma_start3A_160 = arith.constant 0 : i32
        %dma_start3A_161 = tpu.memref_slice %arg2[%dma_start3A_159, %dma_start3A_160] : memref<40000x128xf32, #tpu.memory_space<hbm>> -> memref<40000x128xf32, #tpu.memory_space<hbm>>
        tpu.enqueue_indirect_dma source(%dma_start3A_161 : memref<40000x128xf32, #tpu.memory_space<hbm>>) target(%dma_start3A_155 : memref<128x128xf32, #tpu.memory_space<vmem>>) offsets(%dma_start3A_158 : memref<128xi32, #tpu.memory_space<vmem>>) semaphore(%arg12 : memref<!tpu.dma_semaphore, #tpu.memory_space<semaphore_mem>>)
      } else {
      }
      %run_scoped3A_141 = arith.constant 0 : i32
      "tpu.region"() ({
        %run_scoped3A_149 = tpu.sem_alloc : memref<!tpu.dma_semaphore, #tpu.memory_space<semaphore_mem>>
        %dma_start3A_150 = arith.constant 0 : i32
        %dma_start3A_151 = arith.constant 0 : i32
        %dma_start3A_152 = tpu.memref_slice %arg9[%run_scoped3A_141, %dma_start3A_150, %dma_start3A_151] : memref<2x128x128xf32, #tpu.memory_space<vmem>> -> memref<1x128x128xf32, #tpu.memory_space<vmem>>
        %dma_start3A_153 = tpu.memref_squeeze %dma_start3A_152 : memref<1x128x128xf32, #tpu.memory_space<vmem>> -> memref<128x128xf32, #tpu.memory_space<vmem>>
        %dma_start3A_154 = arith.constant 0 : i32
        %dma_start3A_155 = tpu.memref_slice %arg8[%add3A_126, %dma_start3A_154] : memref<160x128xi32, #tpu.memory_space<vmem>> -> memref<1x128xi32, #tpu.memory_space<vmem>>
        %dma_start3A_156 = tpu.memref_squeeze %dma_start3A_155 : memref<1x128xi32, #tpu.memory_space<vmem>> -> memref<128xi32, #tpu.memory_space<vmem>>
        %dma_start3A_157 = arith.constant 0 : i32
        %dma_start3A_158 = arith.constant 0 : i32
        %dma_start3A_159 = tpu.memref_slice %arg10[%dma_start3A_157, %dma_start3A_158] : memref<5376x128xf32, #tpu.memory_space<vmem_shared>> -> memref<5376x128xf32, #tpu.memory_space<vmem_shared>>
        tpu.enqueue_indirect_dma source(%dma_start3A_153 : memref<128x128xf32, #tpu.memory_space<vmem>>) target(%dma_start3A_159 : memref<5376x128xf32, #tpu.memory_space<vmem_shared>>) offsets(%dma_start3A_156 : memref<128xi32, #tpu.memory_space<vmem>>) semaphore(%run_scoped3A_149 : memref<!tpu.dma_semaphore, #tpu.memory_space<semaphore_mem>>) {add = true}
        %dma_wait3A_160 = arith.constant 0 : i32
        %dma_wait3A_161 = arith.constant 0 : i32
        %dma_wait3A_162 = tpu.memref_slice %arg9[%run_scoped3A_141, %dma_wait3A_160, %dma_wait3A_161] : memref<2x128x128xf32, #tpu.memory_space<vmem>> -> memref<1x128x128xf32, #tpu.memory_space<vmem>>
        %dma_wait3A_163 = tpu.memref_squeeze %dma_wait3A_162 : memref<1x128x128xf32, #tpu.memory_space<vmem>> -> memref<128x128xf32, #tpu.memory_space<vmem>>
        %dma_wait3A_164 = arith.constant 0 : i32
        %dma_wait3A_165 = tpu.memref_slice %arg8[%add3A_126, %dma_wait3A_164] : memref<160x128xi32, #tpu.memory_space<vmem>> -> memref<1x128xi32, #tpu.memory_space<vmem>>
        %dma_wait3A_166 = tpu.memref_squeeze %dma_wait3A_165 : memref<1x128xi32, #tpu.memory_space<vmem>> -> memref<128xi32, #tpu.memory_space<vmem>>
        %dma_wait3A_167 = arith.constant 0 : i32
        %dma_wait3A_168 = arith.constant 0 : i32
        %dma_wait3A_169 = tpu.memref_slice %arg10[%dma_wait3A_167, %dma_wait3A_168] : memref<5376x128xf32, #tpu.memory_space<vmem_shared>> -> memref<5376x128xf32, #tpu.memory_space<vmem_shared>>
        tpu.wait_indirect_dma semaphore(%run_scoped3A_149 : memref<!tpu.dma_semaphore, #tpu.memory_space<semaphore_mem>>) src(%dma_wait3A_163 : memref<128x128xf32, #tpu.memory_space<vmem>>) dst(%dma_wait3A_169 : memref<5376x128xf32, #tpu.memory_space<vmem_shared>>)
        tpu.yield
      }) : () -> ()
      %add3A_142 = arith.constant 1 : i32
      %add3A_143 = arith.addi %add3A_126, %add3A_142 : i32
      %lt3A_144 = arith.constant 160 : i32
      %lt3A_145 = arith.cmpi slt, %add3A_143, %lt3A_144 : i32
      %convert_element_type3A_146 = arith.extui %lt3A_145 : i1 to i32
      %cond3A_147 = arith.constant 0 : i32
      %cond3A_148 = arith.cmpi ne, %convert_element_type3A_146, %cond3A_147 : i32
      scf.if %cond3A_148 {
        %add3A_149 = arith.constant 1 : i32
        %add3A_150 = arith.addi %add3A_126, %add3A_149 : i32
        %dma_wait3A_151 = arith.constant 1 : i32
        %dma_wait3A_152 = arith.constant 0 : i32
        %dma_wait3A_153 = arith.constant 0 : i32
        %dma_wait3A_154 = tpu.memref_slice %arg9[%dma_wait3A_151, %dma_wait3A_152, %dma_wait3A_153] : memref<2x128x128xf32, #tpu.memory_space<vmem>> -> memref<1x128x128xf32, #tpu.memory_space<vmem>>
        %dma_wait3A_155 = tpu.memref_squeeze %dma_wait3A_154 : memref<1x128x128xf32, #tpu.memory_space<vmem>> -> memref<128x128xf32, #tpu.memory_space<vmem>>
        %dma_wait3A_156 = arith.constant 0 : i32
        %dma_wait3A_157 = tpu.memref_slice %arg7[%add3A_150, %dma_wait3A_156] : memref<160x128xi32, #tpu.memory_space<vmem>> -> memref<1x128xi32, #tpu.memory_space<vmem>>
        %dma_wait3A_158 = tpu.memref_squeeze %dma_wait3A_157 : memref<1x128xi32, #tpu.memory_space<vmem>> -> memref<128xi32, #tpu.memory_space<vmem>>
        %dma_wait3A_159 = arith.constant 0 : i32
        %dma_wait3A_160 = arith.constant 0 : i32
        %dma_wait3A_161 = tpu.memref_slice %arg2[%dma_wait3A_159, %dma_wait3A_160] : memref<40000x128xf32, #tpu.memory_space<hbm>> -> memref<40000x128xf32, #tpu.memory_space<hbm>>
        tpu.wait_indirect_dma semaphore(%arg12 : memref<!tpu.dma_semaphore, #tpu.memory_space<semaphore_mem>>) src(%dma_wait3A_161 : memref<40000x128xf32, #tpu.memory_space<hbm>>) dst(%dma_wait3A_155 : memref<128x128xf32, #tpu.memory_space<vmem>>)
        %add3A_162 = arith.constant 2 : i32
        %add3A_163 = arith.addi %add3A_126, %add3A_162 : i32
        %lt3A_164 = arith.constant 160 : i32
        %lt3A_165 = arith.cmpi slt, %add3A_163, %lt3A_164 : i32
        %convert_element_type3A_166 = arith.extui %lt3A_165 : i1 to i32
        %cond3A_167 = arith.constant 0 : i32
        %cond3A_168 = arith.cmpi ne, %convert_element_type3A_166, %cond3A_167 : i32
        scf.if %cond3A_168 {
          %add3A_172 = arith.constant 2 : i32
          %add3A_173 = arith.addi %add3A_126, %add3A_172 : i32
          %dma_start3A_174 = arith.constant 0 : i32
          %dma_start3A_175 = arith.constant 0 : i32
          %dma_start3A_176 = arith.constant 0 : i32
          %dma_start3A_177 = tpu.memref_slice %arg9[%dma_start3A_174, %dma_start3A_175, %dma_start3A_176] : memref<2x128x128xf32, #tpu.memory_space<vmem>> -> memref<1x128x128xf32, #tpu.memory_space<vmem>>
          %dma_start3A_178 = tpu.memref_squeeze %dma_start3A_177 : memref<1x128x128xf32, #tpu.memory_space<vmem>> -> memref<128x128xf32, #tpu.memory_space<vmem>>
          %dma_start3A_179 = arith.constant 0 : i32
          %dma_start3A_180 = tpu.memref_slice %arg7[%add3A_173, %dma_start3A_179] : memref<160x128xi32, #tpu.memory_space<vmem>> -> memref<1x128xi32, #tpu.memory_space<vmem>>
          %dma_start3A_181 = tpu.memref_squeeze %dma_start3A_180 : memref<1x128xi32, #tpu.memory_space<vmem>> -> memref<128xi32, #tpu.memory_space<vmem>>
          %dma_start3A_182 = arith.constant 0 : i32
          %dma_start3A_183 = arith.constant 0 : i32
          %dma_start3A_184 = tpu.memref_slice %arg2[%dma_start3A_182, %dma_start3A_183] : memref<40000x128xf32, #tpu.memory_space<hbm>> -> memref<40000x128xf32, #tpu.memory_space<hbm>>
          tpu.enqueue_indirect_dma source(%dma_start3A_184 : memref<40000x128xf32, #tpu.memory_space<hbm>>) target(%dma_start3A_178 : memref<128x128xf32, #tpu.memory_space<vmem>>) offsets(%dma_start3A_181 : memref<128xi32, #tpu.memory_space<vmem>>) semaphore(%arg11 : memref<!tpu.dma_semaphore, #tpu.memory_space<semaphore_mem>>)
        } else {
        }
        %add3A_169 = arith.constant 1 : i32
        %add3A_170 = arith.addi %add3A_126, %add3A_169 : i32
        %run_scoped3A_171 = arith.constant 1 : i32
        "tpu.region"() ({
          %run_scoped3A_172 = tpu.sem_alloc : memref<!tpu.dma_semaphore, #tpu.memory_space<semaphore_mem>>
          %dma_start3A_173 = arith.constant 0 : i32
          %dma_start3A_174 = arith.constant 0 : i32
          %dma_start3A_175 = tpu.memref_slice %arg9[%run_scoped3A_171, %dma_start3A_173, %dma_start3A_174] : memref<2x128x128xf32, #tpu.memory_space<vmem>> -> memref<1x128x128xf32, #tpu.memory_space<vmem>>
          %dma_start3A_176 = tpu.memref_squeeze %dma_start3A_175 : memref<1x128x128xf32, #tpu.memory_space<vmem>> -> memref<128x128xf32, #tpu.memory_space<vmem>>
          %dma_start3A_177 = arith.constant 0 : i32
          %dma_start3A_178 = tpu.memref_slice %arg8[%add3A_170, %dma_start3A_177] : memref<160x128xi32, #tpu.memory_space<vmem>> -> memref<1x128xi32, #tpu.memory_space<vmem>>
          %dma_start3A_179 = tpu.memref_squeeze %dma_start3A_178 : memref<1x128xi32, #tpu.memory_space<vmem>> -> memref<128xi32, #tpu.memory_space<vmem>>
          %dma_start3A_180 = arith.constant 0 : i32
          %dma_start3A_181 = arith.constant 0 : i32
          %dma_start3A_182 = tpu.memref_slice %arg10[%dma_start3A_180, %dma_start3A_181] : memref<5376x128xf32, #tpu.memory_space<vmem_shared>> -> memref<5376x128xf32, #tpu.memory_space<vmem_shared>>
          tpu.enqueue_indirect_dma source(%dma_start3A_176 : memref<128x128xf32, #tpu.memory_space<vmem>>) target(%dma_start3A_182 : memref<5376x128xf32, #tpu.memory_space<vmem_shared>>) offsets(%dma_start3A_179 : memref<128xi32, #tpu.memory_space<vmem>>) semaphore(%run_scoped3A_172 : memref<!tpu.dma_semaphore, #tpu.memory_space<semaphore_mem>>) {add = true}
          %dma_wait3A_183 = arith.constant 0 : i32
          %dma_wait3A_184 = arith.constant 0 : i32
          %dma_wait3A_185 = tpu.memref_slice %arg9[%run_scoped3A_171, %dma_wait3A_183, %dma_wait3A_184] : memref<2x128x128xf32, #tpu.memory_space<vmem>> -> memref<1x128x128xf32, #tpu.memory_space<vmem>>
          %dma_wait3A_186 = tpu.memref_squeeze %dma_wait3A_185 : memref<1x128x128xf32, #tpu.memory_space<vmem>> -> memref<128x128xf32, #tpu.memory_space<vmem>>
          %dma_wait3A_187 = arith.constant 0 : i32
          %dma_wait3A_188 = tpu.memref_slice %arg8[%add3A_170, %dma_wait3A_187] : memref<160x128xi32, #tpu.memory_space<vmem>> -> memref<1x128xi32, #tpu.memory_space<vmem>>
          %dma_wait3A_189 = tpu.memref_squeeze %dma_wait3A_188 : memref<1x128xi32, #tpu.memory_space<vmem>> -> memref<128xi32, #tpu.memory_space<vmem>>
          %dma_wait3A_190 = arith.constant 0 : i32
          %dma_wait3A_191 = arith.constant 0 : i32
          %dma_wait3A_192 = tpu.memref_slice %arg10[%dma_wait3A_190, %dma_wait3A_191] : memref<5376x128xf32, #tpu.memory_space<vmem_shared>> -> memref<5376x128xf32, #tpu.memory_space<vmem_shared>>
          tpu.wait_indirect_dma semaphore(%run_scoped3A_172 : memref<!tpu.dma_semaphore, #tpu.memory_space<semaphore_mem>>) src(%dma_wait3A_186 : memref<128x128xf32, #tpu.memory_space<vmem>>) dst(%dma_wait3A_192 : memref<5376x128xf32, #tpu.memory_space<vmem_shared>>)
          tpu.yield
        }) : () -> ()
      } else {
      }
    }
    %scan3A_115 = arith.constant 80 : i32
    %barrier3A_116 = arith.constant 0 : index
    tpu.barrier barrier_id(%barrier3A_116)
    %mul3A_117 = arith.constant 336 : i32
    %mul3A_118 = arith.muli %arg1, %mul3A_117 : i32
    %mul3A_119 = arith.constant 336 : i32
    %mul3A_120 = arith.muli %arg1, %mul3A_119 : i32
    %run_scoped3A_121 = arith.constant 1 : i32
    "tpu.region"() ({
      %run_scoped3A_122 = tpu.sem_alloc : memref<!tpu.dma_semaphore, #tpu.memory_space<semaphore_mem>>
      %dma_start3A_123 = arith.constant 0 : i32
      %dma_start3A_124 = tpu.memref_slice %arg6[%add3A_61, %run_scoped3A_121, %mul3A_120, %dma_start3A_123] : memref<4x2x5376x128xf32, #tpu.memory_space<hbm>> -> memref<1x1x336x128xf32, #tpu.memory_space<hbm>>
      %dma_start3A_125 = tpu.memref_squeeze %dma_start3A_124 : memref<1x1x336x128xf32, #tpu.memory_space<hbm>> -> memref<336x128xf32, #tpu.memory_space<hbm>>
      %dma_start3A_126 = arith.constant 0 : i32
      %dma_start3A_127 = tpu.memref_slice %arg10[%mul3A_118, %dma_start3A_126] : memref<5376x128xf32, #tpu.memory_space<vmem_shared>> -> memref<336x128xf32, #tpu.memory_space<vmem_shared>>
      tpu.enqueue_dma source(%dma_start3A_127 : memref<336x128xf32, #tpu.memory_space<vmem_shared>>) target(%dma_start3A_125 : memref<336x128xf32, #tpu.memory_space<hbm>>) target_semaphore(%run_scoped3A_122 : memref<!tpu.dma_semaphore, #tpu.memory_space<semaphore_mem>>)
      %dma_wait3A = arith.constant 0 : i32
      %dma_wait3A_128 = tpu.memref_slice %arg6[%add3A_61, %run_scoped3A_121, %mul3A_120, %dma_wait3A] : memref<4x2x5376x128xf32, #tpu.memory_space<hbm>> -> memref<1x1x336x128xf32, #tpu.memory_space<hbm>>
      %dma_wait3A_129 = tpu.memref_squeeze %dma_wait3A_128 : memref<1x1x336x128xf32, #tpu.memory_space<hbm>> -> memref<336x128xf32, #tpu.memory_space<hbm>>
      %dma_wait3A_130 = arith.constant 0 : i32
      %dma_wait3A_131 = tpu.memref_slice %arg10[%mul3A_118, %dma_wait3A_130] : memref<5376x128xf32, #tpu.memory_space<vmem_shared>> -> memref<336x128xf32, #tpu.memory_space<vmem_shared>>
      tpu.wait_dma2 semaphore(%run_scoped3A_122 : memref<!tpu.dma_semaphore, #tpu.memory_space<semaphore_mem>>) src(%dma_wait3A_131 : memref<336x128xf32, #tpu.memory_space<vmem_shared>>) dst(%dma_wait3A_129 : memref<336x128xf32, #tpu.memory_space<hbm>>)
      tpu.yield
    }) : () -> ()
    return
  }
}

module attributes {stable_mosaic.version = 14 : i64} {
  func.func @_dinv_body(%arg0: memref<6x10240xf32, #tpu.memory_space<vmem>>, %arg1: memref<6x10240xf32, #tpu.memory_space<vmem>>) attributes {dimension_semantics = [], scalar_prefetch = 0 : i64, scratch_operands = 0 : i64, tpu.core_type = #tpu.core_type<tc>} {
    %get3A = arith.constant 0 : index
    %get3A_0 = arith.constant 0 : index
    %get3A_1 = vector.load %arg0[%get3A, %get3A_0] : memref<6x10240xf32, #tpu.memory_space<vmem>>, vector<6x10240xf32>
    %iota3A = tpu.iota {dimensions = array<i32: 0>} : vector<6x10240xi32>
    %lt3A = arith.constant 2 : i32
    %lt3A_2 = vector.broadcast %lt3A : i32 to vector<6x10240xi32>
    %lt3A_3 = arith.cmpi slt, %iota3A, %lt3A_2 : vector<6x10240xi32>
    %add3A = arith.constant 1.000000e+00 : f32
    %add3A_4 = vector.broadcast %add3A : f32 to vector<6x10240xf32>
    %add3A_5 = arith.addf %get3A_1, %add3A_4 : vector<6x10240xf32>
    %max3A = arith.constant 1.000000e+00 : f32
    %max3A_6 = vector.broadcast %max3A : f32 to vector<6x10240xf32>
    %max3A_7 = arith.maximumf %get3A_1, %max3A_6 : vector<6x10240xf32>
    %select_n3A = arith.select %lt3A_3, %add3A_5, %max3A_7 : vector<6x10240xi1>, vector<6x10240xf32>
    %rsqrt3A = math.rsqrt %select_n3A : vector<6x10240xf32>
    %swap3A = arith.constant 0 : index
    %swap3A_8 = arith.constant 0 : index
    %swap3A_9 = vector.load %arg1[%swap3A, %swap3A_8] : memref<6x10240xf32, #tpu.memory_space<vmem>>, vector<6x10240xf32>
    tpu.vector_store %arg1[%swap3A, %swap3A_8], %rsqrt3A {strides = array<i32>} : memref<6x10240xf32, #tpu.memory_space<vmem>>, vector<6x10240xf32>,
    return
  }
}

module attributes {stable_mosaic.version = 14 : i64} {
  func.func @_prep_body(%arg0: i32, %arg1: i32, %arg2: memref<1x2000x128xf32, #tpu.memory_space<vmem>>, %arg3: memref<1x128x128xf32, #tpu.memory_space<vmem>>, %arg4: memref<1x2000x1xf32, #tpu.memory_space<vmem>>, %arg5: memref<1x2000x128xf32, #tpu.memory_space<vmem>>) attributes {dimension_semantics = [#tpu.dimension_semantics<arbitrary>, #tpu.dimension_semantics<arbitrary>], iteration_bounds = array<i64: 4, 5>, scalar_prefetch = 0 : i64, scratch_operands = 0 : i64, tpu.core_type = #tpu.core_type<tc>, window_params = [{transform_indices = @transform_0, window_bounds = array<i64: 1, 2000, 128>}, {transform_indices = @transform_1, window_bounds = array<i64: 1, 128, 128>}, {transform_indices = @transform_2, window_bounds = array<i64: 1, 2000, 1>}, {transform_indices = @transform_3, window_bounds = array<i64: 1, 2000, 128>}]} {
    %get3A = arith.constant 0 : index
    %get3A_0 = arith.constant 0 : index
    %get3A_1 = arith.constant 0 : index
    %get3A_2 = vector.load %arg2[%get3A, %get3A_0, %get3A_1] : memref<1x2000x128xf32, #tpu.memory_space<vmem>>, vector<1x2000x128xf32>
    %get3A_3 = vector.shape_cast %get3A_2 : vector<1x2000x128xf32> to vector<2000x128xf32>
    %get3A_4 = arith.constant 0 : index
    %get3A_5 = arith.constant 0 : index
    %get3A_6 = arith.constant 0 : index
    %get3A_7 = vector.load %arg3[%get3A_4, %get3A_5, %get3A_6] : memref<1x128x128xf32, #tpu.memory_space<vmem>>, vector<1x128x128xf32>
    %get3A_8 = vector.shape_cast %get3A_7 : vector<1x128x128xf32> to vector<128x128xf32>
    %dot_general3A = arith.constant dense<0.000000e+00> : vector<2000x128xf32>
    %dot_general3A_9 = tpu.matmul %get3A_3, %get3A_8, %dot_general3A {dimension_numbers = #tpu.dot_dimension_numbers<[1], [0], [0], [1], [0, 0, 1, 1], [], []>, transpose_lhs_hint = false} : vector<2000x128xf32>, vector<128x128xf32>, vector<2000x128xf32> -> vector<2000x128xf32>
    %get3A_10 = arith.constant 0 : index
    %get3A_11 = arith.constant 0 : index
    %get3A_12 = arith.constant 0 : index
    %get3A_13 = vector.load %arg4[%get3A_10, %get3A_11, %get3A_12] : memref<1x2000x1xf32, #tpu.memory_space<vmem>>, vector<1x2000x1xf32>
    %get3A_14 = vector.shape_cast %get3A_13 : vector<1x2000x1xf32> to vector<2000x1xf32>
    %mul3A = vector.broadcast %get3A_14 : vector<2000x1xf32> to vector<2000x128xf32>
    %mul3A_15 = arith.mulf %dot_general3A_9, %mul3A : vector<2000x128xf32>
    %swap3A = arith.constant 0 : index
    %swap3A_16 = arith.constant 0 : index
    %swap3A_17 = arith.constant 0 : index
    %swap3A_18 = vector.load %arg5[%swap3A, %swap3A_16, %swap3A_17] : memref<1x2000x128xf32, #tpu.memory_space<vmem>>, vector<1x2000x128xf32>
    %swap3A_19 = vector.shape_cast %swap3A_18 : vector<1x2000x128xf32> to vector<2000x128xf32>
    %swap3A_20 = vector.shape_cast %mul3A_15 : vector<2000x128xf32> to vector<1x2000x128xf32>
    tpu.vector_store %arg5[%swap3A, %swap3A_16, %swap3A_17], %swap3A_20 {strides = array<i32>} : memref<1x2000x128xf32, #tpu.memory_space<vmem>>, vector<1x2000x128xf32>,
    return
  }
  func.func @transform_0(%arg0: i32, %arg1: i32) -> (i32, i32, i32) {
    %c0_i32 = arith.constant 0 : i32
    %c0_i32_0 = arith.constant 0 : i32
    return %arg0, %arg1, %c0_i32 : i32, i32, i32
  }
  func.func @transform_1(%arg0: i32, %arg1: i32) -> (i32, i32, i32) {
    %c0_i32 = arith.constant 0 : i32
    %c0_i32_0 = arith.constant 0 : i32
    %c0_i32_1 = arith.constant 0 : i32
    return %arg0, %c0_i32, %c0_i32_0 : i32, i32, i32
  }
  func.func @transform_2(%arg0: i32, %arg1: i32) -> (i32, i32, i32) {
    %c0_i32 = arith.constant 0 : i32
    %c0_i32_0 = arith.constant 0 : i32
    return %arg0, %arg1, %c0_i32 : i32, i32, i32
  }
  func.func @transform_3(%arg0: i32, %arg1: i32) -> (i32, i32, i32) {
    %c0_i32 = arith.constant 0 : i32
    %c0_i32_0 = arith.constant 0 : i32
    return %arg0, %arg1, %c0_i32 : i32, i32, i32
  }
}

module attributes {stable_mosaic.version = 14 : i64} {
  func.func @_final_body(%arg0: i32, %arg1: memref<4x2000x128xf32, #tpu.memory_space<vmem>>, %arg2: memref<2x2000x128xf32, #tpu.memory_space<vmem>>, %arg3: memref<4x2000x1xf32, #tpu.memory_space<vmem>>, %arg4: memref<4x128xf32, #tpu.memory_space<vmem>>, %arg5: memref<2000x128xf32, #tpu.memory_space<vmem>>, %arg6: memref<2000x128xf32, #tpu.memory_space<vmem>>) attributes {dimension_semantics = [#tpu.dimension_semantics<arbitrary>], iteration_bounds = array<i64: 5>, scalar_prefetch = 0 : i64, scratch_operands = 0 : i64, tpu.core_type = #tpu.core_type<tc>, window_params = [{transform_indices = @transform_0, window_bounds = array<i64: 4, 2000, 128>}, {transform_indices = @transform_1, window_bounds = array<i64: 2, 2000, 128>}, {transform_indices = @transform_2, window_bounds = array<i64: 4, 2000, 1>}, {pipeline_mode = #tpu.pipeline_mode<synchronous>, transform_indices = @transform_3, window_bounds = array<i64: 4, 128>}, {transform_indices = @transform_4, window_bounds = array<i64: 2000, 128>}, {transform_indices = @transform_5, window_bounds = array<i64: 2000, 128>}]} {
    %get3A = arith.constant 0 : index
    %get3A_0 = arith.constant 0 : index
    %get3A_1 = arith.constant 0 : index
    %get3A_2 = vector.load %arg1[%get3A, %get3A_0, %get3A_1] : memref<4x2000x128xf32, #tpu.memory_space<vmem>>, vector<1x2000x128xf32>
    %get3A_3 = vector.shape_cast %get3A_2 : vector<1x2000x128xf32> to vector<2000x128xf32>
    %get3A_4 = arith.constant 0 : index
    %get3A_5 = arith.constant 0 : index
    %get3A_6 = arith.constant 0 : index
    %get3A_7 = vector.load %arg2[%get3A_4, %get3A_5, %get3A_6] : memref<2x2000x128xf32, #tpu.memory_space<vmem>>, vector<1x2000x128xf32>
    %get3A_8 = vector.shape_cast %get3A_7 : vector<1x2000x128xf32> to vector<2000x128xf32>
    %add3A = arith.addf %get3A_3, %get3A_8 : vector<2000x128xf32>
    %get3A_9 = arith.constant 0 : index
    %get3A_10 = arith.constant 0 : index
    %get3A_11 = arith.constant 0 : index
    %get3A_12 = vector.load %arg3[%get3A_9, %get3A_10, %get3A_11] : memref<4x2000x1xf32, #tpu.memory_space<vmem>>, vector<1x2000x1xf32>
    %get3A_13 = vector.shape_cast %get3A_12 : vector<1x2000x1xf32> to vector<2000x1xf32>
    %mul3A = vector.broadcast %get3A_13 : vector<2000x1xf32> to vector<2000x128xf32>
    %mul3A_14 = arith.mulf %add3A, %mul3A : vector<2000x128xf32>
    %get3A_15 = arith.constant 0 : index
    %get3A_16 = arith.constant 0 : index
    %get3A_17 = vector.load %arg4[%get3A_15, %get3A_16] : memref<4x128xf32, #tpu.memory_space<vmem>>, vector<1x128xf32>
    %add3A_18 = vector.broadcast %get3A_17 : vector<1x128xf32> to vector<2000x128xf32>
    %add3A_19 = arith.addf %mul3A_14, %add3A_18 : vector<2000x128xf32>
    %max3A = arith.constant 0.000000e+00 : f32
    %max3A_20 = vector.broadcast %max3A : f32 to vector<2000x128xf32>
    %max3A_21 = arith.maximumf %add3A_19, %max3A_20 : vector<2000x128xf32>
    %mul3A_22 = arith.mulf %max3A_21, %max3A_21 : vector<2000x128xf32>
    %reduce_sum3A = arith.constant dense<0.000000e+00> : vector<2000xf32>
    %reduce_sum3A_23 = vector.multi_reduction <add>, %mul3A_22, %reduce_sum3A [1] : vector<2000x128xf32> to vector<2000xf32>
    %broadcast_in_dim3A = vector.shape_cast %reduce_sum3A_23 : vector<2000xf32> to vector<2000x1xf32>
    %sqrt3A = math.sqrt %broadcast_in_dim3A : vector<2000x1xf32>
    %max3A_24 = arith.constant 9.99999996E-13 : f32
    %max3A_25 = vector.broadcast %max3A_24 : f32 to vector<2000x1xf32>
    %max3A_26 = arith.maximumf %sqrt3A, %max3A_25 : vector<2000x1xf32>
    %div3A = arith.constant 1.000000e+00 : f32
    %div3A_27 = vector.broadcast %div3A : f32 to vector<2000x1xf32>
    %div3A_28 = arith.divf %div3A_27, %max3A_26 : vector<2000x1xf32>
    %mul3A_29 = vector.broadcast %div3A_28 : vector<2000x1xf32> to vector<2000x128xf32>
    %mul3A_30 = arith.mulf %max3A_21, %mul3A_29 : vector<2000x128xf32>
    %get3A_31 = arith.constant 1 : index
    %get3A_32 = arith.constant 0 : index
    %get3A_33 = arith.constant 0 : index
    %get3A_34 = vector.load %arg1[%get3A_31, %get3A_32, %get3A_33] : memref<4x2000x128xf32, #tpu.memory_space<vmem>>, vector<1x2000x128xf32>
    %get3A_35 = vector.shape_cast %get3A_34 : vector<1x2000x128xf32> to vector<2000x128xf32>
    %get3A_36 = arith.constant 1 : index
    %get3A_37 = arith.constant 0 : index
    %get3A_38 = arith.constant 0 : index
    %get3A_39 = vector.load %arg2[%get3A_36, %get3A_37, %get3A_38] : memref<2x2000x128xf32, #tpu.memory_space<vmem>>, vector<1x2000x128xf32>
    %get3A_40 = vector.shape_cast %get3A_39 : vector<1x2000x128xf32> to vector<2000x128xf32>
    %add3A_41 = arith.addf %get3A_35, %get3A_40 : vector<2000x128xf32>
    %get3A_42 = arith.constant 1 : index
    %get3A_43 = arith.constant 0 : index
    %get3A_44 = arith.constant 0 : index
    %get3A_45 = vector.load %arg3[%get3A_42, %get3A_43, %get3A_44] : memref<4x2000x1xf32, #tpu.memory_space<vmem>>, vector<1x2000x1xf32>
    %get3A_46 = vector.shape_cast %get3A_45 : vector<1x2000x1xf32> to vector<2000x1xf32>
    %mul3A_47 = vector.broadcast %get3A_46 : vector<2000x1xf32> to vector<2000x128xf32>
    %mul3A_48 = arith.mulf %add3A_41, %mul3A_47 : vector<2000x128xf32>
    %get3A_49 = arith.constant 1 : index
    %get3A_50 = arith.constant 0 : index
    %get3A_51 = vector.load %arg4[%get3A_49, %get3A_50] : memref<4x128xf32, #tpu.memory_space<vmem>>, vector<1x128xf32>
    %add3A_52 = vector.broadcast %get3A_51 : vector<1x128xf32> to vector<2000x128xf32>
    %add3A_53 = arith.addf %mul3A_48, %add3A_52 : vector<2000x128xf32>
    %max3A_54 = arith.constant 0.000000e+00 : f32
    %max3A_55 = vector.broadcast %max3A_54 : f32 to vector<2000x128xf32>
    %max3A_56 = arith.maximumf %add3A_53, %max3A_55 : vector<2000x128xf32>
    %mul3A_57 = arith.mulf %max3A_56, %max3A_56 : vector<2000x128xf32>
    %reduce_sum3A_58 = arith.constant dense<0.000000e+00> : vector<2000xf32>
    %reduce_sum3A_59 = vector.multi_reduction <add>, %mul3A_57, %reduce_sum3A_58 [1] : vector<2000x128xf32> to vector<2000xf32>
    %broadcast_in_dim3A_60 = vector.shape_cast %reduce_sum3A_59 : vector<2000xf32> to vector<2000x1xf32>
    %sqrt3A_61 = math.sqrt %broadcast_in_dim3A_60 : vector<2000x1xf32>
    %max3A_62 = arith.constant 9.99999996E-13 : f32
    %max3A_63 = vector.broadcast %max3A_62 : f32 to vector<2000x1xf32>
    %max3A_64 = arith.maximumf %sqrt3A_61, %max3A_63 : vector<2000x1xf32>
    %div3A_65 = arith.constant 1.000000e+00 : f32
    %div3A_66 = vector.broadcast %div3A_65 : f32 to vector<2000x1xf32>
    %div3A_67 = arith.divf %div3A_66, %max3A_64 : vector<2000x1xf32>
    %mul3A_68 = vector.broadcast %div3A_67 : vector<2000x1xf32> to vector<2000x128xf32>
    %mul3A_69 = arith.mulf %max3A_56, %mul3A_68 : vector<2000x128xf32>
    %get3A_70 = arith.constant 2 : index
    %get3A_71 = arith.constant 0 : index
    %get3A_72 = arith.constant 0 : index
    %get3A_73 = vector.load %arg1[%get3A_70, %get3A_71, %get3A_72] : memref<4x2000x128xf32, #tpu.memory_space<vmem>>, vector<1x2000x128xf32>
    %get3A_74 = vector.shape_cast %get3A_73 : vector<1x2000x128xf32> to vector<2000x128xf32>
    %get3A_75 = arith.constant 2 : index
    %get3A_76 = arith.constant 0 : index
    %get3A_77 = arith.constant 0 : index
    %get3A_78 = vector.load %arg3[%get3A_75, %get3A_76, %get3A_77] : memref<4x2000x1xf32, #tpu.memory_space<vmem>>, vector<1x2000x1xf32>
    %get3A_79 = vector.shape_cast %get3A_78 : vector<1x2000x1xf32> to vector<2000x1xf32>
    %mul3A_80 = vector.broadcast %get3A_79 : vector<2000x1xf32> to vector<2000x128xf32>
    %mul3A_81 = arith.mulf %get3A_74, %mul3A_80 : vector<2000x128xf32>
    %get3A_82 = arith.constant 2 : index
    %get3A_83 = arith.constant 0 : index
    %get3A_84 = vector.load %arg4[%get3A_82, %get3A_83] : memref<4x128xf32, #tpu.memory_space<vmem>>, vector<1x128xf32>
    %add3A_85 = vector.broadcast %get3A_84 : vector<1x128xf32> to vector<2000x128xf32>
    %add3A_86 = arith.addf %mul3A_81, %add3A_85 : vector<2000x128xf32>
    %max3A_87 = arith.constant 0.000000e+00 : f32
    %max3A_88 = vector.broadcast %max3A_87 : f32 to vector<2000x128xf32>
    %max3A_89 = arith.maximumf %add3A_86, %max3A_88 : vector<2000x128xf32>
    %mul3A_90 = arith.mulf %max3A_89, %max3A_89 : vector<2000x128xf32>
    %reduce_sum3A_91 = arith.constant dense<0.000000e+00> : vector<2000xf32>
    %reduce_sum3A_92 = vector.multi_reduction <add>, %mul3A_90, %reduce_sum3A_91 [1] : vector<2000x128xf32> to vector<2000xf32>
    %broadcast_in_dim3A_93 = vector.shape_cast %reduce_sum3A_92 : vector<2000xf32> to vector<2000x1xf32>
    %sqrt3A_94 = math.sqrt %broadcast_in_dim3A_93 : vector<2000x1xf32>
    %max3A_95 = arith.constant 9.99999996E-13 : f32
    %max3A_96 = vector.broadcast %max3A_95 : f32 to vector<2000x1xf32>
    %max3A_97 = arith.maximumf %sqrt3A_94, %max3A_96 : vector<2000x1xf32>
    %div3A_98 = arith.constant 1.000000e+00 : f32
    %div3A_99 = vector.broadcast %div3A_98 : f32 to vector<2000x1xf32>
    %div3A_100 = arith.divf %div3A_99, %max3A_97 : vector<2000x1xf32>
    %mul3A_101 = vector.broadcast %div3A_100 : vector<2000x1xf32> to vector<2000x128xf32>
    %mul3A_102 = arith.mulf %max3A_89, %mul3A_101 : vector<2000x128xf32>
    %get3A_103 = arith.constant 3 : index
    %get3A_104 = arith.constant 0 : index
    %get3A_105 = arith.constant 0 : index
    %get3A_106 = vector.load %arg1[%get3A_103, %get3A_104, %get3A_105] : memref<4x2000x128xf32, #tpu.memory_space<vmem>>, vector<1x2000x128xf32>
    %get3A_107 = vector.shape_cast %get3A_106 : vector<1x2000x128xf32> to vector<2000x128xf32>
    %get3A_108 = arith.constant 3 : index
    %get3A_109 = arith.constant 0 : index
    %get3A_110 = arith.constant 0 : index
    %get3A_111 = vector.load %arg3[%get3A_108, %get3A_109, %get3A_110] : memref<4x2000x1xf32, #tpu.memory_space<vmem>>, vector<1x2000x1xf32>
    %get3A_112 = vector.shape_cast %get3A_111 : vector<1x2000x1xf32> to vector<2000x1xf32>
    %mul3A_113 = vector.broadcast %get3A_112 : vector<2000x1xf32> to vector<2000x128xf32>
    %mul3A_114 = arith.mulf %get3A_107, %mul3A_113 : vector<2000x128xf32>
    %get3A_115 = arith.constant 3 : index
    %get3A_116 = arith.constant 0 : index
    %get3A_117 = vector.load %arg4[%get3A_115, %get3A_116] : memref<4x128xf32, #tpu.memory_space<vmem>>, vector<1x128xf32>
    %add3A_118 = vector.broadcast %get3A_117 : vector<1x128xf32> to vector<2000x128xf32>
    %add3A_119 = arith.addf %mul3A_114, %add3A_118 : vector<2000x128xf32>
    %max3A_120 = arith.constant 0.000000e+00 : f32
    %max3A_121 = vector.broadcast %max3A_120 : f32 to vector<2000x128xf32>
    %max3A_122 = arith.maximumf %add3A_119, %max3A_121 : vector<2000x128xf32>
    %mul3A_123 = arith.mulf %max3A_122, %max3A_122 : vector<2000x128xf32>
    %reduce_sum3A_124 = arith.constant dense<0.000000e+00> : vector<2000xf32>
    %reduce_sum3A_125 = vector.multi_reduction <add>, %mul3A_123, %reduce_sum3A_124 [1] : vector<2000x128xf32> to vector<2000xf32>
    %broadcast_in_dim3A_126 = vector.shape_cast %reduce_sum3A_125 : vector<2000xf32> to vector<2000x1xf32>
    %sqrt3A_127 = math.sqrt %broadcast_in_dim3A_126 : vector<2000x1xf32>
    %max3A_128 = arith.constant 9.99999996E-13 : f32
    %max3A_129 = vector.broadcast %max3A_128 : f32 to vector<2000x1xf32>
    %max3A_130 = arith.maximumf %sqrt3A_127, %max3A_129 : vector<2000x1xf32>
    %div3A_131 = arith.constant 1.000000e+00 : f32
    %div3A_132 = vector.broadcast %div3A_131 : f32 to vector<2000x1xf32>
    %div3A_133 = arith.divf %div3A_132, %max3A_130 : vector<2000x1xf32>
    %mul3A_134 = vector.broadcast %div3A_133 : vector<2000x1xf32> to vector<2000x128xf32>
    %mul3A_135 = arith.mulf %max3A_122, %mul3A_134 : vector<2000x128xf32>
    %add3A_136 = arith.addf %mul3A_69, %mul3A_102 : vector<2000x128xf32>
    %swap3A = arith.constant 0 : index
    %swap3A_137 = arith.constant 0 : index
    %swap3A_138 = vector.load %arg5[%swap3A, %swap3A_137] : memref<2000x128xf32, #tpu.memory_space<vmem>>, vector<2000x128xf32>
    tpu.vector_store %arg5[%swap3A, %swap3A_137], %add3A_136 {strides = array<i32>} : memref<2000x128xf32, #tpu.memory_space<vmem>>, vector<2000x128xf32>,
    %add3A_139 = arith.addf %mul3A_30, %mul3A_135 : vector<2000x128xf32>
    %swap3A_140 = arith.constant 0 : index
    %swap3A_141 = arith.constant 0 : index
    %swap3A_142 = vector.load %arg6[%swap3A_140, %swap3A_141] : memref<2000x128xf32, #tpu.memory_space<vmem>>, vector<2000x128xf32>
    tpu.vector_store %arg6[%swap3A_140, %swap3A_141], %add3A_139 {strides = array<i32>} : memref<2000x128xf32, #tpu.memory_space<vmem>>, vector<2000x128xf32>,
    return
  }
  func.func @transform_0(%arg0: i32) -> (i32, i32, i32) {
    %c0_i32 = arith.constant 0 : i32
    %c0_i32_0 = arith.constant 0 : i32
    %c0_i32_1 = arith.constant 0 : i32
    return %c0_i32, %arg0, %c0_i32_0 : i32, i32, i32
  }
  func.func @transform_1(%arg0: i32) -> (i32, i32, i32) {
    %c0_i32 = arith.constant 0 : i32
    %c0_i32_0 = arith.constant 0 : i32
    %c0_i32_1 = arith.constant 0 : i32
    return %c0_i32, %arg0, %c0_i32_0 : i32, i32, i32
  }
  func.func @transform_2(%arg0: i32) -> (i32, i32, i32) {
    %c0_i32 = arith.constant 0 : i32
    %c0_i32_0 = arith.constant 0 : i32
    %c0_i32_1 = arith.constant 0 : i32
    return %c0_i32, %arg0, %c0_i32_0 : i32, i32, i32
  }
  func.func @transform_3(%arg0: i32) -> (i32, i32) {
    %c0_i32 = arith.constant 0 : i32
    %c0_i32_0 = arith.constant 0 : i32
    %c0_i32_1 = arith.constant 0 : i32
    return %c0_i32, %c0_i32_0 : i32, i32
  }
  func.func @transform_4(%arg0: i32) -> (i32, i32) {
    %c0_i32 = arith.constant 0 : i32
    %c0_i32_0 = arith.constant 0 : i32
    return %arg0, %c0_i32 : i32, i32
  }
  func.func @transform_5(%arg0: i32) -> (i32, i32) {
    %c0_i32 = arith.constant 0 : i32
    %c0_i32_0 = arith.constant 0 : i32
    return %arg0, %c0_i32 : i32, i32
  }
}

</mosaic_0001>

<sc_bundles>
// kernel: kernel.6.cloned.1.call-start
scs
__scs_entry_jumppad:
0x0: {  	(pc) =	sbr.rel $0x88, $3  }
0x1: {  	(tag) =	ssettag $0x0;
	lr =	simm.s32 $0x1  }
0x2: {  	[smem:$0x3F93] =	sst lr;
	_ =	strace $0xD0000000  }
0x3: {  	_ = 	snop  }
0x4: {  	_ = 	snop  }
0x5: {  	_ = 	snop  }
0x6: {  	_ = 	snop  }
0x7: {  	_ = 	snop  }
__scs_overlays_trampoline_lowered:
0x8: {  	[smem:$0x3FA2] =	sst s0  }
0x9: {  	[smem:$0x3FA3] =	sst s1  }
0xa: {  	[smem:$0x3FA4] =	sst s2  }
0xb: {  	[smem:$0x3FA5] =	sst s3  }
0xc: {  	[smem:$0x3FA6] =	sst s4  }
0xd: {  	[smem:$0x3FA7] =	sst s5  }
0xe: {  	[smem:$0x3FA8] =	sst s6  }
0xf: {  	[smem:$0x3FA9] =	sst s7  }
0x10: {  	[smem:$0x3FAA] =	sst s8  }
0x11: {  	[smem:$0x3FAB] =	sst s9;
	s0 =	simm.s32 @!p0 $0x0  }
0x12: {  	s1 =	sld [smem:$0x3F91];
	s0 =	simm.s32 @p0 $0x1  }
0x13: {  	[smem:$0x3FAC] =	sst s0;
	s0 =	simm.s32 @!p1 $0x0  }
0x14: {  	s2 =	sld [smem:$0x3F90];
	s0 =	simm.s32 @p1 $0x1  }
0x15: {  	[smem:$0x3FAD] =	sst s0;
	s0 =	simm.s32 @!p2 $0x0  }
0x16: {  	s3 =	sld [smem:$0x3FDB];
	s0 =	simm.s32 @p2 $0x1  }
0x17: {  	s4 =	simm.s32 $0x1BF5;
	[smem:$0x3FAF] =	sst s0  }
0x18: {  	s0 =	sld [smem:$0x3F92];
	_ =	swait.ge [sflag:s4], $0x0  }
0x19: {  	s7 =	sld [smem:$0x3F93]  }
0x1a: {  	s8 =	sadd.s32 $0xFFFFE003, lr  }
0x1b: {  	s9 =	sadd.s32 $0xFFFFFEF7, lr;
	s5 =	simm.s32 $0xFFFFFFFF;
	p2 =	slt.u32 s8, $0xFFFFF086  }
0x1c: {  	p1 =	slt.u32 s9, $0xF7A;
	s5 =	simm.s32 @!p2 $0x0  }
0x1d: {  	s5 =	simm.s32 @p1 $0x1;
	p0 =	seq.s32 s7, s2  }
0x1e: {  	s7 =	smul.u32 @!p0 $0xF7A, s2;
	p2 =	seq.s32 @!p0 s5, $0x0  }
0x1f: {  	s9 =	smul.u32 $0xF7A, s1;
	s8 =	simm.s32 @!p0 $0x1BF5;
	p2 =	por !p2, p0  }
0x20: {  	[sflag:s8] =	ssyncset.s32 @!p0 $0xFFFFF086;
	s6 =	sadd.s32 @!p0 s3, s7;
	s7 =	simm.s32 @!p0 $0x108  }
0x21: {  	s3 =	sadd.s32 s3, s9;
	s6 =	sadd.s32 @!p0 $0x88, s6;
	s7 =	simm.s32 @p2 $0x1082  }
0x22: {  	[simem:s7], [sflag:s8] =	dma.local @!p0 [hbm:s6], $0xF7A  }
0x23: {  	s9 =	sor.u32 $0xD0000000, s2;
	s6 =	simm.s32 $0x108;
	_ =	swait.ge @!p0 [sflag:s8], $0x0  }
0x24: {  	s3 =	sadd.s32 $0x88, s3;
	s6 =	simm.s32 @!p1 $0x1082;
	[sflag:s4] =	ssyncset.s32 $0xFFFFF086  }
0x25: {  	[simem:s6], [sflag:s4] =	dma.local [hbm:s3], $0xF7A  }
0x26: {  	[smem:$0x3F93] =	sst s1;
	(tag) =	ssettag s2;
	_ =	strace s9  }
0x27: {  	s1 =	sld [smem:$0x3FA3]  }
0x28: {  	s2 =	sld [smem:$0x3FA4]  }
0x29: {  	s4 =	sld [smem:$0x3FA6]  }
0x2a: {  	p0 =	seq.s32 s5, $0x0;
	s5 =	sld [smem:$0x3FA7]  }
0x2b: {  	s6 =	sld [smem:$0x3FA8]  }
0x2c: {  	s7 =	sld [smem:$0x3FA9]  }
0x2d: {  	s3 =	simm.s32 $0x108;
	s8 =	sld [smem:$0x3FAA]  }
0x2e: {  	s3 =	simm.s32 @!p0 $0x1082;
	s9 =	sld [smem:$0x3FAB]  }
0x2f: {  	lr =	sadd.s32 s0, s3;
	s0 =	sld [smem:$0x3FA2]  }
0x30: {  	s3 =	sld [smem:$0x3FA5]  }
0x31: {  	[smem:$0x3FAE] =	sst s10  }
0x32: {  	s10 =	sld [smem:$0x3FAC];
	_ =	sdelay $0x3  }
0x33: {  	p0 =	seq.s32 s10, $0x1;
	s10 =	sld [smem:$0x3FAE];
	_ =	sdelay $0x3  }
0x34: {  	[smem:$0x3FAE] =	sst s10  }
0x35: {  	s10 =	sld [smem:$0x3FAD];
	_ =	sdelay $0x3  }
0x36: {  	p1 =	seq.s32 s10, $0x1;
	s10 =	sld [smem:$0x3FAE];
	_ =	sdelay $0x3  }
0x37: {  	[smem:$0x3FAE] =	sst s10  }
0x38: {  	s10 =	sld [smem:$0x3FAF]  }
0x39: {  	_ = 	snop;
	(pc) =	sbr.ind lr, $3  }
0x3a: {  	_ = 	snop  }
0x3b: {  	_ = 	snop  }
0x3c: {  	p2 =	seq.s32 s10, $0x1;
	s10 =	sld [smem:$0x3FAE]  }
0x3d: {  	_ =	shalt  }
0x3e: {  	_ =	shalt  }
0x3f: {  	_ =	shalt  }
0x40: {  	_ =	shalt  }
0x41: {  	_ =	shalt  }
0x42: {  	_ =	shalt  }
0x43: {  	_ =	shalt  }
0x44: {  	_ =	shalt  }
0x45: {  	_ =	shalt  }
0x46: {  	_ =	shalt  }
0x47: {  	_ =	shalt  }
0x48: {  	_ =	shalt  }
0x49: {  	_ =	shalt  }
0x4a: {  	_ =	shalt  }
0x4b: {  	_ =	shalt  }
0x4c: {  	_ =	shalt  }
0x4d: {  	_ =	shalt  }
0x4e: {  	_ =	shalt  }
0x4f: {  	_ =	shalt  }
0x50: {  	_ =	shalt  }
0x51: {  	_ =	shalt  }
0x52: {  	_ =	shalt  }
0x53: {  	_ =	shalt  }
0x54: {  	_ =	shalt  }
0x55: {  	_ =	shalt  }
0x56: {  	_ =	shalt  }
0x57: {  	_ =	shalt  }
0x58: {  	_ =	shalt  }
0x59: {  	_ =	shalt  }
0x5a: {  	_ =	shalt  }
0x5b: {  	_ =	shalt  }
0x5c: {  	_ =	shalt  }
0x5d: {  	_ =	shalt  }
0x5e: {  	_ =	shalt  }
0x5f: {  	_ =	shalt  }
0x60: {  	_ =	shalt  }
0x61: {  	_ =	shalt  }
0x62: {  	_ =	shalt  }
0x63: {  	_ =	shalt  }
0x64: {  	_ =	shalt  }
0x65: {  	_ =	shalt  }
0x66: {  	_ =	shalt  }
0x67: {  	_ =	shalt  }
0x68: {  	_ =	shalt  }
0x69: {  	_ =	shalt  }
0x6a: {  	_ =	shalt  }
0x6b: {  	_ =	shalt  }
0x6c: {  	_ =	shalt  }
0x6d: {  	_ =	shalt  }
0x6e: {  	_ =	shalt  }
0x6f: {  	_ =	shalt  }
0x70: {  	_ =	shalt  }
0x71: {  	_ =	shalt  }
0x72: {  	_ =	shalt  }
0x73: {  	_ =	shalt  }
0x74: {  	_ =	shalt  }
0x75: {  	_ =	shalt  }
0x76: {  	_ =	shalt  }
0x77: {  	_ =	shalt  }
0x78: {  	_ =	shalt  }
0x79: {  	_ =	shalt  }
0x7a: {  	_ =	shalt  }
0x7b: {  	_ =	shalt  }
0x7c: {  	_ =	shalt  }
0x7d: {  	_ =	shalt  }
0x7e: {  	_ =	shalt  }
0x7f: {  	_ =	shalt  }
0x80: {  	_ =	shalt  }
0x81: {  	_ =	shalt  }
0x82: {  	_ =	shalt  }
0x83: {  	_ =	shalt  }
0x84: {  	_ =	shalt  }
0x85: {  	_ =	shalt  }
0x86: {  	_ =	shalt  }
0x87: {  	_ =	shalt  }
.Lfunc_end0:
.L_simem_size_0:
called_computation.6_lowered:
.L_overlay_start_0:
0x88: {  	s2 =	sld [smem:$0x3FD9]  }
0x89: {  	s3 =	sld [smem:$0x3FFE];
	_ =	sdelay $0x1  }
0x8a: {  	s1 =	srdreg.scid  }
0x8b: {  	s0 =	sand.u32 $0x1, s1  }
0x8c: {  	s14 =	sshll.u32 s0, $0xA;
	s2 =	sadd.s32 s3, s2  }
0x8d: {  	s2 =	sadd.s32 s2, s14  }
0x8e: {  	[smem:$0x3FBA] =	sst s2  }
0x8f: {  	_ = 	snop  }
0x90: {  	s2 =	sld [smem:$0x3FD0];
	_ =	sdelay $0x2  }
0x91: {  	s15 =	simm.s32 $0x15;
	s4 =	simm.s32 $0x10  }
0x92: {  	[smem:s4], [sflag:s15] =	dma.local [hbm:s2], $0x1  }
0x93: {  	_ =	swait.eq [sflag:s15], $0x1  }
0x94: {  	[sflag:s15] =	ssyncset.done $0x0  }
0x95: {  	[sflag:s15] =	ssyncadd.s32 $0xFFFFFFFF  }
0x96: {  	s16 =	sld [smem:$0x11];
	(tm) =	ssettm $0x1  }
0x97: {  	s17 =	sld [smem:$0x3FFB];
	_ =	sdelay $0x3  }
0x98: {  	_ =	strace s17  }
0x99: {  	s3 =	sld [smem:$0x3FFC];
	_ =	sdelay $0x3  }
0x9a: {  	_ =	strace s3  }
0x9b: {  	s3 =	sld [smem:$0x3FFD];
	_ =	sdelay $0x3  }
0x9c: {  	_ =	strace s3  }
0x9d: {  	_ =	strace $0x8FFFFFFF  }
0x9e: {  	s18 =	sld [smem:$0x3FDB];
	_ =	sdelay $0x1  }
0x9f: {  	s19 =	simm.s32 $_scs_section_size  }
0xa0: {  	s5 =	simm.s32 $_size__tile_overlayer_lowered;
	s6 =	simm.s32 $_tile_overlayer_lowered  }
0xa1: {  	s22 =	simm.s32 $0x1BFF;
	s21 =	sshll.u32 s6, $0x1;
	s3 =	sadd.s32 s19, s18  }
0xa2: {  	s7 =	simm.s32 $0x0;
	s20 =	sshll.u32 s5, $0x1;
	s5 =	sadd.s32 s21, s3  }
0xa3: {  	[timem:s7], [sflag:s22] =	dma.local [hbm:s5], s20  }
0xa4: {  	_ =	swait.ge [sflag:s22], s20  }
0xa5: {  	s4 =	ssub.s32 $0x0, s20;
	[sflag:s22] =	ssyncset.done $0x0  }
0xa6: {  	[sflag:s22] =	ssyncadd.s32 s4;
	_ =	sdelay $0x1  }
0xa7: {  	s23 =	simm.s32 $0x1B8B  }
0xa8: {  	_ =	swait.ge [sflag:s23], $0x1  }
0xa9: {  	[sflag:s23] =	ssyncset.done $0x0  }
0xaa: {  	s25 =	simm.s32 $0x1B8E;
	s24 =	sld [smem:$0x3FFE];
	[sflag:s23] =	ssyncadd.s32 $0xFFFFFFFF  }
0xab: {  	s26 =	simm.s32 $execute0_lowered;
	[smem:$0x3FD2] =	sst s25  }
0xac: {  	s5 =	sshll.u32 s26, $0x1;
	_ =	strace $0x8000006A;
	[dreg:$0x1] =	wrdreg $0xFFFFFFFF  }
0xad: {  	s28 =	simm.s32 $_size_execute0_lowered;
	s3 =	sadd.s32 s3, s5;
	[dreg:$0x0] =	wrdreg $0x0  }
0xae: {  	s5 =	sshll.u32 s28, $0x1;
	[dreg:$0x2] =	wrdreg s3  }
0xaf: {  	[dreg:$0x3] =	wrdreg s5  }
0xb0: {  	[dreg:$0x4] =	wrdreg $0xC0  }
0xb1: {  	_ =	task [dreg:s7], $0x5FFFF  }
0xb2: {  	[dreg:$0x1] =	wrdreg $0xFFFFFFFF  }
0xb3: {  	[dreg:$0x0] =	wrdreg $0x60  }
0xb4: {  	[dreg:$0x2] =	wrdreg s24  }
0xb5: {  	[dreg:$0x3] =	wrdreg s16  }
0xb6: {  	[dreg:$0x4] =	wrdreg $0x120000  }
0xb7: {  	[dreg:$0x5] =	wrdreg $0x9  }
0xb8: {  	_ =	task.clear_ibuf [dreg:s7], $0x6FFFF;
	_ =	strace $0x9000006A  }
0xb9: {  	s29 =	simm.s32 $0x9;
	_ =	strace $0x8000006C  }
0xba: {  	_ =	swait.ge [sflag:s29], $0x1  }
0xbb: {  	[sflag:s29] =	ssyncadd.s32 $0xFFFFFFFF  }
0xbc: {  	_ =	strace $0x9000006C  }
0xbd: {  	_ =	sfence  }
0xbe: {  	s30 =	sld [smem:$0x0];
	_ =	sdelay $0x2  }
0xbf: {  	s31 =	sshll.u32 s1, $0xD;
	s1 =	sshrl.u32 s1, $0x2  }
0xc0: {  	s3 =	sand.u32 $0x4000, s31;
	s1 =	sadd.s32 s1, s30  }
0xc1: {  	s0 =	sor.u32 s3, s0;
	s1 =	sshll.u32 s1, $0x11  }
0xc2: {  	s0 =	sor.u32 s1, s0  }
0xc3: {  	s0 =	sadd.s32 $0x8F2B, s0  }
0xc4: {  	[sflag:s0] =	ssyncadd.remote.s32 $0x1  }
0xc5: {  	_ =	sfence.sel $0xFFFF  }
0xc6: {  	[dreg:$0x0] =	wrdreg $0xFFFFFFFF;
	(pc) =	sbr.abs _section_cstart, $3  }
0xc7: {  	[dreg:$0x1] =	wrdreg $0xFFFFFFFF  }
0xc8: {  	_ =	task.clear_ibuf [dreg:s7], $0x2FFFF;
	_ =	strace $0x9FFFFFFF  }
0xc9: {  	(tm) =	ssettm $0x7FFFFFFF  }
tec
execute0_lowered:
.L_overlay_start_1:
0x0: {  	(tag) =	ssettag $0x1  }
0x1: {  	s1 =	rddreg [dreg:$0x0]  }
0x2: {  	s2 =	rddreg [dreg:$0x1]  }
0x3: {  	s4 =	rddreg [dreg:$0x2]  }
0x4: {  	s5 =	simm.s32 $0x0;
	s0 =	srdreg.scid;
	s3 =	stileid.u32  }
0x5: {  	s28 =	simm.s32 $0x4F80;
	s29 =	simm.s32 $0x9F00;
	s11 =	smul.u32 $0x5000, s3  }
0x6: {  	s30 =	simm.s32 $0x9F80;
	s31 =	simm.s32 $0x0;
	s15 =	smul.u32 $0xA800, s3  }
0x7: {  	[smem:$0x7FF] =	sst s5;
	s0 =	sand.u32 $0x1, s0;
	s21 =	smul.u32 $0x2A000, s3  }
0x8: {  	s12 =	sadd.s32 $0x1AB000, s1;
	s13 =	sadd.s32 $0x15B000, s1;
	s6 =	smul.u32 $0xA0000, s0  }
0x9: {  	s14 =	sadd.s32 $0x9C400, s1;
	s26 =	sshll.u32 s3, $0x6;
	s8 =	smul.u32 $0x140000, s0  }
0xa: {  	s7 =	ssub.s32 $0x2, s0;
	s10 =	smul.u32 $0x2A0000, s0;
	s0 =	sshllo.u32 s0, $0x1  }
0xb: {  	_ =	strace $0x8000006B;
	s19 =	sor.u32 $0x1C03, s26;
	s17 =	smul.u32 $0x50000, s0  }
0xc: {  	s26 =	simm.s32 $0x2;
	s9 =	sshrl.u32 s7, $0x1;
	s18 =	smul.u32 $0xA0000, s0  }
0xd: {  	s23 =	sshrl.u32 s21, $0x2;
	s0 =	smul.u32 $0x150000, s0;
	s21 =	simm.s32 $0x80  }
0xe: {  	s6 =	sadd.s32 s11, s6;
	s16 =	ssub.s32 s7, s9;
	s20 =	sadd.s32 s11, s8  }
0xf: {  	s22 =	sadd.s32 s15, s10;
	s6 =	sshrl.u32 s6, $0x3;
	s7 =	sshrl.u32 s20, $0x3  }
0x10: {  	s9 =	sshrl.u32 s22, $0x3;
	s20 =	sadd.s32 s23, s4;
	s17 =	sadd.s32 s11, s17  }
0x11: {  	s11 =	sadd.s32 s11, s18;
	s0 =	sadd.s32 s15, s0;
	s16 =	smax.u32 s16, $0x1  }
0x12: {  	s18 =	simm.s32 $0x5000;
	s22 =	simm.s32 $0xA000;
	s23 =	simm.s32 $0x1  }
0x13: {  	s6 =	sadd.s32 s12, s6;
	s7 =	sadd.s32 s13, s7;
	s8 =	sadd.s32 s14, s9  }
0x14: {  	s24 =	sshrl.u32 s17, $0x3;
	s25 =	sshrl.u32 s11, $0x3;
	s0 =	sshrl.u32 s0, $0x3  }
0x15: {  	s17 =	simm.s32 $0x3;
	s20 =	sshrl.u32 s20, $0x3;
	[dreg:$0x4] =	wrdreg s6  }
0x16: {  	s9 =	sadd.s32 $0xA000, s7;
	s10 =	sadd.s32 $0x15000, s8;
	s11 =	sadd.s32 s12, s24  }
0x17: {  	s12 =	sadd.s32 s13, s25;
	s13 =	sadd.s32 s14, s0;
	s24 =	simm.s32 $0xE000  }
0x18: {  	s25 =	simm.s32 $0x4;
	s14 =	sadd.s32 $0xA000, s12;
	s15 =	sadd.s32 $0x15000, s13  }
.LBB2_1:
0x19: {  	s0 =	rddreg [dreg:$0x4]  }
0x1a: {  	[tilespmem:s5], [sflag:$0x3] =	stream.linear.gather [hbm4b:s0+s5], $0x5000, $0x38;
	[tilespmem:$0x1C800] =	vst v63  }
0x1b: {  	_ =	swait.ge [sflag:s17], $0x5000  }
0x1c: {  	[sflag:s17] =	ssyncset.done $0x0  }
0x1d: {  	[sflag:s17] =	ssyncadd.s32 $0xFFFFB000  }
0x1e: {  	[tilespmem:s18], [sflag:$0x3] =	stream.linear.gather [hbm4b:s7+s5], $0x5000, $0x38;
	[tilespmem:$0x1C800] =	vst v63  }
0x1f: {  	_ =	swait.ge [sflag:s17], $0x5000  }
0x20: {  	[sflag:s17] =	ssyncset.done $0x0  }
0x21: {  	[sflag:s17] =	ssyncadd.s32 $0xFFFFB000  }
0x22: {  	[spmem:s20], [sflag:s19] =	dma.local [hbm:s2], $0x1500  }
0x23: {  	_ =	swait.ge [sflag:s17], $0x1500  }
0x24: {  	[sflag:s17] =	ssyncset.done $0x0  }
0x25: {  	[sflag:s17] =	ssyncadd.s32 $0xFFFFEB00  }
0x26: {  	[bflag:$0x0] =	sbarrier.arrive $0xFFFF  }
0x27: {  	[tilespmem:s22], [sflag:$0x1] =	stream.indirect.gather [hbm4b:s1+s21], $0x80, s5, s21, $0xb8;
	[tilespmem:$0x1C800] =	vst v63  }
0x28: {  	_ =	swait.ge [sflag:s23], $0x4000  }
0x29: {  	[sflag:s23] =	ssyncset.done $0x0  }
0x2a: {  	s3 =	simm.s32 $0x80;
	[sflag:s23] =	ssyncadd.s32 $0xFFFFC000  }
0x2b: {  	[tilespmem:s24], [sflag:$0x2] =	stream.indirect.gather [hbm4b:s1+s21], $0x80, s3, s21, $0xb8;
	[tilespmem:$0x1C800] =	vst v63  }
0x2c: {  	s6 =	simm.s32 $0x5000  }
0x2d: {  	[spmem:s4] =	stream.indirect.scatter.add.f32 [tilespmem:s22], [sflag:$0x4], $0x80, s6, s21, $0xb8;
	[tilespmem:$0x1C800] =	vst v63  }
0x2e: {  	_ =	swait.ge [sflag:s25], $0x4000  }
0x2f: {  	[sflag:s25] =	ssyncset.done $0x0  }
0x30: {  	[sflag:s25] =	ssyncadd.s32 $0xFFFFC000  }
0x31: {  	_ =	swait.ge [sflag:s26], $0x4000  }
0x32: {  	[sflag:s26] =	ssyncset.done $0x0  }
0x33: {  	s3 =	simm.s32 $0x100;
	[sflag:s26] =	ssyncadd.s32 $0xFFFFC000  }
0x34: {  	[tilespmem:s22], [sflag:$0x1] =	stream.indirect.gather [hbm4b:s1+s21], $0x80, s3, s21, $0xb8;
	[tilespmem:$0x1C800] =	vst v63  }
0x35: {  	s6 =	simm.s32 $0x5080  }
0x36: {  	[spmem:s4] =	stream.indirect.scatter.add.f32 [tilespmem:s24], [sflag:$0x3], $0x80, s6, s21, $0xb8;
	[tilespmem:$0x1C800] =	vst v63  }
0x37: {  	_ =	swait.ge [sflag:s17], $0x4000  }
0x38: {  	s0 =	simm.s32 $0x400;
	[sflag:s17] =	ssyncset.done $0x0  }
.LBB2_2:
0x39: {  	p0 =	sne.s32 s0, $0x13800  }
0x3a: {  	[sflag:s17] =	ssyncadd.s32 $0xFFFFC000;
	s3 =	smov.u32 s0;
	s0 =	sadd.s32 $0x400, s0  }
0x3b: {  	_ = 	snop  }
0x3c: {  	_ =	swait.ge [sflag:s23], $0x4000  }
0x3d: {  	s3 =	sshra.s32 s3, $0x2;
	[sflag:s23] =	ssyncset.done $0x0  }
0x3e: {  	s6 =	sadd.s32 $0x80, s3;
	[sflag:s23] =	ssyncadd.s32 $0xFFFFC000  }
0x3f: {  	[tilespmem:s24], [sflag:$0x2] =	stream.indirect.gather [hbm4b:s1+s21], $0x80, s6, s21, $0xb8;
	[tilespmem:$0x1C800] =	vst v63  }
0x40: {  	s6 =	sadd.s32 $0x5000, s3  }
0x41: {  	[spmem:s4] =	stream.indirect.scatter.add.f32 [tilespmem:s22], [sflag:$0x4], $0x80, s6, s21, $0xb8;
	[tilespmem:$0x1C800] =	vst v63  }
0x42: {  	_ =	swait.ge [sflag:s25], $0x4000  }
0x43: {  	[sflag:s25] =	ssyncset.done $0x0  }
0x44: {  	[sflag:s25] =	ssyncadd.s32 $0xFFFFC000  }
0x45: {  	_ =	swait.ge [sflag:s26], $0x4000  }
0x46: {  	[sflag:s26] =	ssyncset.done $0x0  }
0x47: {  	s6 =	sadd.s32 $0x100, s3;
	[sflag:s26] =	ssyncadd.s32 $0xFFFFC000  }
0x48: {  	[tilespmem:s22], [sflag:$0x1] =	stream.indirect.gather [hbm4b:s1+s21], $0x80, s6, s21, $0xb8;
	[tilespmem:$0x1C800] =	vst v63  }
.Ltmp0:
0x49: {  	_ = 	snop;
	(pc) =	sbr.rel @p0 .LBB2_2-.Ltmp0, $4  }
0x4a: {  	s3 =	sadd.s32 $0x5080, s3  }
0x4b: {  	[spmem:s4] =	stream.indirect.scatter.add.f32 [tilespmem:s24], [sflag:$0x3], $0x80, s3, s21, $0xb8;
	[tilespmem:$0x1C800] =	vst v63  }
0x4c: {  	_ =	swait.ge [sflag:s17], $0x4000  }
0x4d: {  	[sflag:s17] =	ssyncset.done $0x0  }
0x4e: {  	[sflag:s17] =	ssyncadd.s32 $0xFFFFC000  }
0x4f: {  	_ =	swait.ge [sflag:s23], $0x4000  }
0x50: {  	[sflag:s23] =	ssyncset.done $0x0  }
0x51: {  	[sflag:s23] =	ssyncadd.s32 $0xFFFFC000  }
0x52: {  	[tilespmem:s24], [sflag:$0x2] =	stream.indirect.gather [hbm4b:s1+s21], $0x80, s28, s21, $0xb8;
	[tilespmem:$0x1C800] =	vst v63  }
0x53: {  	_ = 	snop  }
0x54: {  	[spmem:s4] =	stream.indirect.scatter.add.f32 [tilespmem:s22], [sflag:$0x4], $0x80, s29, s21, $0xb8;
	[tilespmem:$0x1C800] =	vst v63  }
0x55: {  	_ =	swait.ge [sflag:s25], $0x4000  }
0x56: {  	[sflag:s25] =	ssyncset.done $0x0  }
0x57: {  	[sflag:s25] =	ssyncadd.s32 $0xFFFFC000  }
0x58: {  	_ =	swait.ge [sflag:s26], $0x4000  }
0x59: {  	[sflag:s26] =	ssyncset.done $0x0  }
0x5a: {  	[sflag:s26] =	ssyncadd.s32 $0xFFFFC000  }
0x5b: {  	[spmem:s4] =	stream.indirect.scatter.add.f32 [tilespmem:s24], [sflag:$0x3], $0x80, s30, s21, $0xb8;
	[tilespmem:$0x1C800] =	vst v63  }
0x5c: {  	_ =	swait.ge [sflag:s17], $0x4000  }
0x5d: {  	[sflag:s17] =	ssyncset.done $0x0  }
0x5e: {  	[sflag:s17] =	ssyncadd.s32 $0xFFFFC000  }
0x5f: {  	[bflag:$0x0] =	sbarrier.arrive $0xFFFF  }
0x60: {  	[hbm:s8], [sflag:s19] =	dma.local [spmem:s20], $0x1500  }
0x61: {  	_ =	swait.ge [sflag:s17], $0x1500  }
0x62: {  	[sflag:s17] =	ssyncset.done $0x0  }
0x63: {  	s0 =	simm.s32 $0x0;
	[sflag:s17] =	ssyncadd.s32 $0xFFFFEB00  }
0x64: {  	[tilespmem:s18], [sflag:$0x3] =	stream.linear.gather [hbm4b:s9+s0], $0x5000, $0x38;
	[tilespmem:$0x1C800] =	vst v63  }
0x65: {  	_ =	swait.ge [sflag:s17], $0x5000  }
0x66: {  	[sflag:s17] =	ssyncset.done $0x0  }
0x67: {  	[sflag:s17] =	ssyncadd.s32 $0xFFFFB000  }
0x68: {  	[spmem:s20], [sflag:s19] =	dma.local [hbm:s2], $0x1500  }
0x69: {  	_ =	swait.ge [sflag:s17], $0x1500  }
0x6a: {  	[sflag:s17] =	ssyncset.done $0x0  }
0x6b: {  	[sflag:s17] =	ssyncadd.s32 $0xFFFFEB00  }
0x6c: {  	[bflag:$0x0] =	sbarrier.arrive $0xFFFF  }
0x6d: {  	[tilespmem:s22], [sflag:$0x1] =	stream.indirect.gather [hbm4b:s1+s21], $0x80, s0, s21, $0xb8;
	[tilespmem:$0x1C800] =	vst v63  }
0x6e: {  	_ =	swait.ge [sflag:s23], $0x4000  }
0x6f: {  	[sflag:s23] =	ssyncset.done $0x0  }
0x70: {  	s3 =	simm.s32 $0x80;
	[sflag:s23] =	ssyncadd.s32 $0xFFFFC000  }
0x71: {  	[tilespmem:s24], [sflag:$0x2] =	stream.indirect.gather [hbm4b:s1+s21], $0x80, s3, s21, $0xb8;
	[tilespmem:$0x1C800] =	vst v63  }
0x72: {  	s6 =	simm.s32 $0x5000  }
0x73: {  	[spmem:s4] =	stream.indirect.scatter.add.f32 [tilespmem:s22], [sflag:$0x4], $0x80, s6, s21, $0xb8;
	[tilespmem:$0x1C800] =	vst v63  }
0x74: {  	_ =	swait.ge [sflag:s25], $0x4000  }
0x75: {  	[sflag:s25] =	ssyncset.done $0x0  }
0x76: {  	[sflag:s25] =	ssyncadd.s32 $0xFFFFC000  }
0x77: {  	_ =	swait.ge [sflag:s26], $0x4000  }
0x78: {  	[sflag:s26] =	ssyncset.done $0x0  }
0x79: {  	s3 =	simm.s32 $0x100;
	[sflag:s26] =	ssyncadd.s32 $0xFFFFC000  }
0x7a: {  	[tilespmem:s22], [sflag:$0x1] =	stream.indirect.gather [hbm4b:s1+s21], $0x80, s3, s21, $0xb8;
	[tilespmem:$0x1C800] =	vst v63  }
0x7b: {  	s6 =	simm.s32 $0x5080  }
0x7c: {  	[spmem:s4] =	stream.indirect.scatter.add.f32 [tilespmem:s24], [sflag:$0x3], $0x80, s6, s21, $0xb8;
	[tilespmem:$0x1C800] =	vst v63  }
0x7d: {  	_ =	swait.ge [sflag:s17], $0x4000  }
0x7e: {  	s0 =	simm.s32 $0x400;
	[sflag:s17] =	ssyncset.done $0x0  }
.LBB2_4:
0x7f: {  	p0 =	sne.s32 s0, $0x13800  }
0x80: {  	[sflag:s17] =	ssyncadd.s32 $0xFFFFC000;
	s3 =	smov.u32 s0;
	s0 =	sadd.s32 $0x400, s0  }
0x81: {  	_ = 	snop  }
0x82: {  	_ =	swait.ge [sflag:s23], $0x4000  }
0x83: {  	s3 =	sshra.s32 s3, $0x2;
	[sflag:s23] =	ssyncset.done $0x0  }
0x84: {  	s6 =	sadd.s32 $0x80, s3;
	[sflag:s23] =	ssyncadd.s32 $0xFFFFC000  }
0x85: {  	[tilespmem:s24], [sflag:$0x2] =	stream.indirect.gather [hbm4b:s1+s21], $0x80, s6, s21, $0xb8;
	[tilespmem:$0x1C800] =	vst v63  }
0x86: {  	s6 =	sadd.s32 $0x5000, s3  }
0x87: {  	[spmem:s4] =	stream.indirect.scatter.add.f32 [tilespmem:s22], [sflag:$0x4], $0x80, s6, s21, $0xb8;
	[tilespmem:$0x1C800] =	vst v63  }
0x88: {  	_ =	swait.ge [sflag:s25], $0x4000  }
0x89: {  	[sflag:s25] =	ssyncset.done $0x0  }
0x8a: {  	[sflag:s25] =	ssyncadd.s32 $0xFFFFC000  }
0x8b: {  	_ =	swait.ge [sflag:s26], $0x4000  }
0x8c: {  	[sflag:s26] =	ssyncset.done $0x0  }
0x8d: {  	s6 =	sadd.s32 $0x100, s3;
	[sflag:s26] =	ssyncadd.s32 $0xFFFFC000  }
0x8e: {  	[tilespmem:s22], [sflag:$0x1] =	stream.indirect.gather [hbm4b:s1+s21], $0x80, s6, s21, $0xb8;
	[tilespmem:$0x1C800] =	vst v63  }
.Ltmp1:
0x8f: {  	_ = 	snop;
	(pc) =	sbr.rel @p0 .LBB2_4-.Ltmp1, $4  }
0x90: {  	s3 =	sadd.s32 $0x5080, s3  }
0x91: {  	[spmem:s4] =	stream.indirect.scatter.add.f32 [tilespmem:s24], [sflag:$0x3], $0x80, s3, s21, $0xb8;
	[tilespmem:$0x1C800] =	vst v63  }
0x92: {  	_ =	swait.ge [sflag:s17], $0x4000  }
0x93: {  	[sflag:s17] =	ssyncset.done $0x0  }
0x94: {  	[sflag:s17] =	ssyncadd.s32 $0xFFFFC000  }
0x95: {  	_ =	swait.ge [sflag:s23], $0x4000  }
0x96: {  	[sflag:s23] =	ssyncset.done $0x0  }
0x97: {  	[sflag:s23] =	ssyncadd.s32 $0xFFFFC000  }
0x98: {  	[tilespmem:s24], [sflag:$0x2] =	stream.indirect.gather [hbm4b:s1+s21], $0x80, s28, s21, $0xb8;
	[tilespmem:$0x1C800] =	vst v63  }
0x99: {  	_ = 	snop  }
0x9a: {  	[spmem:s4] =	stream.indirect.scatter.add.f32 [tilespmem:s22], [sflag:$0x4], $0x80, s29, s21, $0xb8;
	[tilespmem:$0x1C800] =	vst v63  }
0x9b: {  	_ =	swait.ge [sflag:s25], $0x4000  }
0x9c: {  	[sflag:s25] =	ssyncset.done $0x0  }
0x9d: {  	[sflag:s25] =	ssyncadd.s32 $0xFFFFC000  }
0x9e: {  	_ =	swait.ge [sflag:s26], $0x4000  }
0x9f: {  	[sflag:s26] =	ssyncset.done $0x0  }
0xa0: {  	[sflag:s26] =	ssyncadd.s32 $0xFFFFC000  }
0xa1: {  	[spmem:s4] =	stream.indirect.scatter.add.f32 [tilespmem:s24], [sflag:$0x3], $0x80, s30, s21, $0xb8;
	[tilespmem:$0x1C800] =	vst v63  }
0xa2: {  	_ =	swait.ge [sflag:s17], $0x4000  }
0xa3: {  	[sflag:s17] =	ssyncset.done $0x0  }
0xa4: {  	[sflag:s17] =	ssyncadd.s32 $0xFFFFC000  }
0xa5: {  	[bflag:$0x0] =	sbarrier.arrive $0xFFFF  }
0xa6: {  	[hbm:s10], [sflag:s19] =	dma.local [spmem:s20], $0x1500  }
0xa7: {  	_ =	swait.ge [sflag:s17], $0x1500  }
0xa8: {  	[sflag:s17] =	ssyncset.done $0x0  }
0xa9: {  	s0 =	simm.s32 $0x0;
	[sflag:s17] =	ssyncadd.s32 $0xFFFFEB00  }
0xaa: {  	[tilespmem:s0], [sflag:$0x3] =	stream.linear.gather [hbm4b:s11+s0], $0x5000, $0x38;
	[tilespmem:$0x1C800] =	vst v63  }
0xab: {  	_ =	swait.ge [sflag:s17], $0x5000  }
0xac: {  	[sflag:s17] =	ssyncset.done $0x0  }
0xad: {  	[sflag:s17] =	ssyncadd.s32 $0xFFFFB000  }
0xae: {  	[tilespmem:s18], [sflag:$0x3] =	stream.linear.gather [hbm4b:s12+s0], $0x5000, $0x38;
	[tilespmem:$0x1C800] =	vst v63  }
0xaf: {  	_ =	swait.ge [sflag:s17], $0x5000  }
0xb0: {  	[sflag:s17] =	ssyncset.done $0x0  }
0xb1: {  	[sflag:s17] =	ssyncadd.s32 $0xFFFFB000  }
0xb2: {  	[spmem:s20], [sflag:s19] =	dma.local [hbm:s2], $0x1500  }
0xb3: {  	_ =	swait.ge [sflag:s17], $0x1500  }
0xb4: {  	[sflag:s17] =	ssyncset.done $0x0  }
0xb5: {  	[sflag:s17] =	ssyncadd.s32 $0xFFFFEB00  }
0xb6: {  	[bflag:$0x0] =	sbarrier.arrive $0xFFFF  }
0xb7: {  	[tilespmem:s22], [sflag:$0x1] =	stream.indirect.gather [hbm4b:s1+s21], $0x80, s0, s21, $0xb8;
	[tilespmem:$0x1C800] =	vst v63  }
0xb8: {  	_ =	swait.ge [sflag:s23], $0x4000  }
0xb9: {  	[sflag:s23] =	ssyncset.done $0x0  }
0xba: {  	s3 =	simm.s32 $0x80;
	[sflag:s23] =	ssyncadd.s32 $0xFFFFC000  }
0xbb: {  	[tilespmem:s24], [sflag:$0x2] =	stream.indirect.gather [hbm4b:s1+s21], $0x80, s3, s21, $0xb8;
	[tilespmem:$0x1C800] =	vst v63  }
0xbc: {  	s6 =	simm.s32 $0x5000  }
0xbd: {  	[spmem:s4] =	stream.indirect.scatter.add.f32 [tilespmem:s22], [sflag:$0x4], $0x80, s6, s21, $0xb8;
	[tilespmem:$0x1C800] =	vst v63  }
0xbe: {  	_ =	swait.ge [sflag:s25], $0x4000  }
0xbf: {  	[sflag:s25] =	ssyncset.done $0x0  }
0xc0: {  	[sflag:s25] =	ssyncadd.s32 $0xFFFFC000  }
0xc1: {  	_ =	swait.ge [sflag:s26], $0x4000  }
0xc2: {  	[sflag:s26] =	ssyncset.done $0x0  }
0xc3: {  	s3 =	simm.s32 $0x100;
	[sflag:s26] =	ssyncadd.s32 $0xFFFFC000  }
0xc4: {  	[tilespmem:s22], [sflag:$0x1] =	stream.indirect.gather [hbm4b:s1+s21], $0x80, s3, s21, $0xb8;
	[tilespmem:$0x1C800] =	vst v63  }
0xc5: {  	s6 =	simm.s32 $0x5080  }
0xc6: {  	[spmem:s4] =	stream.indirect.scatter.add.f32 [tilespmem:s24], [sflag:$0x3], $0x80, s6, s21, $0xb8;
	[tilespmem:$0x1C800] =	vst v63  }
0xc7: {  	_ =	swait.ge [sflag:s17], $0x4000  }
0xc8: {  	s0 =	simm.s32 $0x400;
	[sflag:s17] =	ssyncset.done $0x0  }
.LBB2_6:
0xc9: {  	p0 =	sne.s32 s0, $0x13800  }
0xca: {  	[sflag:s17] =	ssyncadd.s32 $0xFFFFC000;
	s3 =	smov.u32 s0;
	s0 =	sadd.s32 $0x400, s0  }
0xcb: {  	_ = 	snop  }
0xcc: {  	_ =	swait.ge [sflag:s23], $0x4000  }
0xcd: {  	s3 =	sshra.s32 s3, $0x2;
	[sflag:s23] =	ssyncset.done $0x0  }
0xce: {  	s6 =	sadd.s32 $0x80, s3;
	[sflag:s23] =	ssyncadd.s32 $0xFFFFC000  }
0xcf: {  	[tilespmem:s24], [sflag:$0x2] =	stream.indirect.gather [hbm4b:s1+s21], $0x80, s6, s21, $0xb8;
	[tilespmem:$0x1C800] =	vst v63  }
0xd0: {  	s6 =	sadd.s32 $0x5000, s3  }
0xd1: {  	[spmem:s4] =	stream.indirect.scatter.add.f32 [tilespmem:s22], [sflag:$0x4], $0x80, s6, s21, $0xb8;
	[tilespmem:$0x1C800] =	vst v63  }
0xd2: {  	_ =	swait.ge [sflag:s25], $0x4000  }
0xd3: {  	[sflag:s25] =	ssyncset.done $0x0  }
0xd4: {  	[sflag:s25] =	ssyncadd.s32 $0xFFFFC000  }
0xd5: {  	_ =	swait.ge [sflag:s26], $0x4000  }
0xd6: {  	[sflag:s26] =	ssyncset.done $0x0  }
0xd7: {  	s6 =	sadd.s32 $0x100, s3;
	[sflag:s26] =	ssyncadd.s32 $0xFFFFC000  }
0xd8: {  	[tilespmem:s22], [sflag:$0x1] =	stream.indirect.gather [hbm4b:s1+s21], $0x80, s6, s21, $0xb8;
	[tilespmem:$0x1C800] =	vst v63  }
.Ltmp2:
0xd9: {  	_ = 	snop;
	(pc) =	sbr.rel @p0 .LBB2_6-.Ltmp2, $4  }
0xda: {  	s3 =	sadd.s32 $0x5080, s3  }
0xdb: {  	[spmem:s4] =	stream.indirect.scatter.add.f32 [tilespmem:s24], [sflag:$0x3], $0x80, s3, s21, $0xb8;
	[tilespmem:$0x1C800] =	vst v63  }
0xdc: {  	_ =	swait.ge [sflag:s17], $0x4000  }
0xdd: {  	[sflag:s17] =	ssyncset.done $0x0  }
0xde: {  	[sflag:s17] =	ssyncadd.s32 $0xFFFFC000  }
0xdf: {  	_ =	swait.ge [sflag:s23], $0x4000  }
0xe0: {  	[sflag:s23] =	ssyncset.done $0x0  }
0xe1: {  	[sflag:s23] =	ssyncadd.s32 $0xFFFFC000  }
0xe2: {  	[tilespmem:s24], [sflag:$0x2] =	stream.indirect.gather [hbm4b:s1+s21], $0x80, s28, s21, $0xb8;
	[tilespmem:$0x1C800] =	vst v63  }
0xe3: {  	_ = 	snop  }
0xe4: {  	[spmem:s4] =	stream.indirect.scatter.add.f32 [tilespmem:s22], [sflag:$0x4], $0x80, s29, s21, $0xb8;
	[tilespmem:$0x1C800] =	vst v63  }
0xe5: {  	_ =	swait.ge [sflag:s25], $0x4000  }
0xe6: {  	[sflag:s25] =	ssyncset.done $0x0  }
0xe7: {  	[sflag:s25] =	ssyncadd.s32 $0xFFFFC000  }
0xe8: {  	_ =	swait.ge [sflag:s26], $0x4000  }
0xe9: {  	[sflag:s26] =	ssyncset.done $0x0  }
0xea: {  	[sflag:s26] =	ssyncadd.s32 $0xFFFFC000  }
0xeb: {  	[spmem:s4] =	stream.indirect.scatter.add.f32 [tilespmem:s24], [sflag:$0x3], $0x80, s30, s21, $0xb8;
	[tilespmem:$0x1C800] =	vst v63  }
0xec: {  	_ =	swait.ge [sflag:s17], $0x4000  }
0xed: {  	[sflag:s17] =	ssyncset.done $0x0  }
0xee: {  	[sflag:s17] =	ssyncadd.s32 $0xFFFFC000  }
0xef: {  	[bflag:$0x0] =	sbarrier.arrive $0xFFFF  }
0xf0: {  	[hbm:s13], [sflag:s19] =	dma.local [spmem:s20], $0x1500  }
0xf1: {  	_ =	swait.ge [sflag:s17], $0x1500  }
0xf2: {  	[sflag:s17] =	ssyncset.done $0x0  }
0xf3: {  	s0 =	simm.s32 $0x0;
	[sflag:s17] =	ssyncadd.s32 $0xFFFFEB00  }
0xf4: {  	[tilespmem:s18], [sflag:$0x3] =	stream.linear.gather [hbm4b:s14+s0], $0x5000, $0x38;
	[tilespmem:$0x1C800] =	vst v63  }
0xf5: {  	_ =	swait.ge [sflag:s17], $0x5000  }
0xf6: {  	[sflag:s17] =	ssyncset.done $0x0  }
0xf7: {  	[sflag:s17] =	ssyncadd.s32 $0xFFFFB000  }
0xf8: {  	[spmem:s20], [sflag:s19] =	dma.local [hbm:s2], $0x1500  }
0xf9: {  	_ =	swait.ge [sflag:s17], $0x1500  }
0xfa: {  	[sflag:s17] =	ssyncset.done $0x0  }
0xfb: {  	[sflag:s17] =	ssyncadd.s32 $0xFFFFEB00  }
0xfc: {  	[bflag:$0x0] =	sbarrier.arrive $0xFFFF  }
0xfd: {  	[tilespmem:s22], [sflag:$0x1] =	stream.indirect.gather [hbm4b:s1+s21], $0x80, s0, s21, $0xb8;
	[tilespmem:$0x1C800] =	vst v63  }
0xfe: {  	_ =	swait.ge [sflag:s23], $0x4000  }
0xff: {  	[sflag:s23] =	ssyncset.done $0x0  }
0x100: {  	s3 =	simm.s32 $0x80;
	[sflag:s23] =	ssyncadd.s32 $0xFFFFC000  }
0x101: {  	[tilespmem:s24], [sflag:$0x2] =	stream.indirect.gather [hbm4b:s1+s21], $0x80, s3, s21, $0xb8;
	[tilespmem:$0x1C800] =	vst v63  }
0x102: {  	s6 =	simm.s32 $0x5000  }
0x103: {  	[spmem:s4] =	stream.indirect.scatter.add.f32 [tilespmem:s22], [sflag:$0x4], $0x80, s6, s21, $0xb8;
	[tilespmem:$0x1C800] =	vst v63  }
0x104: {  	_ =	swait.ge [sflag:s25], $0x4000  }
0x105: {  	[sflag:s25] =	ssyncset.done $0x0  }
0x106: {  	[sflag:s25] =	ssyncadd.s32 $0xFFFFC000  }
0x107: {  	_ =	swait.ge [sflag:s26], $0x4000  }
0x108: {  	[sflag:s26] =	ssyncset.done $0x0  }
0x109: {  	s3 =	simm.s32 $0x100;
	[sflag:s26] =	ssyncadd.s32 $0xFFFFC000  }
0x10a: {  	[tilespmem:s22], [sflag:$0x1] =	stream.indirect.gather [hbm4b:s1+s21], $0x80, s3, s21, $0xb8;
	[tilespmem:$0x1C800] =	vst v63  }
0x10b: {  	s6 =	simm.s32 $0x5080  }
0x10c: {  	[spmem:s4] =	stream.indirect.scatter.add.f32 [tilespmem:s24], [sflag:$0x3], $0x80, s6, s21, $0xb8;
	[tilespmem:$0x1C800] =	vst v63  }
0x10d: {  	_ =	swait.ge [sflag:s17], $0x4000  }
0x10e: {  	s0 =	simm.s32 $0x400;
	[sflag:s17] =	ssyncset.done $0x0  }
.LBB2_8:
0x10f: {  	p0 =	sne.s32 s0, $0x13800  }
0x110: {  	[sflag:s17] =	ssyncadd.s32 $0xFFFFC000;
	s3 =	smov.u32 s0;
	s0 =	sadd.s32 $0x400, s0  }
0x111: {  	_ = 	snop  }
0x112: {  	_ =	swait.ge [sflag:s23], $0x4000  }
0x113: {  	s3 =	sshra.s32 s3, $0x2;
	[sflag:s23] =	ssyncset.done $0x0  }
0x114: {  	s6 =	sadd.s32 $0x80, s3;
	[sflag:s23] =	ssyncadd.s32 $0xFFFFC000  }
0x115: {  	[tilespmem:s24], [sflag:$0x2] =	stream.indirect.gather [hbm4b:s1+s21], $0x80, s6, s21, $0xb8;
	[tilespmem:$0x1C800] =	vst v63  }
0x116: {  	s6 =	sadd.s32 $0x5000, s3  }
0x117: {  	[spmem:s4] =	stream.indirect.scatter.add.f32 [tilespmem:s22], [sflag:$0x4], $0x80, s6, s21, $0xb8;
	[tilespmem:$0x1C800] =	vst v63  }
0x118: {  	_ =	swait.ge [sflag:s25], $0x4000  }
0x119: {  	[sflag:s25] =	ssyncset.done $0x0  }
0x11a: {  	[sflag:s25] =	ssyncadd.s32 $0xFFFFC000  }
0x11b: {  	_ =	swait.ge [sflag:s26], $0x4000  }
0x11c: {  	[sflag:s26] =	ssyncset.done $0x0  }
0x11d: {  	s6 =	sadd.s32 $0x100, s3;
	[sflag:s26] =	ssyncadd.s32 $0xFFFFC000  }
0x11e: {  	[tilespmem:s22], [sflag:$0x1] =	stream.indirect.gather [hbm4b:s1+s21], $0x80, s6, s21, $0xb8;
	[tilespmem:$0x1C800] =	vst v63  }
.Ltmp3:
0x11f: {  	_ = 	snop;
	(pc) =	sbr.rel @p0 .LBB2_8-.Ltmp3, $4  }
0x120: {  	s3 =	sadd.s32 $0x5080, s3  }
0x121: {  	[spmem:s4] =	stream.indirect.scatter.add.f32 [tilespmem:s24], [sflag:$0x3], $0x80, s3, s21, $0xb8;
	[tilespmem:$0x1C800] =	vst v63  }
0x122: {  	_ =	swait.ge [sflag:s17], $0x4000  }
0x123: {  	[sflag:s17] =	ssyncset.done $0x0  }
0x124: {  	[sflag:s17] =	ssyncadd.s32 $0xFFFFC000  }
0x125: {  	_ =	swait.ge [sflag:s23], $0x4000  }
0x126: {  	[sflag:s23] =	ssyncset.done $0x0  }
0x127: {  	[sflag:s23] =	ssyncadd.s32 $0xFFFFC000  }
0x128: {  	[tilespmem:s24], [sflag:$0x2] =	stream.indirect.gather [hbm4b:s1+s21], $0x80, s28, s21, $0xb8;
	[tilespmem:$0x1C800] =	vst v63  }
0x129: {  	_ = 	snop  }
0x12a: {  	[spmem:s4] =	stream.indirect.scatter.add.f32 [tilespmem:s22], [sflag:$0x4], $0x80, s29, s21, $0xb8;
	[tilespmem:$0x1C800] =	vst v63  }
0x12b: {  	_ =	swait.ge [sflag:s25], $0x4000  }
0x12c: {  	[sflag:s25] =	ssyncset.done $0x0  }
0x12d: {  	[sflag:s25] =	ssyncadd.s32 $0xFFFFC000  }
0x12e: {  	_ =	swait.ge [sflag:s26], $0x4000  }
0x12f: {  	[sflag:s26] =	ssyncset.done $0x0  }
0x130: {  	[sflag:s26] =	ssyncadd.s32 $0xFFFFC000  }
0x131: {  	[spmem:s4] =	stream.indirect.scatter.add.f32 [tilespmem:s24], [sflag:$0x3], $0x80, s30, s21, $0xb8;
	[tilespmem:$0x1C800] =	vst v63  }
0x132: {  	_ =	swait.ge [sflag:s17], $0x4000  }
0x133: {  	s31 =	sadd.s32 $0x1, s31;
	[sflag:s17] =	ssyncset.done $0x0  }
0x134: {  	p0 =	sne.s32 s31, s16;
	[sflag:s17] =	ssyncadd.s32 $0xFFFFC000  }
.Ltmp4:
0x135: {  	[bflag:$0x0] =	sbarrier.arrive $0xFFFF;
	(pc) =	sbr.rel @p0 .LBB2_1-.Ltmp4, $4  }
0x136: {  	[hbm:s15], [sflag:s19] =	dma.local [spmem:s20], $0x1500  }
0x137: {  	_ =	swait.ge [sflag:s17], $0x1500  }
0x138: {  	[sflag:s17] =	ssyncset.done $0x0  }
0x139: {  	[sflag:s17] =	ssyncadd.s32 $0xFFFFEB00  }
0x13a: {  	_ =	sfence.sel $0x180000  }
0x13b: {  	[bflag:$0x0] =	sbarrier.arrive $0xFFFF  }
0x13c: {  	_ =	strace $0x9000006B  }
0x13d: {  	s0 =	stileid.u32;
	[bflag:$0x2] =	sbarrier.arrive $0xFFFF  }
0x13e: {  	p0 =	sne.s32 s0, $0x0;
	s0 =	rddreg [dreg:$0x3]  }
0x13f: {  	s0 =	sadd.s32 @!p0 $0x100000, s0  }
0x140: {  	[sflag:s0] =	ssyncadd.tile.s32 @!p0 $0x1;
	_ =	shalt  }
.Lfunc_end2:
_tile_overlayer_lowered:
.L_overlay_start_2:
0x141: {  	(tag) =	ssettag $0x2  }
0x142: {  	s0 =	rddreg [dreg:$0x0];
	s2 =	stileid.u32  }
0x143: {  	s1 =	rddreg [dreg:$0x1];
	p0 =	sne.s32 s2, $0x0  }
0x144: {  	s3 =	rddreg [dreg:$0x2];
	[bflag:$0x3] =	sbarrier.arrive $0xFFFF;
	s2 =	simm.s32 @!p0 $0x1C03  }
0x145: {  	[timem:s3], [sflag:s2] =	dma.local @!p0 [hbm:s0], s1  }
0x146: {  	s0 =	simm.s32 @!p0 $0x3  }
0x147: {  	_ =	swait.ge @!p0 [sflag:s0], s1  }
0x148: {  	s1 =	ssub.s32 @!p0 $0x0, s1;
	[sflag:s0] =	ssyncset.done @!p0 $0x0  }
0x149: {  	[sflag:s0] =	ssyncadd.s32 @!p0 s1  }
0x14a: {  	[bflag:$0x3] =	sbarrier.arrive $0xFFFF  }
0x14b: {  	_ =	shalt  }

// kernel: scatter_offload_async_start.1
scs
__scs_entry_jumppad:
0x0: {  	(pc) =	sbr.rel $0x88, $3  }
0x1: {  	(tag) =	ssettag $0x0;
	lr =	simm.s32 $0x1  }
0x2: {  	[smem:$0x3F93] =	sst lr;
	_ =	strace $0xD0000000  }
0x3: {  	_ = 	snop  }
0x4: {  	_ = 	snop  }
0x5: {  	_ = 	snop  }
0x6: {  	_ = 	snop  }
0x7: {  	_ = 	snop  }
__scs_overlays_trampoline_lowered:
0x8: {  	[smem:$0x3FA2] =	sst s0  }
0x9: {  	[smem:$0x3FA3] =	sst s1  }
0xa: {  	[smem:$0x3FA4] =	sst s2  }
0xb: {  	[smem:$0x3FA5] =	sst s3  }
0xc: {  	[smem:$0x3FA6] =	sst s4  }
0xd: {  	[smem:$0x3FA7] =	sst s5  }
0xe: {  	[smem:$0x3FA8] =	sst s6  }
0xf: {  	[smem:$0x3FA9] =	sst s7  }
0x10: {  	[smem:$0x3FAA] =	sst s8  }
0x11: {  	[smem:$0x3FAB] =	sst s9;
	s0 =	simm.s32 @!p0 $0x0  }
0x12: {  	s1 =	sld [smem:$0x3F91];
	s0 =	simm.s32 @p0 $0x1  }
0x13: {  	[smem:$0x3FAC] =	sst s0;
	s0 =	simm.s32 @!p1 $0x0  }
0x14: {  	s2 =	sld [smem:$0x3F90];
	s0 =	simm.s32 @p1 $0x1  }
0x15: {  	[smem:$0x3FAD] =	sst s0;
	s0 =	simm.s32 @!p2 $0x0  }
0x16: {  	s3 =	sld [smem:$0x3FDB];
	s0 =	simm.s32 @p2 $0x1  }
0x17: {  	s4 =	simm.s32 $0x1BF5;
	[smem:$0x3FAF] =	sst s0  }
0x18: {  	s0 =	sld [smem:$0x3F92];
	_ =	swait.ge [sflag:s4], $0x0  }
0x19: {  	s7 =	sld [smem:$0x3F93]  }
0x1a: {  	s8 =	sadd.s32 $0xFFFFE003, lr  }
0x1b: {  	s9 =	sadd.s32 $0xFFFFFEF7, lr;
	s5 =	simm.s32 $0xFFFFFFFF;
	p2 =	slt.u32 s8, $0xFFFFF086  }
0x1c: {  	p1 =	slt.u32 s9, $0xF7A;
	s5 =	simm.s32 @!p2 $0x0  }
0x1d: {  	s5 =	simm.s32 @p1 $0x1;
	p0 =	seq.s32 s7, s2  }
0x1e: {  	s7 =	smul.u32 @!p0 $0xF7A, s2;
	p2 =	seq.s32 @!p0 s5, $0x0  }
0x1f: {  	s9 =	smul.u32 $0xF7A, s1;
	s8 =	simm.s32 @!p0 $0x1BF5;
	p2 =	por !p2, p0  }
0x20: {  	[sflag:s8] =	ssyncset.s32 @!p0 $0xFFFFF086;
	s6 =	sadd.s32 @!p0 s3, s7;
	s7 =	simm.s32 @!p0 $0x108  }
0x21: {  	s3 =	sadd.s32 s3, s9;
	s6 =	sadd.s32 @!p0 $0x88, s6;
	s7 =	simm.s32 @p2 $0x1082  }
0x22: {  	[simem:s7], [sflag:s8] =	dma.local @!p0 [hbm:s6], $0xF7A  }
0x23: {  	s9 =	sor.u32 $0xD0000000, s2;
	s6 =	simm.s32 $0x108;
	_ =	swait.ge @!p0 [sflag:s8], $0x0  }
0x24: {  	s3 =	sadd.s32 $0x88, s3;
	s6 =	simm.s32 @!p1 $0x1082;
	[sflag:s4] =	ssyncset.s32 $0xFFFFF086  }
0x25: {  	[simem:s6], [sflag:s4] =	dma.local [hbm:s3], $0xF7A  }
0x26: {  	[smem:$0x3F93] =	sst s1;
	(tag) =	ssettag s2;
	_ =	strace s9  }
0x27: {  	s1 =	sld [smem:$0x3FA3]  }
0x28: {  	s2 =	sld [smem:$0x3FA4]  }
0x29: {  	s4 =	sld [smem:$0x3FA6]  }
0x2a: {  	p0 =	seq.s32 s5, $0x0;
	s5 =	sld [smem:$0x3FA7]  }
0x2b: {  	s6 =	sld [smem:$0x3FA8]  }
0x2c: {  	s7 =	sld [smem:$0x3FA9]  }
0x2d: {  	s3 =	simm.s32 $0x108;
	s8 =	sld [smem:$0x3FAA]  }
0x2e: {  	s3 =	simm.s32 @!p0 $0x1082;
	s9 =	sld [smem:$0x3FAB]  }
0x2f: {  	lr =	sadd.s32 s0, s3;
	s0 =	sld [smem:$0x3FA2]  }
0x30: {  	s3 =	sld [smem:$0x3FA5]  }
0x31: {  	[smem:$0x3FAE] =	sst s10  }
0x32: {  	s10 =	sld [smem:$0x3FAC];
	_ =	sdelay $0x3  }
0x33: {  	p0 =	seq.s32 s10, $0x1;
	s10 =	sld [smem:$0x3FAE];
	_ =	sdelay $0x3  }
0x34: {  	[smem:$0x3FAE] =	sst s10  }
0x35: {  	s10 =	sld [smem:$0x3FAD];
	_ =	sdelay $0x3  }
0x36: {  	p1 =	seq.s32 s10, $0x1;
	s10 =	sld [smem:$0x3FAE];
	_ =	sdelay $0x3  }
0x37: {  	[smem:$0x3FAE] =	sst s10  }
0x38: {  	s10 =	sld [smem:$0x3FAF]  }
0x39: {  	_ = 	snop;
	(pc) =	sbr.ind lr, $3  }
0x3a: {  	_ = 	snop  }
0x3b: {  	_ = 	snop  }
0x3c: {  	p2 =	seq.s32 s10, $0x1;
	s10 =	sld [smem:$0x3FAE]  }
0x3d: {  	_ =	shalt  }
0x3e: {  	_ =	shalt  }
0x3f: {  	_ =	shalt  }
0x40: {  	_ =	shalt  }
0x41: {  	_ =	shalt  }
0x42: {  	_ =	shalt  }
0x43: {  	_ =	shalt  }
0x44: {  	_ =	shalt  }
0x45: {  	_ =	shalt  }
0x46: {  	_ =	shalt  }
0x47: {  	_ =	shalt  }
0x48: {  	_ =	shalt  }
0x49: {  	_ =	shalt  }
0x4a: {  	_ =	shalt  }
0x4b: {  	_ =	shalt  }
0x4c: {  	_ =	shalt  }
0x4d: {  	_ =	shalt  }
0x4e: {  	_ =	shalt  }
0x4f: {  	_ =	shalt  }
0x50: {  	_ =	shalt  }
0x51: {  	_ =	shalt  }
0x52: {  	_ =	shalt  }
0x53: {  	_ =	shalt  }
0x54: {  	_ =	shalt  }
0x55: {  	_ =	shalt  }
0x56: {  	_ =	shalt  }
0x57: {  	_ =	shalt  }
0x58: {  	_ =	shalt  }
0x59: {  	_ =	shalt  }
0x5a: {  	_ =	shalt  }
0x5b: {  	_ =	shalt  }
0x5c: {  	_ =	shalt  }
0x5d: {  	_ =	shalt  }
0x5e: {  	_ =	shalt  }
0x5f: {  	_ =	shalt  }
0x60: {  	_ =	shalt  }
0x61: {  	_ =	shalt  }
0x62: {  	_ =	shalt  }
0x63: {  	_ =	shalt  }
0x64: {  	_ =	shalt  }
0x65: {  	_ =	shalt  }
0x66: {  	_ =	shalt  }
0x67: {  	_ =	shalt  }
0x68: {  	_ =	shalt  }
0x69: {  	_ =	shalt  }
0x6a: {  	_ =	shalt  }
0x6b: {  	_ =	shalt  }
0x6c: {  	_ =	shalt  }
0x6d: {  	_ =	shalt  }
0x6e: {  	_ =	shalt  }
0x6f: {  	_ =	shalt  }
0x70: {  	_ =	shalt  }
0x71: {  	_ =	shalt  }
0x72: {  	_ =	shalt  }
0x73: {  	_ =	shalt  }
0x74: {  	_ =	shalt  }
0x75: {  	_ =	shalt  }
0x76: {  	_ =	shalt  }
0x77: {  	_ =	shalt  }
0x78: {  	_ =	shalt  }
0x79: {  	_ =	shalt  }
0x7a: {  	_ =	shalt  }
0x7b: {  	_ =	shalt  }
0x7c: {  	_ =	shalt  }
0x7d: {  	_ =	shalt  }
0x7e: {  	_ =	shalt  }
0x7f: {  	_ =	shalt  }
0x80: {  	_ =	shalt  }
0x81: {  	_ =	shalt  }
0x82: {  	_ =	shalt  }
0x83: {  	_ =	shalt  }
0x84: {  	_ =	shalt  }
0x85: {  	_ =	shalt  }
0x86: {  	_ =	shalt  }
0x87: {  	_ =	shalt  }
.Lfunc_end0:
.L_simem_size_0:
called_computation.1_lowered:
.L_overlay_start_0:
0x88: {  	s0 =	sld [smem:$0x3FD9]  }
0x89: {  	s1 =	sld [smem:$0x3FFE];
	_ =	sdelay $0x3  }
0x8a: {  	s0 =	sadd.s32 s1, s0  }
0x8b: {  	[smem:$0x3FBA] =	sst s0  }
0x8c: {  	_ = 	snop  }
0x8d: {  	s0 =	sld [smem:$0x3FD0];
	_ =	sdelay $0x2  }
0x8e: {  	s13 =	simm.s32 $0x15;
	s2 =	simm.s32 $0x10  }
0x8f: {  	[smem:s2], [sflag:s13] =	dma.local [hbm:s0], $0x1  }
0x90: {  	_ =	swait.eq [sflag:s13], $0x1  }
0x91: {  	[sflag:s13] =	ssyncset.done $0x0  }
0x92: {  	[sflag:s13] =	ssyncadd.s32 $0xFFFFFFFF  }
0x93: {  	s1 =	sld [smem:$0x10];
	(tm) =	ssettm $0x1  }
0x94: {  	s14 =	sld [smem:$0x3FFB];
	_ =	sdelay $0x3  }
0x95: {  	_ =	strace s14  }
0x96: {  	s0 =	sld [smem:$0x3FFC];
	_ =	sdelay $0x3  }
0x97: {  	_ =	strace s0  }
0x98: {  	s0 =	sld [smem:$0x3FFD];
	_ =	sdelay $0x3  }
0x99: {  	_ =	strace s0  }
0x9a: {  	_ =	strace $0x8FFFFFFF  }
0x9b: {  	s15 =	sld [smem:$0x3FDB];
	_ =	sdelay $0x1  }
0x9c: {  	s16 =	simm.s32 $_scs_section_size  }
0x9d: {  	s3 =	simm.s32 $_size__tile_overlayer_lowered;
	s4 =	simm.s32 $_tile_overlayer_lowered  }
0x9e: {  	s5 =	simm.s32 $0x1BFF;
	s17 =	sshll.u32 s4, $0x1;
	s2 =	sadd.s32 s16, s15  }
0x9f: {  	s18 =	simm.s32 $0x0;
	s3 =	sshll.u32 s3, $0x1;
	s4 =	sadd.s32 s17, s2  }
0xa0: {  	[timem:s18], [sflag:s5] =	dma.local [hbm:s4], s3  }
0xa1: {  	_ =	swait.ge [sflag:s5], s3  }
0xa2: {  	s3 =	ssub.s32 $0x0, s3;
	[sflag:s5] =	ssyncset.done $0x0  }
0xa3: {  	[sflag:s5] =	ssyncadd.s32 s3;
	_ =	sdelay $0x1  }
0xa4: {  	s19 =	simm.s32 $0x1B8B  }
0xa5: {  	_ =	swait.ge [sflag:s19], $0x1  }
0xa6: {  	[sflag:s19] =	ssyncset.done $0x0  }
0xa7: {  	s21 =	simm.s32 $0x1B8E;
	s20 =	sld [smem:$0x3FFE];
	[sflag:s19] =	ssyncadd.s32 $0xFFFFFFFF  }
0xa8: {  	s22 =	simm.s32 $execute0_lowered;
	[smem:$0x3FD2] =	sst s21  }
0xa9: {  	s4 =	sshll.u32 s22, $0x1;
	_ =	strace $0x8000004C;
	[dreg:$0x1] =	wrdreg $0xFFFFFFFF  }
0xaa: {  	s23 =	simm.s32 $_size_execute0_lowered;
	s4 =	sadd.s32 s2, s4;
	[dreg:$0x0] =	wrdreg $0x0  }
0xab: {  	s5 =	sshll.u32 s23, $0x1;
	[dreg:$0x2] =	wrdreg s4  }
0xac: {  	[dreg:$0x3] =	wrdreg s5  }
0xad: {  	[dreg:$0x4] =	wrdreg $0xC0  }
0xae: {  	s24 =	simm.s32 $execute1_lowered;
	_ =	task [dreg:s18], $0x5FFFF  }
0xaf: {  	s4 =	sshll.u32 s24, $0x1;
	[dreg:$0x1] =	wrdreg $0xFFFFFFFF  }
0xb0: {  	s2 =	sadd.s32 s2, s4;
	[dreg:$0x0] =	wrdreg $0x60  }
0xb1: {  	[dreg:$0x2] =	wrdreg s2  }
0xb2: {  	[dreg:$0x3] =	wrdreg s20  }
0xb3: {  	[dreg:$0x4] =	wrdreg $0xB  }
0xb4: {  	_ =	task.clear_ibuf [dreg:s18], $0x5FFFF;
	_ =	strace $0x9000004C  }
0xb5: {  	s25 =	simm.s32 $0xB;
	_ =	strace $0x8000004E  }
0xb6: {  	_ =	swait.ge [sflag:s25], $0x1  }
0xb7: {  	[sflag:s25] =	ssyncadd.s32 $0xFFFFFFFF  }
0xb8: {  	_ =	strace $0x9000004E  }
0xb9: {  	_ =	strace $0x8000004F;
	[dreg:$0x1] =	wrdreg $0xFFFFFFFF  }
0xba: {  	[dreg:$0x0] =	wrdreg $0x2030  }
0xbb: {  	[dreg:$0x2] =	wrdreg s20  }
0xbc: {  	[dreg:$0x3] =	wrdreg s1  }
0xbd: {  	[dreg:$0x4] =	wrdreg $0xC  }
0xbe: {  	_ =	task.clear_ibuf [dreg:s18], $0x5FFFF;
	_ =	strace $0x9000004F  }
0xbf: {  	s26 =	simm.s32 $0xC;
	_ =	strace $0x80000051  }
0xc0: {  	_ =	swait.ge [sflag:s26], $0x1  }
0xc1: {  	[sflag:s26] =	ssyncadd.s32 $0xFFFFFFFF  }
0xc2: {  	_ =	strace $0x90000051  }
0xc3: {  	_ =	sfence  }
0xc4: {  	s28 =	sld [smem:$0x0];
	_ =	sdelay $0x1  }
0xc5: {  	s29 =	srdreg.scid  }
0xc6: {  	s30 =	sshll.u32 s29, $0xD;
	s31 =	sshrl.u32 s29, $0x2  }
0xc7: {  	s3 =	sand.u32 $0x4000, s30;
	s2 =	sand.u32 $0x1, s29;
	s1 =	sadd.s32 s31, s28  }
0xc8: {  	s2 =	sor.u32 s3, s2;
	s1 =	sshll.u32 s1, $0x11  }
0xc9: {  	s1 =	sor.u32 s1, s2  }
0xca: {  	s1 =	sadd.s32 $0x8F2B, s1  }
0xcb: {  	[sflag:s1] =	ssyncadd.remote.s32 $0x1  }
0xcc: {  	_ =	sfence.sel $0xFFFF  }
0xcd: {  	[dreg:$0x0] =	wrdreg $0xFFFFFFFF;
	(pc) =	sbr.abs _section_cstart, $3  }
0xce: {  	[dreg:$0x1] =	wrdreg $0xFFFFFFFF  }
0xcf: {  	_ =	task.clear_ibuf [dreg:s18], $0x2FFFF;
	_ =	strace $0x9FFFFFFF  }
0xd0: {  	(tm) =	ssettm $0x7FFFFFFF  }
0xd1: {  	_ =	shalt  }
tec
execute0_lowered:
.L_overlay_start_1:
0x0: {  	(tag) =	ssettag $0x1  }
0x1: {  	s2 =	rddreg [dreg:$0x0]  }
0x2: {  	s4 =	rddreg [dreg:$0x1]  }
0x3: {  	s0 =	rddreg [dreg:$0x2];
	s5 =	stileid.u32;
	[bflag:$0x3] =	sbarrier.arrive $0xFFFF  }
0x4: {  	s1 =	simm.s32 $_size_execute1_lowered;
	s9 =	simm.s32 $0x1;
	s31 =	simm.s32 $0x2  }
0x5: {  	s10 =	simm.s32 $0x0;
	p0 =	sne.s32 s5, $0x0;
	s1 =	sshll.u32 s1, $0x1  }
0x6: {  	p1 =	seq.s32 s5, $0x0;
	s3 =	simm.s32 @!p0 $0x1C3F;
	s6 =	simm.s32 @!p0 $0x4060  }
0x7: {  	[timem:s6], [sflag:s3] =	dma.local @!p0 [hbm:s2], s1  }
0x8: {  	s9 =	simm.s32 @!p1 $0x0;
	s2 =	smul.u32 $0x280, s5;
	s6 =	simm.s32 @!p0 $0x2800  }
0x9: {  	s3 =	simm.s32 $0x0;
	s5 =	simm.s32 $0x1;
	s6 =	simm.s32 @p0 $0x0  }
.Ltmp0:
0xa: {  	_ =	strace $0x8000004D;
	s8 =	ssub.s32 $0x2800, s2;
	(pc) =	sbr.rel .LBB2_1-.Ltmp0, $4  }
0xb: {  	s30 =	sshrl.u32 s2, $0x3;
	p1 =	sne.s32 s8, s6;
	s6 =	simm.s32 $0x1  }
0xc: {  	[sflag:s5] =	ssyncpa.u1 $0x0;
	s7 =	sadd.s32 s30, s4;
	s6 =	simm.s32 @!p1 $0x0  }
0xd: {  	s4 =	sadd.s32 $0x15AA00, s4;
	[sflag:s31] =	ssyncpa.u1 $0x0;
	s6 =	sadd.s32 s9, s6  }
0xe: {  	s7 =	sadd.s32 $0x14FC00, s7;
	s9 =	simm.s32 $0x0;
	s8 =	sadd.s32 $0x1, s6  }
.LBB2_7:
0xf: {  	p2 =	sne.s32 s9, s8  }
.Ltmp1:
0x10: {  	p1 =	slt.u32 s9, $0x2;
	(pc) =	sbr.rel @!p2 .LBB2_8-.Ltmp1, $4  }
0x11: {  	s10 =	simm.s32 @!p1 $0x2  }
0x12: {  	_ =	swait.ge @!p1 [sflag:s10], $0x280  }
0x13: {  	s11 =	sadd.s32 $0x1, s9;
	[sflag:s10] =	ssyncset.done @!p1 $0x0  }
0x14: {  	s9 =	smov.u32 s11;
	[sflag:s10] =	ssyncadd.s32 @!p1 $0xFFFFFD80;
	s10 =	smov.u32 s2  }
.LBB2_1:
0x15: {  	p1 =	sge.u32 s9, s6  }
0x16: {  	s11 =	sxor.u32 @!p1 $0x1, s9  }
0x17: {  	s11 =	smul.u32 @!p1 $0xA00, s11;
	_ =	sdelay $0x1  }
0x18: {  	s31 =	sadd.s32 $0xFFFFFFFF, s9;
	s12 =	simm.s32 @!p1 $0x0;
	s11 =	sshra.s32 @!p1 s11, $0x2  }
0x19: {  	[tilespmem:s11], [sflag:$0x1] =	stream.linear.gather @!p1 [hbm4b:s7+s12], $0x280, $0x38;
	[tilespmem:$0xA00] =	vst v63  }
0x1a: {  	p1 =	sge.u32 s31, s6  }
.Ltmp2:
0x1b: {  	_ = 	snop;
	(pc) =	sbr.rel @p1 .LBB2_7-.Ltmp2, $1  }
0x1c: {  	_ =	sdelay $0x3  }
0x1d: {  	s11 =	sand.u32 $0x1, s9  }
0x1e: {  	s12 =	simm.s32 $0x280;
	p1 =	seq.s32 s11, $0x1  }
0x1f: {  	s12 =	simm.s32 @!p1 $0x0  }
0x20: {  	v0 =	vmov s12  }
0x21: {  	_ =	swait.ge [sflag:s5], $0x280  }
0x22: {  	[sflag:s5] =	ssyncset.done $0x0;
	s11 =	sor.u32 $0x500, s12  }
0x23: {  	s13 =	simm.s32 $0x0;
	[sflag:s5] =	ssyncadd.s32 $0xFFFFFD80;
	p1 =	por $0x1, $0x1;
	v1 =	vmov s11  }
.LBB2_3:
0x24: {  	s14 =	sor.u32 $0x10, s13  }
0x25: {  	v2 =	vld.idx.msk [tilespmem:v0+s14+$0x0 ss:$0x1], $0xffff  }
0x26: {  	s15 =	sor.u32 $0x20, s13;
	v60 =	vld.idx.msk [tilespmem:v0+s13+$0x0 ss:$0x1], $0xffff  }
0x27: {  	s16 =	sor.u32 $0x30, s13;
	v3 =	vld.idx.msk [tilespmem:v0+s15+$0x0 ss:$0x1], $0xffff  }
0x28: {  	s17 =	sor.u32 $0x40, s13;
	v4 =	vld.idx.msk [tilespmem:v0+s16+$0x0 ss:$0x1], $0xffff  }
0x29: {  	s19 =	sor.u32 $0x60, s13;
	v5 =	vld.idx.msk [tilespmem:v0+s17+$0x0 ss:$0x1], $0xffff  }
0x2a: {  	s18 =	sor.u32 $0x50, s13;
	[tilespmem:v1+s14+$0x0 ss:$0x1] =	vst.idx.msk $0xffff, v2;
	v2 =	vld.idx.msk [tilespmem:v0+s19+$0x0 ss:$0x1], $0xffff  }
0x2b: {  	s23 =	sor.u32 $0x80, s13;
	v6 =	vld.idx.msk [tilespmem:v0+s18+$0x0 ss:$0x1], $0xffff;
	[tilespmem:v1+s13+$0x0 ss:$0x1] =	vst.idx.msk $0xffff, v60  }
0x2c: {  	s24 =	sor.u32 $0x90, s13;
	v58 =	vld.idx.msk [tilespmem:v0+s23+$0x0 ss:$0x1], $0xffff;
	[tilespmem:v1+s15+$0x0 ss:$0x1] =	vst.idx.msk $0xffff, v3  }
0x2d: {  	s22 =	sor.u32 $0x70, s13;
	v59 =	vld.idx.msk [tilespmem:v0+s24+$0x0 ss:$0x1], $0xffff;
	[tilespmem:v1+s16+$0x0 ss:$0x1] =	vst.idx.msk $0xffff, v4  }
0x2e: {  	s25 =	sor.u32 $0xA0, s13;
	v3 =	vld.idx.msk [tilespmem:v0+s22+$0x0 ss:$0x1], $0xffff;
	[tilespmem:v1+s17+$0x0 ss:$0x1] =	vst.idx.msk $0xffff, v5  }
0x2f: {  	s28 =	sor.u32 $0xC0, s13;
	[tilespmem:v1+s19+$0x0 ss:$0x1] =	vst.idx.msk $0xffff, v2;
	v2 =	vld.idx.msk [tilespmem:v0+s25+$0x0 ss:$0x1], $0xffff  }
0x30: {  	s29 =	sor.u32 $0xD0, s13;
	v61 =	vld.idx.msk [tilespmem:v0+s28+$0x0 ss:$0x1], $0xffff;
	[tilespmem:v1+s18+$0x0 ss:$0x1] =	vst.idx.msk $0xffff, v6  }
0x31: {  	s30 =	sor.u32 $0xE0, s13;
	v62 =	vld.idx.msk [tilespmem:v0+s29+$0x0 ss:$0x1], $0xffff;
	[tilespmem:v1+s23+$0x0 ss:$0x1] =	vst.idx.msk $0xffff, v58  }
0x32: {  	s26 =	sor.u32 $0xB0, s13;
	v63 =	vld.idx.msk [tilespmem:v0+s30+$0x0 ss:$0x1], $0xffff;
	[tilespmem:v1+s24+$0x0 ss:$0x1] =	vst.idx.msk $0xffff, v59  }
0x33: {  	s31 =	sor.u32 $0xF0, s13;
	[tilespmem:v1+s22+$0x0 ss:$0x1] =	vst.idx.msk $0xffff, v3;
	v3 =	vld.idx.msk [tilespmem:v0+s26+$0x0 ss:$0x1], $0xffff  }
0x34: {  	p2 =	por p1, p1;
	[tilespmem:v1+s25+$0x0 ss:$0x1] =	vst.idx.msk $0xffff, v2;
	v2 =	vld.idx.msk [tilespmem:v0+s31+$0x0 ss:$0x1], $0xffff  }
.Ltmp3:
0x35: {  	[tilespmem:v1+s28+$0x0 ss:$0x1] =	vst.idx.msk $0xffff, v61;
	(pc) =	sbr.rel @p2 .LBB2_3-.Ltmp3, $4  }
0x36: {  	[tilespmem:v1+s29+$0x0 ss:$0x1] =	vst.idx.msk $0xffff, v62  }
0x37: {  	[tilespmem:v1+s30+$0x0 ss:$0x1] =	vst.idx.msk $0xffff, v63  }
0x38: {  	[tilespmem:v1+s26+$0x0 ss:$0x1] =	vst.idx.msk $0xffff, v3  }
0x39: {  	p1 =	por $0x0, $0x0;
	s13 =	simm.s32 $0x100;
	[tilespmem:v1+s31+$0x0 ss:$0x1] =	vst.idx.msk $0xffff, v2  }
0x3a: {  	s13 =	sadd.s32 $0x700, s12;
	s12 =	sadd.s32 $0x200, s12;
	s14 =	simm.s32 $0x1F0  }
.LBB2_5:
0x3b: {  	s14 =	sadd.s32 $0x10, s14  }
0x3c: {  	v0 =	vld [tilespmem:s12+$0x0];
	p1 =	slt.u32 s14, $0x270  }
.Ltmp4:
0x3d: {  	_ = 	snop;
	(pc) =	sbr.rel @p1 .LBB2_5-.Ltmp4, $2  }
0x3e: {  	_ =	sdelay $0x2  }
0x3f: {  	s12 =	sadd.s32 $0x10, s12;
	[tilespmem:s13+$0x0] =	vst v0;
	s13 =	sadd.s32 $0x10, s13  }
.Ltmp5:
0x40: {  	(pc) =	sbr.rel .LBB2_7-.Ltmp5, $4  }
0x41: {  	_ = 	snop  }
0x42: {  	s10 =	sshrl.u32 s10, $0x3  }
0x43: {  	s10 =	sadd.s32 s4, s10  }
0x44: {  	[hbm4b:s10+s3] =	stream.linear.scatter [tilespmem:s11], [sflag:$0x2], $0x280, $0x38;
	[tilespmem:$0xA00] =	vst v63  }
.LBB2_8:
0x45: {  	_ =	sfence.sel $0x180000  }
0x46: {  	s2 =	simm.s32 $0x1;
	[bflag:$0x0] =	sbarrier.arrive $0xFFFF  }
0x47: {  	s31 =	simm.s32 $0x2;
	[sflag:s2] =	ssyncpa.u1 $0x1  }
0x48: {  	[sflag:s31] =	ssyncpa.u1 $0x1  }
0x49: {  	_ =	strace $0x9000004D  }
0x4a: {  	s0 =	sadd.s32 @!p0 $0x100000, s0;
	[bflag:$0x2] =	sbarrier.arrive $0xFFFF  }
0x4b: {  	[sflag:s0] =	ssyncadd.tile.s32 @!p0 $0x1;
	s0 =	simm.s32 @!p0 $0x3F  }
0x4c: {  	_ =	swait.ge @!p0 [sflag:s0], s1  }
0x4d: {  	s1 =	ssub.s32 @!p0 $0x0, s1;
	[sflag:s0] =	ssyncset.done @!p0 $0x0  }
0x4e: {  	[sflag:s0] =	ssyncadd.s32 @!p0 s1  }
0x4f: {  	[bflag:$0x3] =	sbarrier.arrive $0xFFFF  }
0x50: {  	_ =	shalt  }
.Lfunc_end2:
execute1_lowered:
.L_overlay_start_2:
0x51: {  	(tag) =	ssettag $0x2  }
0x52: {  	s0 =	rddreg [dreg:$0x0];
	_ =	strace $0x80000050;
	s1 =	simm.s32 $0x1  }
0x53: {  	v1 =	vimm.s32 $0xFFFFFFFF;
	[sflag:s1] =	ssyncpa.u1 $0x0  }
0x54: {  	[tilespmem:$0x10] =	vst v1  }
0x55: {  	v0 =	vimm.f32 $0.0e+00;
	[tilespmem:$0x20] =	vst v1  }
0x56: {  	s10 =	stileid.u32;
	s2 =	simm.s32 $0x6000;
	s30 =	simm.s32 $0x2;
	[tilespmem:$0x30] =	vst v0  }
0x57: {  	s7 =	simm.s32 $0x7;
	s8 =	simm.s32 $0x8;
	s31 =	simm.s32 $0x9;
	[tilespmem:$0x40] =	vst v0  }
0x58: {  	s16 =	simm.s32 $0x0;
	s17 =	simm.s32 $0xFFFFE000;
	s18 =	simm.s32 $0xF0;
	[tilespmem:$0x50] =	vst v0  }
0x59: {  	s19 =	simm.s32 $0xFFFFFFFF;
	s20 =	simm.s32 $0xFFFFC100;
	s21 =	simm.s32 $0xFFFFFFFE;
	[tilespmem:$0x60] =	vst v1  }
0x5a: {  	s22 =	simm.s32 $0xF;
	s29 =	smin.u32 s10, $0x8;
	s4 =	sshll.u32 s10, $0x1;
	[tilespmem:$0x70] =	vst v1  }
0x5b: {  	s26 =	simm.s32 $0x0;
	p0 =	slt.u32 s10, $0x8;
	s1 =	sadd.s32 s29, s4;
	[tilespmem:$0x80] =	vst v1  }
0x5c: {  	s25 =	simm.s32 $0x0;
	v1 =	vimm.s32 $0x0;
	s2 =	simm.s32 @!p0 $0x4000;
	[tilespmem:$0xB0] =	vst v0;
	s5 =	sshll.u32 s1, $0xD  }
0x5d: {  	s15 =	sshllo.u32 s10, $0x1;
	s13 =	sor.u32 $0x80, s4;
	[tilespmem:$0x90] =	vst v1;
	s1 =	sadd.s32 s2, s5  }
0x5e: {  	s14 =	sor.u32 $0x81, s4;
	[tilespmem:$0xA0] =	vst v1;
	[sflag:s30] =	ssyncpa.u1 $0x0;
	s6 =	smin.u32 s1, $0x50000  }
.Ltmp6:
0x5f: {  	[sflag:s7] =	ssyncpa.u1 $0x0;
	s3 =	ssub.s32 s6, s5;
	(pc) =	sbr.rel .LBB3_1-.Ltmp6, $4  }
0x60: {  	s24 =	smov.u32 s5;
	s1 =	sadd.s32 $0x15AA00, s0;
	p0 =	sgt.s32 s3, $0x0  }
0x61: {  	[sflag:s8] =	ssyncpa.u1 $0x0;
	s0 =	sadd.s32 $0x150A00, s0;
	s3 =	simm.s32 @!p0 $0x0  }
0x62: {  	vm0 =	vmmov $0xffff;
	v2 =	vlaneseq.u32;
	[dreg:$0x3] =	wrdreg s0;
	[sflag:s31] =	ssyncpa.u1 $0x0;
	s9 =	sshrl.u32 s3, $0xD  }
0x63: {  	vm1 =	vmxor vm1, vm1;
	vm2 =	vmmov $0x1;
	vm3 =	vcmask $0x3F3C;
	p0 =	por $0x0, $0x0;
	s11 =	sadd.s32 $0x1, s9;
	s12 =	sadd.s32 $0x2, s9  }
.LBB3_9:
0x64: {  	p1 =	slt.u32 s25, $0x3  }
0x65: {  	s0 =	simm.s32 @!p1 $0x2  }
0x66: {  	_ =	swait.ge @!p1 [sflag:s0], $0x2000  }
0x67: {  	[sflag:s0] =	ssyncset.done @!p1 $0x0  }
0x68: {  	[sflag:s0] =	ssyncadd.s32 @!p1 $0xFFFFE000;
	s0 =	simm.s32 @!p1 $0x9  }
0x69: {  	_ =	swait.ge @!p1 [sflag:s0], $0x10  }
0x6a: {  	s2 =	sadd.s32 $0x2000, s24;
	[sflag:s0] =	ssyncset.done @!p1 $0x0  }
0x6b: {  	[sflag:s0] =	ssyncadd.s32 @!p1 $0xFFFFFFF0;
	p1 =	slt.s32 s2, s6;
	s0 =	smov.u32 s5  }
0x6c: {  	s0 =	smov.u32 @p1 s2;
	p1 =	sne.s32 s25, s12  }
.Ltmp7:
0x6d: {  	_ = 	snop;
	(pc) =	sbr.rel @!p1 .LBB3_10-.Ltmp7, $4  }
0x6e: {  	s31 =	sadd.s32 $0x1, s25  }
0x6f: {  	s17 =	sadd.s32 $0x2000, s17;
	s18 =	sadd.s32 $0x2000, s18;
	s19 =	sadd.s32 $0x1, s19  }
0x70: {  	s26 =	smov.u32 s24;
	p0 =	por !p0, !p0;
	s20 =	sadd.s32 $0x2000, s20  }
0x71: {  	s21 =	sadd.s32 $0x1, s21;
	s25 =	smov.u32 s31;
	s24 =	smov.u32 s0  }
.LBB3_1:
0x72: {  	p1 =	sge.u32 s25, s9  }
0x73: {  	s0 =	smulhi.u32 @!p1 $0xAAAAAAAB, s25;
	_ =	sdelay $0x1  }
0x74: {  	s0 =	sshrl.u32 @!p1 s0, $0x1  }
0x75: {  	s0 =	smul.u32 @!p1 $0x3, s0;
	_ =	sdelay $0x1  }
0x76: {  	s0 =	ssub.s32 @!p1 s25, s0  }
0x77: {  	s3 =	rddreg [dreg:$0x1];
	s2 =	sshrl.u32 @!p1 s24, $0x3;
	s0 =	sshll.u32 @!p1 s0, $0xD  }
0x78: {  	s2 =	sadd.s32 @!p1 s3, s2;
	s3 =	sand.u32 @!p1 $0x7, s24;
	s0 =	sor.u32 @!p1 $0x100, s0  }
0x79: {  	[tilespmem:s0], [sflag:$0x7] =	stream.linear.gather @!p1 [hbm4b:s2+s3], $0x2000, $0x38;
	[tilespmem:$0x12120] =	vst v63  }
0x7a: {  	s2 =	sadd.s32 $0xFFFFFFFF, s25  }
0x7b: {  	p1 =	sge.u32 s2, s9  }
.Ltmp8:
0x7c: {  	_ = 	snop;
	(pc) =	sbr.rel @p1 .LBB3_5-.Ltmp8, $1  }
0x7d: {  	_ =	sdelay $0x3  }
0x7e: {  	s0 =	smulhi.u32 $0xAAAAAAAB, s2;
	_ =	sdelay $0x1  }
0x7f: {  	s0 =	sshrl.u32 s0, $0x1  }
0x80: {  	s0 =	smul.u32 $0x3, s0;
	_ =	sdelay $0x1  }
0x81: {  	s0 =	ssub.s32 s2, s0  }
0x82: {  	_ =	swait.ge [sflag:s7], $0x2000;
	s0 =	sshll.u32 s0, $0xD  }
0x83: {  	[sflag:s7] =	ssyncset.done $0x0;
	s0 =	sor.u32 $0x100, s0  }
0x84: {  	[sflag:s7] =	ssyncadd.s32 $0xFFFFE000;
	(ifvalue) =	ssetifvalue $0xFFFFFFFF;
	v3 =	vld.msk [tilespmem:s0+$0x0 ss:$0x1], $0xffff;
	_ =	sdelay $0x2  }
0x85: {  	s29 =	smulhi.u32 $0xAAAAAAAB, s19;
	p1 =	sne.s32 s25, $0x1  }
0x86: {  	v4 =	vimm.s32 @!p1 $0x0  }
0x87: {  	s0 =	sshrl.u32 s29, $0x1;
	v4 =	vperm.xlane @!p1 v3, v4  }
0x88: {  	s3 =	sshll.u32 s25, $0x4;
	s0 =	smul.u32 $0xFFFE8000, s0;
	vm4 =	vlt.u32 v3, $0x2800  }
0x89: {  	s3 =	sand.u32 $0x10, s3;
	v3 =	vnsel vm4, $0xFFFFFFFE, v3;
	vm4 =	vlt.u32 @!p1 v4, $0x2800  }
0x8a: {  	s0 =	sshra.s32 s0, $0x2;
	[tilespmem:s3+$0x60] =	vst v3;
	v3 =	vnsel @!p1 vm4, $0xFFFFFFFE, v4  }
0x8b: {  	s28 =	sadd.s32 s0, s18;
	[tilespmem:$0x80] =	vst @!p1 v3  }
0x8c: {  	v3 =	vld.msk [tilespmem:s28+$0x0 ss:$0x1], $0xffff;
	_ =	sdelay $0x4  }
0x8d: {  	(xrf1) =	vunique.msk.u32 $0xffff, v3;
	_ =	sdelay $0xd  }
0x8e: {  	v4 =	vimm.s32 $0xFFFFFFFF;
	v5, _, _ =	vpop (xrf1)  }
0x8f: {  	vm5 =	vne.s32 v3, v4;
	vm4 =	veq.s32 v5, v2  }
0x90: {  	vm6 =	vlt.u32 v3, $0x2800;
	vm4 =	vmand vm5, vm4  }
0x91: {  	vm4 =	vmand vm6, vm4  }
0x92: {  	v4 =	vnsel vm4, $0xFFFFFFFF, v3;
	_ =	sdelay $0x2  }
0x93: {  	s30 =	sand.u32 $0x2000, s17  }
0x94: {  	s31 =	sshll.u32 s2, $0xD;
	s0 =	sor.u32 $0x80F0, s30;
	(ifvalue) =	ssetifvalue $0xFFFFFFFF  }
0x95: {  	v3 =	vperm.xlane v3, v1;
	[tilespmem:s0], [sflag:$0x8] =	stream.indirect_vreg.gather [hbm4b:s1+s16], $0x1, v4, vm0, $0x4038;
	v4 =	vnsel vm6, $0xFFFFFFFE, v4;
	[tilespmem:$0x12120] =	vst v63  }
0x96: {  	s23 =	simm.s32 $0x0;
	s2 =	sand.u32 $0x2000, s31;
	s3 =	sadd.s32 $0xFFFFFFF0, s28;
	[tilespmem:s28+$0x0] =	vst v4  }
.LBB3_3:
0x97: {  	v4 =	vld.msk [tilespmem:s3+$0x0 ss:$0x1], $0xffff;
	s23 =	sadd.s32 $0x10, s23;
	v5 =	vmov v3;
	s28 =	smov.u32 s3  }
0x98: {  	p1 =	slt.u32 s23, $0x1FF0;
	_ =	sdelay $0x4  }
0x99: {  	v3 =	vperm.xlane v4, v1;
	(xrf1) =	vunique.msk.u32 $0xffff, v4;
	_ =	sdelay $0xd  }
0x9a: {  	v6, _, _ =	vpop (xrf1)  }
0x9b: {  	vm5 =	vne.s32 v4, v5;
	vm4 =	veq.s32 v6, v2  }
0x9c: {  	vm6 =	vlt.u32 v4, $0x2800;
	vm4 =	vmand vm5, vm4  }
0x9d: {  	vm4 =	vmand vm6, vm4  }
0x9e: {  	v4 =	vnsel vm4, $0xFFFFFFFF, v4  }
.Ltmp9:
0x9f: {  	v5 =	vnsel vm6, $0xFFFFFFFE, v4;
	(pc) =	sbr.rel @p1 .LBB3_3-.Ltmp9, $3  }
0xa0: {  	_ =	sdelay $0x1  }
0xa1: {  	s3 =	sadd.s32 $0xFFFFFFF0, s3;
	s0 =	sadd.s32 $0xFFFFFFF0, s0;
	(ifvalue) =	ssetifvalue $0xFFFFFFFF  }
0xa2: {  	[tilespmem:s0], [sflag:$0x8] =	stream.indirect_vreg.gather [hbm4b:s1+s16], $0x1, v4, vm0, $0x4038;
	[tilespmem:s28+$0x0] =	vst v5  }
0xa3: {  	s0 =	sshrl.u32 s26, $0x3;
	s3 =	rddreg [dreg:$0x3]  }
0xa4: {  	s2 =	sadd.s32 $0xA100, s2;
	s0 =	sadd.s32 s3, s0  }
0xa5: {  	[tilespmem:s2], [sflag:$0x8] =	stream.linear.gather [hbm:s0], $0x2000, $0x38;
	[tilespmem:$0x12120] =	vst v63  }
.LBB3_5:
0xa6: {  	p1 =	slt.u32 s25, $0x2  }
0xa7: {  	p2 =	sge.u32 @!p1 s25, s12  }
0xa8: {  	p1 =	por p1, p2  }
.Ltmp10:
0xa9: {  	_ = 	snop;
	(pc) =	sbr.rel @p1 .LBB3_9-.Ltmp10, $1  }
0xaa: {  	_ =	sdelay $0x3  }
0xab: {  	s0 =	sadd.s32 $0xFFFFFFFE, s25  }
0xac: {  	s2 =	smulhi.u32 $0xAAAAAAAB, s0;
	_ =	sdelay $0x1  }
0xad: {  	s2 =	sshrl.u32 s2, $0x1  }
0xae: {  	s2 =	smul.u32 $0x3, s2;
	_ =	sdelay $0x1  }
0xaf: {  	_ =	swait.ge [sflag:s8], $0x4000;
	s0 =	ssub.s32 s0, s2  }
0xb0: {  	p1 =	sne.s32 s25, s11;
	[sflag:s8] =	ssyncset.done $0x0;
	s0 =	sshll.u32 s0, $0xD  }
0xb1: {  	[sflag:s8] =	ssyncadd.s32 $0xFFFFC000;
	s2 =	sadd.s32 @!p1 $0x20FF, s0  }
0xb2: {  	[spmem:s14] =	stream.linear.scatter @!p1 [tilespmem:s2], [sflag:$0x1], $0x1, $0x38;
	[tilespmem:$0x12120] =	vst v63  }
0xb3: {  	s2 =	simm.s32 @!p1 $0x1  }
0xb4: {  	_ =	swait.ge @!p1 [sflag:s2], $0x1  }
0xb5: {  	s3 =	sshll.u32 s25, $0x4;
	[sflag:s2] =	ssyncset.done @!p1 $0x0  }
0xb6: {  	s26 =	sand.u32 $0x10, s3;
	[sflag:s2] =	ssyncadd.s32 @!p1 $0xFFFFFFFF  }
0xb7: {  	s2 =	sxor.u32 $0x10, s26;
	v4 =	vld [tilespmem:s26+$0x10]  }
0xb8: {  	v5 =	vld [tilespmem:s2+$0x60]  }
0xb9: {  	v3 =	vld [tilespmem:$0x80];
	_ =	sdelay $0x2  }
0xba: {  	(v2sf) =	vpush v4, $0x0  }
0xbb: {  	(v2sf) =	vpush v5, $0x0  }
0xbc: {  	(v2sf) =	vpush v3, $0x0;
	_ =	sdelay $0xc  }
0xbd: {  	s10 =	spop (v2sf)  }
0xbe: {  	s23 =	spop (v2sf)  }
0xbf: {  	s29 =	spop (v2sf)  }
0xc0: {  	p2 =	seq.s32 s10, s23;
	p3 =	seq.s32 s29, s10  }
0xc1: {  	p3 =	por p2, p3  }
0xc2: {  	v4 =	vpsel p3, $0xFFFFFFFF, v4  }
0xc3: {  	s23 =	sand.u32 $0x1, s25;
	[tilespmem:s26+$0x10] =	vst.msk $0x1, v4  }
0xc4: {  	s30 =	sshll.u32 s23, $0xD;
	v4 =	vld [tilespmem:$0x30]  }
0xc5: {  	v5 =	vld [tilespmem:s30+$0xA100]  }
0xc6: {  	v6 =	vld [tilespmem:s26+$0x40];
	_ =	sdelay $0x3  }
0xc7: {  	vm4 =	vmmov vm1;
	v5 =	vadd.f32 v5, v4  }
0xc8: {  	vm5 =	vmmov vm2;
	vm4 =	vmmov @p2 vm2;
	s3 =	sshll.u32 s23, $0x4;
	v4 =	vadd.f32 v6, v4  }
0xc9: {  	s28 =	sor.u32 $0x12100, s3;
	vm5 =	vmmov @p3 vm1;
	[tilespmem:s30+$0xA100] =	vst.msk vm4, v5  }
0xca: {  	[tilespmem:s28+$0x0] =	vst.msk vm5, v4  }
0xcb: {  	v4 =	vld [tilespmem:s30+$0x80F0];
	_ =	sdelay $0x3  }
0xcc: {  	v5 =	vimm.f32 $0.0e+00  }
0xcd: {  	v4 =	vshift.insert v4, v5, s22  }
0xce: {  	s10 =	sor.u32 $0x40, s2  }
0xcf: {  	[tilespmem:s10+$0x0] =	vst.msk $0x1, v4  }
0xd0: {  	[tilespmem:s30+$0x80FF] =	vst.msk $0x1, v5  }
0xd1: {  	v4 =	vld [tilespmem:s0+$0x20F0];
	_ =	sdelay $0x1  }
0xd2: {  	s23 =	smulhi.u32 $0xAAAAAAAB, s21;
	_ =	sdelay $0x1  }
0xd3: {  	s3 =	simm.s32 $0x1;
	s0 =	sshrl.u32 s23, $0x1  }
0xd4: {  	s3 =	simm.s32 @!p0 $0x0;
	s0 =	smul.u32 $0xFFFE8000, s0;
	v4 =	vshift.insert v4, v1, s22  }
0xd5: {  	s3 =	sshll.u32 s3, $0xD  }
0xd6: {  	s31 =	sadd.s32 $0xA100, s3;
	s0 =	sshra.s32 s0, $0x2;
	[tilespmem:s2+$0x10] =	vst.msk $0x1, v4  }
0xd7: {  	s10 =	sadd.s32 s0, s20;
	v6 =	vld [tilespmem:s31+$0x0]  }
0xd8: {  	v7 =	vld [tilespmem:s10+$0x0];
	_ =	sdelay $0x3  }
0xd9: {  	v5 =	vadd.f32 v6, v5  }
0xda: {  	vm4 =	vne.s32 v7, $0xFFFFFFFF  }
0xdb: {  	(xrf2) =	vadd.seg.scan.f32 vm4, v5;
	_ =	sdelay $0x3  }
0xdc: {  	s0 =	sadd.s32 $0x6100, s3;
	v5 =	vperm.xlane v4, v1  }
0xdd: {  	v6 =	vld [tilespmem:s0+$0x0]  }
0xde: {  	vm5 =	veq.s32 v7, v3;
	vm6 =	veq.s32 v7, v5  }
0xdf: {  	vm7 =	vgt.u32 v7, $0xFFFFFFFD;
	vm6 =	vmor vm6, vm5  }
0xe0: {  	vm6 =	vmor vm6, vm7  }
0xe1: {  	v9 =	vld [tilespmem:$0xA0];
	v7 =	vsel vm6, $0xFFFFFFFF, v7  }
0xe2: {  	v10 =	vld [tilespmem:$0x90];
	v6 =	vsel vm5, $0x0, v6;
	v8, _, _ =	vpop (xrf2)  }
0xe3: {  	v6 =	vadd.f32 v8, v6  }
0xe4: {  	s2 =	sadd.s32 $0xE100, s3  }
0xe5: {  	vm4 =	vmand vm4, vm3;
	[tilespmem:s2+$0x0] =	vst v6;
	(ifvalue) =	ssetifvalue $0xFFFFFFFF  }
0xe6: {  	vm6 =	veq.s32 v9, $0x1;
	[hbm4b:s1+s16] =	stream.indirect_vreg.scatter [tilespmem:s2], [sflag:$0x2], $0x1, v7, vm0, $0x4038;
	v7 =	vsel vm4, $0x0, v8;
	[tilespmem:$0x12120] =	vst v63  }
0xe7: {  	s23 =	simm.s32 $0x0;
	s3 =	sadd.s32 $0x10, s10;
	vm4 =	vmor vm6, vm5;
	v6 =	vsel vm5, v8, v10;
	v7 =	vshift.insert v7, v0, s22  }
.LBB3_7:
0xe8: {  	v8 =	vld [tilespmem:s3+$0x0];
	s31 =	sadd.s32 $0x10, s31  }
0xe9: {  	s0 =	sadd.s32 $0x10, s0;
	v9 =	vld [tilespmem:s31+$0x0]  }
0xea: {  	s23 =	sadd.s32 $0x10, s23;
	v10 =	vld [tilespmem:s0+$0x0]  }
0xeb: {  	p2 =	slt.u32 s23, $0x1FF0;
	_ =	sdelay $0x2  }
0xec: {  	v7 =	vadd.f32 v9, v7  }
0xed: {  	vm5 =	vne.s32 v8, $0xFFFFFFFF  }
0xee: {  	vm6 =	vmand vm5, vm3;
	(xrf2) =	vadd.seg.scan.f32 vm5, v7;
	_ =	sdelay $0x5  }
0xef: {  	vm7 =	veq.s32 v8, v5;
	vm5 =	veq.s32 v8, v3  }
0xf0: {  	vm8 =	vgt.u32 v8, $0xFFFFFFFD;
	vm4 =	vmor vm4, vm5;
	vm7 =	vmor vm7, vm5  }
0xf1: {  	vm7 =	vmor vm7, vm8  }
0xf2: {  	v8 =	vsel vm7, $0xFFFFFFFF, v8  }
.Ltmp11:
0xf3: {  	v7 =	vsel vm5, $0x0, v10;
	v9, _, _ =	vpop (xrf2);
	(pc) =	sbr.rel @p2 .LBB3_7-.Ltmp11, $4  }
0xf4: {  	v6 =	vsel vm5, v9, v6;
	v10 =	vadd.f32 v9, v7;
	v7 =	vsel vm6, $0x0, v9  }
0xf5: {  	s2 =	sadd.s32 $0x10, s2;
	v7 =	vshift.insert v7, v0, s22  }
0xf6: {  	s3 =	sadd.s32 $0x10, s3;
	[tilespmem:s2+$0x0] =	vst v10;
	(ifvalue) =	ssetifvalue $0xFFFFFFFF  }
0xf7: {  	[hbm4b:s1+s16] =	stream.indirect_vreg.scatter [tilespmem:s2], [sflag:$0x2], $0x1, v8, vm0, $0x4038;
	[tilespmem:$0x12120] =	vst v63  }
0xf8: {  	v3 =	vld [tilespmem:s30+$0x100F0];
	_ =	sdelay $0x4  }
0xf9: {  	v3 =	vshift.insert v3, v0, s22  }
0xfa: {  	s0 =	simm.s32 $0x30  }
0xfb: {  	[tilespmem:s0+$0x0] =	vst.msk $0x1, v3  }
0xfc: {  	v3 =	vsel vm4, $0x1, v1;
	[tilespmem:$0x90] =	vst v6  }
0xfd: {  	s0 =	sadd.s32 @!p1 $0x100FF, s30;
	[tilespmem:$0xA0] =	vst v3  }
0xfe: {  	[spmem:s15] =	stream.linear.scatter @!p1 [tilespmem:s0], [sflag:$0x1], $0x1, $0x38;
	[tilespmem:$0x12120] =	vst v63  }
0xff: {  	s0 =	simm.s32 @!p1 $0x1  }
0x100: {  	v3 =	vmctz.xlane @!p1 vm4;
	_ =	swait.ge @!p1 [sflag:s0], $0x1  }
0x101: {  	(v2sf) =	vpush @!p1 v4, $0x0  }
0x102: {  	(v2sf) =	vpush @!p1 v3, $0x0;
	_ =	sdelay $0xd  }
0x103: {  	s2 =	spop @!p1 (v2sf)  }
0x104: {  	s3 =	spop @!p1 (v2sf)  }
0x105: {  	p2 =	sne.s32 @!p1 s29, s2;
	p3 =	slt.s32 @!p1 s3, $0xF  }
0x106: {  	[sflag:s0] =	ssyncset.done @!p1 $0x0;
	p2 =	por p2, p1;
	p3 =	por !p3, p1  }
0x107: {  	[sflag:s0] =	ssyncadd.s32 @!p1 $0xFFFFFFFF;
	v3 =	vimm.s32 @!p2 $0xFFFFFFFF;
	s3 =	simm.s32 @p3 $0xF  }
0x108: {  	[tilespmem:$0x80] =	vst @!p2 v3;
	s2 =	sadd.s32 @!p1 $0x90, s3  }
0x109: {  	[spmem:s4] =	stream.linear.scatter @!p1 [tilespmem:s2], [sflag:$0x1], $0x1, $0x38;
	[tilespmem:$0x12120] =	vst v63  }
0x10a: {  	_ =	swait.ge @!p1 [sflag:s0], $0x1  }
0x10b: {  	[sflag:s0] =	ssyncset.done @!p1 $0x0  }
0x10c: {  	s2 =	simm.s32 @!p1 $0x80;
	[sflag:s0] =	ssyncadd.s32 @!p1 $0xFFFFFFFF  }
0x10d: {  	[spmem:s13] =	stream.linear.scatter @!p1 [tilespmem:s2], [sflag:$0x1], $0x1, $0x38;
	[tilespmem:$0x12120] =	vst v63  }
0x10e: {  	_ =	swait.ge @!p1 [sflag:s0], $0x1  }
0x10f: {  	[sflag:s0] =	ssyncset.done @!p1 $0x0  }
0x110: {  	[sflag:s0] =	ssyncadd.s32 @!p1 $0xFFFFFFFF;
	(ifvalue) =	ssetifvalue $0xFFFFFFFF;
	v3 =	vld [tilespmem:s26+$0x10];
	_ =	sdelay $0x3  }
.Ltmp12:
0x111: {  	_ = 	snop;
	(pc) =	sbr.rel .LBB3_9-.Ltmp12, $3  }
0x112: {  	_ =	sdelay $0x1  }
0x113: {  	(ifvalue) =	ssetifvalue $0xFFFFFFFF  }
0x114: {  	[hbm4b:s1+s16] =	stream.indirect_vreg.scatter [tilespmem:s28], [sflag:$0x9], $0x1, v3, vm0, $0x4038;
	[tilespmem:$0x12120] =	vst v63  }
.LBB3_10:
0x115: {  	_ =	sfence.sel $0x180000  }
0x116: {  	s0 =	simm.s32 $0x7;
	[bflag:$0x0] =	sbarrier.arrive $0xFFFF  }
0x117: {  	s26 =	simm.s32 $0x8;
	[sflag:s0] =	ssyncpa.u1 $0x1  }
0x118: {  	s28 =	simm.s32 $0x9;
	[sflag:s26] =	ssyncpa.u1 $0x1  }
0x119: {  	[sflag:s28] =	ssyncpa.u1 $0x1  }
0x11a: {  	_ =	sfence.stream.spmem  }
0x11b: {  	s29 =	simm.s32 $0x3;
	[bflag:$0x0] =	sbarrier.arrive $0xFFFF  }
0x11c: {  	s30 =	simm.s32 $0x4;
	[sflag:s29] =	ssyncpa.u1 $0x1  }
0x11d: {  	s31 =	simm.s32 $0x3C;
	s2 =	stileid.u32;
	[sflag:s30] =	ssyncpa.u1 $0x1  }
0x11e: {  	p0 =	sne.s32 s2, $0x0;
	[sflag:s31] =	ssyncpa.u1 $0x1  }
0x11f: {  	s0 =	simm.s32 @p0 $0x1;
	_ =	sfence @p0  }
0x120: {  	[sflag:s0] =	ssyncpa.u1 @p0 $0x1;
	s0 =	simm.s32 @p0 $0x2  }
0x121: {  	[sflag:s0] =	ssyncpa.u1 @p0 $0x1  }
0x122: {  	_ =	strace @p0 $0x90000050  }
0x123: {  	[bflag:$0x2] =	sbarrier.arrive @p0 $0xFFFF  }
0x124: {  	_ =	shalt @p0  }
.LBB3_11:
0x125: {  	_ =	sfence.stream.spmem;
	s0 =	simm.s32 $0x5  }
0x126: {  	s2 =	simm.s32 $0x80;
	s3 =	simm.s32 $0xC0;
	[sflag:s0] =	ssyncpa.u1 $0x0  }
0x127: {  	[tilespmem:s3], [sflag:$0x5] =	stream.linear.gather [spmem:s2], $0x20, $0x38;
	[tilespmem:$0x12120] =	vst v63  }
0x128: {  	s2 =	simm.s32 $0x0;
	s3 =	simm.s32 $0xE0  }
0x129: {  	[tilespmem:s3], [sflag:$0x5] =	stream.linear.gather [spmem:s2], $0x20, $0x38;
	[tilespmem:$0x12120] =	vst v63  }
.Ltmp13:
0x12a: {  	_ = 	snop;
	(pc) =	sbr.rel .LBB3_12-.Ltmp13, $4  }
0x12b: {  	_ =	swait.ge [sflag:s0], $0x40  }
0x12c: {  	[sflag:s0] =	ssyncset.done $0x0  }
0x12d: {  	s31 =	simm.s32 $0x6;
	[sflag:s0] =	ssyncadd.s32 $0xFFFFFFC0  }
0x12e: {  	s4 =	simm.s32 $0x0;
	[sflag:s31] =	ssyncpa.u1 $0x0  }
.LBB3_17:
0x12f: {  	p0 =	sgt.u32 s0, $0x27FF  }
0x130: {  	s5 =	sshrl.u32 @!p0 s0, $0x3  }
0x131: {  	s0 =	sand.u32 @!p0 $0x7, s0;
	s6 =	simm.s32 @!p0 $0xB0;
	s5 =	sadd.s32 @!p0 s1, s5  }
0x132: {  	[tilespmem:s6], [sflag:$0x6] =	stream.linear.gather @!p0 [hbm4b:s5+s0], $0x1, $0x38;
	[tilespmem:$0x12120] =	vst v63  }
0x133: {  	s0 =	simm.s32 @!p0 $0x6  }
0x134: {  	_ =	swait.ge @!p0 [sflag:s0], $0x1  }
0x135: {  	[sflag:s0] =	ssyncset.done @!p0 $0x0  }
0x136: {  	[sflag:s0] =	ssyncadd.s32 @!p0 $0xFFFFFFFF  }
0x137: {  	v2 =	vmov @!p0 s4;
	v1 =	vld.msk @!p0 [tilespmem:$0xB0], $0x1;
	_ =	sdelay $0x3  }
0x138: {  	s0 =	simm.s32 @!p0 $0xE0  }
0x139: {  	[tilespmem:v2+s0+$0x0], v1 =	vst.idx.ret.add.f32.msk @!p0 $0x1, v1  }
0x13a: {  	[tilespmem:s2+$0xC0] =	vst.msk $0x1, v0  }
0x13b: {  	v0 =	vld.msk [tilespmem:s4+$0xE0], $0x1;
	_ =	sdelay $0x4  }
0x13c: {  	[tilespmem:s2+$0xE0] =	vst.msk $0x1, v0;
	s2 =	sadd.s32 $0x1, s2  }
.LBB3_19:
0x13d: {  	s4 =	sadd.s32 $0x1, s4  }
0x13e: {  	p0 =	sne.s32 s4, $0x20  }
.Ltmp14:
0x13f: {  	_ = 	snop;
	(pc) =	sbr.rel @!p0 .LBB3_20-.Ltmp14, $1  }
0x140: {  	_ =	sdelay $0x3  }
.LBB3_12:
0x141: {  	v0 =	vld.msk [tilespmem:s4+$0xC0], $0x1;
	_ =	sdelay $0x4  }
0x142: {  	(v2sf) =	vpush v0, $0x0;
	_ =	sdelay $0xe  }
0x143: {  	s0 =	spop (v2sf)  }
0x144: {  	p0 =	seq.s32 s0, $0xFFFFFFFF  }
.Ltmp15:
0x145: {  	_ = 	snop;
	(pc) =	sbr.rel @p0 .LBB3_19-.Ltmp15, $1  }
0x146: {  	_ =	sdelay $0x3  }
0x147: {  	p0 =	slt.s32 s2, $0x1  }
.Ltmp16:
0x148: {  	_ = 	snop;
	(pc) =	sbr.rel @p0 .LBB3_17-.Ltmp16, $1  }
0x149: {  	_ =	sdelay $0x3  }
0x14a: {  	s5 =	simm.s32 $0xC0;
	p0 =	por $0x0, $0x0  }
0x14b: {  	v1 =	vld.msk @!p0 [tilespmem:s5+$0x0], $0x1;
	_ =	sdelay $0x4  }
0x14c: {  	(v2sf) =	vpush @!p0 v1, $0x0;
	_ =	sdelay $0xd  }
0x14d: {  	p2 =	sne.s32 s2, $0x1  }
.Ltmp17:
0x14e: {  	s6 =	spop @!p0 (v2sf);
	(pc) =	sbr.rel @!p2 .LBB3_16-.Ltmp17, $4  }
0x14f: {  	p1 =	seq.s32 @!p0 s0, s6  }
0x150: {  	s6 =	simm.s32 $0x0;
	p1 =	por !p1, p0  }
0x151: {  	s8 =	simm.s32 $0xFFFFFFFF;
	s6 =	simm.s32 @p1 $0xFFFFFFFF  }
0x152: {  	s7 =	simm.s32 $0x1;
	s6 =	smov.u32 @p0 s8  }
.LBB3_15:
0x153: {  	s8 =	smov.u32 s6;
	p0 =	sne.s32 s6, $0xFFFFFFFF  }
0x154: {  	s5 =	sadd.s32 $0x1, s5;
	s6 =	smov.u32 s7;
	s7 =	sadd.s32 $0x1, s7  }
0x155: {  	p1 =	sne.s32 s2, s7;
	v1 =	vld.msk @!p0 [tilespmem:s5+$0x0], $0x1;
	_ =	sdelay $0x4  }
0x156: {  	(v2sf) =	vpush @!p0 v1, $0x0;
	_ =	sdelay $0xe  }
.Ltmp18:
0x157: {  	s9 =	spop @!p0 (v2sf);
	(pc) =	sbr.rel @p1 .LBB3_15-.Ltmp18, $4  }
0x158: {  	p2 =	seq.s32 @!p0 s0, s9  }
0x159: {  	p2 =	por !p2, p0  }
0x15a: {  	s6 =	simm.s32 @p2 $0xFFFFFFFF  }
0x15b: {  	s6 =	smov.u32 @p0 s8  }
.LBB3_16:
0x15c: {  	p0 =	sne.s32 s6, $0xFFFFFFFF  }
.Ltmp19:
0x15d: {  	_ = 	snop;
	(pc) =	sbr.rel @!p0 .LBB3_17-.Ltmp19, $1  }
0x15e: {  	_ =	sdelay $0x3  }
0x15f: {  	v0 =	vld.msk [tilespmem:s4+$0xE0], $0x1;
	v1 =	vmov s6  }
.Ltmp20:
0x160: {  	_ = 	snop;
	(pc) =	sbr.rel .LBB3_19-.Ltmp20, $2  }
0x161: {  	_ =	sdelay $0x2  }
0x162: {  	[tilespmem:v1+s3+$0x0], v0 =	vst.idx.ret.add.f32.msk $0x1, v0  }
.LBB3_20:
0x163: {  	p0 =	slt.s32 s2, $0x1  }
.Ltmp21:
0x164: {  	_ = 	snop;
	(pc) =	sbr.rel @p0 .LBB3_24-.Ltmp21, $3  }
0x165: {  	_ =	sdelay $0x1  }
0x166: {  	s0 =	simm.s32 $0x6  }
0x167: {  	[sflag:s0] =	ssyncpa.u1 $0x1;
	s0 =	simm.s32 $0x0  }
0x168: {  	s3 =	simm.s32 $0xC0  }
0x169: {  	v0 =	vld.msk [tilespmem:s3+$0x0], $0x1;
	_ =	sdelay $0x4  }
0x16a: {  	(v2sf) =	vpush v0, $0x0;
	_ =	sdelay $0xe  }
0x16b: {  	s2 =	sadd.s32 $0xFFFFFFFF, s2;
	s4 =	spop (v2sf)  }
0x16c: {  	p1 =	sne.s32 s2, $0x0;
	p0 =	sgt.u32 s4, $0x27FF  }
.Ltmp22:
0x16d: {  	s5 =	sshrl.u32 @!p0 s4, $0x3;
	(pc) =	sbr.rel @!p1 .LBB3_23-.Ltmp22, $4  }
0x16e: {  	s3 =	simm.s32 $0xE0;
	s4 =	sand.u32 @!p0 $0x7, s4;
	s5 =	sadd.s32 @!p0 s1, s5  }
0x16f: {  	[hbm4b:s5+s4] =	stream.linear.scatter @!p0 [tilespmem:s3], [sflag:$0x5], $0x1, $0x38;
	[tilespmem:$0x12120] =	vst v63  }
0x170: {  	s5 =	simm.s32 $0x0  }
0x171: {  	s4 =	simm.s32 $0xC1;
	s5 =	simm.s32 @!p0 $0x4  }
.LBB3_22:
0x172: {  	v0 =	vld.msk [tilespmem:s4+$0x0], $0x1;
	s2 =	sadd.s32 $0xFFFFFFFF, s2;
	s0 =	sadd.s32 s0, s5  }
0x173: {  	p0 =	sne.s32 s2, $0x0;
	_ =	sdelay $0x3  }
0x174: {  	(v2sf) =	vpush v0, $0x0;
	_ =	sdelay $0xe  }
.Ltmp23:
0x175: {  	s6 =	spop (v2sf);
	(pc) =	sbr.rel @p0 .LBB3_22-.Ltmp23, $4  }
0x176: {  	s5 =	simm.s32 $0x0;
	p1 =	sgt.u32 s6, $0x27FF  }
0x177: {  	s3 =	sadd.s32 $0x1, s3;
	s5 =	simm.s32 @!p1 $0x4;
	s7 =	sshrl.u32 @!p1 s6, $0x3  }
0x178: {  	s4 =	sadd.s32 $0x1, s4;
	s6 =	sand.u32 @!p1 $0x7, s6;
	s7 =	sadd.s32 @!p1 s1, s7  }
0x179: {  	[hbm4b:s7+s6] =	stream.linear.scatter @!p1 [tilespmem:s3], [sflag:$0x5], $0x1, $0x38;
	[tilespmem:$0x12120] =	vst v63  }
.LBB3_23:
0x17a: {  	s0 =	sadd.s32 s0, s5  }
0x17b: {  	s0 =	sshrl.u32 s0, $0x2  }
.LBB3_24:
0x17c: {  	s1 =	simm.s32 $0x5  }
0x17d: {  	_ =	swait.ge [sflag:s1], s0  }
0x17e: {  	s28 =	ssub.s32 $0x0, s0;
	[sflag:s1] =	ssyncset.done $0x0  }
0x17f: {  	[sflag:s1] =	ssyncadd.s32 s28  }
0x180: {  	[sflag:s1] =	ssyncpa.u1 $0x1  }
0x181: {  	s29 =	simm.s32 $0x1;
	_ =	sfence  }
0x182: {  	s30 =	simm.s32 $0x2;
	[sflag:s29] =	ssyncpa.u1 $0x1  }
0x183: {  	[sflag:s30] =	ssyncpa.u1 $0x1  }
0x184: {  	_ =	strace $0x90000050  }
0x185: {  	[bflag:$0x2] =	sbarrier.arrive $0xFFFF  }
0x186: {  	s31 =	rddreg [dreg:$0x2]  }
0x187: {  	s0 =	sadd.s32 $0x100000, s31  }
0x188: {  	[sflag:s0] =	ssyncadd.tile.s32 $0x1;
	_ =	shalt  }
.Lfunc_end3:
_tile_overlayer_lowered:
.L_overlay_start_3:
0x189: {  	(tag) =	ssettag $0x3  }
0x18a: {  	s0 =	rddreg [dreg:$0x0];
	s2 =	stileid.u32  }
0x18b: {  	s1 =	rddreg [dreg:$0x1];
	p0 =	sne.s32 s2, $0x0  }
0x18c: {  	s3 =	rddreg [dreg:$0x2];
	[bflag:$0x3] =	sbarrier.arrive $0xFFFF;
	s2 =	simm.s32 @!p0 $0x1C01  }
0x18d: {  	[timem:s3], [sflag:s2] =	dma.local @!p0 [hbm:s0], s1  }
0x18e: {  	s0 =	simm.s32 @!p0 $0x1  }
0x18f: {  	_ =	swait.ge @!p0 [sflag:s0], s1  }
0x190: {  	s1 =	ssub.s32 @!p0 $0x0, s1;
	[sflag:s0] =	ssyncset.done @!p0 $0x0  }
0x191: {  	[sflag:s0] =	ssyncadd.s32 @!p0 s1  }
0x192: {  	[bflag:$0x3] =	sbarrier.arrive $0xFFFF  }
0x193: {  	_ =	shalt  }

// kernel: scatter_offload_async_start.2
scs
__scs_entry_jumppad:
0x0: {  	(pc) =	sbr.rel $0x88, $3  }
0x1: {  	(tag) =	ssettag $0x0;
	lr =	simm.s32 $0x1  }
0x2: {  	[smem:$0x3F93] =	sst lr;
	_ =	strace $0xD0000000  }
0x3: {  	_ = 	snop  }
0x4: {  	_ = 	snop  }
0x5: {  	_ = 	snop  }
0x6: {  	_ = 	snop  }
0x7: {  	_ = 	snop  }
__scs_overlays_trampoline_lowered:
0x8: {  	[smem:$0x3FA2] =	sst s0  }
0x9: {  	[smem:$0x3FA3] =	sst s1  }
0xa: {  	[smem:$0x3FA4] =	sst s2  }
0xb: {  	[smem:$0x3FA5] =	sst s3  }
0xc: {  	[smem:$0x3FA6] =	sst s4  }
0xd: {  	[smem:$0x3FA7] =	sst s5  }
0xe: {  	[smem:$0x3FA8] =	sst s6  }
0xf: {  	[smem:$0x3FA9] =	sst s7  }
0x10: {  	[smem:$0x3FAA] =	sst s8  }
0x11: {  	[smem:$0x3FAB] =	sst s9;
	s0 =	simm.s32 @!p0 $0x0  }
0x12: {  	s1 =	sld [smem:$0x3F91];
	s0 =	simm.s32 @p0 $0x1  }
0x13: {  	[smem:$0x3FAC] =	sst s0;
	s0 =	simm.s32 @!p1 $0x0  }
0x14: {  	s2 =	sld [smem:$0x3F90];
	s0 =	simm.s32 @p1 $0x1  }
0x15: {  	[smem:$0x3FAD] =	sst s0;
	s0 =	simm.s32 @!p2 $0x0  }
0x16: {  	s3 =	sld [smem:$0x3FDB];
	s0 =	simm.s32 @p2 $0x1  }
0x17: {  	s4 =	simm.s32 $0x1BF5;
	[smem:$0x3FAF] =	sst s0  }
0x18: {  	s0 =	sld [smem:$0x3F92];
	_ =	swait.ge [sflag:s4], $0x0  }
0x19: {  	s7 =	sld [smem:$0x3F93]  }
0x1a: {  	s8 =	sadd.s32 $0xFFFFE003, lr  }
0x1b: {  	s9 =	sadd.s32 $0xFFFFFEF7, lr;
	s5 =	simm.s32 $0xFFFFFFFF;
	p2 =	slt.u32 s8, $0xFFFFF086  }
0x1c: {  	p1 =	slt.u32 s9, $0xF7A;
	s5 =	simm.s32 @!p2 $0x0  }
0x1d: {  	s5 =	simm.s32 @p1 $0x1;
	p0 =	seq.s32 s7, s2  }
0x1e: {  	s7 =	smul.u32 @!p0 $0xF7A, s2;
	p2 =	seq.s32 @!p0 s5, $0x0  }
0x1f: {  	s9 =	smul.u32 $0xF7A, s1;
	s8 =	simm.s32 @!p0 $0x1BF5;
	p2 =	por !p2, p0  }
0x20: {  	[sflag:s8] =	ssyncset.s32 @!p0 $0xFFFFF086;
	s6 =	sadd.s32 @!p0 s3, s7;
	s7 =	simm.s32 @!p0 $0x108  }
0x21: {  	s3 =	sadd.s32 s3, s9;
	s6 =	sadd.s32 @!p0 $0x88, s6;
	s7 =	simm.s32 @p2 $0x1082  }
0x22: {  	[simem:s7], [sflag:s8] =	dma.local @!p0 [hbm:s6], $0xF7A  }
0x23: {  	s9 =	sor.u32 $0xD0000000, s2;
	s6 =	simm.s32 $0x108;
	_ =	swait.ge @!p0 [sflag:s8], $0x0  }
0x24: {  	s3 =	sadd.s32 $0x88, s3;
	s6 =	simm.s32 @!p1 $0x1082;
	[sflag:s4] =	ssyncset.s32 $0xFFFFF086  }
0x25: {  	[simem:s6], [sflag:s4] =	dma.local [hbm:s3], $0xF7A  }
0x26: {  	[smem:$0x3F93] =	sst s1;
	(tag) =	ssettag s2;
	_ =	strace s9  }
0x27: {  	s1 =	sld [smem:$0x3FA3]  }
0x28: {  	s2 =	sld [smem:$0x3FA4]  }
0x29: {  	s4 =	sld [smem:$0x3FA6]  }
0x2a: {  	p0 =	seq.s32 s5, $0x0;
	s5 =	sld [smem:$0x3FA7]  }
0x2b: {  	s6 =	sld [smem:$0x3FA8]  }
0x2c: {  	s7 =	sld [smem:$0x3FA9]  }
0x2d: {  	s3 =	simm.s32 $0x108;
	s8 =	sld [smem:$0x3FAA]  }
0x2e: {  	s3 =	simm.s32 @!p0 $0x1082;
	s9 =	sld [smem:$0x3FAB]  }
0x2f: {  	lr =	sadd.s32 s0, s3;
	s0 =	sld [smem:$0x3FA2]  }
0x30: {  	s3 =	sld [smem:$0x3FA5]  }
0x31: {  	[smem:$0x3FAE] =	sst s10  }
0x32: {  	s10 =	sld [smem:$0x3FAC];
	_ =	sdelay $0x3  }
0x33: {  	p0 =	seq.s32 s10, $0x1;
	s10 =	sld [smem:$0x3FAE];
	_ =	sdelay $0x3  }
0x34: {  	[smem:$0x3FAE] =	sst s10  }
0x35: {  	s10 =	sld [smem:$0x3FAD];
	_ =	sdelay $0x3  }
0x36: {  	p1 =	seq.s32 s10, $0x1;
	s10 =	sld [smem:$0x3FAE];
	_ =	sdelay $0x3  }
0x37: {  	[smem:$0x3FAE] =	sst s10  }
0x38: {  	s10 =	sld [smem:$0x3FAF]  }
0x39: {  	_ = 	snop;
	(pc) =	sbr.ind lr, $3  }
0x3a: {  	_ = 	snop  }
0x3b: {  	_ = 	snop  }
0x3c: {  	p2 =	seq.s32 s10, $0x1;
	s10 =	sld [smem:$0x3FAE]  }
0x3d: {  	_ =	shalt  }
0x3e: {  	_ =	shalt  }
0x3f: {  	_ =	shalt  }
0x40: {  	_ =	shalt  }
0x41: {  	_ =	shalt  }
0x42: {  	_ =	shalt  }
0x43: {  	_ =	shalt  }
0x44: {  	_ =	shalt  }
0x45: {  	_ =	shalt  }
0x46: {  	_ =	shalt  }
0x47: {  	_ =	shalt  }
0x48: {  	_ =	shalt  }
0x49: {  	_ =	shalt  }
0x4a: {  	_ =	shalt  }
0x4b: {  	_ =	shalt  }
0x4c: {  	_ =	shalt  }
0x4d: {  	_ =	shalt  }
0x4e: {  	_ =	shalt  }
0x4f: {  	_ =	shalt  }
0x50: {  	_ =	shalt  }
0x51: {  	_ =	shalt  }
0x52: {  	_ =	shalt  }
0x53: {  	_ =	shalt  }
0x54: {  	_ =	shalt  }
0x55: {  	_ =	shalt  }
0x56: {  	_ =	shalt  }
0x57: {  	_ =	shalt  }
0x58: {  	_ =	shalt  }
0x59: {  	_ =	shalt  }
0x5a: {  	_ =	shalt  }
0x5b: {  	_ =	shalt  }
0x5c: {  	_ =	shalt  }
0x5d: {  	_ =	shalt  }
0x5e: {  	_ =	shalt  }
0x5f: {  	_ =	shalt  }
0x60: {  	_ =	shalt  }
0x61: {  	_ =	shalt  }
0x62: {  	_ =	shalt  }
0x63: {  	_ =	shalt  }
0x64: {  	_ =	shalt  }
0x65: {  	_ =	shalt  }
0x66: {  	_ =	shalt  }
0x67: {  	_ =	shalt  }
0x68: {  	_ =	shalt  }
0x69: {  	_ =	shalt  }
0x6a: {  	_ =	shalt  }
0x6b: {  	_ =	shalt  }
0x6c: {  	_ =	shalt  }
0x6d: {  	_ =	shalt  }
0x6e: {  	_ =	shalt  }
0x6f: {  	_ =	shalt  }
0x70: {  	_ =	shalt  }
0x71: {  	_ =	shalt  }
0x72: {  	_ =	shalt  }
0x73: {  	_ =	shalt  }
0x74: {  	_ =	shalt  }
0x75: {  	_ =	shalt  }
0x76: {  	_ =	shalt  }
0x77: {  	_ =	shalt  }
0x78: {  	_ =	shalt  }
0x79: {  	_ =	shalt  }
0x7a: {  	_ =	shalt  }
0x7b: {  	_ =	shalt  }
0x7c: {  	_ =	shalt  }
0x7d: {  	_ =	shalt  }
0x7e: {  	_ =	shalt  }
0x7f: {  	_ =	shalt  }
0x80: {  	_ =	shalt  }
0x81: {  	_ =	shalt  }
0x82: {  	_ =	shalt  }
0x83: {  	_ =	shalt  }
0x84: {  	_ =	shalt  }
0x85: {  	_ =	shalt  }
0x86: {  	_ =	shalt  }
0x87: {  	_ =	shalt  }
.Lfunc_end0:
.L_simem_size_0:
called_computation.2_lowered:
.L_overlay_start_0:
0x88: {  	s0 =	sld [smem:$0x3FD9]  }
0x89: {  	s1 =	sld [smem:$0x3FFE];
	_ =	sdelay $0x3  }
0x8a: {  	s0 =	sadd.s32 s1, s0  }
0x8b: {  	[smem:$0x3FBA] =	sst s0  }
0x8c: {  	_ = 	snop  }
0x8d: {  	(tm) =	ssettm $0x1  }
0x8e: {  	s14 =	sld [smem:$0x3FFB];
	_ =	sdelay $0x3  }
0x8f: {  	_ =	strace s14  }
0x90: {  	s0 =	sld [smem:$0x3FFC];
	_ =	sdelay $0x3  }
0x91: {  	_ =	strace s0  }
0x92: {  	s0 =	sld [smem:$0x3FFD];
	_ =	sdelay $0x3  }
0x93: {  	_ =	strace s0  }
0x94: {  	_ =	strace $0x8FFFFFFF  }
0x95: {  	s15 =	sld [smem:$0x3FDB];
	_ =	sdelay $0x1  }
0x96: {  	s16 =	simm.s32 $_scs_section_size  }
0x97: {  	s2 =	simm.s32 $_size__tile_overlayer_lowered;
	s3 =	simm.s32 $_tile_overlayer_lowered  }
0x98: {  	s4 =	simm.s32 $0x1BFF;
	s17 =	sshll.u32 s3, $0x1;
	s1 =	sadd.s32 s16, s15  }
0x99: {  	s18 =	simm.s32 $0x0;
	s2 =	sshll.u32 s2, $0x1;
	s3 =	sadd.s32 s17, s1  }
0x9a: {  	[timem:s18], [sflag:s4] =	dma.local [hbm:s3], s2  }
0x9b: {  	_ =	swait.ge [sflag:s4], s2  }
0x9c: {  	s2 =	ssub.s32 $0x0, s2;
	[sflag:s4] =	ssyncset.done $0x0  }
0x9d: {  	[sflag:s4] =	ssyncadd.s32 s2;
	_ =	sdelay $0x1  }
0x9e: {  	s19 =	simm.s32 $0x1B8B  }
0x9f: {  	_ =	swait.ge [sflag:s19], $0x1  }
0xa0: {  	[sflag:s19] =	ssyncset.done $0x0  }
0xa1: {  	s21 =	simm.s32 $0x1B8E;
	s20 =	sld [smem:$0x3FFE];
	[sflag:s19] =	ssyncadd.s32 $0xFFFFFFFF  }
0xa2: {  	s22 =	simm.s32 $execute0_lowered;
	[smem:$0x3FD2] =	sst s21  }
0xa3: {  	s3 =	sshll.u32 s22, $0x1;
	_ =	strace $0x80000052;
	[dreg:$0x1] =	wrdreg $0xFFFFFFFF  }
0xa4: {  	s23 =	simm.s32 $_size_execute0_lowered;
	s3 =	sadd.s32 s1, s3;
	[dreg:$0x0] =	wrdreg $0x0  }
0xa5: {  	s4 =	sshll.u32 s23, $0x1;
	[dreg:$0x2] =	wrdreg s3  }
0xa6: {  	[dreg:$0x3] =	wrdreg s4  }
0xa7: {  	[dreg:$0x4] =	wrdreg $0xC0  }
0xa8: {  	s24 =	simm.s32 $execute1_lowered;
	_ =	task [dreg:s18], $0x5FFFF  }
0xa9: {  	s3 =	sshll.u32 s24, $0x1;
	[dreg:$0x1] =	wrdreg $0xFFFFFFFF  }
0xaa: {  	s1 =	sadd.s32 s1, s3;
	[dreg:$0x0] =	wrdreg $0x60  }
0xab: {  	[dreg:$0x2] =	wrdreg s1  }
0xac: {  	[dreg:$0x3] =	wrdreg s20  }
0xad: {  	[dreg:$0x4] =	wrdreg $0xD  }
0xae: {  	_ =	task.clear_ibuf [dreg:s18], $0x5FFFF;
	_ =	strace $0x90000052  }
0xaf: {  	s25 =	simm.s32 $0xD;
	_ =	strace $0x80000054  }
0xb0: {  	_ =	swait.ge [sflag:s25], $0x1  }
0xb1: {  	[sflag:s25] =	ssyncadd.s32 $0xFFFFFFFF  }
0xb2: {  	_ =	strace $0x90000054  }
0xb3: {  	_ =	strace $0x80000055;
	[dreg:$0x1] =	wrdreg $0xFFFFFFFF  }
0xb4: {  	[dreg:$0x0] =	wrdreg $0x2030  }
0xb5: {  	[dreg:$0x2] =	wrdreg s20  }
0xb6: {  	[dreg:$0x3] =	wrdreg $0xE  }
0xb7: {  	_ =	task.clear_ibuf [dreg:s18], $0x4FFFF;
	_ =	strace $0x90000055  }
0xb8: {  	s26 =	simm.s32 $0xE;
	_ =	strace $0x80000057  }
0xb9: {  	_ =	swait.ge [sflag:s26], $0x1  }
0xba: {  	[sflag:s26] =	ssyncadd.s32 $0xFFFFFFFF  }
0xbb: {  	_ =	strace $0x90000057  }
0xbc: {  	_ =	sfence  }
0xbd: {  	s28 =	sld [smem:$0x0];
	_ =	sdelay $0x1  }
0xbe: {  	s29 =	srdreg.scid  }
0xbf: {  	s30 =	sshll.u32 s29, $0xD;
	s31 =	sshrl.u32 s29, $0x2  }
0xc0: {  	s2 =	sand.u32 $0x1, s29;
	s3 =	sand.u32 $0x4000, s30;
	s1 =	sadd.s32 s31, s28  }
0xc1: {  	s2 =	sor.u32 s3, s2;
	s1 =	sshll.u32 s1, $0x11  }
0xc2: {  	s1 =	sor.u32 s1, s2  }
0xc3: {  	s1 =	sadd.s32 $0x8F2B, s1  }
0xc4: {  	[sflag:s1] =	ssyncadd.remote.s32 $0x1  }
0xc5: {  	_ =	sfence.sel $0xFFFF  }
0xc6: {  	[dreg:$0x0] =	wrdreg $0xFFFFFFFF;
	(pc) =	sbr.abs _section_cstart, $3  }
0xc7: {  	[dreg:$0x1] =	wrdreg $0xFFFFFFFF  }
0xc8: {  	_ =	task.clear_ibuf [dreg:s18], $0x2FFFF;
	_ =	strace $0x9FFFFFFF  }
0xc9: {  	(tm) =	ssettm $0x7FFFFFFF  }
tec
execute0_lowered:
.L_overlay_start_1:
0x0: {  	(tag) =	ssettag $0x1  }
0x1: {  	s2 =	rddreg [dreg:$0x0]  }
0x2: {  	s4 =	rddreg [dreg:$0x1]  }
0x3: {  	s0 =	rddreg [dreg:$0x2];
	s5 =	stileid.u32;
	[bflag:$0x3] =	sbarrier.arrive $0xFFFF  }
0x4: {  	s1 =	simm.s32 $_size_execute1_lowered;
	s9 =	simm.s32 $0x1;
	s31 =	simm.s32 $0x2  }
0x5: {  	s10 =	simm.s32 $0x0;
	p0 =	sne.s32 s5, $0x0;
	s1 =	sshll.u32 s1, $0x1  }
0x6: {  	p1 =	seq.s32 s5, $0x0;
	s3 =	simm.s32 @!p0 $0x1C3F;
	s6 =	simm.s32 @!p0 $0x4060  }
0x7: {  	[timem:s6], [sflag:s3] =	dma.local @!p0 [hbm:s2], s1  }
0x8: {  	s9 =	simm.s32 @!p1 $0x0;
	s2 =	smul.u32 $0x280, s5;
	s6 =	simm.s32 @!p0 $0x2800  }
0x9: {  	s3 =	simm.s32 $0x0;
	s5 =	simm.s32 $0x1;
	s6 =	simm.s32 @p0 $0x0  }
.Ltmp0:
0xa: {  	_ =	strace $0x80000053;
	s8 =	ssub.s32 $0x2800, s2;
	(pc) =	sbr.rel .LBB2_1-.Ltmp0, $4  }
0xb: {  	s30 =	sshrl.u32 s2, $0x3;
	p1 =	sne.s32 s8, s6;
	s6 =	simm.s32 $0x1  }
0xc: {  	[sflag:s5] =	ssyncpa.u1 $0x0;
	s7 =	sadd.s32 s30, s4;
	s6 =	simm.s32 @!p1 $0x0  }
0xd: {  	s4 =	sadd.s32 $0x109C00, s4;
	[sflag:s31] =	ssyncpa.u1 $0x0;
	s6 =	sadd.s32 s9, s6  }
0xe: {  	s7 =	sadd.s32 $0x14FC00, s7;
	s9 =	simm.s32 $0x0;
	s8 =	sadd.s32 $0x1, s6  }
.LBB2_7:
0xf: {  	p2 =	sne.s32 s9, s8  }
.Ltmp1:
0x10: {  	p1 =	slt.u32 s9, $0x2;
	(pc) =	sbr.rel @!p2 .LBB2_8-.Ltmp1, $4  }
0x11: {  	s10 =	simm.s32 @!p1 $0x2  }
0x12: {  	_ =	swait.ge @!p1 [sflag:s10], $0x280  }
0x13: {  	s11 =	sadd.s32 $0x1, s9;
	[sflag:s10] =	ssyncset.done @!p1 $0x0  }
0x14: {  	s9 =	smov.u32 s11;
	[sflag:s10] =	ssyncadd.s32 @!p1 $0xFFFFFD80;
	s10 =	smov.u32 s2  }
.LBB2_1:
0x15: {  	p1 =	sge.u32 s9, s6  }
0x16: {  	s11 =	sxor.u32 @!p1 $0x1, s9  }
0x17: {  	s11 =	smul.u32 @!p1 $0xA00, s11;
	_ =	sdelay $0x1  }
0x18: {  	s31 =	sadd.s32 $0xFFFFFFFF, s9;
	s12 =	simm.s32 @!p1 $0x0;
	s11 =	sshra.s32 @!p1 s11, $0x2  }
0x19: {  	[tilespmem:s11], [sflag:$0x1] =	stream.linear.gather @!p1 [hbm4b:s7+s12], $0x280, $0x38;
	[tilespmem:$0xA00] =	vst v63  }
0x1a: {  	p1 =	sge.u32 s31, s6  }
.Ltmp2:
0x1b: {  	_ = 	snop;
	(pc) =	sbr.rel @p1 .LBB2_7-.Ltmp2, $1  }
0x1c: {  	_ =	sdelay $0x3  }
0x1d: {  	s11 =	sand.u32 $0x1, s9  }
0x1e: {  	s12 =	simm.s32 $0x280;
	p1 =	seq.s32 s11, $0x1  }
0x1f: {  	s12 =	simm.s32 @!p1 $0x0  }
0x20: {  	v0 =	vmov s12  }
0x21: {  	_ =	swait.ge [sflag:s5], $0x280  }
0x22: {  	[sflag:s5] =	ssyncset.done $0x0;
	s11 =	sor.u32 $0x500, s12  }
0x23: {  	s13 =	simm.s32 $0x0;
	[sflag:s5] =	ssyncadd.s32 $0xFFFFFD80;
	p1 =	por $0x1, $0x1;
	v1 =	vmov s11  }
.LBB2_3:
0x24: {  	s14 =	sor.u32 $0x10, s13  }
0x25: {  	v2 =	vld.idx.msk [tilespmem:v0+s14+$0x0 ss:$0x1], $0xffff  }
0x26: {  	s15 =	sor.u32 $0x20, s13;
	v60 =	vld.idx.msk [tilespmem:v0+s13+$0x0 ss:$0x1], $0xffff  }
0x27: {  	s16 =	sor.u32 $0x30, s13;
	v3 =	vld.idx.msk [tilespmem:v0+s15+$0x0 ss:$0x1], $0xffff  }
0x28: {  	s17 =	sor.u32 $0x40, s13;
	v4 =	vld.idx.msk [tilespmem:v0+s16+$0x0 ss:$0x1], $0xffff  }
0x29: {  	s19 =	sor.u32 $0x60, s13;
	v5 =	vld.idx.msk [tilespmem:v0+s17+$0x0 ss:$0x1], $0xffff  }
0x2a: {  	s18 =	sor.u32 $0x50, s13;
	[tilespmem:v1+s14+$0x0 ss:$0x1] =	vst.idx.msk $0xffff, v2;
	v2 =	vld.idx.msk [tilespmem:v0+s19+$0x0 ss:$0x1], $0xffff  }
0x2b: {  	s23 =	sor.u32 $0x80, s13;
	v6 =	vld.idx.msk [tilespmem:v0+s18+$0x0 ss:$0x1], $0xffff;
	[tilespmem:v1+s13+$0x0 ss:$0x1] =	vst.idx.msk $0xffff, v60  }
0x2c: {  	s24 =	sor.u32 $0x90, s13;
	v58 =	vld.idx.msk [tilespmem:v0+s23+$0x0 ss:$0x1], $0xffff;
	[tilespmem:v1+s15+$0x0 ss:$0x1] =	vst.idx.msk $0xffff, v3  }
0x2d: {  	s22 =	sor.u32 $0x70, s13;
	v59 =	vld.idx.msk [tilespmem:v0+s24+$0x0 ss:$0x1], $0xffff;
	[tilespmem:v1+s16+$0x0 ss:$0x1] =	vst.idx.msk $0xffff, v4  }
0x2e: {  	s25 =	sor.u32 $0xA0, s13;
	v3 =	vld.idx.msk [tilespmem:v0+s22+$0x0 ss:$0x1], $0xffff;
	[tilespmem:v1+s17+$0x0 ss:$0x1] =	vst.idx.msk $0xffff, v5  }
0x2f: {  	s28 =	sor.u32 $0xC0, s13;
	[tilespmem:v1+s19+$0x0 ss:$0x1] =	vst.idx.msk $0xffff, v2;
	v2 =	vld.idx.msk [tilespmem:v0+s25+$0x0 ss:$0x1], $0xffff  }
0x30: {  	s29 =	sor.u32 $0xD0, s13;
	v61 =	vld.idx.msk [tilespmem:v0+s28+$0x0 ss:$0x1], $0xffff;
	[tilespmem:v1+s18+$0x0 ss:$0x1] =	vst.idx.msk $0xffff, v6  }
0x31: {  	s30 =	sor.u32 $0xE0, s13;
	v62 =	vld.idx.msk [tilespmem:v0+s29+$0x0 ss:$0x1], $0xffff;
	[tilespmem:v1+s23+$0x0 ss:$0x1] =	vst.idx.msk $0xffff, v58  }
0x32: {  	s26 =	sor.u32 $0xB0, s13;
	v63 =	vld.idx.msk [tilespmem:v0+s30+$0x0 ss:$0x1], $0xffff;
	[tilespmem:v1+s24+$0x0 ss:$0x1] =	vst.idx.msk $0xffff, v59  }
0x33: {  	s31 =	sor.u32 $0xF0, s13;
	[tilespmem:v1+s22+$0x0 ss:$0x1] =	vst.idx.msk $0xffff, v3;
	v3 =	vld.idx.msk [tilespmem:v0+s26+$0x0 ss:$0x1], $0xffff  }
0x34: {  	p2 =	por p1, p1;
	[tilespmem:v1+s25+$0x0 ss:$0x1] =	vst.idx.msk $0xffff, v2;
	v2 =	vld.idx.msk [tilespmem:v0+s31+$0x0 ss:$0x1], $0xffff  }
.Ltmp3:
0x35: {  	[tilespmem:v1+s28+$0x0 ss:$0x1] =	vst.idx.msk $0xffff, v61;
	(pc) =	sbr.rel @p2 .LBB2_3-.Ltmp3, $4  }
0x36: {  	[tilespmem:v1+s29+$0x0 ss:$0x1] =	vst.idx.msk $0xffff, v62  }
0x37: {  	[tilespmem:v1+s30+$0x0 ss:$0x1] =	vst.idx.msk $0xffff, v63  }
0x38: {  	[tilespmem:v1+s26+$0x0 ss:$0x1] =	vst.idx.msk $0xffff, v3  }
0x39: {  	p1 =	por $0x0, $0x0;
	s13 =	simm.s32 $0x100;
	[tilespmem:v1+s31+$0x0 ss:$0x1] =	vst.idx.msk $0xffff, v2  }
0x3a: {  	s13 =	sadd.s32 $0x700, s12;
	s12 =	sadd.s32 $0x200, s12;
	s14 =	simm.s32 $0x1F0  }
.LBB2_5:
0x3b: {  	s14 =	sadd.s32 $0x10, s14  }
0x3c: {  	v0 =	vld [tilespmem:s12+$0x0];
	p1 =	slt.u32 s14, $0x270  }
.Ltmp4:
0x3d: {  	_ = 	snop;
	(pc) =	sbr.rel @p1 .LBB2_5-.Ltmp4, $2  }
0x3e: {  	_ =	sdelay $0x2  }
0x3f: {  	s12 =	sadd.s32 $0x10, s12;
	[tilespmem:s13+$0x0] =	vst v0;
	s13 =	sadd.s32 $0x10, s13  }
.Ltmp5:
0x40: {  	(pc) =	sbr.rel .LBB2_7-.Ltmp5, $4  }
0x41: {  	_ = 	snop  }
0x42: {  	s10 =	sshrl.u32 s10, $0x3  }
0x43: {  	s10 =	sadd.s32 s4, s10  }
0x44: {  	[hbm4b:s10+s3] =	stream.linear.scatter [tilespmem:s11], [sflag:$0x2], $0x280, $0x38;
	[tilespmem:$0xA00] =	vst v63  }
.LBB2_8:
0x45: {  	_ =	sfence.sel $0x180000  }
0x46: {  	s2 =	simm.s32 $0x1;
	[bflag:$0x0] =	sbarrier.arrive $0xFFFF  }
0x47: {  	s31 =	simm.s32 $0x2;
	[sflag:s2] =	ssyncpa.u1 $0x1  }
0x48: {  	[sflag:s31] =	ssyncpa.u1 $0x1  }
0x49: {  	_ =	strace $0x90000053  }
0x4a: {  	s0 =	sadd.s32 @!p0 $0x100000, s0;
	[bflag:$0x2] =	sbarrier.arrive $0xFFFF  }
0x4b: {  	[sflag:s0] =	ssyncadd.tile.s32 @!p0 $0x1;
	s0 =	simm.s32 @!p0 $0x3F  }
0x4c: {  	_ =	swait.ge @!p0 [sflag:s0], s1  }
0x4d: {  	s1 =	ssub.s32 @!p0 $0x0, s1;
	[sflag:s0] =	ssyncset.done @!p0 $0x0  }
0x4e: {  	[sflag:s0] =	ssyncadd.s32 @!p0 s1  }
0x4f: {  	[bflag:$0x3] =	sbarrier.arrive $0xFFFF  }
0x50: {  	_ =	shalt  }
.Lfunc_end2:
execute1_lowered:
.L_overlay_start_2:
0x51: {  	(tag) =	ssettag $0x2  }
0x52: {  	s0 =	rddreg [dreg:$0x0];
	_ =	strace $0x80000056;
	s1 =	simm.s32 $0x1  }
0x53: {  	v1 =	vimm.s32 $0xFFFFFFFF;
	[sflag:s1] =	ssyncpa.u1 $0x0  }
0x54: {  	s10 =	stileid.u32;
	s2 =	simm.s32 $0x6000;
	[tilespmem:$0x10] =	vst v1  }
0x55: {  	v0 =	vimm.f32 $0.0e+00;
	s29 =	simm.s32 $0x2;
	s7 =	simm.s32 $0x7;
	s8 =	simm.s32 $0x8;
	[tilespmem:$0x20] =	vst v1  }
0x56: {  	s30 =	simm.s32 $0x9;
	s16 =	simm.s32 $0x0;
	s17 =	simm.s32 $0xFFFFE000;
	[tilespmem:$0x30] =	vst v0  }
0x57: {  	s18 =	simm.s32 $0xF0;
	s19 =	simm.s32 $0xFFFFFFFF;
	s20 =	simm.s32 $0xFFFFC100;
	[tilespmem:$0x40] =	vst v0  }
0x58: {  	s21 =	simm.s32 $0xFFFFFFFE;
	s28 =	smin.u32 s10, $0x8;
	s3 =	sshll.u32 s10, $0x1;
	[tilespmem:$0x50] =	vst v0  }
0x59: {  	s22 =	simm.s32 $0xF;
	p0 =	slt.u32 s10, $0x8;
	[tilespmem:$0x60] =	vst v1;
	s1 =	sadd.s32 s28, s3  }
0x5a: {  	s26 =	simm.s32 $0x0;
	[tilespmem:$0x70] =	vst v1;
	s2 =	simm.s32 @!p0 $0x4000;
	s4 =	sshll.u32 s1, $0xD  }
0x5b: {  	s25 =	simm.s32 $0x0;
	s6 =	sadd.s32 $0xC3C00, s0;
	[tilespmem:$0x80] =	vst v1;
	s2 =	sadd.s32 s2, s4  }
0x5c: {  	s15 =	sshllo.u32 s10, $0x1;
	v1 =	vimm.s32 $0x0;
	[tilespmem:$0xB0] =	vst v0;
	s13 =	sor.u32 $0x80, s3;
	s5 =	smin.u32 s2, $0x50000  }
0x5d: {  	s14 =	sor.u32 $0x81, s3;
	[tilespmem:$0x90] =	vst v1;
	s1 =	sadd.s32 $0x109C00, s0;
	s9 =	ssub.s32 s5, s4  }
.Ltmp6:
0x5e: {  	[tilespmem:$0xA0] =	vst v1;
	[sflag:s29] =	ssyncpa.u1 $0x0;
	p0 =	sgt.s32 s9, $0x0;
	(pc) =	sbr.rel .LBB3_1-.Ltmp6, $4  }
0x5f: {  	s0 =	sadd.s32 $0xFFC00, s0;
	[sflag:s7] =	ssyncpa.u1 $0x0;
	s9 =	simm.s32 @!p0 $0x0  }
0x60: {  	[dreg:$0x2] =	wrdreg s0;
	[sflag:s8] =	ssyncpa.u1 $0x0;
	s9 =	sshrl.u32 s9, $0xD  }
0x61: {  	vm0 =	vmmov $0xffff;
	v2 =	vlaneseq.u32;
	s24 =	smov.u32 s4;
	[sflag:s30] =	ssyncpa.u1 $0x0;
	s31 =	sadd.s32 $0x1, s9  }
0x62: {  	vm1 =	vmxor vm1, vm1;
	vm2 =	vmmov $0x1;
	vm3 =	vcmask $0x3F3C;
	p0 =	por $0x0, $0x0;
	s12 =	sadd.s32 $0x2, s9;
	[dreg:$0x3] =	wrdreg s31  }
.LBB3_9:
0x63: {  	p1 =	slt.u32 s25, $0x3  }
0x64: {  	s0 =	simm.s32 @!p1 $0x2  }
0x65: {  	_ =	swait.ge @!p1 [sflag:s0], $0x2000  }
0x66: {  	[sflag:s0] =	ssyncset.done @!p1 $0x0  }
0x67: {  	[sflag:s0] =	ssyncadd.s32 @!p1 $0xFFFFE000;
	s0 =	simm.s32 @!p1 $0x9  }
0x68: {  	_ =	swait.ge @!p1 [sflag:s0], $0x10  }
0x69: {  	s2 =	sadd.s32 $0x2000, s24;
	[sflag:s0] =	ssyncset.done @!p1 $0x0  }
0x6a: {  	[sflag:s0] =	ssyncadd.s32 @!p1 $0xFFFFFFF0;
	p1 =	slt.s32 s2, s5;
	s0 =	smov.u32 s4  }
0x6b: {  	s0 =	smov.u32 @p1 s2;
	p1 =	sne.s32 s25, s12  }
.Ltmp7:
0x6c: {  	_ = 	snop;
	(pc) =	sbr.rel @!p1 .LBB3_10-.Ltmp7, $4  }
0x6d: {  	s31 =	sadd.s32 $0x1, s25  }
0x6e: {  	s17 =	sadd.s32 $0x2000, s17;
	s18 =	sadd.s32 $0x2000, s18;
	s19 =	sadd.s32 $0x1, s19  }
0x6f: {  	s26 =	smov.u32 s24;
	p0 =	por !p0, !p0;
	s20 =	sadd.s32 $0x2000, s20  }
0x70: {  	s21 =	sadd.s32 $0x1, s21;
	s25 =	smov.u32 s31;
	s24 =	smov.u32 s0  }
.LBB3_1:
0x71: {  	p1 =	sge.u32 s25, s9  }
0x72: {  	s0 =	smulhi.u32 @!p1 $0xAAAAAAAB, s25;
	_ =	sdelay $0x1  }
0x73: {  	s0 =	sshrl.u32 @!p1 s0, $0x1  }
0x74: {  	s0 =	smul.u32 @!p1 $0x3, s0;
	_ =	sdelay $0x1  }
0x75: {  	s0 =	ssub.s32 @!p1 s25, s0  }
0x76: {  	s2 =	sshrl.u32 @!p1 s24, $0x3;
	s0 =	sshll.u32 @!p1 s0, $0xD  }
0x77: {  	s10 =	sand.u32 @!p1 $0x7, s24;
	s2 =	sadd.s32 @!p1 s6, s2;
	s0 =	sor.u32 @!p1 $0x100, s0  }
0x78: {  	[tilespmem:s0], [sflag:$0x7] =	stream.linear.gather @!p1 [hbm4b:s2+s10], $0x2000, $0x38;
	[tilespmem:$0x12120] =	vst v63  }
0x79: {  	s2 =	sadd.s32 $0xFFFFFFFF, s25  }
0x7a: {  	p1 =	sge.u32 s2, s9  }
.Ltmp8:
0x7b: {  	_ = 	snop;
	(pc) =	sbr.rel @p1 .LBB3_5-.Ltmp8, $1  }
0x7c: {  	_ =	sdelay $0x3  }
0x7d: {  	s0 =	smulhi.u32 $0xAAAAAAAB, s2;
	_ =	sdelay $0x1  }
0x7e: {  	s0 =	sshrl.u32 s0, $0x1  }
0x7f: {  	s0 =	smul.u32 $0x3, s0;
	_ =	sdelay $0x1  }
0x80: {  	s0 =	ssub.s32 s2, s0  }
0x81: {  	_ =	swait.ge [sflag:s7], $0x2000;
	s0 =	sshll.u32 s0, $0xD  }
0x82: {  	[sflag:s7] =	ssyncset.done $0x0;
	s0 =	sor.u32 $0x100, s0  }
0x83: {  	[sflag:s7] =	ssyncadd.s32 $0xFFFFE000;
	(ifvalue) =	ssetifvalue $0xFFFFFFFF;
	v3 =	vld.msk [tilespmem:s0+$0x0 ss:$0x1], $0xffff;
	_ =	sdelay $0x2  }
0x84: {  	s29 =	smulhi.u32 $0xAAAAAAAB, s19;
	p1 =	sne.s32 s25, $0x1  }
0x85: {  	v4 =	vimm.s32 @!p1 $0x0  }
0x86: {  	s0 =	sshrl.u32 s29, $0x1;
	v4 =	vperm.xlane @!p1 v3, v4  }
0x87: {  	s10 =	sshll.u32 s25, $0x4;
	s0 =	smul.u32 $0xFFFE8000, s0;
	vm4 =	vlt.u32 v3, $0x2800  }
0x88: {  	s10 =	sand.u32 $0x10, s10;
	v3 =	vnsel vm4, $0xFFFFFFFE, v3;
	vm4 =	vlt.u32 @!p1 v4, $0x2800  }
0x89: {  	s0 =	sshra.s32 s0, $0x2;
	[tilespmem:s10+$0x60] =	vst v3;
	v3 =	vnsel @!p1 vm4, $0xFFFFFFFE, v4  }
0x8a: {  	s28 =	sadd.s32 s0, s18;
	[tilespmem:$0x80] =	vst @!p1 v3  }
0x8b: {  	v3 =	vld.msk [tilespmem:s28+$0x0 ss:$0x1], $0xffff;
	_ =	sdelay $0x4  }
0x8c: {  	(xrf1) =	vunique.msk.u32 $0xffff, v3;
	_ =	sdelay $0xd  }
0x8d: {  	v4 =	vimm.s32 $0xFFFFFFFF;
	v5, _, _ =	vpop (xrf1)  }
0x8e: {  	vm5 =	vne.s32 v3, v4;
	vm4 =	veq.s32 v5, v2  }
0x8f: {  	vm6 =	vlt.u32 v3, $0x2800;
	vm4 =	vmand vm5, vm4  }
0x90: {  	vm4 =	vmand vm6, vm4  }
0x91: {  	v4 =	vnsel vm4, $0xFFFFFFFF, v3;
	_ =	sdelay $0x2  }
0x92: {  	s30 =	sand.u32 $0x2000, s17  }
0x93: {  	s31 =	sshll.u32 s2, $0xD;
	s0 =	sor.u32 $0x80F0, s30;
	(ifvalue) =	ssetifvalue $0xFFFFFFFF  }
0x94: {  	v3 =	vperm.xlane v3, v1;
	[tilespmem:s0], [sflag:$0x8] =	stream.indirect_vreg.gather [hbm4b:s1+s16], $0x1, v4, vm0, $0x4038;
	v4 =	vnsel vm6, $0xFFFFFFFE, v4;
	[tilespmem:$0x12120] =	vst v63  }
0x95: {  	s23 =	simm.s32 $0x0;
	s2 =	sand.u32 $0x2000, s31;
	s10 =	sadd.s32 $0xFFFFFFF0, s28;
	[tilespmem:s28+$0x0] =	vst v4  }
.LBB3_3:
0x96: {  	v4 =	vld.msk [tilespmem:s10+$0x0 ss:$0x1], $0xffff;
	s23 =	sadd.s32 $0x10, s23;
	v5 =	vmov v3;
	s28 =	smov.u32 s10  }
0x97: {  	p1 =	slt.u32 s23, $0x1FF0;
	_ =	sdelay $0x4  }
0x98: {  	v3 =	vperm.xlane v4, v1;
	(xrf1) =	vunique.msk.u32 $0xffff, v4;
	_ =	sdelay $0xd  }
0x99: {  	v6, _, _ =	vpop (xrf1)  }
0x9a: {  	vm5 =	vne.s32 v4, v5;
	vm4 =	veq.s32 v6, v2  }
0x9b: {  	vm6 =	vlt.u32 v4, $0x2800;
	vm4 =	vmand vm5, vm4  }
0x9c: {  	vm4 =	vmand vm6, vm4  }
0x9d: {  	v4 =	vnsel vm4, $0xFFFFFFFF, v4  }
.Ltmp9:
0x9e: {  	v5 =	vnsel vm6, $0xFFFFFFFE, v4;
	(pc) =	sbr.rel @p1 .LBB3_3-.Ltmp9, $3  }
0x9f: {  	_ =	sdelay $0x1  }
0xa0: {  	s10 =	sadd.s32 $0xFFFFFFF0, s10;
	s0 =	sadd.s32 $0xFFFFFFF0, s0;
	(ifvalue) =	ssetifvalue $0xFFFFFFFF  }
0xa1: {  	[tilespmem:s0], [sflag:$0x8] =	stream.indirect_vreg.gather [hbm4b:s1+s16], $0x1, v4, vm0, $0x4038;
	[tilespmem:s28+$0x0] =	vst v5  }
0xa2: {  	s0 =	sshrl.u32 s26, $0x3;
	s10 =	rddreg [dreg:$0x2]  }
0xa3: {  	s2 =	sadd.s32 $0xA100, s2;
	s0 =	sadd.s32 s10, s0  }
0xa4: {  	[tilespmem:s2], [sflag:$0x8] =	stream.linear.gather [hbm:s0], $0x2000, $0x38;
	[tilespmem:$0x12120] =	vst v63  }
.LBB3_5:
0xa5: {  	p1 =	slt.u32 s25, $0x2  }
0xa6: {  	p2 =	sge.u32 @!p1 s25, s12  }
0xa7: {  	p1 =	por p1, p2  }
.Ltmp10:
0xa8: {  	_ = 	snop;
	(pc) =	sbr.rel @p1 .LBB3_9-.Ltmp10, $1  }
0xa9: {  	_ =	sdelay $0x3  }
0xaa: {  	s0 =	sadd.s32 $0xFFFFFFFE, s25  }
0xab: {  	s2 =	smulhi.u32 $0xAAAAAAAB, s0;
	_ =	sdelay $0x1  }
0xac: {  	s2 =	sshrl.u32 s2, $0x1  }
0xad: {  	s2 =	smul.u32 $0x3, s2  }
0xae: {  	_ =	swait.ge [sflag:s8], $0x4000  }
0xaf: {  	s10 =	rddreg [dreg:$0x3];
	s0 =	ssub.s32 s0, s2  }
0xb0: {  	[sflag:s8] =	ssyncset.done $0x0;
	p1 =	sne.s32 s25, s10;
	s0 =	sshll.u32 s0, $0xD  }
0xb1: {  	[sflag:s8] =	ssyncadd.s32 $0xFFFFC000;
	s2 =	sadd.s32 @!p1 $0x20FF, s0  }
0xb2: {  	[spmem:s14] =	stream.linear.scatter @!p1 [tilespmem:s2], [sflag:$0x1], $0x1, $0x38;
	[tilespmem:$0x12120] =	vst v63  }
0xb3: {  	s2 =	simm.s32 @!p1 $0x1  }
0xb4: {  	_ =	swait.ge @!p1 [sflag:s2], $0x1  }
0xb5: {  	s10 =	sshll.u32 s25, $0x4;
	[sflag:s2] =	ssyncset.done @!p1 $0x0  }
0xb6: {  	s26 =	sand.u32 $0x10, s10;
	[sflag:s2] =	ssyncadd.s32 @!p1 $0xFFFFFFFF  }
0xb7: {  	s2 =	sxor.u32 $0x10, s26;
	v4 =	vld [tilespmem:s26+$0x10]  }
0xb8: {  	v5 =	vld [tilespmem:s2+$0x60]  }
0xb9: {  	v3 =	vld [tilespmem:$0x80];
	_ =	sdelay $0x2  }
0xba: {  	(v2sf) =	vpush v4, $0x0  }
0xbb: {  	(v2sf) =	vpush v5, $0x0  }
0xbc: {  	(v2sf) =	vpush v3, $0x0;
	_ =	sdelay $0xc  }
0xbd: {  	s11 =	spop (v2sf)  }
0xbe: {  	s23 =	spop (v2sf)  }
0xbf: {  	s29 =	spop (v2sf)  }
0xc0: {  	p2 =	seq.s32 s11, s23;
	p3 =	seq.s32 s29, s11  }
0xc1: {  	p3 =	por p2, p3  }
0xc2: {  	v4 =	vpsel p3, $0xFFFFFFFF, v4  }
0xc3: {  	s23 =	sand.u32 $0x1, s25;
	[tilespmem:s26+$0x10] =	vst.msk $0x1, v4  }
0xc4: {  	s30 =	sshll.u32 s23, $0xD;
	v4 =	vld [tilespmem:$0x30]  }
0xc5: {  	v5 =	vld [tilespmem:s30+$0xA100]  }
0xc6: {  	v6 =	vld [tilespmem:s26+$0x40];
	_ =	sdelay $0x3  }
0xc7: {  	vm4 =	vmmov vm1;
	v5 =	vadd.f32 v5, v4  }
0xc8: {  	vm5 =	vmmov vm2;
	vm4 =	vmmov @p2 vm2;
	s10 =	sshll.u32 s23, $0x4;
	v4 =	vadd.f32 v6, v4  }
0xc9: {  	s28 =	sor.u32 $0x12100, s10;
	vm5 =	vmmov @p3 vm1;
	[tilespmem:s30+$0xA100] =	vst.msk vm4, v5  }
0xca: {  	[tilespmem:s28+$0x0] =	vst.msk vm5, v4  }
0xcb: {  	v4 =	vld [tilespmem:s30+$0x80F0];
	_ =	sdelay $0x3  }
0xcc: {  	v5 =	vimm.f32 $0.0e+00  }
0xcd: {  	v4 =	vshift.insert v4, v5, s22  }
0xce: {  	s11 =	sor.u32 $0x40, s2  }
0xcf: {  	[tilespmem:s11+$0x0] =	vst.msk $0x1, v4  }
0xd0: {  	[tilespmem:s30+$0x80FF] =	vst.msk $0x1, v5  }
0xd1: {  	v4 =	vld [tilespmem:s0+$0x20F0];
	_ =	sdelay $0x1  }
0xd2: {  	s23 =	smulhi.u32 $0xAAAAAAAB, s21;
	_ =	sdelay $0x1  }
0xd3: {  	s10 =	simm.s32 $0x1;
	s0 =	sshrl.u32 s23, $0x1  }
0xd4: {  	s10 =	simm.s32 @!p0 $0x0;
	s0 =	smul.u32 $0xFFFE8000, s0;
	v4 =	vshift.insert v4, v1, s22  }
0xd5: {  	s10 =	sshll.u32 s10, $0xD  }
0xd6: {  	s31 =	sadd.s32 $0xA100, s10;
	s0 =	sshra.s32 s0, $0x2;
	[tilespmem:s2+$0x10] =	vst.msk $0x1, v4  }
0xd7: {  	s11 =	sadd.s32 s0, s20;
	v6 =	vld [tilespmem:s31+$0x0]  }
0xd8: {  	v7 =	vld [tilespmem:s11+$0x0];
	_ =	sdelay $0x3  }
0xd9: {  	v5 =	vadd.f32 v6, v5  }
0xda: {  	vm4 =	vne.s32 v7, $0xFFFFFFFF  }
0xdb: {  	(xrf2) =	vadd.seg.scan.f32 vm4, v5;
	_ =	sdelay $0x3  }
0xdc: {  	s0 =	sadd.s32 $0x6100, s10;
	v5 =	vperm.xlane v4, v1  }
0xdd: {  	v6 =	vld [tilespmem:s0+$0x0]  }
0xde: {  	vm5 =	veq.s32 v7, v3;
	vm6 =	veq.s32 v7, v5  }
0xdf: {  	vm7 =	vgt.u32 v7, $0xFFFFFFFD;
	vm6 =	vmor vm6, vm5  }
0xe0: {  	vm6 =	vmor vm6, vm7  }
0xe1: {  	v9 =	vld [tilespmem:$0xA0];
	v7 =	vsel vm6, $0xFFFFFFFF, v7  }
0xe2: {  	v10 =	vld [tilespmem:$0x90];
	v6 =	vsel vm5, $0x0, v6;
	v8, _, _ =	vpop (xrf2)  }
0xe3: {  	v6 =	vadd.f32 v8, v6  }
0xe4: {  	s2 =	sadd.s32 $0xE100, s10  }
0xe5: {  	vm4 =	vmand vm4, vm3;
	[tilespmem:s2+$0x0] =	vst v6;
	(ifvalue) =	ssetifvalue $0xFFFFFFFF  }
0xe6: {  	vm6 =	veq.s32 v9, $0x1;
	[hbm4b:s1+s16] =	stream.indirect_vreg.scatter [tilespmem:s2], [sflag:$0x2], $0x1, v7, vm0, $0x4038;
	v7 =	vsel vm4, $0x0, v8;
	[tilespmem:$0x12120] =	vst v63  }
0xe7: {  	s23 =	simm.s32 $0x0;
	s10 =	sadd.s32 $0x10, s11;
	vm4 =	vmor vm6, vm5;
	v6 =	vsel vm5, v8, v10;
	v7 =	vshift.insert v7, v0, s22  }
.LBB3_7:
0xe8: {  	v8 =	vld [tilespmem:s10+$0x0];
	s31 =	sadd.s32 $0x10, s31  }
0xe9: {  	s0 =	sadd.s32 $0x10, s0;
	v9 =	vld [tilespmem:s31+$0x0]  }
0xea: {  	s23 =	sadd.s32 $0x10, s23;
	v10 =	vld [tilespmem:s0+$0x0]  }
0xeb: {  	p2 =	slt.u32 s23, $0x1FF0;
	_ =	sdelay $0x2  }
0xec: {  	v7 =	vadd.f32 v9, v7  }
0xed: {  	vm5 =	vne.s32 v8, $0xFFFFFFFF  }
0xee: {  	vm6 =	vmand vm5, vm3;
	(xrf2) =	vadd.seg.scan.f32 vm5, v7;
	_ =	sdelay $0x5  }
0xef: {  	vm7 =	veq.s32 v8, v5;
	vm5 =	veq.s32 v8, v3  }
0xf0: {  	vm8 =	vgt.u32 v8, $0xFFFFFFFD;
	vm4 =	vmor vm4, vm5;
	vm7 =	vmor vm7, vm5  }
0xf1: {  	vm7 =	vmor vm7, vm8  }
0xf2: {  	v8 =	vsel vm7, $0xFFFFFFFF, v8  }
.Ltmp11:
0xf3: {  	v7 =	vsel vm5, $0x0, v10;
	v9, _, _ =	vpop (xrf2);
	(pc) =	sbr.rel @p2 .LBB3_7-.Ltmp11, $4  }
0xf4: {  	v6 =	vsel vm5, v9, v6;
	v10 =	vadd.f32 v9, v7;
	v7 =	vsel vm6, $0x0, v9  }
0xf5: {  	s2 =	sadd.s32 $0x10, s2;
	v7 =	vshift.insert v7, v0, s22  }
0xf6: {  	s10 =	sadd.s32 $0x10, s10;
	[tilespmem:s2+$0x0] =	vst v10;
	(ifvalue) =	ssetifvalue $0xFFFFFFFF  }
0xf7: {  	[hbm4b:s1+s16] =	stream.indirect_vreg.scatter [tilespmem:s2], [sflag:$0x2], $0x1, v8, vm0, $0x4038;
	[tilespmem:$0x12120] =	vst v63  }
0xf8: {  	v3 =	vld [tilespmem:s30+$0x100F0];
	_ =	sdelay $0x4  }
0xf9: {  	v3 =	vshift.insert v3, v0, s22  }
0xfa: {  	s0 =	simm.s32 $0x30  }
0xfb: {  	[tilespmem:s0+$0x0] =	vst.msk $0x1, v3  }
0xfc: {  	v3 =	vsel vm4, $0x1, v1;
	[tilespmem:$0x90] =	vst v6  }
0xfd: {  	s0 =	sadd.s32 @!p1 $0x100FF, s30;
	[tilespmem:$0xA0] =	vst v3  }
0xfe: {  	[spmem:s15] =	stream.linear.scatter @!p1 [tilespmem:s0], [sflag:$0x1], $0x1, $0x38;
	[tilespmem:$0x12120] =	vst v63  }
0xff: {  	s0 =	simm.s32 @!p1 $0x1  }
0x100: {  	v3 =	vmctz.xlane @!p1 vm4;
	_ =	swait.ge @!p1 [sflag:s0], $0x1  }
0x101: {  	(v2sf) =	vpush @!p1 v4, $0x0  }
0x102: {  	(v2sf) =	vpush @!p1 v3, $0x0;
	_ =	sdelay $0xd  }
0x103: {  	s2 =	spop @!p1 (v2sf)  }
0x104: {  	s10 =	spop @!p1 (v2sf)  }
0x105: {  	p2 =	sne.s32 @!p1 s29, s2;
	p3 =	slt.s32 @!p1 s10, $0xF  }
0x106: {  	[sflag:s0] =	ssyncset.done @!p1 $0x0;
	p2 =	por p2, p1;
	p3 =	por !p3, p1  }
0x107: {  	[sflag:s0] =	ssyncadd.s32 @!p1 $0xFFFFFFFF;
	v3 =	vimm.s32 @!p2 $0xFFFFFFFF;
	s10 =	simm.s32 @p3 $0xF  }
0x108: {  	[tilespmem:$0x80] =	vst @!p2 v3;
	s2 =	sadd.s32 @!p1 $0x90, s10  }
0x109: {  	[spmem:s3] =	stream.linear.scatter @!p1 [tilespmem:s2], [sflag:$0x1], $0x1, $0x38;
	[tilespmem:$0x12120] =	vst v63  }
0x10a: {  	_ =	swait.ge @!p1 [sflag:s0], $0x1  }
0x10b: {  	[sflag:s0] =	ssyncset.done @!p1 $0x0  }
0x10c: {  	s2 =	simm.s32 @!p1 $0x80;
	[sflag:s0] =	ssyncadd.s32 @!p1 $0xFFFFFFFF  }
0x10d: {  	[spmem:s13] =	stream.linear.scatter @!p1 [tilespmem:s2], [sflag:$0x1], $0x1, $0x38;
	[tilespmem:$0x12120] =	vst v63  }
0x10e: {  	_ =	swait.ge @!p1 [sflag:s0], $0x1  }
0x10f: {  	[sflag:s0] =	ssyncset.done @!p1 $0x0  }
0x110: {  	[sflag:s0] =	ssyncadd.s32 @!p1 $0xFFFFFFFF;
	(ifvalue) =	ssetifvalue $0xFFFFFFFF;
	v3 =	vld [tilespmem:s26+$0x10];
	_ =	sdelay $0x3  }
.Ltmp12:
0x111: {  	_ = 	snop;
	(pc) =	sbr.rel .LBB3_9-.Ltmp12, $3  }
0x112: {  	_ =	sdelay $0x1  }
0x113: {  	(ifvalue) =	ssetifvalue $0xFFFFFFFF  }
0x114: {  	[hbm4b:s1+s16] =	stream.indirect_vreg.scatter [tilespmem:s28], [sflag:$0x9], $0x1, v3, vm0, $0x4038;
	[tilespmem:$0x12120] =	vst v63  }
.LBB3_10:
0x115: {  	_ =	sfence.sel $0x180000  }
0x116: {  	s0 =	simm.s32 $0x7;
	[bflag:$0x0] =	sbarrier.arrive $0xFFFF  }
0x117: {  	s26 =	simm.s32 $0x8;
	[sflag:s0] =	ssyncpa.u1 $0x1  }
0x118: {  	s28 =	simm.s32 $0x9;
	[sflag:s26] =	ssyncpa.u1 $0x1  }
0x119: {  	[sflag:s28] =	ssyncpa.u1 $0x1  }
0x11a: {  	_ =	sfence.stream.spmem  }
0x11b: {  	s29 =	simm.s32 $0x3;
	[bflag:$0x0] =	sbarrier.arrive $0xFFFF  }
0x11c: {  	s30 =	simm.s32 $0x4;
	[sflag:s29] =	ssyncpa.u1 $0x1  }
0x11d: {  	s31 =	simm.s32 $0x3C;
	s2 =	stileid.u32;
	[sflag:s30] =	ssyncpa.u1 $0x1  }
0x11e: {  	p0 =	sne.s32 s2, $0x0;
	[sflag:s31] =	ssyncpa.u1 $0x1  }
0x11f: {  	s0 =	simm.s32 @p0 $0x1;
	_ =	sfence @p0  }
0x120: {  	[sflag:s0] =	ssyncpa.u1 @p0 $0x1;
	s0 =	simm.s32 @p0 $0x2  }
0x121: {  	[sflag:s0] =	ssyncpa.u1 @p0 $0x1  }
0x122: {  	_ =	strace @p0 $0x90000056  }
0x123: {  	[bflag:$0x2] =	sbarrier.arrive @p0 $0xFFFF  }
0x124: {  	_ =	shalt @p0  }
.LBB3_11:
0x125: {  	_ =	sfence.stream.spmem;
	s0 =	simm.s32 $0x5  }
0x126: {  	s2 =	simm.s32 $0x80;
	s3 =	simm.s32 $0xC0;
	[sflag:s0] =	ssyncpa.u1 $0x0  }
0x127: {  	[tilespmem:s3], [sflag:$0x5] =	stream.linear.gather [spmem:s2], $0x20, $0x38;
	[tilespmem:$0x12120] =	vst v63  }
0x128: {  	s2 =	simm.s32 $0x0;
	s3 =	simm.s32 $0xE0  }
0x129: {  	[tilespmem:s3], [sflag:$0x5] =	stream.linear.gather [spmem:s2], $0x20, $0x38;
	[tilespmem:$0x12120] =	vst v63  }
.Ltmp13:
0x12a: {  	_ = 	snop;
	(pc) =	sbr.rel .LBB3_12-.Ltmp13, $4  }
0x12b: {  	_ =	swait.ge [sflag:s0], $0x40  }
0x12c: {  	[sflag:s0] =	ssyncset.done $0x0  }
0x12d: {  	s31 =	simm.s32 $0x6;
	[sflag:s0] =	ssyncadd.s32 $0xFFFFFFC0  }
0x12e: {  	s4 =	simm.s32 $0x0;
	[sflag:s31] =	ssyncpa.u1 $0x0  }
.LBB3_17:
0x12f: {  	p0 =	sgt.u32 s0, $0x27FF  }
0x130: {  	s5 =	sshrl.u32 @!p0 s0, $0x3  }
0x131: {  	s0 =	sand.u32 @!p0 $0x7, s0;
	s6 =	simm.s32 @!p0 $0xB0;
	s5 =	sadd.s32 @!p0 s1, s5  }
0x132: {  	[tilespmem:s6], [sflag:$0x6] =	stream.linear.gather @!p0 [hbm4b:s5+s0], $0x1, $0x38;
	[tilespmem:$0x12120] =	vst v63  }
0x133: {  	s0 =	simm.s32 @!p0 $0x6  }
0x134: {  	_ =	swait.ge @!p0 [sflag:s0], $0x1  }
0x135: {  	[sflag:s0] =	ssyncset.done @!p0 $0x0  }
0x136: {  	[sflag:s0] =	ssyncadd.s32 @!p0 $0xFFFFFFFF  }
0x137: {  	v2 =	vmov @!p0 s4;
	v1 =	vld.msk @!p0 [tilespmem:$0xB0], $0x1;
	_ =	sdelay $0x3  }
0x138: {  	s0 =	simm.s32 @!p0 $0xE0  }
0x139: {  	[tilespmem:v2+s0+$0x0], v1 =	vst.idx.ret.add.f32.msk @!p0 $0x1, v1  }
0x13a: {  	[tilespmem:s2+$0xC0] =	vst.msk $0x1, v0  }
0x13b: {  	v0 =	vld.msk [tilespmem:s4+$0xE0], $0x1;
	_ =	sdelay $0x4  }
0x13c: {  	[tilespmem:s2+$0xE0] =	vst.msk $0x1, v0;
	s2 =	sadd.s32 $0x1, s2  }
.LBB3_19:
0x13d: {  	s4 =	sadd.s32 $0x1, s4  }
0x13e: {  	p0 =	sne.s32 s4, $0x20  }
.Ltmp14:
0x13f: {  	_ = 	snop;
	(pc) =	sbr.rel @!p0 .LBB3_20-.Ltmp14, $1  }
0x140: {  	_ =	sdelay $0x3  }
.LBB3_12:
0x141: {  	v0 =	vld.msk [tilespmem:s4+$0xC0], $0x1;
	_ =	sdelay $0x4  }
0x142: {  	(v2sf) =	vpush v0, $0x0;
	_ =	sdelay $0xe  }
0x143: {  	s0 =	spop (v2sf)  }
0x144: {  	p0 =	seq.s32 s0, $0xFFFFFFFF  }
.Ltmp15:
0x145: {  	_ = 	snop;
	(pc) =	sbr.rel @p0 .LBB3_19-.Ltmp15, $1  }
0x146: {  	_ =	sdelay $0x3  }
0x147: {  	p0 =	slt.s32 s2, $0x1  }
.Ltmp16:
0x148: {  	_ = 	snop;
	(pc) =	sbr.rel @p0 .LBB3_17-.Ltmp16, $1  }
0x149: {  	_ =	sdelay $0x3  }
0x14a: {  	s5 =	simm.s32 $0xC0;
	p0 =	por $0x0, $0x0  }
0x14b: {  	v1 =	vld.msk @!p0 [tilespmem:s5+$0x0], $0x1;
	_ =	sdelay $0x4  }
0x14c: {  	(v2sf) =	vpush @!p0 v1, $0x0;
	_ =	sdelay $0xd  }
0x14d: {  	p2 =	sne.s32 s2, $0x1  }
.Ltmp17:
0x14e: {  	s6 =	spop @!p0 (v2sf);
	(pc) =	sbr.rel @!p2 .LBB3_16-.Ltmp17, $4  }
0x14f: {  	p1 =	seq.s32 @!p0 s0, s6  }
0x150: {  	s6 =	simm.s32 $0x0;
	p1 =	por !p1, p0  }
0x151: {  	s8 =	simm.s32 $0xFFFFFFFF;
	s6 =	simm.s32 @p1 $0xFFFFFFFF  }
0x152: {  	s7 =	simm.s32 $0x1;
	s6 =	smov.u32 @p0 s8  }
.LBB3_15:
0x153: {  	s8 =	smov.u32 s6;
	p0 =	sne.s32 s6, $0xFFFFFFFF  }
0x154: {  	s5 =	sadd.s32 $0x1, s5;
	s6 =	smov.u32 s7;
	s7 =	sadd.s32 $0x1, s7  }
0x155: {  	p1 =	sne.s32 s2, s7;
	v1 =	vld.msk @!p0 [tilespmem:s5+$0x0], $0x1;
	_ =	sdelay $0x4  }
0x156: {  	(v2sf) =	vpush @!p0 v1, $0x0;
	_ =	sdelay $0xe  }
.Ltmp18:
0x157: {  	s9 =	spop @!p0 (v2sf);
	(pc) =	sbr.rel @p1 .LBB3_15-.Ltmp18, $4  }
0x158: {  	p2 =	seq.s32 @!p0 s0, s9  }
0x159: {  	p2 =	por !p2, p0  }
0x15a: {  	s6 =	simm.s32 @p2 $0xFFFFFFFF  }
0x15b: {  	s6 =	smov.u32 @p0 s8  }
.LBB3_16:
0x15c: {  	p0 =	sne.s32 s6, $0xFFFFFFFF  }
.Ltmp19:
0x15d: {  	_ = 	snop;
	(pc) =	sbr.rel @!p0 .LBB3_17-.Ltmp19, $1  }
0x15e: {  	_ =	sdelay $0x3  }
0x15f: {  	v0 =	vld.msk [tilespmem:s4+$0xE0], $0x1;
	v1 =	vmov s6  }
.Ltmp20:
0x160: {  	_ = 	snop;
	(pc) =	sbr.rel .LBB3_19-.Ltmp20, $2  }
0x161: {  	_ =	sdelay $0x2  }
0x162: {  	[tilespmem:v1+s3+$0x0], v0 =	vst.idx.ret.add.f32.msk $0x1, v0  }
.LBB3_20:
0x163: {  	p0 =	slt.s32 s2, $0x1  }
.Ltmp21:
0x164: {  	_ = 	snop;
	(pc) =	sbr.rel @p0 .LBB3_24-.Ltmp21, $3  }
0x165: {  	_ =	sdelay $0x1  }
0x166: {  	s0 =	simm.s32 $0x6  }
0x167: {  	[sflag:s0] =	ssyncpa.u1 $0x1;
	s0 =	simm.s32 $0x0  }
0x168: {  	s3 =	simm.s32 $0xC0  }
0x169: {  	v0 =	vld.msk [tilespmem:s3+$0x0], $0x1;
	_ =	sdelay $0x4  }
0x16a: {  	(v2sf) =	vpush v0, $0x0;
	_ =	sdelay $0xe  }
0x16b: {  	s2 =	sadd.s32 $0xFFFFFFFF, s2;
	s4 =	spop (v2sf)  }
0x16c: {  	p1 =	sne.s32 s2, $0x0;
	p0 =	sgt.u32 s4, $0x27FF  }
.Ltmp22:
0x16d: {  	s5 =	sshrl.u32 @!p0 s4, $0x3;
	(pc) =	sbr.rel @!p1 .LBB3_23-.Ltmp22, $4  }
0x16e: {  	s3 =	simm.s32 $0xE0;
	s4 =	sand.u32 @!p0 $0x7, s4;
	s5 =	sadd.s32 @!p0 s1, s5  }
0x16f: {  	[hbm4b:s5+s4] =	stream.linear.scatter @!p0 [tilespmem:s3], [sflag:$0x5], $0x1, $0x38;
	[tilespmem:$0x12120] =	vst v63  }
0x170: {  	s5 =	simm.s32 $0x0  }
0x171: {  	s4 =	simm.s32 $0xC1;
	s5 =	simm.s32 @!p0 $0x4  }
.LBB3_22:
0x172: {  	v0 =	vld.msk [tilespmem:s4+$0x0], $0x1;
	s2 =	sadd.s32 $0xFFFFFFFF, s2;
	s0 =	sadd.s32 s0, s5  }
0x173: {  	p0 =	sne.s32 s2, $0x0;
	_ =	sdelay $0x3  }
0x174: {  	(v2sf) =	vpush v0, $0x0;
	_ =	sdelay $0xe  }
.Ltmp23:
0x175: {  	s6 =	spop (v2sf);
	(pc) =	sbr.rel @p0 .LBB3_22-.Ltmp23, $4  }
0x176: {  	s5 =	simm.s32 $0x0;
	p1 =	sgt.u32 s6, $0x27FF  }
0x177: {  	s3 =	sadd.s32 $0x1, s3;
	s5 =	simm.s32 @!p1 $0x4;
	s7 =	sshrl.u32 @!p1 s6, $0x3  }
0x178: {  	s4 =	sadd.s32 $0x1, s4;
	s6 =	sand.u32 @!p1 $0x7, s6;
	s7 =	sadd.s32 @!p1 s1, s7  }
0x179: {  	[hbm4b:s7+s6] =	stream.linear.scatter @!p1 [tilespmem:s3], [sflag:$0x5], $0x1, $0x38;
	[tilespmem:$0x12120] =	vst v63  }
.LBB3_23:
0x17a: {  	s0 =	sadd.s32 s0, s5  }
0x17b: {  	s0 =	sshrl.u32 s0, $0x2  }
.LBB3_24:
0x17c: {  	s1 =	simm.s32 $0x5  }
0x17d: {  	_ =	swait.ge [sflag:s1], s0  }
0x17e: {  	s28 =	ssub.s32 $0x0, s0;
	[sflag:s1] =	ssyncset.done $0x0  }
0x17f: {  	[sflag:s1] =	ssyncadd.s32 s28  }
0x180: {  	[sflag:s1] =	ssyncpa.u1 $0x1  }
0x181: {  	s29 =	simm.s32 $0x1;
	_ =	sfence  }
0x182: {  	s30 =	simm.s32 $0x2;
	[sflag:s29] =	ssyncpa.u1 $0x1  }
0x183: {  	[sflag:s30] =	ssyncpa.u1 $0x1  }
0x184: {  	_ =	strace $0x90000056  }
0x185: {  	[bflag:$0x2] =	sbarrier.arrive $0xFFFF  }
0x186: {  	s31 =	rddreg [dreg:$0x1]  }
0x187: {  	s0 =	sadd.s32 $0x100000, s31  }
0x188: {  	[sflag:s0] =	ssyncadd.tile.s32 $0x1;
	_ =	shalt  }
.Lfunc_end3:
_tile_overlayer_lowered:
.L_overlay_start_3:
0x189: {  	(tag) =	ssettag $0x3  }
0x18a: {  	s0 =	rddreg [dreg:$0x0];
	s2 =	stileid.u32  }
0x18b: {  	s1 =	rddreg [dreg:$0x1];
	p0 =	sne.s32 s2, $0x0  }
0x18c: {  	s3 =	rddreg [dreg:$0x2];
	[bflag:$0x3] =	sbarrier.arrive $0xFFFF;
	s2 =	simm.s32 @!p0 $0x1C01  }
0x18d: {  	[timem:s3], [sflag:s2] =	dma.local @!p0 [hbm:s0], s1  }
0x18e: {  	s0 =	simm.s32 @!p0 $0x1  }
0x18f: {  	_ =	swait.ge @!p0 [sflag:s0], s1  }
0x190: {  	s1 =	ssub.s32 @!p0 $0x0, s1;
	[sflag:s0] =	ssyncset.done @!p0 $0x0  }
0x191: {  	[sflag:s0] =	ssyncadd.s32 @!p0 s1  }
0x192: {  	[bflag:$0x3] =	sbarrier.arrive $0xFFFF  }
0x193: {  	_ =	shalt  }

// kernel: scatter_offload_async_start.3
scs
__scs_entry_jumppad:
0x0: {  	(pc) =	sbr.rel $0x88, $3  }
0x1: {  	(tag) =	ssettag $0x0;
	lr =	simm.s32 $0x1  }
0x2: {  	[smem:$0x3F93] =	sst lr;
	_ =	strace $0xD0000000  }
0x3: {  	_ = 	snop  }
0x4: {  	_ = 	snop  }
0x5: {  	_ = 	snop  }
0x6: {  	_ = 	snop  }
0x7: {  	_ = 	snop  }
__scs_overlays_trampoline_lowered:
0x8: {  	[smem:$0x3FA2] =	sst s0  }
0x9: {  	[smem:$0x3FA3] =	sst s1  }
0xa: {  	[smem:$0x3FA4] =	sst s2  }
0xb: {  	[smem:$0x3FA5] =	sst s3  }
0xc: {  	[smem:$0x3FA6] =	sst s4  }
0xd: {  	[smem:$0x3FA7] =	sst s5  }
0xe: {  	[smem:$0x3FA8] =	sst s6  }
0xf: {  	[smem:$0x3FA9] =	sst s7  }
0x10: {  	[smem:$0x3FAA] =	sst s8  }
0x11: {  	[smem:$0x3FAB] =	sst s9;
	s0 =	simm.s32 @!p0 $0x0  }
0x12: {  	s1 =	sld [smem:$0x3F91];
	s0 =	simm.s32 @p0 $0x1  }
0x13: {  	[smem:$0x3FAC] =	sst s0;
	s0 =	simm.s32 @!p1 $0x0  }
0x14: {  	s2 =	sld [smem:$0x3F90];
	s0 =	simm.s32 @p1 $0x1  }
0x15: {  	[smem:$0x3FAD] =	sst s0;
	s0 =	simm.s32 @!p2 $0x0  }
0x16: {  	s3 =	sld [smem:$0x3FDB];
	s0 =	simm.s32 @p2 $0x1  }
0x17: {  	s4 =	simm.s32 $0x1BF5;
	[smem:$0x3FAF] =	sst s0  }
0x18: {  	s0 =	sld [smem:$0x3F92];
	_ =	swait.ge [sflag:s4], $0x0  }
0x19: {  	s7 =	sld [smem:$0x3F93]  }
0x1a: {  	s8 =	sadd.s32 $0xFFFFE003, lr  }
0x1b: {  	s9 =	sadd.s32 $0xFFFFFEF7, lr;
	s5 =	simm.s32 $0xFFFFFFFF;
	p2 =	slt.u32 s8, $0xFFFFF086  }
0x1c: {  	p1 =	slt.u32 s9, $0xF7A;
	s5 =	simm.s32 @!p2 $0x0  }
0x1d: {  	s5 =	simm.s32 @p1 $0x1;
	p0 =	seq.s32 s7, s2  }
0x1e: {  	s7 =	smul.u32 @!p0 $0xF7A, s2;
	p2 =	seq.s32 @!p0 s5, $0x0  }
0x1f: {  	s9 =	smul.u32 $0xF7A, s1;
	s8 =	simm.s32 @!p0 $0x1BF5;
	p2 =	por !p2, p0  }
0x20: {  	[sflag:s8] =	ssyncset.s32 @!p0 $0xFFFFF086;
	s6 =	sadd.s32 @!p0 s3, s7;
	s7 =	simm.s32 @!p0 $0x108  }
0x21: {  	s3 =	sadd.s32 s3, s9;
	s6 =	sadd.s32 @!p0 $0x88, s6;
	s7 =	simm.s32 @p2 $0x1082  }
0x22: {  	[simem:s7], [sflag:s8] =	dma.local @!p0 [hbm:s6], $0xF7A  }
0x23: {  	s9 =	sor.u32 $0xD0000000, s2;
	s6 =	simm.s32 $0x108;
	_ =	swait.ge @!p0 [sflag:s8], $0x0  }
0x24: {  	s3 =	sadd.s32 $0x88, s3;
	s6 =	simm.s32 @!p1 $0x1082;
	[sflag:s4] =	ssyncset.s32 $0xFFFFF086  }
0x25: {  	[simem:s6], [sflag:s4] =	dma.local [hbm:s3], $0xF7A  }
0x26: {  	[smem:$0x3F93] =	sst s1;
	(tag) =	ssettag s2;
	_ =	strace s9  }
0x27: {  	s1 =	sld [smem:$0x3FA3]  }
0x28: {  	s2 =	sld [smem:$0x3FA4]  }
0x29: {  	s4 =	sld [smem:$0x3FA6]  }
0x2a: {  	p0 =	seq.s32 s5, $0x0;
	s5 =	sld [smem:$0x3FA7]  }
0x2b: {  	s6 =	sld [smem:$0x3FA8]  }
0x2c: {  	s7 =	sld [smem:$0x3FA9]  }
0x2d: {  	s3 =	simm.s32 $0x108;
	s8 =	sld [smem:$0x3FAA]  }
0x2e: {  	s3 =	simm.s32 @!p0 $0x1082;
	s9 =	sld [smem:$0x3FAB]  }
0x2f: {  	lr =	sadd.s32 s0, s3;
	s0 =	sld [smem:$0x3FA2]  }
0x30: {  	s3 =	sld [smem:$0x3FA5]  }
0x31: {  	[smem:$0x3FAE] =	sst s10  }
0x32: {  	s10 =	sld [smem:$0x3FAC];
	_ =	sdelay $0x3  }
0x33: {  	p0 =	seq.s32 s10, $0x1;
	s10 =	sld [smem:$0x3FAE];
	_ =	sdelay $0x3  }
0x34: {  	[smem:$0x3FAE] =	sst s10  }
0x35: {  	s10 =	sld [smem:$0x3FAD];
	_ =	sdelay $0x3  }
0x36: {  	p1 =	seq.s32 s10, $0x1;
	s10 =	sld [smem:$0x3FAE];
	_ =	sdelay $0x3  }
0x37: {  	[smem:$0x3FAE] =	sst s10  }
0x38: {  	s10 =	sld [smem:$0x3FAF]  }
0x39: {  	_ = 	snop;
	(pc) =	sbr.ind lr, $3  }
0x3a: {  	_ = 	snop  }
0x3b: {  	_ = 	snop  }
0x3c: {  	p2 =	seq.s32 s10, $0x1;
	s10 =	sld [smem:$0x3FAE]  }
0x3d: {  	_ =	shalt  }
0x3e: {  	_ =	shalt  }
0x3f: {  	_ =	shalt  }
0x40: {  	_ =	shalt  }
0x41: {  	_ =	shalt  }
0x42: {  	_ =	shalt  }
0x43: {  	_ =	shalt  }
0x44: {  	_ =	shalt  }
0x45: {  	_ =	shalt  }
0x46: {  	_ =	shalt  }
0x47: {  	_ =	shalt  }
0x48: {  	_ =	shalt  }
0x49: {  	_ =	shalt  }
0x4a: {  	_ =	shalt  }
0x4b: {  	_ =	shalt  }
0x4c: {  	_ =	shalt  }
0x4d: {  	_ =	shalt  }
0x4e: {  	_ =	shalt  }
0x4f: {  	_ =	shalt  }
0x50: {  	_ =	shalt  }
0x51: {  	_ =	shalt  }
0x52: {  	_ =	shalt  }
0x53: {  	_ =	shalt  }
0x54: {  	_ =	shalt  }
0x55: {  	_ =	shalt  }
0x56: {  	_ =	shalt  }
0x57: {  	_ =	shalt  }
0x58: {  	_ =	shalt  }
0x59: {  	_ =	shalt  }
0x5a: {  	_ =	shalt  }
0x5b: {  	_ =	shalt  }
0x5c: {  	_ =	shalt  }
0x5d: {  	_ =	shalt  }
0x5e: {  	_ =	shalt  }
0x5f: {  	_ =	shalt  }
0x60: {  	_ =	shalt  }
0x61: {  	_ =	shalt  }
0x62: {  	_ =	shalt  }
0x63: {  	_ =	shalt  }
0x64: {  	_ =	shalt  }
0x65: {  	_ =	shalt  }
0x66: {  	_ =	shalt  }
0x67: {  	_ =	shalt  }
0x68: {  	_ =	shalt  }
0x69: {  	_ =	shalt  }
0x6a: {  	_ =	shalt  }
0x6b: {  	_ =	shalt  }
0x6c: {  	_ =	shalt  }
0x6d: {  	_ =	shalt  }
0x6e: {  	_ =	shalt  }
0x6f: {  	_ =	shalt  }
0x70: {  	_ =	shalt  }
0x71: {  	_ =	shalt  }
0x72: {  	_ =	shalt  }
0x73: {  	_ =	shalt  }
0x74: {  	_ =	shalt  }
0x75: {  	_ =	shalt  }
0x76: {  	_ =	shalt  }
0x77: {  	_ =	shalt  }
0x78: {  	_ =	shalt  }
0x79: {  	_ =	shalt  }
0x7a: {  	_ =	shalt  }
0x7b: {  	_ =	shalt  }
0x7c: {  	_ =	shalt  }
0x7d: {  	_ =	shalt  }
0x7e: {  	_ =	shalt  }
0x7f: {  	_ =	shalt  }
0x80: {  	_ =	shalt  }
0x81: {  	_ =	shalt  }
0x82: {  	_ =	shalt  }
0x83: {  	_ =	shalt  }
0x84: {  	_ =	shalt  }
0x85: {  	_ =	shalt  }
0x86: {  	_ =	shalt  }
0x87: {  	_ =	shalt  }
.Lfunc_end0:
.L_simem_size_0:
called_computation.3_lowered:
.L_overlay_start_0:
0x88: {  	s0 =	sld [smem:$0x3FD9]  }
0x89: {  	s1 =	sld [smem:$0x3FFE];
	_ =	sdelay $0x3  }
0x8a: {  	s0 =	sadd.s32 s1, s0  }
0x8b: {  	[smem:$0x3FBA] =	sst s0  }
0x8c: {  	_ = 	snop  }
0x8d: {  	(tm) =	ssettm $0x1  }
0x8e: {  	s14 =	sld [smem:$0x3FFB];
	_ =	sdelay $0x3  }
0x8f: {  	_ =	strace s14  }
0x90: {  	s0 =	sld [smem:$0x3FFC];
	_ =	sdelay $0x3  }
0x91: {  	_ =	strace s0  }
0x92: {  	s0 =	sld [smem:$0x3FFD];
	_ =	sdelay $0x3  }
0x93: {  	_ =	strace s0  }
0x94: {  	_ =	strace $0x8FFFFFFF  }
0x95: {  	s15 =	sld [smem:$0x3FDB];
	_ =	sdelay $0x1  }
0x96: {  	s16 =	simm.s32 $_scs_section_size  }
0x97: {  	s2 =	simm.s32 $_size__tile_overlayer_lowered;
	s3 =	simm.s32 $_tile_overlayer_lowered  }
0x98: {  	s4 =	simm.s32 $0x1BFF;
	s17 =	sshll.u32 s3, $0x1;
	s1 =	sadd.s32 s16, s15  }
0x99: {  	s18 =	simm.s32 $0x0;
	s2 =	sshll.u32 s2, $0x1;
	s3 =	sadd.s32 s17, s1  }
0x9a: {  	[timem:s18], [sflag:s4] =	dma.local [hbm:s3], s2  }
0x9b: {  	_ =	swait.ge [sflag:s4], s2  }
0x9c: {  	s2 =	ssub.s32 $0x0, s2;
	[sflag:s4] =	ssyncset.done $0x0  }
0x9d: {  	[sflag:s4] =	ssyncadd.s32 s2;
	_ =	sdelay $0x1  }
0x9e: {  	s19 =	simm.s32 $0x1B8B  }
0x9f: {  	_ =	swait.ge [sflag:s19], $0x1  }
0xa0: {  	[sflag:s19] =	ssyncset.done $0x0  }
0xa1: {  	s21 =	simm.s32 $0x1B8E;
	s20 =	sld [smem:$0x3FFE];
	[sflag:s19] =	ssyncadd.s32 $0xFFFFFFFF  }
0xa2: {  	s22 =	simm.s32 $execute0_lowered;
	[smem:$0x3FD2] =	sst s21  }
0xa3: {  	s3 =	sshll.u32 s22, $0x1;
	_ =	strace $0x80000058;
	[dreg:$0x1] =	wrdreg $0xFFFFFFFF  }
0xa4: {  	s23 =	simm.s32 $_size_execute0_lowered;
	s3 =	sadd.s32 s1, s3;
	[dreg:$0x0] =	wrdreg $0x0  }
0xa5: {  	s4 =	sshll.u32 s23, $0x1;
	[dreg:$0x2] =	wrdreg s3  }
0xa6: {  	[dreg:$0x3] =	wrdreg s4  }
0xa7: {  	[dreg:$0x4] =	wrdreg $0xC0  }
0xa8: {  	s24 =	simm.s32 $execute1_lowered;
	_ =	task [dreg:s18], $0x5FFFF  }
0xa9: {  	s3 =	sshll.u32 s24, $0x1;
	[dreg:$0x1] =	wrdreg $0xFFFFFFFF  }
0xaa: {  	s1 =	sadd.s32 s1, s3;
	[dreg:$0x0] =	wrdreg $0x60  }
0xab: {  	[dreg:$0x2] =	wrdreg s1  }
0xac: {  	[dreg:$0x3] =	wrdreg s20  }
0xad: {  	[dreg:$0x4] =	wrdreg $0xF  }
0xae: {  	_ =	task.clear_ibuf [dreg:s18], $0x5FFFF;
	_ =	strace $0x90000058  }
0xaf: {  	s25 =	simm.s32 $0xF;
	_ =	strace $0x8000005A  }
0xb0: {  	_ =	swait.ge [sflag:s25], $0x1  }
0xb1: {  	[sflag:s25] =	ssyncadd.s32 $0xFFFFFFFF  }
0xb2: {  	_ =	strace $0x9000005A  }
0xb3: {  	_ =	strace $0x8000005B;
	[dreg:$0x1] =	wrdreg $0xFFFFFFFF  }
0xb4: {  	[dreg:$0x0] =	wrdreg $0x2030  }
0xb5: {  	[dreg:$0x2] =	wrdreg s20  }
0xb6: {  	[dreg:$0x3] =	wrdreg $0x10  }
0xb7: {  	_ =	task.clear_ibuf [dreg:s18], $0x4FFFF;
	_ =	strace $0x9000005B  }
0xb8: {  	s26 =	simm.s32 $0x10;
	_ =	strace $0x8000005D  }
0xb9: {  	_ =	swait.ge [sflag:s26], $0x1  }
0xba: {  	[sflag:s26] =	ssyncadd.s32 $0xFFFFFFFF  }
0xbb: {  	_ =	strace $0x9000005D  }
0xbc: {  	_ =	sfence  }
0xbd: {  	s28 =	sld [smem:$0x0];
	_ =	sdelay $0x1  }
0xbe: {  	s29 =	srdreg.scid  }
0xbf: {  	s30 =	sshll.u32 s29, $0xD;
	s31 =	sshrl.u32 s29, $0x2  }
0xc0: {  	s2 =	sand.u32 $0x1, s29;
	s3 =	sand.u32 $0x4000, s30;
	s1 =	sadd.s32 s31, s28  }
0xc1: {  	s2 =	sor.u32 s3, s2;
	s1 =	sshll.u32 s1, $0x11  }
0xc2: {  	s1 =	sor.u32 s1, s2  }
0xc3: {  	s1 =	sadd.s32 $0x8F2B, s1  }
0xc4: {  	[sflag:s1] =	ssyncadd.remote.s32 $0x1  }
0xc5: {  	_ =	sfence.sel $0xFFFF  }
0xc6: {  	[dreg:$0x0] =	wrdreg $0xFFFFFFFF;
	(pc) =	sbr.abs _section_cstart, $3  }
0xc7: {  	[dreg:$0x1] =	wrdreg $0xFFFFFFFF  }
0xc8: {  	_ =	task.clear_ibuf [dreg:s18], $0x2FFFF;
	_ =	strace $0x9FFFFFFF  }
0xc9: {  	(tm) =	ssettm $0x7FFFFFFF  }
tec
execute0_lowered:
.L_overlay_start_1:
0x0: {  	(tag) =	ssettag $0x1  }
0x1: {  	s2 =	rddreg [dreg:$0x0]  }
0x2: {  	s4 =	rddreg [dreg:$0x1]  }
0x3: {  	s0 =	rddreg [dreg:$0x2];
	s5 =	stileid.u32;
	[bflag:$0x3] =	sbarrier.arrive $0xFFFF  }
0x4: {  	s1 =	simm.s32 $_size_execute1_lowered;
	s9 =	simm.s32 $0x1;
	s31 =	simm.s32 $0x2  }
0x5: {  	s10 =	simm.s32 $0x0;
	p0 =	sne.s32 s5, $0x0;
	s1 =	sshll.u32 s1, $0x1  }
0x6: {  	p1 =	seq.s32 s5, $0x0;
	s3 =	simm.s32 @!p0 $0x1C3F;
	s6 =	simm.s32 @!p0 $0x4060  }
0x7: {  	[timem:s6], [sflag:s3] =	dma.local @!p0 [hbm:s2], s1  }
0x8: {  	s9 =	simm.s32 @!p1 $0x0;
	s2 =	smul.u32 $0x280, s5;
	s6 =	simm.s32 @!p0 $0x2800  }
0x9: {  	s3 =	simm.s32 $0x0;
	s5 =	simm.s32 $0x1;
	s6 =	simm.s32 @p0 $0x0  }
.Ltmp0:
0xa: {  	_ =	strace $0x80000059;
	s8 =	ssub.s32 $0x2800, s2;
	(pc) =	sbr.rel .LBB2_1-.Ltmp0, $4  }
0xb: {  	s30 =	sshrl.u32 s2, $0x3;
	p1 =	sne.s32 s8, s6;
	s6 =	simm.s32 $0x1  }
0xc: {  	[sflag:s5] =	ssyncpa.u1 $0x0;
	s7 =	sadd.s32 s30, s4;
	s6 =	simm.s32 @!p1 $0x0  }
0xd: {  	s4 =	sadd.s32 $0x114600, s4;
	[sflag:s31] =	ssyncpa.u1 $0x0;
	s6 =	sadd.s32 s9, s6  }
0xe: {  	s7 =	sadd.s32 $0x14FC00, s7;
	s9 =	simm.s32 $0x0;
	s8 =	sadd.s32 $0x1, s6  }
.LBB2_7:
0xf: {  	p2 =	sne.s32 s9, s8  }
.Ltmp1:
0x10: {  	p1 =	slt.u32 s9, $0x2;
	(pc) =	sbr.rel @!p2 .LBB2_8-.Ltmp1, $4  }
0x11: {  	s10 =	simm.s32 @!p1 $0x2  }
0x12: {  	_ =	swait.ge @!p1 [sflag:s10], $0x280  }
0x13: {  	s11 =	sadd.s32 $0x1, s9;
	[sflag:s10] =	ssyncset.done @!p1 $0x0  }
0x14: {  	s9 =	smov.u32 s11;
	[sflag:s10] =	ssyncadd.s32 @!p1 $0xFFFFFD80;
	s10 =	smov.u32 s2  }
.LBB2_1:
0x15: {  	p1 =	sge.u32 s9, s6  }
0x16: {  	s11 =	sxor.u32 @!p1 $0x1, s9  }
0x17: {  	s11 =	smul.u32 @!p1 $0xA00, s11;
	_ =	sdelay $0x1  }
0x18: {  	s31 =	sadd.s32 $0xFFFFFFFF, s9;
	s12 =	simm.s32 @!p1 $0x0;
	s11 =	sshra.s32 @!p1 s11, $0x2  }
0x19: {  	[tilespmem:s11], [sflag:$0x1] =	stream.linear.gather @!p1 [hbm4b:s7+s12], $0x280, $0x38;
	[tilespmem:$0xA00] =	vst v63  }
0x1a: {  	p1 =	sge.u32 s31, s6  }
.Ltmp2:
0x1b: {  	_ = 	snop;
	(pc) =	sbr.rel @p1 .LBB2_7-.Ltmp2, $1  }
0x1c: {  	_ =	sdelay $0x3  }
0x1d: {  	s11 =	sand.u32 $0x1, s9  }
0x1e: {  	s12 =	simm.s32 $0x280;
	p1 =	seq.s32 s11, $0x1  }
0x1f: {  	s12 =	simm.s32 @!p1 $0x0  }
0x20: {  	v0 =	vmov s12  }
0x21: {  	_ =	swait.ge [sflag:s5], $0x280  }
0x22: {  	[sflag:s5] =	ssyncset.done $0x0;
	s11 =	sor.u32 $0x500, s12  }
0x23: {  	s13 =	simm.s32 $0x0;
	[sflag:s5] =	ssyncadd.s32 $0xFFFFFD80;
	p1 =	por $0x1, $0x1;
	v1 =	vmov s11  }
.LBB2_3:
0x24: {  	s14 =	sor.u32 $0x10, s13  }
0x25: {  	v2 =	vld.idx.msk [tilespmem:v0+s14+$0x0 ss:$0x1], $0xffff  }
0x26: {  	s15 =	sor.u32 $0x20, s13;
	v60 =	vld.idx.msk [tilespmem:v0+s13+$0x0 ss:$0x1], $0xffff  }
0x27: {  	s16 =	sor.u32 $0x30, s13;
	v3 =	vld.idx.msk [tilespmem:v0+s15+$0x0 ss:$0x1], $0xffff  }
0x28: {  	s17 =	sor.u32 $0x40, s13;
	v4 =	vld.idx.msk [tilespmem:v0+s16+$0x0 ss:$0x1], $0xffff  }
0x29: {  	s19 =	sor.u32 $0x60, s13;
	v5 =	vld.idx.msk [tilespmem:v0+s17+$0x0 ss:$0x1], $0xffff  }
0x2a: {  	s18 =	sor.u32 $0x50, s13;
	[tilespmem:v1+s14+$0x0 ss:$0x1] =	vst.idx.msk $0xffff, v2;
	v2 =	vld.idx.msk [tilespmem:v0+s19+$0x0 ss:$0x1], $0xffff  }
0x2b: {  	s23 =	sor.u32 $0x80, s13;
	v6 =	vld.idx.msk [tilespmem:v0+s18+$0x0 ss:$0x1], $0xffff;
	[tilespmem:v1+s13+$0x0 ss:$0x1] =	vst.idx.msk $0xffff, v60  }
0x2c: {  	s24 =	sor.u32 $0x90, s13;
	v58 =	vld.idx.msk [tilespmem:v0+s23+$0x0 ss:$0x1], $0xffff;
	[tilespmem:v1+s15+$0x0 ss:$0x1] =	vst.idx.msk $0xffff, v3  }
0x2d: {  	s22 =	sor.u32 $0x70, s13;
	v59 =	vld.idx.msk [tilespmem:v0+s24+$0x0 ss:$0x1], $0xffff;
	[tilespmem:v1+s16+$0x0 ss:$0x1] =	vst.idx.msk $0xffff, v4  }
0x2e: {  	s25 =	sor.u32 $0xA0, s13;
	v3 =	vld.idx.msk [tilespmem:v0+s22+$0x0 ss:$0x1], $0xffff;
	[tilespmem:v1+s17+$0x0 ss:$0x1] =	vst.idx.msk $0xffff, v5  }
0x2f: {  	s28 =	sor.u32 $0xC0, s13;
	[tilespmem:v1+s19+$0x0 ss:$0x1] =	vst.idx.msk $0xffff, v2;
	v2 =	vld.idx.msk [tilespmem:v0+s25+$0x0 ss:$0x1], $0xffff  }
0x30: {  	s29 =	sor.u32 $0xD0, s13;
	v61 =	vld.idx.msk [tilespmem:v0+s28+$0x0 ss:$0x1], $0xffff;
	[tilespmem:v1+s18+$0x0 ss:$0x1] =	vst.idx.msk $0xffff, v6  }
0x31: {  	s30 =	sor.u32 $0xE0, s13;
	v62 =	vld.idx.msk [tilespmem:v0+s29+$0x0 ss:$0x1], $0xffff;
	[tilespmem:v1+s23+$0x0 ss:$0x1] =	vst.idx.msk $0xffff, v58  }
0x32: {  	s26 =	sor.u32 $0xB0, s13;
	v63 =	vld.idx.msk [tilespmem:v0+s30+$0x0 ss:$0x1], $0xffff;
	[tilespmem:v1+s24+$0x0 ss:$0x1] =	vst.idx.msk $0xffff, v59  }
0x33: {  	s31 =	sor.u32 $0xF0, s13;
	[tilespmem:v1+s22+$0x0 ss:$0x1] =	vst.idx.msk $0xffff, v3;
	v3 =	vld.idx.msk [tilespmem:v0+s26+$0x0 ss:$0x1], $0xffff  }
0x34: {  	p2 =	por p1, p1;
	[tilespmem:v1+s25+$0x0 ss:$0x1] =	vst.idx.msk $0xffff, v2;
	v2 =	vld.idx.msk [tilespmem:v0+s31+$0x0 ss:$0x1], $0xffff  }
.Ltmp3:
0x35: {  	[tilespmem:v1+s28+$0x0 ss:$0x1] =	vst.idx.msk $0xffff, v61;
	(pc) =	sbr.rel @p2 .LBB2_3-.Ltmp3, $4  }
0x36: {  	[tilespmem:v1+s29+$0x0 ss:$0x1] =	vst.idx.msk $0xffff, v62  }
0x37: {  	[tilespmem:v1+s30+$0x0 ss:$0x1] =	vst.idx.msk $0xffff, v63  }
0x38: {  	[tilespmem:v1+s26+$0x0 ss:$0x1] =	vst.idx.msk $0xffff, v3  }
0x39: {  	p1 =	por $0x0, $0x0;
	s13 =	simm.s32 $0x100;
	[tilespmem:v1+s31+$0x0 ss:$0x1] =	vst.idx.msk $0xffff, v2  }
0x3a: {  	s13 =	sadd.s32 $0x700, s12;
	s12 =	sadd.s32 $0x200, s12;
	s14 =	simm.s32 $0x1F0  }
.LBB2_5:
0x3b: {  	s14 =	sadd.s32 $0x10, s14  }
0x3c: {  	v0 =	vld [tilespmem:s12+$0x0];
	p1 =	slt.u32 s14, $0x270  }
.Ltmp4:
0x3d: {  	_ = 	snop;
	(pc) =	sbr.rel @p1 .LBB2_5-.Ltmp4, $2  }
0x3e: {  	_ =	sdelay $0x2  }
0x3f: {  	s12 =	sadd.s32 $0x10, s12;
	[tilespmem:s13+$0x0] =	vst v0;
	s13 =	sadd.s32 $0x10, s13  }
.Ltmp5:
0x40: {  	(pc) =	sbr.rel .LBB2_7-.Ltmp5, $4  }
0x41: {  	_ = 	snop  }
0x42: {  	s10 =	sshrl.u32 s10, $0x3  }
0x43: {  	s10 =	sadd.s32 s4, s10  }
0x44: {  	[hbm4b:s10+s3] =	stream.linear.scatter [tilespmem:s11], [sflag:$0x2], $0x280, $0x38;
	[tilespmem:$0xA00] =	vst v63  }
.LBB2_8:
0x45: {  	_ =	sfence.sel $0x180000  }
0x46: {  	s2 =	simm.s32 $0x1;
	[bflag:$0x0] =	sbarrier.arrive $0xFFFF  }
0x47: {  	s31 =	simm.s32 $0x2;
	[sflag:s2] =	ssyncpa.u1 $0x1  }
0x48: {  	[sflag:s31] =	ssyncpa.u1 $0x1  }
0x49: {  	_ =	strace $0x90000059  }
0x4a: {  	s0 =	sadd.s32 @!p0 $0x100000, s0;
	[bflag:$0x2] =	sbarrier.arrive $0xFFFF  }
0x4b: {  	[sflag:s0] =	ssyncadd.tile.s32 @!p0 $0x1;
	s0 =	simm.s32 @!p0 $0x3F  }
0x4c: {  	_ =	swait.ge @!p0 [sflag:s0], s1  }
0x4d: {  	s1 =	ssub.s32 @!p0 $0x0, s1;
	[sflag:s0] =	ssyncset.done @!p0 $0x0  }
0x4e: {  	[sflag:s0] =	ssyncadd.s32 @!p0 s1  }
0x4f: {  	[bflag:$0x3] =	sbarrier.arrive $0xFFFF  }
0x50: {  	_ =	shalt  }
.Lfunc_end2:
execute1_lowered:
.L_overlay_start_2:
0x51: {  	(tag) =	ssettag $0x2  }
0x52: {  	s0 =	rddreg [dreg:$0x0];
	_ =	strace $0x8000005C;
	s1 =	simm.s32 $0x1  }
0x53: {  	v1 =	vimm.s32 $0xFFFFFFFF;
	[sflag:s1] =	ssyncpa.u1 $0x0  }
0x54: {  	s10 =	stileid.u32;
	s2 =	simm.s32 $0x6000;
	[tilespmem:$0x10] =	vst v1  }
0x55: {  	v0 =	vimm.f32 $0.0e+00;
	s29 =	simm.s32 $0x2;
	s7 =	simm.s32 $0x7;
	s8 =	simm.s32 $0x8;
	[tilespmem:$0x20] =	vst v1  }
0x56: {  	s30 =	simm.s32 $0x9;
	s16 =	simm.s32 $0x0;
	s17 =	simm.s32 $0xFFFFE000;
	[tilespmem:$0x30] =	vst v0  }
0x57: {  	s18 =	simm.s32 $0xF0;
	s19 =	simm.s32 $0xFFFFFFFF;
	s20 =	simm.s32 $0xFFFFC100;
	[tilespmem:$0x40] =	vst v0  }
0x58: {  	s21 =	simm.s32 $0xFFFFFFFE;
	s28 =	smin.u32 s10, $0x8;
	s3 =	sshll.u32 s10, $0x1;
	[tilespmem:$0x50] =	vst v0  }
0x59: {  	s22 =	simm.s32 $0xF;
	p0 =	slt.u32 s10, $0x8;
	[tilespmem:$0x60] =	vst v1;
	s1 =	sadd.s32 s28, s3  }
0x5a: {  	s26 =	simm.s32 $0x0;
	[tilespmem:$0x70] =	vst v1;
	s2 =	simm.s32 @!p0 $0x4000;
	s4 =	sshll.u32 s1, $0xD  }
0x5b: {  	s25 =	simm.s32 $0x0;
	s6 =	sadd.s32 $0xCDC00, s0;
	[tilespmem:$0x80] =	vst v1;
	s2 =	sadd.s32 s2, s4  }
0x5c: {  	s15 =	sshllo.u32 s10, $0x1;
	v1 =	vimm.s32 $0x0;
	[tilespmem:$0xB0] =	vst v0;
	s13 =	sor.u32 $0x80, s3;
	s5 =	smin.u32 s2, $0x50000  }
0x5d: {  	s14 =	sor.u32 $0x81, s3;
	[tilespmem:$0x90] =	vst v1;
	s1 =	sadd.s32 $0x114600, s0;
	s9 =	ssub.s32 s5, s4  }
.Ltmp6:
0x5e: {  	[tilespmem:$0xA0] =	vst v1;
	[sflag:s29] =	ssyncpa.u1 $0x0;
	p0 =	sgt.s32 s9, $0x0;
	(pc) =	sbr.rel .LBB3_1-.Ltmp6, $4  }
0x5f: {  	s0 =	sadd.s32 $0x10A600, s0;
	[sflag:s7] =	ssyncpa.u1 $0x0;
	s9 =	simm.s32 @!p0 $0x0  }
0x60: {  	[dreg:$0x2] =	wrdreg s0;
	[sflag:s8] =	ssyncpa.u1 $0x0;
	s9 =	sshrl.u32 s9, $0xD  }
0x61: {  	vm0 =	vmmov $0xffff;
	v2 =	vlaneseq.u32;
	s24 =	smov.u32 s4;
	[sflag:s30] =	ssyncpa.u1 $0x0;
	s31 =	sadd.s32 $0x1, s9  }
0x62: {  	vm1 =	vmxor vm1, vm1;
	vm2 =	vmmov $0x1;
	vm3 =	vcmask $0x3F3C;
	p0 =	por $0x0, $0x0;
	s12 =	sadd.s32 $0x2, s9;
	[dreg:$0x3] =	wrdreg s31  }
.LBB3_9:
0x63: {  	p1 =	slt.u32 s25, $0x3  }
0x64: {  	s0 =	simm.s32 @!p1 $0x2  }
0x65: {  	_ =	swait.ge @!p1 [sflag:s0], $0x2000  }
0x66: {  	[sflag:s0] =	ssyncset.done @!p1 $0x0  }
0x67: {  	[sflag:s0] =	ssyncadd.s32 @!p1 $0xFFFFE000;
	s0 =	simm.s32 @!p1 $0x9  }
0x68: {  	_ =	swait.ge @!p1 [sflag:s0], $0x10  }
0x69: {  	s2 =	sadd.s32 $0x2000, s24;
	[sflag:s0] =	ssyncset.done @!p1 $0x0  }
0x6a: {  	[sflag:s0] =	ssyncadd.s32 @!p1 $0xFFFFFFF0;
	p1 =	slt.s32 s2, s5;
	s0 =	smov.u32 s4  }
0x6b: {  	s0 =	smov.u32 @p1 s2;
	p1 =	sne.s32 s25, s12  }
.Ltmp7:
0x6c: {  	_ = 	snop;
	(pc) =	sbr.rel @!p1 .LBB3_10-.Ltmp7, $4  }
0x6d: {  	s31 =	sadd.s32 $0x1, s25  }
0x6e: {  	s17 =	sadd.s32 $0x2000, s17;
	s18 =	sadd.s32 $0x2000, s18;
	s19 =	sadd.s32 $0x1, s19  }
0x6f: {  	s26 =	smov.u32 s24;
	p0 =	por !p0, !p0;
	s20 =	sadd.s32 $0x2000, s20  }
0x70: {  	s21 =	sadd.s32 $0x1, s21;
	s25 =	smov.u32 s31;
	s24 =	smov.u32 s0  }
.LBB3_1:
0x71: {  	p1 =	sge.u32 s25, s9  }
0x72: {  	s0 =	smulhi.u32 @!p1 $0xAAAAAAAB, s25;
	_ =	sdelay $0x1  }
0x73: {  	s0 =	sshrl.u32 @!p1 s0, $0x1  }
0x74: {  	s0 =	smul.u32 @!p1 $0x3, s0;
	_ =	sdelay $0x1  }
0x75: {  	s0 =	ssub.s32 @!p1 s25, s0  }
0x76: {  	s2 =	sshrl.u32 @!p1 s24, $0x3;
	s0 =	sshll.u32 @!p1 s0, $0xD  }
0x77: {  	s10 =	sand.u32 @!p1 $0x7, s24;
	s2 =	sadd.s32 @!p1 s6, s2;
	s0 =	sor.u32 @!p1 $0x100, s0  }
0x78: {  	[tilespmem:s0], [sflag:$0x7] =	stream.linear.gather @!p1 [hbm4b:s2+s10], $0x2000, $0x38;
	[tilespmem:$0x12120] =	vst v63  }
0x79: {  	s2 =	sadd.s32 $0xFFFFFFFF, s25  }
0x7a: {  	p1 =	sge.u32 s2, s9  }
.Ltmp8:
0x7b: {  	_ = 	snop;
	(pc) =	sbr.rel @p1 .LBB3_5-.Ltmp8, $1  }
0x7c: {  	_ =	sdelay $0x3  }
0x7d: {  	s0 =	smulhi.u32 $0xAAAAAAAB, s2;
	_ =	sdelay $0x1  }
0x7e: {  	s0 =	sshrl.u32 s0, $0x1  }
0x7f: {  	s0 =	smul.u32 $0x3, s0;
	_ =	sdelay $0x1  }
0x80: {  	s0 =	ssub.s32 s2, s0  }
0x81: {  	_ =	swait.ge [sflag:s7], $0x2000;
	s0 =	sshll.u32 s0, $0xD  }
0x82: {  	[sflag:s7] =	ssyncset.done $0x0;
	s0 =	sor.u32 $0x100, s0  }
0x83: {  	[sflag:s7] =	ssyncadd.s32 $0xFFFFE000;
	(ifvalue) =	ssetifvalue $0xFFFFFFFF;
	v3 =	vld.msk [tilespmem:s0+$0x0 ss:$0x1], $0xffff;
	_ =	sdelay $0x2  }
0x84: {  	s29 =	smulhi.u32 $0xAAAAAAAB, s19;
	p1 =	sne.s32 s25, $0x1  }
0x85: {  	v4 =	vimm.s32 @!p1 $0x0  }
0x86: {  	s0 =	sshrl.u32 s29, $0x1;
	v4 =	vperm.xlane @!p1 v3, v4  }
0x87: {  	s10 =	sshll.u32 s25, $0x4;
	s0 =	smul.u32 $0xFFFE8000, s0;
	vm4 =	vlt.u32 v3, $0x2800  }
0x88: {  	s10 =	sand.u32 $0x10, s10;
	v3 =	vnsel vm4, $0xFFFFFFFE, v3;
	vm4 =	vlt.u32 @!p1 v4, $0x2800  }
0x89: {  	s0 =	sshra.s32 s0, $0x2;
	[tilespmem:s10+$0x60] =	vst v3;
	v3 =	vnsel @!p1 vm4, $0xFFFFFFFE, v4  }
0x8a: {  	s28 =	sadd.s32 s0, s18;
	[tilespmem:$0x80] =	vst @!p1 v3  }
0x8b: {  	v3 =	vld.msk [tilespmem:s28+$0x0 ss:$0x1], $0xffff;
	_ =	sdelay $0x4  }
0x8c: {  	(xrf1) =	vunique.msk.u32 $0xffff, v3;
	_ =	sdelay $0xd  }
0x8d: {  	v4 =	vimm.s32 $0xFFFFFFFF;
	v5, _, _ =	vpop (xrf1)  }
0x8e: {  	vm5 =	vne.s32 v3, v4;
	vm4 =	veq.s32 v5, v2  }
0x8f: {  	vm6 =	vlt.u32 v3, $0x2800;
	vm4 =	vmand vm5, vm4  }
0x90: {  	vm4 =	vmand vm6, vm4  }
0x91: {  	v4 =	vnsel vm4, $0xFFFFFFFF, v3;
	_ =	sdelay $0x2  }
0x92: {  	s30 =	sand.u32 $0x2000, s17  }
0x93: {  	s31 =	sshll.u32 s2, $0xD;
	s0 =	sor.u32 $0x80F0, s30;
	(ifvalue) =	ssetifvalue $0xFFFFFFFF  }
0x94: {  	v3 =	vperm.xlane v3, v1;
	[tilespmem:s0], [sflag:$0x8] =	stream.indirect_vreg.gather [hbm4b:s1+s16], $0x1, v4, vm0, $0x4038;
	v4 =	vnsel vm6, $0xFFFFFFFE, v4;
	[tilespmem:$0x12120] =	vst v63  }
0x95: {  	s23 =	simm.s32 $0x0;
	s2 =	sand.u32 $0x2000, s31;
	s10 =	sadd.s32 $0xFFFFFFF0, s28;
	[tilespmem:s28+$0x0] =	vst v4  }
.LBB3_3:
0x96: {  	v4 =	vld.msk [tilespmem:s10+$0x0 ss:$0x1], $0xffff;
	s23 =	sadd.s32 $0x10, s23;
	v5 =	vmov v3;
	s28 =	smov.u32 s10  }
0x97: {  	p1 =	slt.u32 s23, $0x1FF0;
	_ =	sdelay $0x4  }
0x98: {  	v3 =	vperm.xlane v4, v1;
	(xrf1) =	vunique.msk.u32 $0xffff, v4;
	_ =	sdelay $0xd  }
0x99: {  	v6, _, _ =	vpop (xrf1)  }
0x9a: {  	vm5 =	vne.s32 v4, v5;
	vm4 =	veq.s32 v6, v2  }
0x9b: {  	vm6 =	vlt.u32 v4, $0x2800;
	vm4 =	vmand vm5, vm4  }
0x9c: {  	vm4 =	vmand vm6, vm4  }
0x9d: {  	v4 =	vnsel vm4, $0xFFFFFFFF, v4  }
.Ltmp9:
0x9e: {  	v5 =	vnsel vm6, $0xFFFFFFFE, v4;
	(pc) =	sbr.rel @p1 .LBB3_3-.Ltmp9, $3  }
0x9f: {  	_ =	sdelay $0x1  }
0xa0: {  	s10 =	sadd.s32 $0xFFFFFFF0, s10;
	s0 =	sadd.s32 $0xFFFFFFF0, s0;
	(ifvalue) =	ssetifvalue $0xFFFFFFFF  }
0xa1: {  	[tilespmem:s0], [sflag:$0x8] =	stream.indirect_vreg.gather [hbm4b:s1+s16], $0x1, v4, vm0, $0x4038;
	[tilespmem:s28+$0x0] =	vst v5  }
0xa2: {  	s0 =	sshrl.u32 s26, $0x3;
	s10 =	rddreg [dreg:$0x2]  }
0xa3: {  	s2 =	sadd.s32 $0xA100, s2;
	s0 =	sadd.s32 s10, s0  }
0xa4: {  	[tilespmem:s2], [sflag:$0x8] =	stream.linear.gather [hbm:s0], $0x2000, $0x38;
	[tilespmem:$0x12120] =	vst v63  }
.LBB3_5:
0xa5: {  	p1 =	slt.u32 s25, $0x2  }
0xa6: {  	p2 =	sge.u32 @!p1 s25, s12  }
0xa7: {  	p1 =	por p1, p2  }
.Ltmp10:
0xa8: {  	_ = 	snop;
	(pc) =	sbr.rel @p1 .LBB3_9-.Ltmp10, $1  }
0xa9: {  	_ =	sdelay $0x3  }
0xaa: {  	s0 =	sadd.s32 $0xFFFFFFFE, s25  }
0xab: {  	s2 =	smulhi.u32 $0xAAAAAAAB, s0;
	_ =	sdelay $0x1  }
0xac: {  	s2 =	sshrl.u32 s2, $0x1  }
0xad: {  	s2 =	smul.u32 $0x3, s2  }
0xae: {  	_ =	swait.ge [sflag:s8], $0x4000  }
0xaf: {  	s10 =	rddreg [dreg:$0x3];
	s0 =	ssub.s32 s0, s2  }
0xb0: {  	[sflag:s8] =	ssyncset.done $0x0;
	p1 =	sne.s32 s25, s10;
	s0 =	sshll.u32 s0, $0xD  }
0xb1: {  	[sflag:s8] =	ssyncadd.s32 $0xFFFFC000;
	s2 =	sadd.s32 @!p1 $0x20FF, s0  }
0xb2: {  	[spmem:s14] =	stream.linear.scatter @!p1 [tilespmem:s2], [sflag:$0x1], $0x1, $0x38;
	[tilespmem:$0x12120] =	vst v63  }
0xb3: {  	s2 =	simm.s32 @!p1 $0x1  }
0xb4: {  	_ =	swait.ge @!p1 [sflag:s2], $0x1  }
0xb5: {  	s10 =	sshll.u32 s25, $0x4;
	[sflag:s2] =	ssyncset.done @!p1 $0x0  }
0xb6: {  	s26 =	sand.u32 $0x10, s10;
	[sflag:s2] =	ssyncadd.s32 @!p1 $0xFFFFFFFF  }
0xb7: {  	s2 =	sxor.u32 $0x10, s26;
	v4 =	vld [tilespmem:s26+$0x10]  }
0xb8: {  	v5 =	vld [tilespmem:s2+$0x60]  }
0xb9: {  	v3 =	vld [tilespmem:$0x80];
	_ =	sdelay $0x2  }
0xba: {  	(v2sf) =	vpush v4, $0x0  }
0xbb: {  	(v2sf) =	vpush v5, $0x0  }
0xbc: {  	(v2sf) =	vpush v3, $0x0;
	_ =	sdelay $0xc  }
0xbd: {  	s11 =	spop (v2sf)  }
0xbe: {  	s23 =	spop (v2sf)  }
0xbf: {  	s29 =	spop (v2sf)  }
0xc0: {  	p2 =	seq.s32 s11, s23;
	p3 =	seq.s32 s29, s11  }
0xc1: {  	p3 =	por p2, p3  }
0xc2: {  	v4 =	vpsel p3, $0xFFFFFFFF, v4  }
0xc3: {  	s23 =	sand.u32 $0x1, s25;
	[tilespmem:s26+$0x10] =	vst.msk $0x1, v4  }
0xc4: {  	s30 =	sshll.u32 s23, $0xD;
	v4 =	vld [tilespmem:$0x30]  }
0xc5: {  	v5 =	vld [tilespmem:s30+$0xA100]  }
0xc6: {  	v6 =	vld [tilespmem:s26+$0x40];
	_ =	sdelay $0x3  }
0xc7: {  	vm4 =	vmmov vm1;
	v5 =	vadd.f32 v5, v4  }
0xc8: {  	vm5 =	vmmov vm2;
	vm4 =	vmmov @p2 vm2;
	s10 =	sshll.u32 s23, $0x4;
	v4 =	vadd.f32 v6, v4  }
0xc9: {  	s28 =	sor.u32 $0x12100, s10;
	vm5 =	vmmov @p3 vm1;
	[tilespmem:s30+$0xA100] =	vst.msk vm4, v5  }
0xca: {  	[tilespmem:s28+$0x0] =	vst.msk vm5, v4  }
0xcb: {  	v4 =	vld [tilespmem:s30+$0x80F0];
	_ =	sdelay $0x3  }
0xcc: {  	v5 =	vimm.f32 $0.0e+00  }
0xcd: {  	v4 =	vshift.insert v4, v5, s22  }
0xce: {  	s11 =	sor.u32 $0x40, s2  }
0xcf: {  	[tilespmem:s11+$0x0] =	vst.msk $0x1, v4  }
0xd0: {  	[tilespmem:s30+$0x80FF] =	vst.msk $0x1, v5  }
0xd1: {  	v4 =	vld [tilespmem:s0+$0x20F0];
	_ =	sdelay $0x1  }
0xd2: {  	s23 =	smulhi.u32 $0xAAAAAAAB, s21;
	_ =	sdelay $0x1  }
0xd3: {  	s10 =	simm.s32 $0x1;
	s0 =	sshrl.u32 s23, $0x1  }
0xd4: {  	s10 =	simm.s32 @!p0 $0x0;
	s0 =	smul.u32 $0xFFFE8000, s0;
	v4 =	vshift.insert v4, v1, s22  }
0xd5: {  	s10 =	sshll.u32 s10, $0xD  }
0xd6: {  	s31 =	sadd.s32 $0xA100, s10;
	s0 =	sshra.s32 s0, $0x2;
	[tilespmem:s2+$0x10] =	vst.msk $0x1, v4  }
0xd7: {  	s11 =	sadd.s32 s0, s20;
	v6 =	vld [tilespmem:s31+$0x0]  }
0xd8: {  	v7 =	vld [tilespmem:s11+$0x0];
	_ =	sdelay $0x3  }
0xd9: {  	v5 =	vadd.f32 v6, v5  }
0xda: {  	vm4 =	vne.s32 v7, $0xFFFFFFFF  }
0xdb: {  	(xrf2) =	vadd.seg.scan.f32 vm4, v5;
	_ =	sdelay $0x3  }
0xdc: {  	s0 =	sadd.s32 $0x6100, s10;
	v5 =	vperm.xlane v4, v1  }
0xdd: {  	v6 =	vld [tilespmem:s0+$0x0]  }
0xde: {  	vm5 =	veq.s32 v7, v3;
	vm6 =	veq.s32 v7, v5  }
0xdf: {  	vm7 =	vgt.u32 v7, $0xFFFFFFFD;
	vm6 =	vmor vm6, vm5  }
0xe0: {  	vm6 =	vmor vm6, vm7  }
0xe1: {  	v9 =	vld [tilespmem:$0xA0];
	v7 =	vsel vm6, $0xFFFFFFFF, v7  }
0xe2: {  	v10 =	vld [tilespmem:$0x90];
	v6 =	vsel vm5, $0x0, v6;
	v8, _, _ =	vpop (xrf2)  }
0xe3: {  	v6 =	vadd.f32 v8, v6  }
0xe4: {  	s2 =	sadd.s32 $0xE100, s10  }
0xe5: {  	vm4 =	vmand vm4, vm3;
	[tilespmem:s2+$0x0] =	vst v6;
	(ifvalue) =	ssetifvalue $0xFFFFFFFF  }
0xe6: {  	vm6 =	veq.s32 v9, $0x1;
	[hbm4b:s1+s16] =	stream.indirect_vreg.scatter [tilespmem:s2], [sflag:$0x2], $0x1, v7, vm0, $0x4038;
	v7 =	vsel vm4, $0x0, v8;
	[tilespmem:$0x12120] =	vst v63  }
0xe7: {  	s23 =	simm.s32 $0x0;
	s10 =	sadd.s32 $0x10, s11;
	vm4 =	vmor vm6, vm5;
	v6 =	vsel vm5, v8, v10;
	v7 =	vshift.insert v7, v0, s22  }
.LBB3_7:
0xe8: {  	v8 =	vld [tilespmem:s10+$0x0];
	s31 =	sadd.s32 $0x10, s31  }
0xe9: {  	s0 =	sadd.s32 $0x10, s0;
	v9 =	vld [tilespmem:s31+$0x0]  }
0xea: {  	s23 =	sadd.s32 $0x10, s23;
	v10 =	vld [tilespmem:s0+$0x0]  }
0xeb: {  	p2 =	slt.u32 s23, $0x1FF0;
	_ =	sdelay $0x2  }
0xec: {  	v7 =	vadd.f32 v9, v7  }
0xed: {  	vm5 =	vne.s32 v8, $0xFFFFFFFF  }
0xee: {  	vm6 =	vmand vm5, vm3;
	(xrf2) =	vadd.seg.scan.f32 vm5, v7;
	_ =	sdelay $0x5  }
0xef: {  	vm7 =	veq.s32 v8, v5;
	vm5 =	veq.s32 v8, v3  }
0xf0: {  	vm8 =	vgt.u32 v8, $0xFFFFFFFD;
	vm4 =	vmor vm4, vm5;
	vm7 =	vmor vm7, vm5  }
0xf1: {  	vm7 =	vmor vm7, vm8  }
0xf2: {  	v8 =	vsel vm7, $0xFFFFFFFF, v8  }
.Ltmp11:
0xf3: {  	v7 =	vsel vm5, $0x0, v10;
	v9, _, _ =	vpop (xrf2);
	(pc) =	sbr.rel @p2 .LBB3_7-.Ltmp11, $4  }
0xf4: {  	v6 =	vsel vm5, v9, v6;
	v10 =	vadd.f32 v9, v7;
	v7 =	vsel vm6, $0x0, v9  }
0xf5: {  	s2 =	sadd.s32 $0x10, s2;
	v7 =	vshift.insert v7, v0, s22  }
0xf6: {  	s10 =	sadd.s32 $0x10, s10;
	[tilespmem:s2+$0x0] =	vst v10;
	(ifvalue) =	ssetifvalue $0xFFFFFFFF  }
0xf7: {  	[hbm4b:s1+s16] =	stream.indirect_vreg.scatter [tilespmem:s2], [sflag:$0x2], $0x1, v8, vm0, $0x4038;
	[tilespmem:$0x12120] =	vst v63  }
0xf8: {  	v3 =	vld [tilespmem:s30+$0x100F0];
	_ =	sdelay $0x4  }
0xf9: {  	v3 =	vshift.insert v3, v0, s22  }
0xfa: {  	s0 =	simm.s32 $0x30  }
0xfb: {  	[tilespmem:s0+$0x0] =	vst.msk $0x1, v3  }
0xfc: {  	v3 =	vsel vm4, $0x1, v1;
	[tilespmem:$0x90] =	vst v6  }
0xfd: {  	s0 =	sadd.s32 @!p1 $0x100FF, s30;
	[tilespmem:$0xA0] =	vst v3  }
0xfe: {  	[spmem:s15] =	stream.linear.scatter @!p1 [tilespmem:s0], [sflag:$0x1], $0x1, $0x38;
	[tilespmem:$0x12120] =	vst v63  }
0xff: {  	s0 =	simm.s32 @!p1 $0x1  }
0x100: {  	v3 =	vmctz.xlane @!p1 vm4;
	_ =	swait.ge @!p1 [sflag:s0], $0x1  }
0x101: {  	(v2sf) =	vpush @!p1 v4, $0x0  }
0x102: {  	(v2sf) =	vpush @!p1 v3, $0x0;
	_ =	sdelay $0xd  }
0x103: {  	s2 =	spop @!p1 (v2sf)  }
0x104: {  	s10 =	spop @!p1 (v2sf)  }
0x105: {  	p2 =	sne.s32 @!p1 s29, s2;
	p3 =	slt.s32 @!p1 s10, $0xF  }
0x106: {  	[sflag:s0] =	ssyncset.done @!p1 $0x0;
	p2 =	por p2, p1;
	p3 =	por !p3, p1  }
0x107: {  	[sflag:s0] =	ssyncadd.s32 @!p1 $0xFFFFFFFF;
	v3 =	vimm.s32 @!p2 $0xFFFFFFFF;
	s10 =	simm.s32 @p3 $0xF  }
0x108: {  	[tilespmem:$0x80] =	vst @!p2 v3;
	s2 =	sadd.s32 @!p1 $0x90, s10  }
0x109: {  	[spmem:s3] =	stream.linear.scatter @!p1 [tilespmem:s2], [sflag:$0x1], $0x1, $0x38;
	[tilespmem:$0x12120] =	vst v63  }
0x10a: {  	_ =	swait.ge @!p1 [sflag:s0], $0x1  }
0x10b: {  	[sflag:s0] =	ssyncset.done @!p1 $0x0  }
0x10c: {  	s2 =	simm.s32 @!p1 $0x80;
	[sflag:s0] =	ssyncadd.s32 @!p1 $0xFFFFFFFF  }
0x10d: {  	[spmem:s13] =	stream.linear.scatter @!p1 [tilespmem:s2], [sflag:$0x1], $0x1, $0x38;
	[tilespmem:$0x12120] =	vst v63  }
0x10e: {  	_ =	swait.ge @!p1 [sflag:s0], $0x1  }
0x10f: {  	[sflag:s0] =	ssyncset.done @!p1 $0x0  }
0x110: {  	[sflag:s0] =	ssyncadd.s32 @!p1 $0xFFFFFFFF;
	(ifvalue) =	ssetifvalue $0xFFFFFFFF;
	v3 =	vld [tilespmem:s26+$0x10];
	_ =	sdelay $0x3  }
.Ltmp12:
0x111: {  	_ = 	snop;
	(pc) =	sbr.rel .LBB3_9-.Ltmp12, $3  }
0x112: {  	_ =	sdelay $0x1  }
0x113: {  	(ifvalue) =	ssetifvalue $0xFFFFFFFF  }
0x114: {  	[hbm4b:s1+s16] =	stream.indirect_vreg.scatter [tilespmem:s28], [sflag:$0x9], $0x1, v3, vm0, $0x4038;
	[tilespmem:$0x12120] =	vst v63  }
.LBB3_10:
0x115: {  	_ =	sfence.sel $0x180000  }
0x116: {  	s0 =	simm.s32 $0x7;
	[bflag:$0x0] =	sbarrier.arrive $0xFFFF  }
0x117: {  	s26 =	simm.s32 $0x8;
	[sflag:s0] =	ssyncpa.u1 $0x1  }
0x118: {  	s28 =	simm.s32 $0x9;
	[sflag:s26] =	ssyncpa.u1 $0x1  }
0x119: {  	[sflag:s28] =	ssyncpa.u1 $0x1  }
0x11a: {  	_ =	sfence.stream.spmem  }
0x11b: {  	s29 =	simm.s32 $0x3;
	[bflag:$0x0] =	sbarrier.arrive $0xFFFF  }
0x11c: {  	s30 =	simm.s32 $0x4;
	[sflag:s29] =	ssyncpa.u1 $0x1  }
0x11d: {  	s31 =	simm.s32 $0x3C;
	s2 =	stileid.u32;
	[sflag:s30] =	ssyncpa.u1 $0x1  }
0x11e: {  	p0 =	sne.s32 s2, $0x0;
	[sflag:s31] =	ssyncpa.u1 $0x1  }
0x11f: {  	s0 =	simm.s32 @p0 $0x1;
	_ =	sfence @p0  }
0x120: {  	[sflag:s0] =	ssyncpa.u1 @p0 $0x1;
	s0 =	simm.s32 @p0 $0x2  }
0x121: {  	[sflag:s0] =	ssyncpa.u1 @p0 $0x1  }
0x122: {  	_ =	strace @p0 $0x9000005C  }
0x123: {  	[bflag:$0x2] =	sbarrier.arrive @p0 $0xFFFF  }
0x124: {  	_ =	shalt @p0  }
.LBB3_11:
0x125: {  	_ =	sfence.stream.spmem;
	s0 =	simm.s32 $0x5  }
0x126: {  	s2 =	simm.s32 $0x80;
	s3 =	simm.s32 $0xC0;
	[sflag:s0] =	ssyncpa.u1 $0x0  }
0x127: {  	[tilespmem:s3], [sflag:$0x5] =	stream.linear.gather [spmem:s2], $0x20, $0x38;
	[tilespmem:$0x12120] =	vst v63  }
0x128: {  	s2 =	simm.s32 $0x0;
	s3 =	simm.s32 $0xE0  }
0x129: {  	[tilespmem:s3], [sflag:$0x5] =	stream.linear.gather [spmem:s2], $0x20, $0x38;
	[tilespmem:$0x12120] =	vst v63  }
.Ltmp13:
0x12a: {  	_ = 	snop;
	(pc) =	sbr.rel .LBB3_12-.Ltmp13, $4  }
0x12b: {  	_ =	swait.ge [sflag:s0], $0x40  }
0x12c: {  	[sflag:s0] =	ssyncset.done $0x0  }
0x12d: {  	s31 =	simm.s32 $0x6;
	[sflag:s0] =	ssyncadd.s32 $0xFFFFFFC0  }
0x12e: {  	s4 =	simm.s32 $0x0;
	[sflag:s31] =	ssyncpa.u1 $0x0  }
.LBB3_17:
0x12f: {  	p0 =	sgt.u32 s0, $0x27FF  }
0x130: {  	s5 =	sshrl.u32 @!p0 s0, $0x3  }
0x131: {  	s0 =	sand.u32 @!p0 $0x7, s0;
	s6 =	simm.s32 @!p0 $0xB0;
	s5 =	sadd.s32 @!p0 s1, s5  }
0x132: {  	[tilespmem:s6], [sflag:$0x6] =	stream.linear.gather @!p0 [hbm4b:s5+s0], $0x1, $0x38;
	[tilespmem:$0x12120] =	vst v63  }
0x133: {  	s0 =	simm.s32 @!p0 $0x6  }
0x134: {  	_ =	swait.ge @!p0 [sflag:s0], $0x1  }
0x135: {  	[sflag:s0] =	ssyncset.done @!p0 $0x0  }
0x136: {  	[sflag:s0] =	ssyncadd.s32 @!p0 $0xFFFFFFFF  }
0x137: {  	v2 =	vmov @!p0 s4;
	v1 =	vld.msk @!p0 [tilespmem:$0xB0], $0x1;
	_ =	sdelay $0x3  }
0x138: {  	s0 =	simm.s32 @!p0 $0xE0  }
0x139: {  	[tilespmem:v2+s0+$0x0], v1 =	vst.idx.ret.add.f32.msk @!p0 $0x1, v1  }
0x13a: {  	[tilespmem:s2+$0xC0] =	vst.msk $0x1, v0  }
0x13b: {  	v0 =	vld.msk [tilespmem:s4+$0xE0], $0x1;
	_ =	sdelay $0x4  }
0x13c: {  	[tilespmem:s2+$0xE0] =	vst.msk $0x1, v0;
	s2 =	sadd.s32 $0x1, s2  }
.LBB3_19:
0x13d: {  	s4 =	sadd.s32 $0x1, s4  }
0x13e: {  	p0 =	sne.s32 s4, $0x20  }
.Ltmp14:
0x13f: {  	_ = 	snop;
	(pc) =	sbr.rel @!p0 .LBB3_20-.Ltmp14, $1  }
0x140: {  	_ =	sdelay $0x3  }
.LBB3_12:
0x141: {  	v0 =	vld.msk [tilespmem:s4+$0xC0], $0x1;
	_ =	sdelay $0x4  }
0x142: {  	(v2sf) =	vpush v0, $0x0;
	_ =	sdelay $0xe  }
0x143: {  	s0 =	spop (v2sf)  }
0x144: {  	p0 =	seq.s32 s0, $0xFFFFFFFF  }
.Ltmp15:
0x145: {  	_ = 	snop;
	(pc) =	sbr.rel @p0 .LBB3_19-.Ltmp15, $1  }
0x146: {  	_ =	sdelay $0x3  }
0x147: {  	p0 =	slt.s32 s2, $0x1  }
.Ltmp16:
0x148: {  	_ = 	snop;
	(pc) =	sbr.rel @p0 .LBB3_17-.Ltmp16, $1  }
0x149: {  	_ =	sdelay $0x3  }
0x14a: {  	s5 =	simm.s32 $0xC0;
	p0 =	por $0x0, $0x0  }
0x14b: {  	v1 =	vld.msk @!p0 [tilespmem:s5+$0x0], $0x1;
	_ =	sdelay $0x4  }
0x14c: {  	(v2sf) =	vpush @!p0 v1, $0x0;
	_ =	sdelay $0xd  }
0x14d: {  	p2 =	sne.s32 s2, $0x1  }
.Ltmp17:
0x14e: {  	s6 =	spop @!p0 (v2sf);
	(pc) =	sbr.rel @!p2 .LBB3_16-.Ltmp17, $4  }
0x14f: {  	p1 =	seq.s32 @!p0 s0, s6  }
0x150: {  	s6 =	simm.s32 $0x0;
	p1 =	por !p1, p0  }
0x151: {  	s8 =	simm.s32 $0xFFFFFFFF;
	s6 =	simm.s32 @p1 $0xFFFFFFFF  }
0x152: {  	s7 =	simm.s32 $0x1;
	s6 =	smov.u32 @p0 s8  }
.LBB3_15:
0x153: {  	s8 =	smov.u32 s6;
	p0 =	sne.s32 s6, $0xFFFFFFFF  }
0x154: {  	s5 =	sadd.s32 $0x1, s5;
	s6 =	smov.u32 s7;
	s7 =	sadd.s32 $0x1, s7  }
0x155: {  	p1 =	sne.s32 s2, s7;
	v1 =	vld.msk @!p0 [tilespmem:s5+$0x0], $0x1;
	_ =	sdelay $0x4  }
0x156: {  	(v2sf) =	vpush @!p0 v1, $0x0;
	_ =	sdelay $0xe  }
.Ltmp18:
0x157: {  	s9 =	spop @!p0 (v2sf);
	(pc) =	sbr.rel @p1 .LBB3_15-.Ltmp18, $4  }
0x158: {  	p2 =	seq.s32 @!p0 s0, s9  }
0x159: {  	p2 =	por !p2, p0  }
0x15a: {  	s6 =	simm.s32 @p2 $0xFFFFFFFF  }
0x15b: {  	s6 =	smov.u32 @p0 s8  }
.LBB3_16:
0x15c: {  	p0 =	sne.s32 s6, $0xFFFFFFFF  }
.Ltmp19:
0x15d: {  	_ = 	snop;
	(pc) =	sbr.rel @!p0 .LBB3_17-.Ltmp19, $1  }
0x15e: {  	_ =	sdelay $0x3  }
0x15f: {  	v0 =	vld.msk [tilespmem:s4+$0xE0], $0x1;
	v1 =	vmov s6  }
.Ltmp20:
0x160: {  	_ = 	snop;
	(pc) =	sbr.rel .LBB3_19-.Ltmp20, $2  }
0x161: {  	_ =	sdelay $0x2  }
0x162: {  	[tilespmem:v1+s3+$0x0], v0 =	vst.idx.ret.add.f32.msk $0x1, v0  }
.LBB3_20:
0x163: {  	p0 =	slt.s32 s2, $0x1  }
.Ltmp21:
0x164: {  	_ = 	snop;
	(pc) =	sbr.rel @p0 .LBB3_24-.Ltmp21, $3  }
0x165: {  	_ =	sdelay $0x1  }
0x166: {  	s0 =	simm.s32 $0x6  }
0x167: {  	[sflag:s0] =	ssyncpa.u1 $0x1;
	s0 =	simm.s32 $0x0  }
0x168: {  	s3 =	simm.s32 $0xC0  }
0x169: {  	v0 =	vld.msk [tilespmem:s3+$0x0], $0x1;
	_ =	sdelay $0x4  }
0x16a: {  	(v2sf) =	vpush v0, $0x0;
	_ =	sdelay $0xe  }
0x16b: {  	s2 =	sadd.s32 $0xFFFFFFFF, s2;
	s4 =	spop (v2sf)  }
0x16c: {  	p1 =	sne.s32 s2, $0x0;
	p0 =	sgt.u32 s4, $0x27FF  }
.Ltmp22:
0x16d: {  	s5 =	sshrl.u32 @!p0 s4, $0x3;
	(pc) =	sbr.rel @!p1 .LBB3_23-.Ltmp22, $4  }
0x16e: {  	s3 =	simm.s32 $0xE0;
	s4 =	sand.u32 @!p0 $0x7, s4;
	s5 =	sadd.s32 @!p0 s1, s5  }
0x16f: {  	[hbm4b:s5+s4] =	stream.linear.scatter @!p0 [tilespmem:s3], [sflag:$0x5], $0x1, $0x38;
	[tilespmem:$0x12120] =	vst v63  }
0x170: {  	s5 =	simm.s32 $0x0  }
0x171: {  	s4 =	simm.s32 $0xC1;
	s5 =	simm.s32 @!p0 $0x4  }
.LBB3_22:
0x172: {  	v0 =	vld.msk [tilespmem:s4+$0x0], $0x1;
	s2 =	sadd.s32 $0xFFFFFFFF, s2;
	s0 =	sadd.s32 s0, s5  }
0x173: {  	p0 =	sne.s32 s2, $0x0;
	_ =	sdelay $0x3  }
0x174: {  	(v2sf) =	vpush v0, $0x0;
	_ =	sdelay $0xe  }
.Ltmp23:
0x175: {  	s6 =	spop (v2sf);
	(pc) =	sbr.rel @p0 .LBB3_22-.Ltmp23, $4  }
0x176: {  	s5 =	simm.s32 $0x0;
	p1 =	sgt.u32 s6, $0x27FF  }
0x177: {  	s3 =	sadd.s32 $0x1, s3;
	s5 =	simm.s32 @!p1 $0x4;
	s7 =	sshrl.u32 @!p1 s6, $0x3  }
0x178: {  	s4 =	sadd.s32 $0x1, s4;
	s6 =	sand.u32 @!p1 $0x7, s6;
	s7 =	sadd.s32 @!p1 s1, s7  }
0x179: {  	[hbm4b:s7+s6] =	stream.linear.scatter @!p1 [tilespmem:s3], [sflag:$0x5], $0x1, $0x38;
	[tilespmem:$0x12120] =	vst v63  }
.LBB3_23:
0x17a: {  	s0 =	sadd.s32 s0, s5  }
0x17b: {  	s0 =	sshrl.u32 s0, $0x2  }
.LBB3_24:
0x17c: {  	s1 =	simm.s32 $0x5  }
0x17d: {  	_ =	swait.ge [sflag:s1], s0  }
0x17e: {  	s28 =	ssub.s32 $0x0, s0;
	[sflag:s1] =	ssyncset.done $0x0  }
0x17f: {  	[sflag:s1] =	ssyncadd.s32 s28  }
0x180: {  	[sflag:s1] =	ssyncpa.u1 $0x1  }
0x181: {  	s29 =	simm.s32 $0x1;
	_ =	sfence  }
0x182: {  	s30 =	simm.s32 $0x2;
	[sflag:s29] =	ssyncpa.u1 $0x1  }
0x183: {  	[sflag:s30] =	ssyncpa.u1 $0x1  }
0x184: {  	_ =	strace $0x9000005C  }
0x185: {  	[bflag:$0x2] =	sbarrier.arrive $0xFFFF  }
0x186: {  	s31 =	rddreg [dreg:$0x1]  }
0x187: {  	s0 =	sadd.s32 $0x100000, s31  }
0x188: {  	[sflag:s0] =	ssyncadd.tile.s32 $0x1;
	_ =	shalt  }
.Lfunc_end3:
_tile_overlayer_lowered:
.L_overlay_start_3:
0x189: {  	(tag) =	ssettag $0x3  }
0x18a: {  	s0 =	rddreg [dreg:$0x0];
	s2 =	stileid.u32  }
0x18b: {  	s1 =	rddreg [dreg:$0x1];
	p0 =	sne.s32 s2, $0x0  }
0x18c: {  	s3 =	rddreg [dreg:$0x2];
	[bflag:$0x3] =	sbarrier.arrive $0xFFFF;
	s2 =	simm.s32 @!p0 $0x1C01  }
0x18d: {  	[timem:s3], [sflag:s2] =	dma.local @!p0 [hbm:s0], s1  }
0x18e: {  	s0 =	simm.s32 @!p0 $0x1  }
0x18f: {  	_ =	swait.ge @!p0 [sflag:s0], s1  }
0x190: {  	s1 =	ssub.s32 @!p0 $0x0, s1;
	[sflag:s0] =	ssyncset.done @!p0 $0x0  }
0x191: {  	[sflag:s0] =	ssyncadd.s32 @!p0 s1  }
0x192: {  	[bflag:$0x3] =	sbarrier.arrive $0xFFFF  }
0x193: {  	_ =	shalt  }

// kernel: scatter_offload_async_start.4
scs
__scs_entry_jumppad:
0x0: {  	(pc) =	sbr.rel $0x88, $3  }
0x1: {  	(tag) =	ssettag $0x0;
	lr =	simm.s32 $0x1  }
0x2: {  	[smem:$0x3F93] =	sst lr;
	_ =	strace $0xD0000000  }
0x3: {  	_ = 	snop  }
0x4: {  	_ = 	snop  }
0x5: {  	_ = 	snop  }
0x6: {  	_ = 	snop  }
0x7: {  	_ = 	snop  }
__scs_overlays_trampoline_lowered:
0x8: {  	[smem:$0x3FA2] =	sst s0  }
0x9: {  	[smem:$0x3FA3] =	sst s1  }
0xa: {  	[smem:$0x3FA4] =	sst s2  }
0xb: {  	[smem:$0x3FA5] =	sst s3  }
0xc: {  	[smem:$0x3FA6] =	sst s4  }
0xd: {  	[smem:$0x3FA7] =	sst s5  }
0xe: {  	[smem:$0x3FA8] =	sst s6  }
0xf: {  	[smem:$0x3FA9] =	sst s7  }
0x10: {  	[smem:$0x3FAA] =	sst s8  }
0x11: {  	[smem:$0x3FAB] =	sst s9;
	s0 =	simm.s32 @!p0 $0x0  }
0x12: {  	s1 =	sld [smem:$0x3F91];
	s0 =	simm.s32 @p0 $0x1  }
0x13: {  	[smem:$0x3FAC] =	sst s0;
	s0 =	simm.s32 @!p1 $0x0  }
0x14: {  	s2 =	sld [smem:$0x3F90];
	s0 =	simm.s32 @p1 $0x1  }
0x15: {  	[smem:$0x3FAD] =	sst s0;
	s0 =	simm.s32 @!p2 $0x0  }
0x16: {  	s3 =	sld [smem:$0x3FDB];
	s0 =	simm.s32 @p2 $0x1  }
0x17: {  	s4 =	simm.s32 $0x1BF5;
	[smem:$0x3FAF] =	sst s0  }
0x18: {  	s0 =	sld [smem:$0x3F92];
	_ =	swait.ge [sflag:s4], $0x0  }
0x19: {  	s7 =	sld [smem:$0x3F93]  }
0x1a: {  	s8 =	sadd.s32 $0xFFFFE003, lr  }
0x1b: {  	s9 =	sadd.s32 $0xFFFFFEF7, lr;
	s5 =	simm.s32 $0xFFFFFFFF;
	p2 =	slt.u32 s8, $0xFFFFF086  }
0x1c: {  	p1 =	slt.u32 s9, $0xF7A;
	s5 =	simm.s32 @!p2 $0x0  }
0x1d: {  	s5 =	simm.s32 @p1 $0x1;
	p0 =	seq.s32 s7, s2  }
0x1e: {  	s7 =	smul.u32 @!p0 $0xF7A, s2;
	p2 =	seq.s32 @!p0 s5, $0x0  }
0x1f: {  	s9 =	smul.u32 $0xF7A, s1;
	s8 =	simm.s32 @!p0 $0x1BF5;
	p2 =	por !p2, p0  }
0x20: {  	[sflag:s8] =	ssyncset.s32 @!p0 $0xFFFFF086;
	s6 =	sadd.s32 @!p0 s3, s7;
	s7 =	simm.s32 @!p0 $0x108  }
0x21: {  	s3 =	sadd.s32 s3, s9;
	s6 =	sadd.s32 @!p0 $0x88, s6;
	s7 =	simm.s32 @p2 $0x1082  }
0x22: {  	[simem:s7], [sflag:s8] =	dma.local @!p0 [hbm:s6], $0xF7A  }
0x23: {  	s9 =	sor.u32 $0xD0000000, s2;
	s6 =	simm.s32 $0x108;
	_ =	swait.ge @!p0 [sflag:s8], $0x0  }
0x24: {  	s3 =	sadd.s32 $0x88, s3;
	s6 =	simm.s32 @!p1 $0x1082;
	[sflag:s4] =	ssyncset.s32 $0xFFFFF086  }
0x25: {  	[simem:s6], [sflag:s4] =	dma.local [hbm:s3], $0xF7A  }
0x26: {  	[smem:$0x3F93] =	sst s1;
	(tag) =	ssettag s2;
	_ =	strace s9  }
0x27: {  	s1 =	sld [smem:$0x3FA3]  }
0x28: {  	s2 =	sld [smem:$0x3FA4]  }
0x29: {  	s4 =	sld [smem:$0x3FA6]  }
0x2a: {  	p0 =	seq.s32 s5, $0x0;
	s5 =	sld [smem:$0x3FA7]  }
0x2b: {  	s6 =	sld [smem:$0x3FA8]  }
0x2c: {  	s7 =	sld [smem:$0x3FA9]  }
0x2d: {  	s3 =	simm.s32 $0x108;
	s8 =	sld [smem:$0x3FAA]  }
0x2e: {  	s3 =	simm.s32 @!p0 $0x1082;
	s9 =	sld [smem:$0x3FAB]  }
0x2f: {  	lr =	sadd.s32 s0, s3;
	s0 =	sld [smem:$0x3FA2]  }
0x30: {  	s3 =	sld [smem:$0x3FA5]  }
0x31: {  	[smem:$0x3FAE] =	sst s10  }
0x32: {  	s10 =	sld [smem:$0x3FAC];
	_ =	sdelay $0x3  }
0x33: {  	p0 =	seq.s32 s10, $0x1;
	s10 =	sld [smem:$0x3FAE];
	_ =	sdelay $0x3  }
0x34: {  	[smem:$0x3FAE] =	sst s10  }
0x35: {  	s10 =	sld [smem:$0x3FAD];
	_ =	sdelay $0x3  }
0x36: {  	p1 =	seq.s32 s10, $0x1;
	s10 =	sld [smem:$0x3FAE];
	_ =	sdelay $0x3  }
0x37: {  	[smem:$0x3FAE] =	sst s10  }
0x38: {  	s10 =	sld [smem:$0x3FAF]  }
0x39: {  	_ = 	snop;
	(pc) =	sbr.ind lr, $3  }
0x3a: {  	_ = 	snop  }
0x3b: {  	_ = 	snop  }
0x3c: {  	p2 =	seq.s32 s10, $0x1;
	s10 =	sld [smem:$0x3FAE]  }
0x3d: {  	_ =	shalt  }
0x3e: {  	_ =	shalt  }
0x3f: {  	_ =	shalt  }
0x40: {  	_ =	shalt  }
0x41: {  	_ =	shalt  }
0x42: {  	_ =	shalt  }
0x43: {  	_ =	shalt  }
0x44: {  	_ =	shalt  }
0x45: {  	_ =	shalt  }
0x46: {  	_ =	shalt  }
0x47: {  	_ =	shalt  }
0x48: {  	_ =	shalt  }
0x49: {  	_ =	shalt  }
0x4a: {  	_ =	shalt  }
0x4b: {  	_ =	shalt  }
0x4c: {  	_ =	shalt  }
0x4d: {  	_ =	shalt  }
0x4e: {  	_ =	shalt  }
0x4f: {  	_ =	shalt  }
0x50: {  	_ =	shalt  }
0x51: {  	_ =	shalt  }
0x52: {  	_ =	shalt  }
0x53: {  	_ =	shalt  }
0x54: {  	_ =	shalt  }
0x55: {  	_ =	shalt  }
0x56: {  	_ =	shalt  }
0x57: {  	_ =	shalt  }
0x58: {  	_ =	shalt  }
0x59: {  	_ =	shalt  }
0x5a: {  	_ =	shalt  }
0x5b: {  	_ =	shalt  }
0x5c: {  	_ =	shalt  }
0x5d: {  	_ =	shalt  }
0x5e: {  	_ =	shalt  }
0x5f: {  	_ =	shalt  }
0x60: {  	_ =	shalt  }
0x61: {  	_ =	shalt  }
0x62: {  	_ =	shalt  }
0x63: {  	_ =	shalt  }
0x64: {  	_ =	shalt  }
0x65: {  	_ =	shalt  }
0x66: {  	_ =	shalt  }
0x67: {  	_ =	shalt  }
0x68: {  	_ =	shalt  }
0x69: {  	_ =	shalt  }
0x6a: {  	_ =	shalt  }
0x6b: {  	_ =	shalt  }
0x6c: {  	_ =	shalt  }
0x6d: {  	_ =	shalt  }
0x6e: {  	_ =	shalt  }
0x6f: {  	_ =	shalt  }
0x70: {  	_ =	shalt  }
0x71: {  	_ =	shalt  }
0x72: {  	_ =	shalt  }
0x73: {  	_ =	shalt  }
0x74: {  	_ =	shalt  }
0x75: {  	_ =	shalt  }
0x76: {  	_ =	shalt  }
0x77: {  	_ =	shalt  }
0x78: {  	_ =	shalt  }
0x79: {  	_ =	shalt  }
0x7a: {  	_ =	shalt  }
0x7b: {  	_ =	shalt  }
0x7c: {  	_ =	shalt  }
0x7d: {  	_ =	shalt  }
0x7e: {  	_ =	shalt  }
0x7f: {  	_ =	shalt  }
0x80: {  	_ =	shalt  }
0x81: {  	_ =	shalt  }
0x82: {  	_ =	shalt  }
0x83: {  	_ =	shalt  }
0x84: {  	_ =	shalt  }
0x85: {  	_ =	shalt  }
0x86: {  	_ =	shalt  }
0x87: {  	_ =	shalt  }
.Lfunc_end0:
.L_simem_size_0:
called_computation.4_lowered:
.L_overlay_start_0:
0x88: {  	s0 =	sld [smem:$0x3FD9]  }
0x89: {  	s1 =	sld [smem:$0x3FFE];
	_ =	sdelay $0x3  }
0x8a: {  	s0 =	sadd.s32 s1, s0  }
0x8b: {  	[smem:$0x3FBA] =	sst s0  }
0x8c: {  	_ = 	snop  }
0x8d: {  	(tm) =	ssettm $0x1  }
0x8e: {  	s14 =	sld [smem:$0x3FFB];
	_ =	sdelay $0x3  }
0x8f: {  	_ =	strace s14  }
0x90: {  	s0 =	sld [smem:$0x3FFC];
	_ =	sdelay $0x3  }
0x91: {  	_ =	strace s0  }
0x92: {  	s0 =	sld [smem:$0x3FFD];
	_ =	sdelay $0x3  }
0x93: {  	_ =	strace s0  }
0x94: {  	_ =	strace $0x8FFFFFFF  }
0x95: {  	s15 =	sld [smem:$0x3FDB];
	_ =	sdelay $0x1  }
0x96: {  	s16 =	simm.s32 $_scs_section_size  }
0x97: {  	s2 =	simm.s32 $_size__tile_overlayer_lowered;
	s3 =	simm.s32 $_tile_overlayer_lowered  }
0x98: {  	s4 =	simm.s32 $0x1BFF;
	s17 =	sshll.u32 s3, $0x1;
	s1 =	sadd.s32 s16, s15  }
0x99: {  	s18 =	simm.s32 $0x0;
	s2 =	sshll.u32 s2, $0x1;
	s3 =	sadd.s32 s17, s1  }
0x9a: {  	[timem:s18], [sflag:s4] =	dma.local [hbm:s3], s2  }
0x9b: {  	_ =	swait.ge [sflag:s4], s2  }
0x9c: {  	s2 =	ssub.s32 $0x0, s2;
	[sflag:s4] =	ssyncset.done $0x0  }
0x9d: {  	[sflag:s4] =	ssyncadd.s32 s2;
	_ =	sdelay $0x1  }
0x9e: {  	s19 =	simm.s32 $0x1B8B  }
0x9f: {  	_ =	swait.ge [sflag:s19], $0x1  }
0xa0: {  	[sflag:s19] =	ssyncset.done $0x0  }
0xa1: {  	s21 =	simm.s32 $0x1B8E;
	s20 =	sld [smem:$0x3FFE];
	[sflag:s19] =	ssyncadd.s32 $0xFFFFFFFF  }
0xa2: {  	s22 =	simm.s32 $execute0_lowered;
	[smem:$0x3FD2] =	sst s21  }
0xa3: {  	s3 =	sshll.u32 s22, $0x1;
	_ =	strace $0x8000005E;
	[dreg:$0x1] =	wrdreg $0xFFFFFFFF  }
0xa4: {  	s23 =	simm.s32 $_size_execute0_lowered;
	s3 =	sadd.s32 s1, s3;
	[dreg:$0x0] =	wrdreg $0x0  }
0xa5: {  	s4 =	sshll.u32 s23, $0x1;
	[dreg:$0x2] =	wrdreg s3  }
0xa6: {  	[dreg:$0x3] =	wrdreg s4  }
0xa7: {  	[dreg:$0x4] =	wrdreg $0xC0  }
0xa8: {  	s24 =	simm.s32 $execute1_lowered;
	_ =	task [dreg:s18], $0x5FFFF  }
0xa9: {  	s3 =	sshll.u32 s24, $0x1;
	[dreg:$0x1] =	wrdreg $0xFFFFFFFF  }
0xaa: {  	s1 =	sadd.s32 s1, s3;
	[dreg:$0x0] =	wrdreg $0x60  }
0xab: {  	[dreg:$0x2] =	wrdreg s1  }
0xac: {  	[dreg:$0x3] =	wrdreg s20  }
0xad: {  	[dreg:$0x4] =	wrdreg $0x11  }
0xae: {  	_ =	task.clear_ibuf [dreg:s18], $0x5FFFF;
	_ =	strace $0x9000005E  }
0xaf: {  	s25 =	simm.s32 $0x11;
	_ =	strace $0x80000060  }
0xb0: {  	_ =	swait.ge [sflag:s25], $0x1  }
0xb1: {  	[sflag:s25] =	ssyncadd.s32 $0xFFFFFFFF  }
0xb2: {  	_ =	strace $0x90000060  }
0xb3: {  	_ =	strace $0x80000061;
	[dreg:$0x1] =	wrdreg $0xFFFFFFFF  }
0xb4: {  	[dreg:$0x0] =	wrdreg $0x2030  }
0xb5: {  	[dreg:$0x2] =	wrdreg s20  }
0xb6: {  	[dreg:$0x3] =	wrdreg $0x12  }
0xb7: {  	_ =	task.clear_ibuf [dreg:s18], $0x4FFFF;
	_ =	strace $0x90000061  }
0xb8: {  	s26 =	simm.s32 $0x12;
	_ =	strace $0x80000063  }
0xb9: {  	_ =	swait.ge [sflag:s26], $0x1  }
0xba: {  	[sflag:s26] =	ssyncadd.s32 $0xFFFFFFFF  }
0xbb: {  	_ =	strace $0x90000063  }
0xbc: {  	_ =	sfence  }
0xbd: {  	s28 =	sld [smem:$0x0];
	_ =	sdelay $0x1  }
0xbe: {  	s29 =	srdreg.scid  }
0xbf: {  	s30 =	sshll.u32 s29, $0xD;
	s31 =	sshrl.u32 s29, $0x2  }
0xc0: {  	s2 =	sand.u32 $0x1, s29;
	s3 =	sand.u32 $0x4000, s30;
	s1 =	sadd.s32 s31, s28  }
0xc1: {  	s2 =	sor.u32 s3, s2;
	s1 =	sshll.u32 s1, $0x11  }
0xc2: {  	s1 =	sor.u32 s1, s2  }
0xc3: {  	s1 =	sadd.s32 $0x8F2B, s1  }
0xc4: {  	[sflag:s1] =	ssyncadd.remote.s32 $0x1  }
0xc5: {  	_ =	sfence.sel $0xFFFF  }
0xc6: {  	[dreg:$0x0] =	wrdreg $0xFFFFFFFF;
	(pc) =	sbr.abs _section_cstart, $3  }
0xc7: {  	[dreg:$0x1] =	wrdreg $0xFFFFFFFF  }
0xc8: {  	_ =	task.clear_ibuf [dreg:s18], $0x2FFFF;
	_ =	strace $0x9FFFFFFF  }
0xc9: {  	(tm) =	ssettm $0x7FFFFFFF  }
tec
execute0_lowered:
.L_overlay_start_1:
0x0: {  	(tag) =	ssettag $0x1  }
0x1: {  	s2 =	rddreg [dreg:$0x0]  }
0x2: {  	s4 =	rddreg [dreg:$0x1]  }
0x3: {  	s0 =	rddreg [dreg:$0x2];
	s5 =	stileid.u32;
	[bflag:$0x3] =	sbarrier.arrive $0xFFFF  }
0x4: {  	s1 =	simm.s32 $_size_execute1_lowered;
	s9 =	simm.s32 $0x1;
	s31 =	simm.s32 $0x2  }
0x5: {  	s10 =	simm.s32 $0x0;
	p0 =	sne.s32 s5, $0x0;
	s1 =	sshll.u32 s1, $0x1  }
0x6: {  	p1 =	seq.s32 s5, $0x0;
	s3 =	simm.s32 @!p0 $0x1C3F;
	s6 =	simm.s32 @!p0 $0x4060  }
0x7: {  	[timem:s6], [sflag:s3] =	dma.local @!p0 [hbm:s2], s1  }
0x8: {  	s9 =	simm.s32 @!p1 $0x0;
	s2 =	smul.u32 $0x280, s5;
	s6 =	simm.s32 @!p0 $0x2800  }
0x9: {  	s3 =	simm.s32 $0x0;
	s5 =	simm.s32 $0x1;
	s6 =	simm.s32 @p0 $0x0  }
.Ltmp0:
0xa: {  	_ =	strace $0x8000005F;
	s8 =	ssub.s32 $0x2800, s2;
	(pc) =	sbr.rel .LBB2_1-.Ltmp0, $4  }
0xb: {  	s30 =	sshrl.u32 s2, $0x3;
	p1 =	sne.s32 s8, s6;
	s6 =	simm.s32 $0x1  }
0xc: {  	[sflag:s5] =	ssyncpa.u1 $0x0;
	s7 =	sadd.s32 s30, s4;
	s6 =	simm.s32 @!p1 $0x0  }
0xd: {  	s4 =	sadd.s32 $0xBA400, s4;
	[sflag:s31] =	ssyncpa.u1 $0x0;
	s6 =	sadd.s32 s9, s6  }
0xe: {  	s7 =	sadd.s32 $0x14FC00, s7;
	s9 =	simm.s32 $0x0;
	s8 =	sadd.s32 $0x1, s6  }
.LBB2_7:
0xf: {  	p2 =	sne.s32 s9, s8  }
.Ltmp1:
0x10: {  	p1 =	slt.u32 s9, $0x2;
	(pc) =	sbr.rel @!p2 .LBB2_8-.Ltmp1, $4  }
0x11: {  	s10 =	simm.s32 @!p1 $0x2  }
0x12: {  	_ =	swait.ge @!p1 [sflag:s10], $0x280  }
0x13: {  	s11 =	sadd.s32 $0x1, s9;
	[sflag:s10] =	ssyncset.done @!p1 $0x0  }
0x14: {  	s9 =	smov.u32 s11;
	[sflag:s10] =	ssyncadd.s32 @!p1 $0xFFFFFD80;
	s10 =	smov.u32 s2  }
.LBB2_1:
0x15: {  	p1 =	sge.u32 s9, s6  }
0x16: {  	s11 =	sxor.u32 @!p1 $0x1, s9  }
0x17: {  	s11 =	smul.u32 @!p1 $0xA00, s11;
	_ =	sdelay $0x1  }
0x18: {  	s31 =	sadd.s32 $0xFFFFFFFF, s9;
	s12 =	simm.s32 @!p1 $0x0;
	s11 =	sshra.s32 @!p1 s11, $0x2  }
0x19: {  	[tilespmem:s11], [sflag:$0x1] =	stream.linear.gather @!p1 [hbm4b:s7+s12], $0x280, $0x38;
	[tilespmem:$0xA00] =	vst v63  }
0x1a: {  	p1 =	sge.u32 s31, s6  }
.Ltmp2:
0x1b: {  	_ = 	snop;
	(pc) =	sbr.rel @p1 .LBB2_7-.Ltmp2, $1  }
0x1c: {  	_ =	sdelay $0x3  }
0x1d: {  	s11 =	sand.u32 $0x1, s9  }
0x1e: {  	s12 =	simm.s32 $0x280;
	p1 =	seq.s32 s11, $0x1  }
0x1f: {  	s12 =	simm.s32 @!p1 $0x0  }
0x20: {  	v0 =	vmov s12  }
0x21: {  	_ =	swait.ge [sflag:s5], $0x280  }
0x22: {  	[sflag:s5] =	ssyncset.done $0x0;
	s11 =	sor.u32 $0x500, s12  }
0x23: {  	s13 =	simm.s32 $0x0;
	[sflag:s5] =	ssyncadd.s32 $0xFFFFFD80;
	p1 =	por $0x1, $0x1;
	v1 =	vmov s11  }
.LBB2_3:
0x24: {  	s14 =	sor.u32 $0x10, s13  }
0x25: {  	v2 =	vld.idx.msk [tilespmem:v0+s14+$0x0 ss:$0x1], $0xffff  }
0x26: {  	s15 =	sor.u32 $0x20, s13;
	v60 =	vld.idx.msk [tilespmem:v0+s13+$0x0 ss:$0x1], $0xffff  }
0x27: {  	s16 =	sor.u32 $0x30, s13;
	v3 =	vld.idx.msk [tilespmem:v0+s15+$0x0 ss:$0x1], $0xffff  }
0x28: {  	s17 =	sor.u32 $0x40, s13;
	v4 =	vld.idx.msk [tilespmem:v0+s16+$0x0 ss:$0x1], $0xffff  }
0x29: {  	s19 =	sor.u32 $0x60, s13;
	v5 =	vld.idx.msk [tilespmem:v0+s17+$0x0 ss:$0x1], $0xffff  }
0x2a: {  	s18 =	sor.u32 $0x50, s13;
	[tilespmem:v1+s14+$0x0 ss:$0x1] =	vst.idx.msk $0xffff, v2;
	v2 =	vld.idx.msk [tilespmem:v0+s19+$0x0 ss:$0x1], $0xffff  }
0x2b: {  	s23 =	sor.u32 $0x80, s13;
	v6 =	vld.idx.msk [tilespmem:v0+s18+$0x0 ss:$0x1], $0xffff;
	[tilespmem:v1+s13+$0x0 ss:$0x1] =	vst.idx.msk $0xffff, v60  }
0x2c: {  	s24 =	sor.u32 $0x90, s13;
	v58 =	vld.idx.msk [tilespmem:v0+s23+$0x0 ss:$0x1], $0xffff;
	[tilespmem:v1+s15+$0x0 ss:$0x1] =	vst.idx.msk $0xffff, v3  }
0x2d: {  	s22 =	sor.u32 $0x70, s13;
	v59 =	vld.idx.msk [tilespmem:v0+s24+$0x0 ss:$0x1], $0xffff;
	[tilespmem:v1+s16+$0x0 ss:$0x1] =	vst.idx.msk $0xffff, v4  }
0x2e: {  	s25 =	sor.u32 $0xA0, s13;
	v3 =	vld.idx.msk [tilespmem:v0+s22+$0x0 ss:$0x1], $0xffff;
	[tilespmem:v1+s17+$0x0 ss:$0x1] =	vst.idx.msk $0xffff, v5  }
0x2f: {  	s28 =	sor.u32 $0xC0, s13;
	[tilespmem:v1+s19+$0x0 ss:$0x1] =	vst.idx.msk $0xffff, v2;
	v2 =	vld.idx.msk [tilespmem:v0+s25+$0x0 ss:$0x1], $0xffff  }
0x30: {  	s29 =	sor.u32 $0xD0, s13;
	v61 =	vld.idx.msk [tilespmem:v0+s28+$0x0 ss:$0x1], $0xffff;
	[tilespmem:v1+s18+$0x0 ss:$0x1] =	vst.idx.msk $0xffff, v6  }
0x31: {  	s30 =	sor.u32 $0xE0, s13;
	v62 =	vld.idx.msk [tilespmem:v0+s29+$0x0 ss:$0x1], $0xffff;
	[tilespmem:v1+s23+$0x0 ss:$0x1] =	vst.idx.msk $0xffff, v58  }
0x32: {  	s26 =	sor.u32 $0xB0, s13;
	v63 =	vld.idx.msk [tilespmem:v0+s30+$0x0 ss:$0x1], $0xffff;
	[tilespmem:v1+s24+$0x0 ss:$0x1] =	vst.idx.msk $0xffff, v59  }
0x33: {  	s31 =	sor.u32 $0xF0, s13;
	[tilespmem:v1+s22+$0x0 ss:$0x1] =	vst.idx.msk $0xffff, v3;
	v3 =	vld.idx.msk [tilespmem:v0+s26+$0x0 ss:$0x1], $0xffff  }
0x34: {  	p2 =	por p1, p1;
	[tilespmem:v1+s25+$0x0 ss:$0x1] =	vst.idx.msk $0xffff, v2;
	v2 =	vld.idx.msk [tilespmem:v0+s31+$0x0 ss:$0x1], $0xffff  }
.Ltmp3:
0x35: {  	[tilespmem:v1+s28+$0x0 ss:$0x1] =	vst.idx.msk $0xffff, v61;
	(pc) =	sbr.rel @p2 .LBB2_3-.Ltmp3, $4  }
0x36: {  	[tilespmem:v1+s29+$0x0 ss:$0x1] =	vst.idx.msk $0xffff, v62  }
0x37: {  	[tilespmem:v1+s30+$0x0 ss:$0x1] =	vst.idx.msk $0xffff, v63  }
0x38: {  	[tilespmem:v1+s26+$0x0 ss:$0x1] =	vst.idx.msk $0xffff, v3  }
0x39: {  	p1 =	por $0x0, $0x0;
	s13 =	simm.s32 $0x100;
	[tilespmem:v1+s31+$0x0 ss:$0x1] =	vst.idx.msk $0xffff, v2  }
0x3a: {  	s13 =	sadd.s32 $0x700, s12;
	s12 =	sadd.s32 $0x200, s12;
	s14 =	simm.s32 $0x1F0  }
.LBB2_5:
0x3b: {  	s14 =	sadd.s32 $0x10, s14  }
0x3c: {  	v0 =	vld [tilespmem:s12+$0x0];
	p1 =	slt.u32 s14, $0x270  }
.Ltmp4:
0x3d: {  	_ = 	snop;
	(pc) =	sbr.rel @p1 .LBB2_5-.Ltmp4, $2  }
0x3e: {  	_ =	sdelay $0x2  }
0x3f: {  	s12 =	sadd.s32 $0x10, s12;
	[tilespmem:s13+$0x0] =	vst v0;
	s13 =	sadd.s32 $0x10, s13  }
.Ltmp5:
0x40: {  	(pc) =	sbr.rel .LBB2_7-.Ltmp5, $4  }
0x41: {  	_ = 	snop  }
0x42: {  	s10 =	sshrl.u32 s10, $0x3  }
0x43: {  	s10 =	sadd.s32 s4, s10  }
0x44: {  	[hbm4b:s10+s3] =	stream.linear.scatter [tilespmem:s11], [sflag:$0x2], $0x280, $0x38;
	[tilespmem:$0xA00] =	vst v63  }
.LBB2_8:
0x45: {  	_ =	sfence.sel $0x180000  }
0x46: {  	s2 =	simm.s32 $0x1;
	[bflag:$0x0] =	sbarrier.arrive $0xFFFF  }
0x47: {  	s31 =	simm.s32 $0x2;
	[sflag:s2] =	ssyncpa.u1 $0x1  }
0x48: {  	[sflag:s31] =	ssyncpa.u1 $0x1  }
0x49: {  	_ =	strace $0x9000005F  }
0x4a: {  	s0 =	sadd.s32 @!p0 $0x100000, s0;
	[bflag:$0x2] =	sbarrier.arrive $0xFFFF  }
0x4b: {  	[sflag:s0] =	ssyncadd.tile.s32 @!p0 $0x1;
	s0 =	simm.s32 @!p0 $0x3F  }
0x4c: {  	_ =	swait.ge @!p0 [sflag:s0], s1  }
0x4d: {  	s1 =	ssub.s32 @!p0 $0x0, s1;
	[sflag:s0] =	ssyncset.done @!p0 $0x0  }
0x4e: {  	[sflag:s0] =	ssyncadd.s32 @!p0 s1  }
0x4f: {  	[bflag:$0x3] =	sbarrier.arrive $0xFFFF  }
0x50: {  	_ =	shalt  }
.Lfunc_end2:
execute1_lowered:
.L_overlay_start_2:
0x51: {  	(tag) =	ssettag $0x2  }
0x52: {  	s0 =	rddreg [dreg:$0x0];
	_ =	strace $0x80000062;
	s1 =	simm.s32 $0x1  }
0x53: {  	v1 =	vimm.s32 $0xFFFFFFFF;
	[sflag:s1] =	ssyncpa.u1 $0x0  }
0x54: {  	s10 =	stileid.u32;
	s2 =	simm.s32 $0x6000;
	[tilespmem:$0x10] =	vst v1  }
0x55: {  	v0 =	vimm.f32 $0.0e+00;
	s29 =	simm.s32 $0x2;
	s7 =	simm.s32 $0x7;
	s8 =	simm.s32 $0x8;
	[tilespmem:$0x20] =	vst v1  }
0x56: {  	s30 =	simm.s32 $0x9;
	s16 =	simm.s32 $0x0;
	s17 =	simm.s32 $0xFFFFE000;
	[tilespmem:$0x30] =	vst v0  }
0x57: {  	s18 =	simm.s32 $0xF0;
	s19 =	simm.s32 $0xFFFFFFFF;
	s20 =	simm.s32 $0xFFFFC100;
	[tilespmem:$0x40] =	vst v0  }
0x58: {  	s21 =	simm.s32 $0xFFFFFFFE;
	s28 =	smin.u32 s10, $0x8;
	s3 =	sshll.u32 s10, $0x1;
	[tilespmem:$0x50] =	vst v0  }
0x59: {  	s22 =	simm.s32 $0xF;
	p0 =	slt.u32 s10, $0x8;
	[tilespmem:$0x60] =	vst v1;
	s1 =	sadd.s32 s28, s3  }
0x5a: {  	s26 =	simm.s32 $0x0;
	[tilespmem:$0x70] =	vst v1;
	s2 =	simm.s32 @!p0 $0x4000;
	s4 =	sshll.u32 s1, $0xD  }
0x5b: {  	s25 =	simm.s32 $0x0;
	s6 =	sadd.s32 $0xD7C00, s0;
	[tilespmem:$0x80] =	vst v1;
	s2 =	sadd.s32 s2, s4  }
0x5c: {  	s15 =	sshllo.u32 s10, $0x1;
	v1 =	vimm.s32 $0x0;
	[tilespmem:$0xB0] =	vst v0;
	s13 =	sor.u32 $0x80, s3;
	s5 =	smin.u32 s2, $0x50000  }
0x5d: {  	s14 =	sor.u32 $0x81, s3;
	[tilespmem:$0x90] =	vst v1;
	s1 =	sadd.s32 $0xBA400, s0;
	s9 =	ssub.s32 s5, s4  }
.Ltmp6:
0x5e: {  	[tilespmem:$0xA0] =	vst v1;
	[sflag:s29] =	ssyncpa.u1 $0x0;
	p0 =	sgt.s32 s9, $0x0;
	(pc) =	sbr.rel .LBB3_1-.Ltmp6, $4  }
0x5f: {  	s0 =	sadd.s32 $0x11EC00, s0;
	[sflag:s7] =	ssyncpa.u1 $0x0;
	s9 =	simm.s32 @!p0 $0x0  }
0x60: {  	[dreg:$0x2] =	wrdreg s0;
	[sflag:s8] =	ssyncpa.u1 $0x0;
	s9 =	sshrl.u32 s9, $0xD  }
0x61: {  	vm0 =	vmmov $0xffff;
	v2 =	vlaneseq.u32;
	s24 =	smov.u32 s4;
	[sflag:s30] =	ssyncpa.u1 $0x0;
	s31 =	sadd.s32 $0x1, s9  }
0x62: {  	vm1 =	vmxor vm1, vm1;
	vm2 =	vmmov $0x1;
	vm3 =	vcmask $0x3F3C;
	p0 =	por $0x0, $0x0;
	s12 =	sadd.s32 $0x2, s9;
	[dreg:$0x3] =	wrdreg s31  }
.LBB3_9:
0x63: {  	p1 =	slt.u32 s25, $0x3  }
0x64: {  	s0 =	simm.s32 @!p1 $0x2  }
0x65: {  	_ =	swait.ge @!p1 [sflag:s0], $0x2000  }
0x66: {  	[sflag:s0] =	ssyncset.done @!p1 $0x0  }
0x67: {  	[sflag:s0] =	ssyncadd.s32 @!p1 $0xFFFFE000;
	s0 =	simm.s32 @!p1 $0x9  }
0x68: {  	_ =	swait.ge @!p1 [sflag:s0], $0x10  }
0x69: {  	s2 =	sadd.s32 $0x2000, s24;
	[sflag:s0] =	ssyncset.done @!p1 $0x0  }
0x6a: {  	[sflag:s0] =	ssyncadd.s32 @!p1 $0xFFFFFFF0;
	p1 =	slt.s32 s2, s5;
	s0 =	smov.u32 s4  }
0x6b: {  	s0 =	smov.u32 @p1 s2;
	p1 =	sne.s32 s25, s12  }
.Ltmp7:
0x6c: {  	_ = 	snop;
	(pc) =	sbr.rel @!p1 .LBB3_10-.Ltmp7, $4  }
0x6d: {  	s31 =	sadd.s32 $0x1, s25  }
0x6e: {  	s17 =	sadd.s32 $0x2000, s17;
	s18 =	sadd.s32 $0x2000, s18;
	s19 =	sadd.s32 $0x1, s19  }
0x6f: {  	s26 =	smov.u32 s24;
	p0 =	por !p0, !p0;
	s20 =	sadd.s32 $0x2000, s20  }
0x70: {  	s21 =	sadd.s32 $0x1, s21;
	s25 =	smov.u32 s31;
	s24 =	smov.u32 s0  }
.LBB3_1:
0x71: {  	p1 =	sge.u32 s25, s9  }
0x72: {  	s0 =	smulhi.u32 @!p1 $0xAAAAAAAB, s25;
	_ =	sdelay $0x1  }
0x73: {  	s0 =	sshrl.u32 @!p1 s0, $0x1  }
0x74: {  	s0 =	smul.u32 @!p1 $0x3, s0;
	_ =	sdelay $0x1  }
0x75: {  	s0 =	ssub.s32 @!p1 s25, s0  }
0x76: {  	s2 =	sshrl.u32 @!p1 s24, $0x3;
	s0 =	sshll.u32 @!p1 s0, $0xD  }
0x77: {  	s10 =	sand.u32 @!p1 $0x7, s24;
	s2 =	sadd.s32 @!p1 s6, s2;
	s0 =	sor.u32 @!p1 $0x100, s0  }
0x78: {  	[tilespmem:s0], [sflag:$0x7] =	stream.linear.gather @!p1 [hbm4b:s2+s10], $0x2000, $0x38;
	[tilespmem:$0x12120] =	vst v63  }
0x79: {  	s2 =	sadd.s32 $0xFFFFFFFF, s25  }
0x7a: {  	p1 =	sge.u32 s2, s9  }
.Ltmp8:
0x7b: {  	_ = 	snop;
	(pc) =	sbr.rel @p1 .LBB3_5-.Ltmp8, $1  }
0x7c: {  	_ =	sdelay $0x3  }
0x7d: {  	s0 =	smulhi.u32 $0xAAAAAAAB, s2;
	_ =	sdelay $0x1  }
0x7e: {  	s0 =	sshrl.u32 s0, $0x1  }
0x7f: {  	s0 =	smul.u32 $0x3, s0;
	_ =	sdelay $0x1  }
0x80: {  	s0 =	ssub.s32 s2, s0  }
0x81: {  	_ =	swait.ge [sflag:s7], $0x2000;
	s0 =	sshll.u32 s0, $0xD  }
0x82: {  	[sflag:s7] =	ssyncset.done $0x0;
	s0 =	sor.u32 $0x100, s0  }
0x83: {  	[sflag:s7] =	ssyncadd.s32 $0xFFFFE000;
	(ifvalue) =	ssetifvalue $0xFFFFFFFF;
	v3 =	vld.msk [tilespmem:s0+$0x0 ss:$0x1], $0xffff;
	_ =	sdelay $0x2  }
0x84: {  	s29 =	smulhi.u32 $0xAAAAAAAB, s19;
	p1 =	sne.s32 s25, $0x1  }
0x85: {  	v4 =	vimm.s32 @!p1 $0x0  }
0x86: {  	s0 =	sshrl.u32 s29, $0x1;
	v4 =	vperm.xlane @!p1 v3, v4  }
0x87: {  	s10 =	sshll.u32 s25, $0x4;
	s0 =	smul.u32 $0xFFFE8000, s0;
	vm4 =	vlt.u32 v3, $0x2800  }
0x88: {  	s10 =	sand.u32 $0x10, s10;
	v3 =	vnsel vm4, $0xFFFFFFFE, v3;
	vm4 =	vlt.u32 @!p1 v4, $0x2800  }
0x89: {  	s0 =	sshra.s32 s0, $0x2;
	[tilespmem:s10+$0x60] =	vst v3;
	v3 =	vnsel @!p1 vm4, $0xFFFFFFFE, v4  }
0x8a: {  	s28 =	sadd.s32 s0, s18;
	[tilespmem:$0x80] =	vst @!p1 v3  }
0x8b: {  	v3 =	vld.msk [tilespmem:s28+$0x0 ss:$0x1], $0xffff;
	_ =	sdelay $0x4  }
0x8c: {  	(xrf1) =	vunique.msk.u32 $0xffff, v3;
	_ =	sdelay $0xd  }
0x8d: {  	v4 =	vimm.s32 $0xFFFFFFFF;
	v5, _, _ =	vpop (xrf1)  }
0x8e: {  	vm5 =	vne.s32 v3, v4;
	vm4 =	veq.s32 v5, v2  }
0x8f: {  	vm6 =	vlt.u32 v3, $0x2800;
	vm4 =	vmand vm5, vm4  }
0x90: {  	vm4 =	vmand vm6, vm4  }
0x91: {  	v4 =	vnsel vm4, $0xFFFFFFFF, v3;
	_ =	sdelay $0x2  }
0x92: {  	s30 =	sand.u32 $0x2000, s17  }
0x93: {  	s31 =	sshll.u32 s2, $0xD;
	s0 =	sor.u32 $0x80F0, s30;
	(ifvalue) =	ssetifvalue $0xFFFFFFFF  }
0x94: {  	v3 =	vperm.xlane v3, v1;
	[tilespmem:s0], [sflag:$0x8] =	stream.indirect_vreg.gather [hbm4b:s1+s16], $0x1, v4, vm0, $0x4038;
	v4 =	vnsel vm6, $0xFFFFFFFE, v4;
	[tilespmem:$0x12120] =	vst v63  }
0x95: {  	s23 =	simm.s32 $0x0;
	s2 =	sand.u32 $0x2000, s31;
	s10 =	sadd.s32 $0xFFFFFFF0, s28;
	[tilespmem:s28+$0x0] =	vst v4  }
.LBB3_3:
0x96: {  	v4 =	vld.msk [tilespmem:s10+$0x0 ss:$0x1], $0xffff;
	s23 =	sadd.s32 $0x10, s23;
	v5 =	vmov v3;
	s28 =	smov.u32 s10  }
0x97: {  	p1 =	slt.u32 s23, $0x1FF0;
	_ =	sdelay $0x4  }
0x98: {  	v3 =	vperm.xlane v4, v1;
	(xrf1) =	vunique.msk.u32 $0xffff, v4;
	_ =	sdelay $0xd  }
0x99: {  	v6, _, _ =	vpop (xrf1)  }
0x9a: {  	vm5 =	vne.s32 v4, v5;
	vm4 =	veq.s32 v6, v2  }
0x9b: {  	vm6 =	vlt.u32 v4, $0x2800;
	vm4 =	vmand vm5, vm4  }
0x9c: {  	vm4 =	vmand vm6, vm4  }
0x9d: {  	v4 =	vnsel vm4, $0xFFFFFFFF, v4  }
.Ltmp9:
0x9e: {  	v5 =	vnsel vm6, $0xFFFFFFFE, v4;
	(pc) =	sbr.rel @p1 .LBB3_3-.Ltmp9, $3  }
0x9f: {  	_ =	sdelay $0x1  }
0xa0: {  	s10 =	sadd.s32 $0xFFFFFFF0, s10;
	s0 =	sadd.s32 $0xFFFFFFF0, s0;
	(ifvalue) =	ssetifvalue $0xFFFFFFFF  }
0xa1: {  	[tilespmem:s0], [sflag:$0x8] =	stream.indirect_vreg.gather [hbm4b:s1+s16], $0x1, v4, vm0, $0x4038;
	[tilespmem:s28+$0x0] =	vst v5  }
0xa2: {  	s0 =	sshrl.u32 s26, $0x3;
	s10 =	rddreg [dreg:$0x2]  }
0xa3: {  	s2 =	sadd.s32 $0xA100, s2;
	s0 =	sadd.s32 s10, s0  }
0xa4: {  	[tilespmem:s2], [sflag:$0x8] =	stream.linear.gather [hbm:s0], $0x2000, $0x38;
	[tilespmem:$0x12120] =	vst v63  }
.LBB3_5:
0xa5: {  	p1 =	slt.u32 s25, $0x2  }
0xa6: {  	p2 =	sge.u32 @!p1 s25, s12  }
0xa7: {  	p1 =	por p1, p2  }
.Ltmp10:
0xa8: {  	_ = 	snop;
	(pc) =	sbr.rel @p1 .LBB3_9-.Ltmp10, $1  }
0xa9: {  	_ =	sdelay $0x3  }
0xaa: {  	s0 =	sadd.s32 $0xFFFFFFFE, s25  }
0xab: {  	s2 =	smulhi.u32 $0xAAAAAAAB, s0;
	_ =	sdelay $0x1  }
0xac: {  	s2 =	sshrl.u32 s2, $0x1  }
0xad: {  	s2 =	smul.u32 $0x3, s2  }
0xae: {  	_ =	swait.ge [sflag:s8], $0x4000  }
0xaf: {  	s10 =	rddreg [dreg:$0x3];
	s0 =	ssub.s32 s0, s2  }
0xb0: {  	[sflag:s8] =	ssyncset.done $0x0;
	p1 =	sne.s32 s25, s10;
	s0 =	sshll.u32 s0, $0xD  }
0xb1: {  	[sflag:s8] =	ssyncadd.s32 $0xFFFFC000;
	s2 =	sadd.s32 @!p1 $0x20FF, s0  }
0xb2: {  	[spmem:s14] =	stream.linear.scatter @!p1 [tilespmem:s2], [sflag:$0x1], $0x1, $0x38;
	[tilespmem:$0x12120] =	vst v63  }
0xb3: {  	s2 =	simm.s32 @!p1 $0x1  }
0xb4: {  	_ =	swait.ge @!p1 [sflag:s2], $0x1  }
0xb5: {  	s10 =	sshll.u32 s25, $0x4;
	[sflag:s2] =	ssyncset.done @!p1 $0x0  }
0xb6: {  	s26 =	sand.u32 $0x10, s10;
	[sflag:s2] =	ssyncadd.s32 @!p1 $0xFFFFFFFF  }
0xb7: {  	s2 =	sxor.u32 $0x10, s26;
	v4 =	vld [tilespmem:s26+$0x10]  }
0xb8: {  	v5 =	vld [tilespmem:s2+$0x60]  }
0xb9: {  	v3 =	vld [tilespmem:$0x80];
	_ =	sdelay $0x2  }
0xba: {  	(v2sf) =	vpush v4, $0x0  }
0xbb: {  	(v2sf) =	vpush v5, $0x0  }
0xbc: {  	(v2sf) =	vpush v3, $0x0;
	_ =	sdelay $0xc  }
0xbd: {  	s11 =	spop (v2sf)  }
0xbe: {  	s23 =	spop (v2sf)  }
0xbf: {  	s29 =	spop (v2sf)  }
0xc0: {  	p2 =	seq.s32 s11, s23;
	p3 =	seq.s32 s29, s11  }
0xc1: {  	p3 =	por p2, p3  }
0xc2: {  	v4 =	vpsel p3, $0xFFFFFFFF, v4  }
0xc3: {  	s23 =	sand.u32 $0x1, s25;
	[tilespmem:s26+$0x10] =	vst.msk $0x1, v4  }
0xc4: {  	s30 =	sshll.u32 s23, $0xD;
	v4 =	vld [tilespmem:$0x30]  }
0xc5: {  	v5 =	vld [tilespmem:s30+$0xA100]  }
0xc6: {  	v6 =	vld [tilespmem:s26+$0x40];
	_ =	sdelay $0x3  }
0xc7: {  	vm4 =	vmmov vm1;
	v5 =	vadd.f32 v5, v4  }
0xc8: {  	vm5 =	vmmov vm2;
	vm4 =	vmmov @p2 vm2;
	s10 =	sshll.u32 s23, $0x4;
	v4 =	vadd.f32 v6, v4  }
0xc9: {  	s28 =	sor.u32 $0x12100, s10;
	vm5 =	vmmov @p3 vm1;
	[tilespmem:s30+$0xA100] =	vst.msk vm4, v5  }
0xca: {  	[tilespmem:s28+$0x0] =	vst.msk vm5, v4  }
0xcb: {  	v4 =	vld [tilespmem:s30+$0x80F0];
	_ =	sdelay $0x3  }
0xcc: {  	v5 =	vimm.f32 $0.0e+00  }
0xcd: {  	v4 =	vshift.insert v4, v5, s22  }
0xce: {  	s11 =	sor.u32 $0x40, s2  }
0xcf: {  	[tilespmem:s11+$0x0] =	vst.msk $0x1, v4  }
0xd0: {  	[tilespmem:s30+$0x80FF] =	vst.msk $0x1, v5  }
0xd1: {  	v4 =	vld [tilespmem:s0+$0x20F0];
	_ =	sdelay $0x1  }
0xd2: {  	s23 =	smulhi.u32 $0xAAAAAAAB, s21;
	_ =	sdelay $0x1  }
0xd3: {  	s10 =	simm.s32 $0x1;
	s0 =	sshrl.u32 s23, $0x1  }
0xd4: {  	s10 =	simm.s32 @!p0 $0x0;
	s0 =	smul.u32 $0xFFFE8000, s0;
	v4 =	vshift.insert v4, v1, s22  }
0xd5: {  	s10 =	sshll.u32 s10, $0xD  }
0xd6: {  	s31 =	sadd.s32 $0xA100, s10;
	s0 =	sshra.s32 s0, $0x2;
	[tilespmem:s2+$0x10] =	vst.msk $0x1, v4  }
0xd7: {  	s11 =	sadd.s32 s0, s20;
	v6 =	vld [tilespmem:s31+$0x0]  }
0xd8: {  	v7 =	vld [tilespmem:s11+$0x0];
	_ =	sdelay $0x3  }
0xd9: {  	v5 =	vadd.f32 v6, v5  }
0xda: {  	vm4 =	vne.s32 v7, $0xFFFFFFFF  }
0xdb: {  	(xrf2) =	vadd.seg.scan.f32 vm4, v5;
	_ =	sdelay $0x3  }
0xdc: {  	s0 =	sadd.s32 $0x6100, s10;
	v5 =	vperm.xlane v4, v1  }
0xdd: {  	v6 =	vld [tilespmem:s0+$0x0]  }
0xde: {  	vm5 =	veq.s32 v7, v3;
	vm6 =	veq.s32 v7, v5  }
0xdf: {  	vm7 =	vgt.u32 v7, $0xFFFFFFFD;
	vm6 =	vmor vm6, vm5  }
0xe0: {  	vm6 =	vmor vm6, vm7  }
0xe1: {  	v9 =	vld [tilespmem:$0xA0];
	v7 =	vsel vm6, $0xFFFFFFFF, v7  }
0xe2: {  	v10 =	vld [tilespmem:$0x90];
	v6 =	vsel vm5, $0x0, v6;
	v8, _, _ =	vpop (xrf2)  }
0xe3: {  	v6 =	vadd.f32 v8, v6  }
0xe4: {  	s2 =	sadd.s32 $0xE100, s10  }
0xe5: {  	vm4 =	vmand vm4, vm3;
	[tilespmem:s2+$0x0] =	vst v6;
	(ifvalue) =	ssetifvalue $0xFFFFFFFF  }
0xe6: {  	vm6 =	veq.s32 v9, $0x1;
	[hbm4b:s1+s16] =	stream.indirect_vreg.scatter [tilespmem:s2], [sflag:$0x2], $0x1, v7, vm0, $0x4038;
	v7 =	vsel vm4, $0x0, v8;
	[tilespmem:$0x12120] =	vst v63  }
0xe7: {  	s23 =	simm.s32 $0x0;
	s10 =	sadd.s32 $0x10, s11;
	vm4 =	vmor vm6, vm5;
	v6 =	vsel vm5, v8, v10;
	v7 =	vshift.insert v7, v0, s22  }
.LBB3_7:
0xe8: {  	v8 =	vld [tilespmem:s10+$0x0];
	s31 =	sadd.s32 $0x10, s31  }
0xe9: {  	s0 =	sadd.s32 $0x10, s0;
	v9 =	vld [tilespmem:s31+$0x0]  }
0xea: {  	s23 =	sadd.s32 $0x10, s23;
	v10 =	vld [tilespmem:s0+$0x0]  }
0xeb: {  	p2 =	slt.u32 s23, $0x1FF0;
	_ =	sdelay $0x2  }
0xec: {  	v7 =	vadd.f32 v9, v7  }
0xed: {  	vm5 =	vne.s32 v8, $0xFFFFFFFF  }
0xee: {  	vm6 =	vmand vm5, vm3;
	(xrf2) =	vadd.seg.scan.f32 vm5, v7;
	_ =	sdelay $0x5  }
0xef: {  	vm7 =	veq.s32 v8, v5;
	vm5 =	veq.s32 v8, v3  }
0xf0: {  	vm8 =	vgt.u32 v8, $0xFFFFFFFD;
	vm4 =	vmor vm4, vm5;
	vm7 =	vmor vm7, vm5  }
0xf1: {  	vm7 =	vmor vm7, vm8  }
0xf2: {  	v8 =	vsel vm7, $0xFFFFFFFF, v8  }
.Ltmp11:
0xf3: {  	v7 =	vsel vm5, $0x0, v10;
	v9, _, _ =	vpop (xrf2);
	(pc) =	sbr.rel @p2 .LBB3_7-.Ltmp11, $4  }
0xf4: {  	v6 =	vsel vm5, v9, v6;
	v10 =	vadd.f32 v9, v7;
	v7 =	vsel vm6, $0x0, v9  }
0xf5: {  	s2 =	sadd.s32 $0x10, s2;
	v7 =	vshift.insert v7, v0, s22  }
0xf6: {  	s10 =	sadd.s32 $0x10, s10;
	[tilespmem:s2+$0x0] =	vst v10;
	(ifvalue) =	ssetifvalue $0xFFFFFFFF  }
0xf7: {  	[hbm4b:s1+s16] =	stream.indirect_vreg.scatter [tilespmem:s2], [sflag:$0x2], $0x1, v8, vm0, $0x4038;
	[tilespmem:$0x12120] =	vst v63  }
0xf8: {  	v3 =	vld [tilespmem:s30+$0x100F0];
	_ =	sdelay $0x4  }
0xf9: {  	v3 =	vshift.insert v3, v0, s22  }
0xfa: {  	s0 =	simm.s32 $0x30  }
0xfb: {  	[tilespmem:s0+$0x0] =	vst.msk $0x1, v3  }
0xfc: {  	v3 =	vsel vm4, $0x1, v1;
	[tilespmem:$0x90] =	vst v6  }
0xfd: {  	s0 =	sadd.s32 @!p1 $0x100FF, s30;
	[tilespmem:$0xA0] =	vst v3  }
0xfe: {  	[spmem:s15] =	stream.linear.scatter @!p1 [tilespmem:s0], [sflag:$0x1], $0x1, $0x38;
	[tilespmem:$0x12120] =	vst v63  }
0xff: {  	s0 =	simm.s32 @!p1 $0x1  }
0x100: {  	v3 =	vmctz.xlane @!p1 vm4;
	_ =	swait.ge @!p1 [sflag:s0], $0x1  }
0x101: {  	(v2sf) =	vpush @!p1 v4, $0x0  }
0x102: {  	(v2sf) =	vpush @!p1 v3, $0x0;
	_ =	sdelay $0xd  }
0x103: {  	s2 =	spop @!p1 (v2sf)  }
0x104: {  	s10 =	spop @!p1 (v2sf)  }
0x105: {  	p2 =	sne.s32 @!p1 s29, s2;
	p3 =	slt.s32 @!p1 s10, $0xF  }
0x106: {  	[sflag:s0] =	ssyncset.done @!p1 $0x0;
	p2 =	por p2, p1;
	p3 =	por !p3, p1  }
0x107: {  	[sflag:s0] =	ssyncadd.s32 @!p1 $0xFFFFFFFF;
	v3 =	vimm.s32 @!p2 $0xFFFFFFFF;
	s10 =	simm.s32 @p3 $0xF  }
0x108: {  	[tilespmem:$0x80] =	vst @!p2 v3;
	s2 =	sadd.s32 @!p1 $0x90, s10  }
0x109: {  	[spmem:s3] =	stream.linear.scatter @!p1 [tilespmem:s2], [sflag:$0x1], $0x1, $0x38;
	[tilespmem:$0x12120] =	vst v63  }
0x10a: {  	_ =	swait.ge @!p1 [sflag:s0], $0x1  }
0x10b: {  	[sflag:s0] =	ssyncset.done @!p1 $0x0  }
0x10c: {  	s2 =	simm.s32 @!p1 $0x80;
	[sflag:s0] =	ssyncadd.s32 @!p1 $0xFFFFFFFF  }
0x10d: {  	[spmem:s13] =	stream.linear.scatter @!p1 [tilespmem:s2], [sflag:$0x1], $0x1, $0x38;
	[tilespmem:$0x12120] =	vst v63  }
0x10e: {  	_ =	swait.ge @!p1 [sflag:s0], $0x1  }
0x10f: {  	[sflag:s0] =	ssyncset.done @!p1 $0x0  }
0x110: {  	[sflag:s0] =	ssyncadd.s32 @!p1 $0xFFFFFFFF;
	(ifvalue) =	ssetifvalue $0xFFFFFFFF;
	v3 =	vld [tilespmem:s26+$0x10];
	_ =	sdelay $0x3  }
.Ltmp12:
0x111: {  	_ = 	snop;
	(pc) =	sbr.rel .LBB3_9-.Ltmp12, $3  }
0x112: {  	_ =	sdelay $0x1  }
0x113: {  	(ifvalue) =	ssetifvalue $0xFFFFFFFF  }
0x114: {  	[hbm4b:s1+s16] =	stream.indirect_vreg.scatter [tilespmem:s28], [sflag:$0x9], $0x1, v3, vm0, $0x4038;
	[tilespmem:$0x12120] =	vst v63  }
.LBB3_10:
0x115: {  	_ =	sfence.sel $0x180000  }
0x116: {  	s0 =	simm.s32 $0x7;
	[bflag:$0x0] =	sbarrier.arrive $0xFFFF  }
0x117: {  	s26 =	simm.s32 $0x8;
	[sflag:s0] =	ssyncpa.u1 $0x1  }
0x118: {  	s28 =	simm.s32 $0x9;
	[sflag:s26] =	ssyncpa.u1 $0x1  }
0x119: {  	[sflag:s28] =	ssyncpa.u1 $0x1  }
0x11a: {  	_ =	sfence.stream.spmem  }
0x11b: {  	s29 =	simm.s32 $0x3;
	[bflag:$0x0] =	sbarrier.arrive $0xFFFF  }
0x11c: {  	s30 =	simm.s32 $0x4;
	[sflag:s29] =	ssyncpa.u1 $0x1  }
0x11d: {  	s31 =	simm.s32 $0x3C;
	s2 =	stileid.u32;
	[sflag:s30] =	ssyncpa.u1 $0x1  }
0x11e: {  	p0 =	sne.s32 s2, $0x0;
	[sflag:s31] =	ssyncpa.u1 $0x1  }
0x11f: {  	s0 =	simm.s32 @p0 $0x1;
	_ =	sfence @p0  }
0x120: {  	[sflag:s0] =	ssyncpa.u1 @p0 $0x1;
	s0 =	simm.s32 @p0 $0x2  }
0x121: {  	[sflag:s0] =	ssyncpa.u1 @p0 $0x1  }
0x122: {  	_ =	strace @p0 $0x90000062  }
0x123: {  	[bflag:$0x2] =	sbarrier.arrive @p0 $0xFFFF  }
0x124: {  	_ =	shalt @p0  }
.LBB3_11:
0x125: {  	_ =	sfence.stream.spmem;
	s0 =	simm.s32 $0x5  }
0x126: {  	s2 =	simm.s32 $0x80;
	s3 =	simm.s32 $0xC0;
	[sflag:s0] =	ssyncpa.u1 $0x0  }
0x127: {  	[tilespmem:s3], [sflag:$0x5] =	stream.linear.gather [spmem:s2], $0x20, $0x38;
	[tilespmem:$0x12120] =	vst v63  }
0x128: {  	s2 =	simm.s32 $0x0;
	s3 =	simm.s32 $0xE0  }
0x129: {  	[tilespmem:s3], [sflag:$0x5] =	stream.linear.gather [spmem:s2], $0x20, $0x38;
	[tilespmem:$0x12120] =	vst v63  }
.Ltmp13:
0x12a: {  	_ = 	snop;
	(pc) =	sbr.rel .LBB3_12-.Ltmp13, $4  }
0x12b: {  	_ =	swait.ge [sflag:s0], $0x40  }
0x12c: {  	[sflag:s0] =	ssyncset.done $0x0  }
0x12d: {  	s31 =	simm.s32 $0x6;
	[sflag:s0] =	ssyncadd.s32 $0xFFFFFFC0  }
0x12e: {  	s4 =	simm.s32 $0x0;
	[sflag:s31] =	ssyncpa.u1 $0x0  }
.LBB3_17:
0x12f: {  	p0 =	sgt.u32 s0, $0x27FF  }
0x130: {  	s5 =	sshrl.u32 @!p0 s0, $0x3  }
0x131: {  	s0 =	sand.u32 @!p0 $0x7, s0;
	s6 =	simm.s32 @!p0 $0xB0;
	s5 =	sadd.s32 @!p0 s1, s5  }
0x132: {  	[tilespmem:s6], [sflag:$0x6] =	stream.linear.gather @!p0 [hbm4b:s5+s0], $0x1, $0x38;
	[tilespmem:$0x12120] =	vst v63  }
0x133: {  	s0 =	simm.s32 @!p0 $0x6  }
0x134: {  	_ =	swait.ge @!p0 [sflag:s0], $0x1  }
0x135: {  	[sflag:s0] =	ssyncset.done @!p0 $0x0  }
0x136: {  	[sflag:s0] =	ssyncadd.s32 @!p0 $0xFFFFFFFF  }
0x137: {  	v2 =	vmov @!p0 s4;
	v1 =	vld.msk @!p0 [tilespmem:$0xB0], $0x1;
	_ =	sdelay $0x3  }
0x138: {  	s0 =	simm.s32 @!p0 $0xE0  }
0x139: {  	[tilespmem:v2+s0+$0x0], v1 =	vst.idx.ret.add.f32.msk @!p0 $0x1, v1  }
0x13a: {  	[tilespmem:s2+$0xC0] =	vst.msk $0x1, v0  }
0x13b: {  	v0 =	vld.msk [tilespmem:s4+$0xE0], $0x1;
	_ =	sdelay $0x4  }
0x13c: {  	[tilespmem:s2+$0xE0] =	vst.msk $0x1, v0;
	s2 =	sadd.s32 $0x1, s2  }
.LBB3_19:
0x13d: {  	s4 =	sadd.s32 $0x1, s4  }
0x13e: {  	p0 =	sne.s32 s4, $0x20  }
.Ltmp14:
0x13f: {  	_ = 	snop;
	(pc) =	sbr.rel @!p0 .LBB3_20-.Ltmp14, $1  }
0x140: {  	_ =	sdelay $0x3  }
.LBB3_12:
0x141: {  	v0 =	vld.msk [tilespmem:s4+$0xC0], $0x1;
	_ =	sdelay $0x4  }
0x142: {  	(v2sf) =	vpush v0, $0x0;
	_ =	sdelay $0xe  }
0x143: {  	s0 =	spop (v2sf)  }
0x144: {  	p0 =	seq.s32 s0, $0xFFFFFFFF  }
.Ltmp15:
0x145: {  	_ = 	snop;
	(pc) =	sbr.rel @p0 .LBB3_19-.Ltmp15, $1  }
0x146: {  	_ =	sdelay $0x3  }
0x147: {  	p0 =	slt.s32 s2, $0x1  }
.Ltmp16:
0x148: {  	_ = 	snop;
	(pc) =	sbr.rel @p0 .LBB3_17-.Ltmp16, $1  }
0x149: {  	_ =	sdelay $0x3  }
0x14a: {  	s5 =	simm.s32 $0xC0;
	p0 =	por $0x0, $0x0  }
0x14b: {  	v1 =	vld.msk @!p0 [tilespmem:s5+$0x0], $0x1;
	_ =	sdelay $0x4  }
0x14c: {  	(v2sf) =	vpush @!p0 v1, $0x0;
	_ =	sdelay $0xd  }
0x14d: {  	p2 =	sne.s32 s2, $0x1  }
.Ltmp17:
0x14e: {  	s6 =	spop @!p0 (v2sf);
	(pc) =	sbr.rel @!p2 .LBB3_16-.Ltmp17, $4  }
0x14f: {  	p1 =	seq.s32 @!p0 s0, s6  }
0x150: {  	s6 =	simm.s32 $0x0;
	p1 =	por !p1, p0  }
0x151: {  	s8 =	simm.s32 $0xFFFFFFFF;
	s6 =	simm.s32 @p1 $0xFFFFFFFF  }
0x152: {  	s7 =	simm.s32 $0x1;
	s6 =	smov.u32 @p0 s8  }
.LBB3_15:
0x153: {  	s8 =	smov.u32 s6;
	p0 =	sne.s32 s6, $0xFFFFFFFF  }
0x154: {  	s5 =	sadd.s32 $0x1, s5;
	s6 =	smov.u32 s7;
	s7 =	sadd.s32 $0x1, s7  }
0x155: {  	p1 =	sne.s32 s2, s7;
	v1 =	vld.msk @!p0 [tilespmem:s5+$0x0], $0x1;
	_ =	sdelay $0x4  }
0x156: {  	(v2sf) =	vpush @!p0 v1, $0x0;
	_ =	sdelay $0xe  }
.Ltmp18:
0x157: {  	s9 =	spop @!p0 (v2sf);
	(pc) =	sbr.rel @p1 .LBB3_15-.Ltmp18, $4  }
0x158: {  	p2 =	seq.s32 @!p0 s0, s9  }
0x159: {  	p2 =	por !p2, p0  }
0x15a: {  	s6 =	simm.s32 @p2 $0xFFFFFFFF  }
0x15b: {  	s6 =	smov.u32 @p0 s8  }
.LBB3_16:
0x15c: {  	p0 =	sne.s32 s6, $0xFFFFFFFF  }
.Ltmp19:
0x15d: {  	_ = 	snop;
	(pc) =	sbr.rel @!p0 .LBB3_17-.Ltmp19, $1  }
0x15e: {  	_ =	sdelay $0x3  }
0x15f: {  	v0 =	vld.msk [tilespmem:s4+$0xE0], $0x1;
	v1 =	vmov s6  }
.Ltmp20:
0x160: {  	_ = 	snop;
	(pc) =	sbr.rel .LBB3_19-.Ltmp20, $2  }
0x161: {  	_ =	sdelay $0x2  }
0x162: {  	[tilespmem:v1+s3+$0x0], v0 =	vst.idx.ret.add.f32.msk $0x1, v0  }
.LBB3_20:
0x163: {  	p0 =	slt.s32 s2, $0x1  }
.Ltmp21:
0x164: {  	_ = 	snop;
	(pc) =	sbr.rel @p0 .LBB3_24-.Ltmp21, $3  }
0x165: {  	_ =	sdelay $0x1  }
0x166: {  	s0 =	simm.s32 $0x6  }
0x167: {  	[sflag:s0] =	ssyncpa.u1 $0x1;
	s0 =	simm.s32 $0x0  }
0x168: {  	s3 =	simm.s32 $0xC0  }
0x169: {  	v0 =	vld.msk [tilespmem:s3+$0x0], $0x1;
	_ =	sdelay $0x4  }
0x16a: {  	(v2sf) =	vpush v0, $0x0;
	_ =	sdelay $0xe  }
0x16b: {  	s2 =	sadd.s32 $0xFFFFFFFF, s2;
	s4 =	spop (v2sf)  }
0x16c: {  	p1 =	sne.s32 s2, $0x0;
	p0 =	sgt.u32 s4, $0x27FF  }
.Ltmp22:
0x16d: {  	s5 =	sshrl.u32 @!p0 s4, $0x3;
	(pc) =	sbr.rel @!p1 .LBB3_23-.Ltmp22, $4  }
0x16e: {  	s3 =	simm.s32 $0xE0;
	s4 =	sand.u32 @!p0 $0x7, s4;
	s5 =	sadd.s32 @!p0 s1, s5  }
0x16f: {  	[hbm4b:s5+s4] =	stream.linear.scatter @!p0 [tilespmem:s3], [sflag:$0x5], $0x1, $0x38;
	[tilespmem:$0x12120] =	vst v63  }
0x170: {  	s5 =	simm.s32 $0x0  }
0x171: {  	s4 =	simm.s32 $0xC1;
	s5 =	simm.s32 @!p0 $0x4  }
.LBB3_22:
0x172: {  	v0 =	vld.msk [tilespmem:s4+$0x0], $0x1;
	s2 =	sadd.s32 $0xFFFFFFFF, s2;
	s0 =	sadd.s32 s0, s5  }
0x173: {  	p0 =	sne.s32 s2, $0x0;
	_ =	sdelay $0x3  }
0x174: {  	(v2sf) =	vpush v0, $0x0;
	_ =	sdelay $0xe  }
.Ltmp23:
0x175: {  	s6 =	spop (v2sf);
	(pc) =	sbr.rel @p0 .LBB3_22-.Ltmp23, $4  }
0x176: {  	s5 =	simm.s32 $0x0;
	p1 =	sgt.u32 s6, $0x27FF  }
0x177: {  	s3 =	sadd.s32 $0x1, s3;
	s5 =	simm.s32 @!p1 $0x4;
	s7 =	sshrl.u32 @!p1 s6, $0x3  }
0x178: {  	s4 =	sadd.s32 $0x1, s4;
	s6 =	sand.u32 @!p1 $0x7, s6;
	s7 =	sadd.s32 @!p1 s1, s7  }
0x179: {  	[hbm4b:s7+s6] =	stream.linear.scatter @!p1 [tilespmem:s3], [sflag:$0x5], $0x1, $0x38;
	[tilespmem:$0x12120] =	vst v63  }
.LBB3_23:
0x17a: {  	s0 =	sadd.s32 s0, s5  }
0x17b: {  	s0 =	sshrl.u32 s0, $0x2  }
.LBB3_24:
0x17c: {  	s1 =	simm.s32 $0x5  }
0x17d: {  	_ =	swait.ge [sflag:s1], s0  }
0x17e: {  	s28 =	ssub.s32 $0x0, s0;
	[sflag:s1] =	ssyncset.done $0x0  }
0x17f: {  	[sflag:s1] =	ssyncadd.s32 s28  }
0x180: {  	[sflag:s1] =	ssyncpa.u1 $0x1  }
0x181: {  	s29 =	simm.s32 $0x1;
	_ =	sfence  }
0x182: {  	s30 =	simm.s32 $0x2;
	[sflag:s29] =	ssyncpa.u1 $0x1  }
0x183: {  	[sflag:s30] =	ssyncpa.u1 $0x1  }
0x184: {  	_ =	strace $0x90000062  }
0x185: {  	[bflag:$0x2] =	sbarrier.arrive $0xFFFF  }
0x186: {  	s31 =	rddreg [dreg:$0x1]  }
0x187: {  	s0 =	sadd.s32 $0x100000, s31  }
0x188: {  	[sflag:s0] =	ssyncadd.tile.s32 $0x1;
	_ =	shalt  }
.Lfunc_end3:
_tile_overlayer_lowered:
.L_overlay_start_3:
0x189: {  	(tag) =	ssettag $0x3  }
0x18a: {  	s0 =	rddreg [dreg:$0x0];
	s2 =	stileid.u32  }
0x18b: {  	s1 =	rddreg [dreg:$0x1];
	p0 =	sne.s32 s2, $0x0  }
0x18c: {  	s3 =	rddreg [dreg:$0x2];
	[bflag:$0x3] =	sbarrier.arrive $0xFFFF;
	s2 =	simm.s32 @!p0 $0x1C01  }
0x18d: {  	[timem:s3], [sflag:s2] =	dma.local @!p0 [hbm:s0], s1  }
0x18e: {  	s0 =	simm.s32 @!p0 $0x1  }
0x18f: {  	_ =	swait.ge @!p0 [sflag:s0], s1  }
0x190: {  	s1 =	ssub.s32 @!p0 $0x0, s1;
	[sflag:s0] =	ssyncset.done @!p0 $0x0  }
0x191: {  	[sflag:s0] =	ssyncadd.s32 @!p0 s1  }
0x192: {  	[bflag:$0x3] =	sbarrier.arrive $0xFFFF  }
0x193: {  	_ =	shalt  }

// kernel: scatter_offload_async_start.5
scs
__scs_entry_jumppad:
0x0: {  	(pc) =	sbr.rel $0x88, $3  }
0x1: {  	(tag) =	ssettag $0x0;
	lr =	simm.s32 $0x1  }
0x2: {  	[smem:$0x3F93] =	sst lr;
	_ =	strace $0xD0000000  }
0x3: {  	_ = 	snop  }
0x4: {  	_ = 	snop  }
0x5: {  	_ = 	snop  }
0x6: {  	_ = 	snop  }
0x7: {  	_ = 	snop  }
__scs_overlays_trampoline_lowered:
0x8: {  	[smem:$0x3FA2] =	sst s0  }
0x9: {  	[smem:$0x3FA3] =	sst s1  }
0xa: {  	[smem:$0x3FA4] =	sst s2  }
0xb: {  	[smem:$0x3FA5] =	sst s3  }
0xc: {  	[smem:$0x3FA6] =	sst s4  }
0xd: {  	[smem:$0x3FA7] =	sst s5  }
0xe: {  	[smem:$0x3FA8] =	sst s6  }
0xf: {  	[smem:$0x3FA9] =	sst s7  }
0x10: {  	[smem:$0x3FAA] =	sst s8  }
0x11: {  	[smem:$0x3FAB] =	sst s9;
	s0 =	simm.s32 @!p0 $0x0  }
0x12: {  	s1 =	sld [smem:$0x3F91];
	s0 =	simm.s32 @p0 $0x1  }
0x13: {  	[smem:$0x3FAC] =	sst s0;
	s0 =	simm.s32 @!p1 $0x0  }
0x14: {  	s2 =	sld [smem:$0x3F90];
	s0 =	simm.s32 @p1 $0x1  }
0x15: {  	[smem:$0x3FAD] =	sst s0;
	s0 =	simm.s32 @!p2 $0x0  }
0x16: {  	s3 =	sld [smem:$0x3FDB];
	s0 =	simm.s32 @p2 $0x1  }
0x17: {  	s4 =	simm.s32 $0x1BF5;
	[smem:$0x3FAF] =	sst s0  }
0x18: {  	s0 =	sld [smem:$0x3F92];
	_ =	swait.ge [sflag:s4], $0x0  }
0x19: {  	s7 =	sld [smem:$0x3F93]  }
0x1a: {  	s8 =	sadd.s32 $0xFFFFE003, lr  }
0x1b: {  	s9 =	sadd.s32 $0xFFFFFEF7, lr;
	s5 =	simm.s32 $0xFFFFFFFF;
	p2 =	slt.u32 s8, $0xFFFFF086  }
0x1c: {  	p1 =	slt.u32 s9, $0xF7A;
	s5 =	simm.s32 @!p2 $0x0  }
0x1d: {  	s5 =	simm.s32 @p1 $0x1;
	p0 =	seq.s32 s7, s2  }
0x1e: {  	s7 =	smul.u32 @!p0 $0xF7A, s2;
	p2 =	seq.s32 @!p0 s5, $0x0  }
0x1f: {  	s9 =	smul.u32 $0xF7A, s1;
	s8 =	simm.s32 @!p0 $0x1BF5;
	p2 =	por !p2, p0  }
0x20: {  	[sflag:s8] =	ssyncset.s32 @!p0 $0xFFFFF086;
	s6 =	sadd.s32 @!p0 s3, s7;
	s7 =	simm.s32 @!p0 $0x108  }
0x21: {  	s3 =	sadd.s32 s3, s9;
	s6 =	sadd.s32 @!p0 $0x88, s6;
	s7 =	simm.s32 @p2 $0x1082  }
0x22: {  	[simem:s7], [sflag:s8] =	dma.local @!p0 [hbm:s6], $0xF7A  }
0x23: {  	s9 =	sor.u32 $0xD0000000, s2;
	s6 =	simm.s32 $0x108;
	_ =	swait.ge @!p0 [sflag:s8], $0x0  }
0x24: {  	s3 =	sadd.s32 $0x88, s3;
	s6 =	simm.s32 @!p1 $0x1082;
	[sflag:s4] =	ssyncset.s32 $0xFFFFF086  }
0x25: {  	[simem:s6], [sflag:s4] =	dma.local [hbm:s3], $0xF7A  }
0x26: {  	[smem:$0x3F93] =	sst s1;
	(tag) =	ssettag s2;
	_ =	strace s9  }
0x27: {  	s1 =	sld [smem:$0x3FA3]  }
0x28: {  	s2 =	sld [smem:$0x3FA4]  }
0x29: {  	s4 =	sld [smem:$0x3FA6]  }
0x2a: {  	p0 =	seq.s32 s5, $0x0;
	s5 =	sld [smem:$0x3FA7]  }
0x2b: {  	s6 =	sld [smem:$0x3FA8]  }
0x2c: {  	s7 =	sld [smem:$0x3FA9]  }
0x2d: {  	s3 =	simm.s32 $0x108;
	s8 =	sld [smem:$0x3FAA]  }
0x2e: {  	s3 =	simm.s32 @!p0 $0x1082;
	s9 =	sld [smem:$0x3FAB]  }
0x2f: {  	lr =	sadd.s32 s0, s3;
	s0 =	sld [smem:$0x3FA2]  }
0x30: {  	s3 =	sld [smem:$0x3FA5]  }
0x31: {  	[smem:$0x3FAE] =	sst s10  }
0x32: {  	s10 =	sld [smem:$0x3FAC];
	_ =	sdelay $0x3  }
0x33: {  	p0 =	seq.s32 s10, $0x1;
	s10 =	sld [smem:$0x3FAE];
	_ =	sdelay $0x3  }
0x34: {  	[smem:$0x3FAE] =	sst s10  }
0x35: {  	s10 =	sld [smem:$0x3FAD];
	_ =	sdelay $0x3  }
0x36: {  	p1 =	seq.s32 s10, $0x1;
	s10 =	sld [smem:$0x3FAE];
	_ =	sdelay $0x3  }
0x37: {  	[smem:$0x3FAE] =	sst s10  }
0x38: {  	s10 =	sld [smem:$0x3FAF]  }
0x39: {  	_ = 	snop;
	(pc) =	sbr.ind lr, $3  }
0x3a: {  	_ = 	snop  }
0x3b: {  	_ = 	snop  }
0x3c: {  	p2 =	seq.s32 s10, $0x1;
	s10 =	sld [smem:$0x3FAE]  }
0x3d: {  	_ =	shalt  }
0x3e: {  	_ =	shalt  }
0x3f: {  	_ =	shalt  }
0x40: {  	_ =	shalt  }
0x41: {  	_ =	shalt  }
0x42: {  	_ =	shalt  }
0x43: {  	_ =	shalt  }
0x44: {  	_ =	shalt  }
0x45: {  	_ =	shalt  }
0x46: {  	_ =	shalt  }
0x47: {  	_ =	shalt  }
0x48: {  	_ =	shalt  }
0x49: {  	_ =	shalt  }
0x4a: {  	_ =	shalt  }
0x4b: {  	_ =	shalt  }
0x4c: {  	_ =	shalt  }
0x4d: {  	_ =	shalt  }
0x4e: {  	_ =	shalt  }
0x4f: {  	_ =	shalt  }
0x50: {  	_ =	shalt  }
0x51: {  	_ =	shalt  }
0x52: {  	_ =	shalt  }
0x53: {  	_ =	shalt  }
0x54: {  	_ =	shalt  }
0x55: {  	_ =	shalt  }
0x56: {  	_ =	shalt  }
0x57: {  	_ =	shalt  }
0x58: {  	_ =	shalt  }
0x59: {  	_ =	shalt  }
0x5a: {  	_ =	shalt  }
0x5b: {  	_ =	shalt  }
0x5c: {  	_ =	shalt  }
0x5d: {  	_ =	shalt  }
0x5e: {  	_ =	shalt  }
0x5f: {  	_ =	shalt  }
0x60: {  	_ =	shalt  }
0x61: {  	_ =	shalt  }
0x62: {  	_ =	shalt  }
0x63: {  	_ =	shalt  }
0x64: {  	_ =	shalt  }
0x65: {  	_ =	shalt  }
0x66: {  	_ =	shalt  }
0x67: {  	_ =	shalt  }
0x68: {  	_ =	shalt  }
0x69: {  	_ =	shalt  }
0x6a: {  	_ =	shalt  }
0x6b: {  	_ =	shalt  }
0x6c: {  	_ =	shalt  }
0x6d: {  	_ =	shalt  }
0x6e: {  	_ =	shalt  }
0x6f: {  	_ =	shalt  }
0x70: {  	_ =	shalt  }
0x71: {  	_ =	shalt  }
0x72: {  	_ =	shalt  }
0x73: {  	_ =	shalt  }
0x74: {  	_ =	shalt  }
0x75: {  	_ =	shalt  }
0x76: {  	_ =	shalt  }
0x77: {  	_ =	shalt  }
0x78: {  	_ =	shalt  }
0x79: {  	_ =	shalt  }
0x7a: {  	_ =	shalt  }
0x7b: {  	_ =	shalt  }
0x7c: {  	_ =	shalt  }
0x7d: {  	_ =	shalt  }
0x7e: {  	_ =	shalt  }
0x7f: {  	_ =	shalt  }
0x80: {  	_ =	shalt  }
0x81: {  	_ =	shalt  }
0x82: {  	_ =	shalt  }
0x83: {  	_ =	shalt  }
0x84: {  	_ =	shalt  }
0x85: {  	_ =	shalt  }
0x86: {  	_ =	shalt  }
0x87: {  	_ =	shalt  }
.Lfunc_end0:
.L_simem_size_0:
called_computation.5_lowered:
.L_overlay_start_0:
0x88: {  	s0 =	sld [smem:$0x3FD9]  }
0x89: {  	s1 =	sld [smem:$0x3FFE];
	_ =	sdelay $0x3  }
0x8a: {  	s0 =	sadd.s32 s1, s0  }
0x8b: {  	[smem:$0x3FBA] =	sst s0  }
0x8c: {  	_ = 	snop  }
0x8d: {  	s0 =	sld [smem:$0x3FD0];
	_ =	sdelay $0x2  }
0x8e: {  	s13 =	simm.s32 $0x15;
	s2 =	simm.s32 $0x10  }
0x8f: {  	[smem:s2], [sflag:s13] =	dma.local [hbm:s0], $0x1  }
0x90: {  	_ =	swait.eq [sflag:s13], $0x1  }
0x91: {  	[sflag:s13] =	ssyncset.done $0x0  }
0x92: {  	[sflag:s13] =	ssyncadd.s32 $0xFFFFFFFF  }
0x93: {  	s1 =	sld [smem:$0x11];
	(tm) =	ssettm $0x1  }
0x94: {  	s14 =	sld [smem:$0x3FFB];
	_ =	sdelay $0x3  }
0x95: {  	_ =	strace s14  }
0x96: {  	s0 =	sld [smem:$0x3FFC];
	_ =	sdelay $0x3  }
0x97: {  	_ =	strace s0  }
0x98: {  	s0 =	sld [smem:$0x3FFD];
	_ =	sdelay $0x3  }
0x99: {  	_ =	strace s0  }
0x9a: {  	_ =	strace $0x8FFFFFFF  }
0x9b: {  	s15 =	sld [smem:$0x3FDB];
	_ =	sdelay $0x1  }
0x9c: {  	s16 =	simm.s32 $_scs_section_size  }
0x9d: {  	s3 =	simm.s32 $_size__tile_overlayer_lowered;
	s4 =	simm.s32 $_tile_overlayer_lowered  }
0x9e: {  	s5 =	simm.s32 $0x1BFF;
	s17 =	sshll.u32 s4, $0x1;
	s2 =	sadd.s32 s16, s15  }
0x9f: {  	s18 =	simm.s32 $0x0;
	s3 =	sshll.u32 s3, $0x1;
	s4 =	sadd.s32 s17, s2  }
0xa0: {  	[timem:s18], [sflag:s5] =	dma.local [hbm:s4], s3  }
0xa1: {  	_ =	swait.ge [sflag:s5], s3  }
0xa2: {  	s3 =	ssub.s32 $0x0, s3;
	[sflag:s5] =	ssyncset.done $0x0  }
0xa3: {  	[sflag:s5] =	ssyncadd.s32 s3;
	_ =	sdelay $0x1  }
0xa4: {  	s19 =	simm.s32 $0x1B8B  }
0xa5: {  	_ =	swait.ge [sflag:s19], $0x1  }
0xa6: {  	[sflag:s19] =	ssyncset.done $0x0  }
0xa7: {  	s21 =	simm.s32 $0x1B8E;
	s20 =	sld [smem:$0x3FFE];
	[sflag:s19] =	ssyncadd.s32 $0xFFFFFFFF  }
0xa8: {  	s22 =	simm.s32 $execute0_lowered;
	[smem:$0x3FD2] =	sst s21  }
0xa9: {  	s4 =	sshll.u32 s22, $0x1;
	_ =	strace $0x80000064;
	[dreg:$0x1] =	wrdreg $0xFFFFFFFF  }
0xaa: {  	s23 =	simm.s32 $_size_execute0_lowered;
	s4 =	sadd.s32 s2, s4;
	[dreg:$0x0] =	wrdreg $0x0  }
0xab: {  	s5 =	sshll.u32 s23, $0x1;
	[dreg:$0x2] =	wrdreg s4  }
0xac: {  	[dreg:$0x3] =	wrdreg s5  }
0xad: {  	[dreg:$0x4] =	wrdreg $0xC0  }
0xae: {  	s24 =	simm.s32 $execute1_lowered;
	_ =	task [dreg:s18], $0x5FFFF  }
0xaf: {  	s4 =	sshll.u32 s24, $0x1;
	[dreg:$0x1] =	wrdreg $0xFFFFFFFF  }
0xb0: {  	s2 =	sadd.s32 s2, s4;
	[dreg:$0x0] =	wrdreg $0x60  }
0xb1: {  	[dreg:$0x2] =	wrdreg s2  }
0xb2: {  	[dreg:$0x3] =	wrdreg s20  }
0xb3: {  	[dreg:$0x4] =	wrdreg $0x13  }
0xb4: {  	_ =	task.clear_ibuf [dreg:s18], $0x5FFFF;
	_ =	strace $0x90000064  }
0xb5: {  	s25 =	simm.s32 $0x13;
	_ =	strace $0x80000066  }
0xb6: {  	_ =	swait.ge [sflag:s25], $0x1  }
0xb7: {  	[sflag:s25] =	ssyncadd.s32 $0xFFFFFFFF  }
0xb8: {  	_ =	strace $0x90000066  }
0xb9: {  	_ =	strace $0x80000067;
	[dreg:$0x1] =	wrdreg $0xFFFFFFFF  }
0xba: {  	[dreg:$0x0] =	wrdreg $0x2030  }
0xbb: {  	[dreg:$0x2] =	wrdreg s20  }
0xbc: {  	[dreg:$0x3] =	wrdreg s1  }
0xbd: {  	[dreg:$0x4] =	wrdreg $0x14  }
0xbe: {  	_ =	task.clear_ibuf [dreg:s18], $0x5FFFF;
	_ =	strace $0x90000067  }
0xbf: {  	s26 =	simm.s32 $0x14;
	_ =	strace $0x80000069  }
0xc0: {  	_ =	swait.ge [sflag:s26], $0x1  }
0xc1: {  	[sflag:s26] =	ssyncadd.s32 $0xFFFFFFFF  }
0xc2: {  	_ =	strace $0x90000069  }
0xc3: {  	_ =	sfence  }
0xc4: {  	s28 =	sld [smem:$0x0];
	_ =	sdelay $0x1  }
0xc5: {  	s29 =	srdreg.scid  }
0xc6: {  	s30 =	sshll.u32 s29, $0xD;
	s31 =	sshrl.u32 s29, $0x2  }
0xc7: {  	s3 =	sand.u32 $0x4000, s30;
	s2 =	sand.u32 $0x1, s29;
	s1 =	sadd.s32 s31, s28  }
0xc8: {  	s2 =	sor.u32 s3, s2;
	s1 =	sshll.u32 s1, $0x11  }
0xc9: {  	s1 =	sor.u32 s1, s2  }
0xca: {  	s1 =	sadd.s32 $0x8F2B, s1  }
0xcb: {  	[sflag:s1] =	ssyncadd.remote.s32 $0x1  }
0xcc: {  	_ =	sfence.sel $0xFFFF  }
0xcd: {  	[dreg:$0x0] =	wrdreg $0xFFFFFFFF;
	(pc) =	sbr.abs _section_cstart, $3  }
0xce: {  	[dreg:$0x1] =	wrdreg $0xFFFFFFFF  }
0xcf: {  	_ =	task.clear_ibuf [dreg:s18], $0x2FFFF;
	_ =	strace $0x9FFFFFFF  }
0xd0: {  	(tm) =	ssettm $0x7FFFFFFF  }
0xd1: {  	_ =	shalt  }
tec
execute0_lowered:
.L_overlay_start_1:
0x0: {  	(tag) =	ssettag $0x1  }
0x1: {  	s2 =	rddreg [dreg:$0x0]  }
0x2: {  	s4 =	rddreg [dreg:$0x1]  }
0x3: {  	s0 =	rddreg [dreg:$0x2];
	s5 =	stileid.u32;
	[bflag:$0x3] =	sbarrier.arrive $0xFFFF  }
0x4: {  	s1 =	simm.s32 $_size_execute1_lowered;
	s9 =	simm.s32 $0x1;
	s31 =	simm.s32 $0x2  }
0x5: {  	s10 =	simm.s32 $0x0;
	p0 =	sne.s32 s5, $0x0;
	s1 =	sshll.u32 s1, $0x1  }
0x6: {  	p1 =	seq.s32 s5, $0x0;
	s3 =	simm.s32 @!p0 $0x1C3F;
	s6 =	simm.s32 @!p0 $0x4060  }
0x7: {  	[timem:s6], [sflag:s3] =	dma.local @!p0 [hbm:s2], s1  }
0x8: {  	s9 =	simm.s32 @!p1 $0x0;
	s2 =	smul.u32 $0x280, s5;
	s6 =	simm.s32 @!p0 $0x2800  }
0x9: {  	s3 =	simm.s32 $0x0;
	s5 =	simm.s32 $0x1;
	s6 =	simm.s32 @p0 $0x0  }
.Ltmp0:
0xa: {  	_ =	strace $0x80000065;
	s8 =	ssub.s32 $0x2800, s2;
	(pc) =	sbr.rel .LBB2_1-.Ltmp0, $4  }
0xb: {  	s30 =	sshrl.u32 s2, $0x3;
	p1 =	sne.s32 s8, s6;
	s6 =	simm.s32 $0x1  }
0xc: {  	[sflag:s5] =	ssyncpa.u1 $0x0;
	s7 =	sadd.s32 s30, s4;
	s6 =	simm.s32 @!p1 $0x0  }
0xd: {  	s4 =	sadd.s32 $0xBAA00, s4;
	[sflag:s31] =	ssyncpa.u1 $0x0;
	s6 =	sadd.s32 s9, s6  }
0xe: {  	s7 =	sadd.s32 $0x14FC00, s7;
	s9 =	simm.s32 $0x0;
	s8 =	sadd.s32 $0x1, s6  }
.LBB2_7:
0xf: {  	p2 =	sne.s32 s9, s8  }
.Ltmp1:
0x10: {  	p1 =	slt.u32 s9, $0x2;
	(pc) =	sbr.rel @!p2 .LBB2_8-.Ltmp1, $4  }
0x11: {  	s10 =	simm.s32 @!p1 $0x2  }
0x12: {  	_ =	swait.ge @!p1 [sflag:s10], $0x280  }
0x13: {  	s11 =	sadd.s32 $0x1, s9;
	[sflag:s10] =	ssyncset.done @!p1 $0x0  }
0x14: {  	s9 =	smov.u32 s11;
	[sflag:s10] =	ssyncadd.s32 @!p1 $0xFFFFFD80;
	s10 =	smov.u32 s2  }
.LBB2_1:
0x15: {  	p1 =	sge.u32 s9, s6  }
0x16: {  	s11 =	sxor.u32 @!p1 $0x1, s9  }
0x17: {  	s11 =	smul.u32 @!p1 $0xA00, s11;
	_ =	sdelay $0x1  }
0x18: {  	s31 =	sadd.s32 $0xFFFFFFFF, s9;
	s12 =	simm.s32 @!p1 $0x0;
	s11 =	sshra.s32 @!p1 s11, $0x2  }
0x19: {  	[tilespmem:s11], [sflag:$0x1] =	stream.linear.gather @!p1 [hbm4b:s7+s12], $0x280, $0x38;
	[tilespmem:$0xA00] =	vst v63  }
0x1a: {  	p1 =	sge.u32 s31, s6  }
.Ltmp2:
0x1b: {  	_ = 	snop;
	(pc) =	sbr.rel @p1 .LBB2_7-.Ltmp2, $1  }
0x1c: {  	_ =	sdelay $0x3  }
0x1d: {  	s11 =	sand.u32 $0x1, s9  }
0x1e: {  	s12 =	simm.s32 $0x280;
	p1 =	seq.s32 s11, $0x1  }
0x1f: {  	s12 =	simm.s32 @!p1 $0x0  }
0x20: {  	v0 =	vmov s12  }
0x21: {  	_ =	swait.ge [sflag:s5], $0x280  }
0x22: {  	[sflag:s5] =	ssyncset.done $0x0;
	s11 =	sor.u32 $0x500, s12  }
0x23: {  	s13 =	simm.s32 $0x0;
	[sflag:s5] =	ssyncadd.s32 $0xFFFFFD80;
	p1 =	por $0x1, $0x1;
	v1 =	vmov s11  }
.LBB2_3:
0x24: {  	s14 =	sor.u32 $0x10, s13  }
0x25: {  	v2 =	vld.idx.msk [tilespmem:v0+s14+$0x0 ss:$0x1], $0xffff  }
0x26: {  	s15 =	sor.u32 $0x20, s13;
	v60 =	vld.idx.msk [tilespmem:v0+s13+$0x0 ss:$0x1], $0xffff  }
0x27: {  	s16 =	sor.u32 $0x30, s13;
	v3 =	vld.idx.msk [tilespmem:v0+s15+$0x0 ss:$0x1], $0xffff  }
0x28: {  	s17 =	sor.u32 $0x40, s13;
	v4 =	vld.idx.msk [tilespmem:v0+s16+$0x0 ss:$0x1], $0xffff  }
0x29: {  	s19 =	sor.u32 $0x60, s13;
	v5 =	vld.idx.msk [tilespmem:v0+s17+$0x0 ss:$0x1], $0xffff  }
0x2a: {  	s18 =	sor.u32 $0x50, s13;
	[tilespmem:v1+s14+$0x0 ss:$0x1] =	vst.idx.msk $0xffff, v2;
	v2 =	vld.idx.msk [tilespmem:v0+s19+$0x0 ss:$0x1], $0xffff  }
0x2b: {  	s23 =	sor.u32 $0x80, s13;
	v6 =	vld.idx.msk [tilespmem:v0+s18+$0x0 ss:$0x1], $0xffff;
	[tilespmem:v1+s13+$0x0 ss:$0x1] =	vst.idx.msk $0xffff, v60  }
0x2c: {  	s24 =	sor.u32 $0x90, s13;
	v58 =	vld.idx.msk [tilespmem:v0+s23+$0x0 ss:$0x1], $0xffff;
	[tilespmem:v1+s15+$0x0 ss:$0x1] =	vst.idx.msk $0xffff, v3  }
0x2d: {  	s22 =	sor.u32 $0x70, s13;
	v59 =	vld.idx.msk [tilespmem:v0+s24+$0x0 ss:$0x1], $0xffff;
	[tilespmem:v1+s16+$0x0 ss:$0x1] =	vst.idx.msk $0xffff, v4  }
0x2e: {  	s25 =	sor.u32 $0xA0, s13;
	v3 =	vld.idx.msk [tilespmem:v0+s22+$0x0 ss:$0x1], $0xffff;
	[tilespmem:v1+s17+$0x0 ss:$0x1] =	vst.idx.msk $0xffff, v5  }
0x2f: {  	s28 =	sor.u32 $0xC0, s13;
	[tilespmem:v1+s19+$0x0 ss:$0x1] =	vst.idx.msk $0xffff, v2;
	v2 =	vld.idx.msk [tilespmem:v0+s25+$0x0 ss:$0x1], $0xffff  }
0x30: {  	s29 =	sor.u32 $0xD0, s13;
	v61 =	vld.idx.msk [tilespmem:v0+s28+$0x0 ss:$0x1], $0xffff;
	[tilespmem:v1+s18+$0x0 ss:$0x1] =	vst.idx.msk $0xffff, v6  }
0x31: {  	s30 =	sor.u32 $0xE0, s13;
	v62 =	vld.idx.msk [tilespmem:v0+s29+$0x0 ss:$0x1], $0xffff;
	[tilespmem:v1+s23+$0x0 ss:$0x1] =	vst.idx.msk $0xffff, v58  }
0x32: {  	s26 =	sor.u32 $0xB0, s13;
	v63 =	vld.idx.msk [tilespmem:v0+s30+$0x0 ss:$0x1], $0xffff;
	[tilespmem:v1+s24+$0x0 ss:$0x1] =	vst.idx.msk $0xffff, v59  }
0x33: {  	s31 =	sor.u32 $0xF0, s13;
	[tilespmem:v1+s22+$0x0 ss:$0x1] =	vst.idx.msk $0xffff, v3;
	v3 =	vld.idx.msk [tilespmem:v0+s26+$0x0 ss:$0x1], $0xffff  }
0x34: {  	p2 =	por p1, p1;
	[tilespmem:v1+s25+$0x0 ss:$0x1] =	vst.idx.msk $0xffff, v2;
	v2 =	vld.idx.msk [tilespmem:v0+s31+$0x0 ss:$0x1], $0xffff  }
.Ltmp3:
0x35: {  	[tilespmem:v1+s28+$0x0 ss:$0x1] =	vst.idx.msk $0xffff, v61;
	(pc) =	sbr.rel @p2 .LBB2_3-.Ltmp3, $4  }
0x36: {  	[tilespmem:v1+s29+$0x0 ss:$0x1] =	vst.idx.msk $0xffff, v62  }
0x37: {  	[tilespmem:v1+s30+$0x0 ss:$0x1] =	vst.idx.msk $0xffff, v63  }
0x38: {  	[tilespmem:v1+s26+$0x0 ss:$0x1] =	vst.idx.msk $0xffff, v3  }
0x39: {  	p1 =	por $0x0, $0x0;
	s13 =	simm.s32 $0x100;
	[tilespmem:v1+s31+$0x0 ss:$0x1] =	vst.idx.msk $0xffff, v2  }
0x3a: {  	s13 =	sadd.s32 $0x700, s12;
	s12 =	sadd.s32 $0x200, s12;
	s14 =	simm.s32 $0x1F0  }
.LBB2_5:
0x3b: {  	s14 =	sadd.s32 $0x10, s14  }
0x3c: {  	v0 =	vld [tilespmem:s12+$0x0];
	p1 =	slt.u32 s14, $0x270  }
.Ltmp4:
0x3d: {  	_ = 	snop;
	(pc) =	sbr.rel @p1 .LBB2_5-.Ltmp4, $2  }
0x3e: {  	_ =	sdelay $0x2  }
0x3f: {  	s12 =	sadd.s32 $0x10, s12;
	[tilespmem:s13+$0x0] =	vst v0;
	s13 =	sadd.s32 $0x10, s13  }
.Ltmp5:
0x40: {  	(pc) =	sbr.rel .LBB2_7-.Ltmp5, $4  }
0x41: {  	_ = 	snop  }
0x42: {  	s10 =	sshrl.u32 s10, $0x3  }
0x43: {  	s10 =	sadd.s32 s4, s10  }
0x44: {  	[hbm4b:s10+s3] =	stream.linear.scatter [tilespmem:s11], [sflag:$0x2], $0x280, $0x38;
	[tilespmem:$0xA00] =	vst v63  }
.LBB2_8:
0x45: {  	_ =	sfence.sel $0x180000  }
0x46: {  	s2 =	simm.s32 $0x1;
	[bflag:$0x0] =	sbarrier.arrive $0xFFFF  }
0x47: {  	s31 =	simm.s32 $0x2;
	[sflag:s2] =	ssyncpa.u1 $0x1  }
0x48: {  	[sflag:s31] =	ssyncpa.u1 $0x1  }
0x49: {  	_ =	strace $0x90000065  }
0x4a: {  	s0 =	sadd.s32 @!p0 $0x100000, s0;
	[bflag:$0x2] =	sbarrier.arrive $0xFFFF  }
0x4b: {  	[sflag:s0] =	ssyncadd.tile.s32 @!p0 $0x1;
	s0 =	simm.s32 @!p0 $0x3F  }
0x4c: {  	_ =	swait.ge @!p0 [sflag:s0], s1  }
0x4d: {  	s1 =	ssub.s32 @!p0 $0x0, s1;
	[sflag:s0] =	ssyncset.done @!p0 $0x0  }
0x4e: {  	[sflag:s0] =	ssyncadd.s32 @!p0 s1  }
0x4f: {  	[bflag:$0x3] =	sbarrier.arrive $0xFFFF  }
0x50: {  	_ =	shalt  }
.Lfunc_end2:
execute1_lowered:
.L_overlay_start_2:
0x51: {  	(tag) =	ssettag $0x2  }
0x52: {  	s0 =	rddreg [dreg:$0x0];
	_ =	strace $0x80000068;
	s1 =	simm.s32 $0x1  }
0x53: {  	v1 =	vimm.s32 $0xFFFFFFFF;
	[sflag:s1] =	ssyncpa.u1 $0x0  }
0x54: {  	[tilespmem:$0x10] =	vst v1  }
0x55: {  	v0 =	vimm.f32 $0.0e+00;
	[tilespmem:$0x20] =	vst v1  }
0x56: {  	s10 =	stileid.u32;
	s2 =	simm.s32 $0x6000;
	s30 =	simm.s32 $0x2;
	[tilespmem:$0x30] =	vst v0  }
0x57: {  	s7 =	simm.s32 $0x7;
	s8 =	simm.s32 $0x8;
	s31 =	simm.s32 $0x9;
	[tilespmem:$0x40] =	vst v0  }
0x58: {  	s16 =	simm.s32 $0x0;
	s17 =	simm.s32 $0xFFFFE000;
	s18 =	simm.s32 $0xF0;
	[tilespmem:$0x50] =	vst v0  }
0x59: {  	s19 =	simm.s32 $0xFFFFFFFF;
	s20 =	simm.s32 $0xFFFFC100;
	s21 =	simm.s32 $0xFFFFFFFE;
	[tilespmem:$0x60] =	vst v1  }
0x5a: {  	s22 =	simm.s32 $0xF;
	s29 =	smin.u32 s10, $0x8;
	s4 =	sshll.u32 s10, $0x1;
	[tilespmem:$0x70] =	vst v1  }
0x5b: {  	s26 =	simm.s32 $0x0;
	p0 =	slt.u32 s10, $0x8;
	s1 =	sadd.s32 s29, s4;
	[tilespmem:$0x80] =	vst v1  }
0x5c: {  	s25 =	simm.s32 $0x0;
	v1 =	vimm.s32 $0x0;
	s2 =	simm.s32 @!p0 $0x4000;
	[tilespmem:$0xB0] =	vst v0;
	s5 =	sshll.u32 s1, $0xD  }
0x5d: {  	s15 =	sshllo.u32 s10, $0x1;
	s13 =	sor.u32 $0x80, s4;
	[tilespmem:$0x90] =	vst v1;
	s1 =	sadd.s32 s2, s5  }
0x5e: {  	s14 =	sor.u32 $0x81, s4;
	[tilespmem:$0xA0] =	vst v1;
	[sflag:s30] =	ssyncpa.u1 $0x0;
	s6 =	smin.u32 s1, $0x50000  }
.Ltmp6:
0x5f: {  	[sflag:s7] =	ssyncpa.u1 $0x0;
	s3 =	ssub.s32 s6, s5;
	(pc) =	sbr.rel .LBB3_1-.Ltmp6, $4  }
0x60: {  	s24 =	smov.u32 s5;
	s1 =	sadd.s32 $0xBAA00, s0;
	p0 =	sgt.s32 s3, $0x0  }
0x61: {  	[sflag:s8] =	ssyncpa.u1 $0x0;
	s0 =	sadd.s32 $0xE1C00, s0;
	s3 =	simm.s32 @!p0 $0x0  }
0x62: {  	vm0 =	vmmov $0xffff;
	v2 =	vlaneseq.u32;
	[dreg:$0x3] =	wrdreg s0;
	[sflag:s31] =	ssyncpa.u1 $0x0;
	s9 =	sshrl.u32 s3, $0xD  }
0x63: {  	vm1 =	vmxor vm1, vm1;
	vm2 =	vmmov $0x1;
	vm3 =	vcmask $0x3F3C;
	p0 =	por $0x0, $0x0;
	s11 =	sadd.s32 $0x1, s9;
	s12 =	sadd.s32 $0x2, s9  }
.LBB3_9:
0x64: {  	p1 =	slt.u32 s25, $0x3  }
0x65: {  	s0 =	simm.s32 @!p1 $0x2  }
0x66: {  	_ =	swait.ge @!p1 [sflag:s0], $0x2000  }
0x67: {  	[sflag:s0] =	ssyncset.done @!p1 $0x0  }
0x68: {  	[sflag:s0] =	ssyncadd.s32 @!p1 $0xFFFFE000;
	s0 =	simm.s32 @!p1 $0x9  }
0x69: {  	_ =	swait.ge @!p1 [sflag:s0], $0x10  }
0x6a: {  	s2 =	sadd.s32 $0x2000, s24;
	[sflag:s0] =	ssyncset.done @!p1 $0x0  }
0x6b: {  	[sflag:s0] =	ssyncadd.s32 @!p1 $0xFFFFFFF0;
	p1 =	slt.s32 s2, s6;
	s0 =	smov.u32 s5  }
0x6c: {  	s0 =	smov.u32 @p1 s2;
	p1 =	sne.s32 s25, s12  }
.Ltmp7:
0x6d: {  	_ = 	snop;
	(pc) =	sbr.rel @!p1 .LBB3_10-.Ltmp7, $4  }
0x6e: {  	s31 =	sadd.s32 $0x1, s25  }
0x6f: {  	s17 =	sadd.s32 $0x2000, s17;
	s18 =	sadd.s32 $0x2000, s18;
	s19 =	sadd.s32 $0x1, s19  }
0x70: {  	s26 =	smov.u32 s24;
	p0 =	por !p0, !p0;
	s20 =	sadd.s32 $0x2000, s20  }
0x71: {  	s21 =	sadd.s32 $0x1, s21;
	s25 =	smov.u32 s31;
	s24 =	smov.u32 s0  }
.LBB3_1:
0x72: {  	p1 =	sge.u32 s25, s9  }
0x73: {  	s0 =	smulhi.u32 @!p1 $0xAAAAAAAB, s25;
	_ =	sdelay $0x1  }
0x74: {  	s0 =	sshrl.u32 @!p1 s0, $0x1  }
0x75: {  	s0 =	smul.u32 @!p1 $0x3, s0;
	_ =	sdelay $0x1  }
0x76: {  	s0 =	ssub.s32 @!p1 s25, s0  }
0x77: {  	s3 =	rddreg [dreg:$0x1];
	s2 =	sshrl.u32 @!p1 s24, $0x3;
	s0 =	sshll.u32 @!p1 s0, $0xD  }
0x78: {  	s2 =	sadd.s32 @!p1 s3, s2;
	s3 =	sand.u32 @!p1 $0x7, s24;
	s0 =	sor.u32 @!p1 $0x100, s0  }
0x79: {  	[tilespmem:s0], [sflag:$0x7] =	stream.linear.gather @!p1 [hbm4b:s2+s3], $0x2000, $0x38;
	[tilespmem:$0x12120] =	vst v63  }
0x7a: {  	s2 =	sadd.s32 $0xFFFFFFFF, s25  }
0x7b: {  	p1 =	sge.u32 s2, s9  }
.Ltmp8:
0x7c: {  	_ = 	snop;
	(pc) =	sbr.rel @p1 .LBB3_5-.Ltmp8, $1  }
0x7d: {  	_ =	sdelay $0x3  }
0x7e: {  	s0 =	smulhi.u32 $0xAAAAAAAB, s2;
	_ =	sdelay $0x1  }
0x7f: {  	s0 =	sshrl.u32 s0, $0x1  }
0x80: {  	s0 =	smul.u32 $0x3, s0;
	_ =	sdelay $0x1  }
0x81: {  	s0 =	ssub.s32 s2, s0  }
0x82: {  	_ =	swait.ge [sflag:s7], $0x2000;
	s0 =	sshll.u32 s0, $0xD  }
0x83: {  	[sflag:s7] =	ssyncset.done $0x0;
	s0 =	sor.u32 $0x100, s0  }
0x84: {  	[sflag:s7] =	ssyncadd.s32 $0xFFFFE000;
	(ifvalue) =	ssetifvalue $0xFFFFFFFF;
	v3 =	vld.msk [tilespmem:s0+$0x0 ss:$0x1], $0xffff;
	_ =	sdelay $0x2  }
0x85: {  	s29 =	smulhi.u32 $0xAAAAAAAB, s19;
	p1 =	sne.s32 s25, $0x1  }
0x86: {  	v4 =	vimm.s32 @!p1 $0x0  }
0x87: {  	s0 =	sshrl.u32 s29, $0x1;
	v4 =	vperm.xlane @!p1 v3, v4  }
0x88: {  	s3 =	sshll.u32 s25, $0x4;
	s0 =	smul.u32 $0xFFFE8000, s0;
	vm4 =	vlt.u32 v3, $0x2800  }
0x89: {  	s3 =	sand.u32 $0x10, s3;
	v3 =	vnsel vm4, $0xFFFFFFFE, v3;
	vm4 =	vlt.u32 @!p1 v4, $0x2800  }
0x8a: {  	s0 =	sshra.s32 s0, $0x2;
	[tilespmem:s3+$0x60] =	vst v3;
	v3 =	vnsel @!p1 vm4, $0xFFFFFFFE, v4  }
0x8b: {  	s28 =	sadd.s32 s0, s18;
	[tilespmem:$0x80] =	vst @!p1 v3  }
0x8c: {  	v3 =	vld.msk [tilespmem:s28+$0x0 ss:$0x1], $0xffff;
	_ =	sdelay $0x4  }
0x8d: {  	(xrf1) =	vunique.msk.u32 $0xffff, v3;
	_ =	sdelay $0xd  }
0x8e: {  	v4 =	vimm.s32 $0xFFFFFFFF;
	v5, _, _ =	vpop (xrf1)  }
0x8f: {  	vm5 =	vne.s32 v3, v4;
	vm4 =	veq.s32 v5, v2  }
0x90: {  	vm6 =	vlt.u32 v3, $0x2800;
	vm4 =	vmand vm5, vm4  }
0x91: {  	vm4 =	vmand vm6, vm4  }
0x92: {  	v4 =	vnsel vm4, $0xFFFFFFFF, v3;
	_ =	sdelay $0x2  }
0x93: {  	s30 =	sand.u32 $0x2000, s17  }
0x94: {  	s31 =	sshll.u32 s2, $0xD;
	s0 =	sor.u32 $0x80F0, s30;
	(ifvalue) =	ssetifvalue $0xFFFFFFFF  }
0x95: {  	v3 =	vperm.xlane v3, v1;
	[tilespmem:s0], [sflag:$0x8] =	stream.indirect_vreg.gather [hbm4b:s1+s16], $0x1, v4, vm0, $0x4038;
	v4 =	vnsel vm6, $0xFFFFFFFE, v4;
	[tilespmem:$0x12120] =	vst v63  }
0x96: {  	s23 =	simm.s32 $0x0;
	s2 =	sand.u32 $0x2000, s31;
	s3 =	sadd.s32 $0xFFFFFFF0, s28;
	[tilespmem:s28+$0x0] =	vst v4  }
.LBB3_3:
0x97: {  	v4 =	vld.msk [tilespmem:s3+$0x0 ss:$0x1], $0xffff;
	s23 =	sadd.s32 $0x10, s23;
	v5 =	vmov v3;
	s28 =	smov.u32 s3  }
0x98: {  	p1 =	slt.u32 s23, $0x1FF0;
	_ =	sdelay $0x4  }
0x99: {  	v3 =	vperm.xlane v4, v1;
	(xrf1) =	vunique.msk.u32 $0xffff, v4;
	_ =	sdelay $0xd  }
0x9a: {  	v6, _, _ =	vpop (xrf1)  }
0x9b: {  	vm5 =	vne.s32 v4, v5;
	vm4 =	veq.s32 v6, v2  }
0x9c: {  	vm6 =	vlt.u32 v4, $0x2800;
	vm4 =	vmand vm5, vm4  }
0x9d: {  	vm4 =	vmand vm6, vm4  }
0x9e: {  	v4 =	vnsel vm4, $0xFFFFFFFF, v4  }
.Ltmp9:
0x9f: {  	v5 =	vnsel vm6, $0xFFFFFFFE, v4;
	(pc) =	sbr.rel @p1 .LBB3_3-.Ltmp9, $3  }
0xa0: {  	_ =	sdelay $0x1  }
0xa1: {  	s3 =	sadd.s32 $0xFFFFFFF0, s3;
	s0 =	sadd.s32 $0xFFFFFFF0, s0;
	(ifvalue) =	ssetifvalue $0xFFFFFFFF  }
0xa2: {  	[tilespmem:s0], [sflag:$0x8] =	stream.indirect_vreg.gather [hbm4b:s1+s16], $0x1, v4, vm0, $0x4038;
	[tilespmem:s28+$0x0] =	vst v5  }
0xa3: {  	s0 =	sshrl.u32 s26, $0x3;
	s3 =	rddreg [dreg:$0x3]  }
0xa4: {  	s2 =	sadd.s32 $0xA100, s2;
	s0 =	sadd.s32 s3, s0  }
0xa5: {  	[tilespmem:s2], [sflag:$0x8] =	stream.linear.gather [hbm:s0], $0x2000, $0x38;
	[tilespmem:$0x12120] =	vst v63  }
.LBB3_5:
0xa6: {  	p1 =	slt.u32 s25, $0x2  }
0xa7: {  	p2 =	sge.u32 @!p1 s25, s12  }
0xa8: {  	p1 =	por p1, p2  }
.Ltmp10:
0xa9: {  	_ = 	snop;
	(pc) =	sbr.rel @p1 .LBB3_9-.Ltmp10, $1  }
0xaa: {  	_ =	sdelay $0x3  }
0xab: {  	s0 =	sadd.s32 $0xFFFFFFFE, s25  }
0xac: {  	s2 =	smulhi.u32 $0xAAAAAAAB, s0;
	_ =	sdelay $0x1  }
0xad: {  	s2 =	sshrl.u32 s2, $0x1  }
0xae: {  	s2 =	smul.u32 $0x3, s2;
	_ =	sdelay $0x1  }
0xaf: {  	_ =	swait.ge [sflag:s8], $0x4000;
	s0 =	ssub.s32 s0, s2  }
0xb0: {  	p1 =	sne.s32 s25, s11;
	[sflag:s8] =	ssyncset.done $0x0;
	s0 =	sshll.u32 s0, $0xD  }
0xb1: {  	[sflag:s8] =	ssyncadd.s32 $0xFFFFC000;
	s2 =	sadd.s32 @!p1 $0x20FF, s0  }
0xb2: {  	[spmem:s14] =	stream.linear.scatter @!p1 [tilespmem:s2], [sflag:$0x1], $0x1, $0x38;
	[tilespmem:$0x12120] =	vst v63  }
0xb3: {  	s2 =	simm.s32 @!p1 $0x1  }
0xb4: {  	_ =	swait.ge @!p1 [sflag:s2], $0x1  }
0xb5: {  	s3 =	sshll.u32 s25, $0x4;
	[sflag:s2] =	ssyncset.done @!p1 $0x0  }
0xb6: {  	s26 =	sand.u32 $0x10, s3;
	[sflag:s2] =	ssyncadd.s32 @!p1 $0xFFFFFFFF  }
0xb7: {  	s2 =	sxor.u32 $0x10, s26;
	v4 =	vld [tilespmem:s26+$0x10]  }
0xb8: {  	v5 =	vld [tilespmem:s2+$0x60]  }
0xb9: {  	v3 =	vld [tilespmem:$0x80];
	_ =	sdelay $0x2  }
0xba: {  	(v2sf) =	vpush v4, $0x0  }
0xbb: {  	(v2sf) =	vpush v5, $0x0  }
0xbc: {  	(v2sf) =	vpush v3, $0x0;
	_ =	sdelay $0xc  }
0xbd: {  	s10 =	spop (v2sf)  }
0xbe: {  	s23 =	spop (v2sf)  }
0xbf: {  	s29 =	spop (v2sf)  }
0xc0: {  	p2 =	seq.s32 s10, s23;
	p3 =	seq.s32 s29, s10  }
0xc1: {  	p3 =	por p2, p3  }
0xc2: {  	v4 =	vpsel p3, $0xFFFFFFFF, v4  }
0xc3: {  	s23 =	sand.u32 $0x1, s25;
	[tilespmem:s26+$0x10] =	vst.msk $0x1, v4  }
0xc4: {  	s30 =	sshll.u32 s23, $0xD;
	v4 =	vld [tilespmem:$0x30]  }
0xc5: {  	v5 =	vld [tilespmem:s30+$0xA100]  }
0xc6: {  	v6 =	vld [tilespmem:s26+$0x40];
	_ =	sdelay $0x3  }
0xc7: {  	vm4 =	vmmov vm1;
	v5 =	vadd.f32 v5, v4  }
0xc8: {  	vm5 =	vmmov vm2;
	vm4 =	vmmov @p2 vm2;
	s3 =	sshll.u32 s23, $0x4;
	v4 =	vadd.f32 v6, v4  }
0xc9: {  	s28 =	sor.u32 $0x12100, s3;
	vm5 =	vmmov @p3 vm1;
	[tilespmem:s30+$0xA100] =	vst.msk vm4, v5  }
0xca: {  	[tilespmem:s28+$0x0] =	vst.msk vm5, v4  }
0xcb: {  	v4 =	vld [tilespmem:s30+$0x80F0];
	_ =	sdelay $0x3  }
0xcc: {  	v5 =	vimm.f32 $0.0e+00  }
0xcd: {  	v4 =	vshift.insert v4, v5, s22  }
0xce: {  	s10 =	sor.u32 $0x40, s2  }
0xcf: {  	[tilespmem:s10+$0x0] =	vst.msk $0x1, v4  }
0xd0: {  	[tilespmem:s30+$0x80FF] =	vst.msk $0x1, v5  }
0xd1: {  	v4 =	vld [tilespmem:s0+$0x20F0];
	_ =	sdelay $0x1  }
0xd2: {  	s23 =	smulhi.u32 $0xAAAAAAAB, s21;
	_ =	sdelay $0x1  }
0xd3: {  	s3 =	simm.s32 $0x1;
	s0 =	sshrl.u32 s23, $0x1  }
0xd4: {  	s3 =	simm.s32 @!p0 $0x0;
	s0 =	smul.u32 $0xFFFE8000, s0;
	v4 =	vshift.insert v4, v1, s22  }
0xd5: {  	s3 =	sshll.u32 s3, $0xD  }
0xd6: {  	s31 =	sadd.s32 $0xA100, s3;
	s0 =	sshra.s32 s0, $0x2;
	[tilespmem:s2+$0x10] =	vst.msk $0x1, v4  }
0xd7: {  	s10 =	sadd.s32 s0, s20;
	v6 =	vld [tilespmem:s31+$0x0]  }
0xd8: {  	v7 =	vld [tilespmem:s10+$0x0];
	_ =	sdelay $0x3  }
0xd9: {  	v5 =	vadd.f32 v6, v5  }
0xda: {  	vm4 =	vne.s32 v7, $0xFFFFFFFF  }
0xdb: {  	(xrf2) =	vadd.seg.scan.f32 vm4, v5;
	_ =	sdelay $0x3  }
0xdc: {  	s0 =	sadd.s32 $0x6100, s3;
	v5 =	vperm.xlane v4, v1  }
0xdd: {  	v6 =	vld [tilespmem:s0+$0x0]  }
0xde: {  	vm5 =	veq.s32 v7, v3;
	vm6 =	veq.s32 v7, v5  }
0xdf: {  	vm7 =	vgt.u32 v7, $0xFFFFFFFD;
	vm6 =	vmor vm6, vm5  }
0xe0: {  	vm6 =	vmor vm6, vm7  }
0xe1: {  	v9 =	vld [tilespmem:$0xA0];
	v7 =	vsel vm6, $0xFFFFFFFF, v7  }
0xe2: {  	v10 =	vld [tilespmem:$0x90];
	v6 =	vsel vm5, $0x0, v6;
	v8, _, _ =	vpop (xrf2)  }
0xe3: {  	v6 =	vadd.f32 v8, v6  }
0xe4: {  	s2 =	sadd.s32 $0xE100, s3  }
0xe5: {  	vm4 =	vmand vm4, vm3;
	[tilespmem:s2+$0x0] =	vst v6;
	(ifvalue) =	ssetifvalue $0xFFFFFFFF  }
0xe6: {  	vm6 =	veq.s32 v9, $0x1;
	[hbm4b:s1+s16] =	stream.indirect_vreg.scatter [tilespmem:s2], [sflag:$0x2], $0x1, v7, vm0, $0x4038;
	v7 =	vsel vm4, $0x0, v8;
	[tilespmem:$0x12120] =	vst v63  }
0xe7: {  	s23 =	simm.s32 $0x0;
	s3 =	sadd.s32 $0x10, s10;
	vm4 =	vmor vm6, vm5;
	v6 =	vsel vm5, v8, v10;
	v7 =	vshift.insert v7, v0, s22  }
.LBB3_7:
0xe8: {  	v8 =	vld [tilespmem:s3+$0x0];
	s31 =	sadd.s32 $0x10, s31  }
0xe9: {  	s0 =	sadd.s32 $0x10, s0;
	v9 =	vld [tilespmem:s31+$0x0]  }
0xea: {  	s23 =	sadd.s32 $0x10, s23;
	v10 =	vld [tilespmem:s0+$0x0]  }
0xeb: {  	p2 =	slt.u32 s23, $0x1FF0;
	_ =	sdelay $0x2  }
0xec: {  	v7 =	vadd.f32 v9, v7  }
0xed: {  	vm5 =	vne.s32 v8, $0xFFFFFFFF  }
0xee: {  	vm6 =	vmand vm5, vm3;
	(xrf2) =	vadd.seg.scan.f32 vm5, v7;
	_ =	sdelay $0x5  }
0xef: {  	vm7 =	veq.s32 v8, v5;
	vm5 =	veq.s32 v8, v3  }
0xf0: {  	vm8 =	vgt.u32 v8, $0xFFFFFFFD;
	vm4 =	vmor vm4, vm5;
	vm7 =	vmor vm7, vm5  }
0xf1: {  	vm7 =	vmor vm7, vm8  }
0xf2: {  	v8 =	vsel vm7, $0xFFFFFFFF, v8  }
.Ltmp11:
0xf3: {  	v7 =	vsel vm5, $0x0, v10;
	v9, _, _ =	vpop (xrf2);
	(pc) =	sbr.rel @p2 .LBB3_7-.Ltmp11, $4  }
0xf4: {  	v6 =	vsel vm5, v9, v6;
	v10 =	vadd.f32 v9, v7;
	v7 =	vsel vm6, $0x0, v9  }
0xf5: {  	s2 =	sadd.s32 $0x10, s2;
	v7 =	vshift.insert v7, v0, s22  }
0xf6: {  	s3 =	sadd.s32 $0x10, s3;
	[tilespmem:s2+$0x0] =	vst v10;
	(ifvalue) =	ssetifvalue $0xFFFFFFFF  }
0xf7: {  	[hbm4b:s1+s16] =	stream.indirect_vreg.scatter [tilespmem:s2], [sflag:$0x2], $0x1, v8, vm0, $0x4038;
	[tilespmem:$0x12120] =	vst v63  }
0xf8: {  	v3 =	vld [tilespmem:s30+$0x100F0];
	_ =	sdelay $0x4  }
0xf9: {  	v3 =	vshift.insert v3, v0, s22  }
0xfa: {  	s0 =	simm.s32 $0x30  }
0xfb: {  	[tilespmem:s0+$0x0] =	vst.msk $0x1, v3  }
0xfc: {  	v3 =	vsel vm4, $0x1, v1;
	[tilespmem:$0x90] =	vst v6  }
0xfd: {  	s0 =	sadd.s32 @!p1 $0x100FF, s30;
	[tilespmem:$0xA0] =	vst v3  }
0xfe: {  	[spmem:s15] =	stream.linear.scatter @!p1 [tilespmem:s0], [sflag:$0x1], $0x1, $0x38;
	[tilespmem:$0x12120] =	vst v63  }
0xff: {  	s0 =	simm.s32 @!p1 $0x1  }
0x100: {  	v3 =	vmctz.xlane @!p1 vm4;
	_ =	swait.ge @!p1 [sflag:s0], $0x1  }
0x101: {  	(v2sf) =	vpush @!p1 v4, $0x0  }
0x102: {  	(v2sf) =	vpush @!p1 v3, $0x0;
	_ =	sdelay $0xd  }
0x103: {  	s2 =	spop @!p1 (v2sf)  }
0x104: {  	s3 =	spop @!p1 (v2sf)  }
0x105: {  	p2 =	sne.s32 @!p1 s29, s2;
	p3 =	slt.s32 @!p1 s3, $0xF  }
0x106: {  	[sflag:s0] =	ssyncset.done @!p1 $0x0;
	p2 =	por p2, p1;
	p3 =	por !p3, p1  }
0x107: {  	[sflag:s0] =	ssyncadd.s32 @!p1 $0xFFFFFFFF;
	v3 =	vimm.s32 @!p2 $0xFFFFFFFF;
	s3 =	simm.s32 @p3 $0xF  }
0x108: {  	[tilespmem:$0x80] =	vst @!p2 v3;
	s2 =	sadd.s32 @!p1 $0x90, s3  }
0x109: {  	[spmem:s4] =	stream.linear.scatter @!p1 [tilespmem:s2], [sflag:$0x1], $0x1, $0x38;
	[tilespmem:$0x12120] =	vst v63  }
0x10a: {  	_ =	swait.ge @!p1 [sflag:s0], $0x1  }
0x10b: {  	[sflag:s0] =	ssyncset.done @!p1 $0x0  }
0x10c: {  	s2 =	simm.s32 @!p1 $0x80;
	[sflag:s0] =	ssyncadd.s32 @!p1 $0xFFFFFFFF  }
0x10d: {  	[spmem:s13] =	stream.linear.scatter @!p1 [tilespmem:s2], [sflag:$0x1], $0x1, $0x38;
	[tilespmem:$0x12120] =	vst v63  }
0x10e: {  	_ =	swait.ge @!p1 [sflag:s0], $0x1  }
0x10f: {  	[sflag:s0] =	ssyncset.done @!p1 $0x0  }
0x110: {  	[sflag:s0] =	ssyncadd.s32 @!p1 $0xFFFFFFFF;
	(ifvalue) =	ssetifvalue $0xFFFFFFFF;
	v3 =	vld [tilespmem:s26+$0x10];
	_ =	sdelay $0x3  }
.Ltmp12:
0x111: {  	_ = 	snop;
	(pc) =	sbr.rel .LBB3_9-.Ltmp12, $3  }
0x112: {  	_ =	sdelay $0x1  }
0x113: {  	(ifvalue) =	ssetifvalue $0xFFFFFFFF  }
0x114: {  	[hbm4b:s1+s16] =	stream.indirect_vreg.scatter [tilespmem:s28], [sflag:$0x9], $0x1, v3, vm0, $0x4038;
	[tilespmem:$0x12120] =	vst v63  }
.LBB3_10:
0x115: {  	_ =	sfence.sel $0x180000  }
0x116: {  	s0 =	simm.s32 $0x7;
	[bflag:$0x0] =	sbarrier.arrive $0xFFFF  }
0x117: {  	s26 =	simm.s32 $0x8;
	[sflag:s0] =	ssyncpa.u1 $0x1  }
0x118: {  	s28 =	simm.s32 $0x9;
	[sflag:s26] =	ssyncpa.u1 $0x1  }
0x119: {  	[sflag:s28] =	ssyncpa.u1 $0x1  }
0x11a: {  	_ =	sfence.stream.spmem  }
0x11b: {  	s29 =	simm.s32 $0x3;
	[bflag:$0x0] =	sbarrier.arrive $0xFFFF  }
0x11c: {  	s30 =	simm.s32 $0x4;
	[sflag:s29] =	ssyncpa.u1 $0x1  }
0x11d: {  	s31 =	simm.s32 $0x3C;
	s2 =	stileid.u32;
	[sflag:s30] =	ssyncpa.u1 $0x1  }
0x11e: {  	p0 =	sne.s32 s2, $0x0;
	[sflag:s31] =	ssyncpa.u1 $0x1  }
0x11f: {  	s0 =	simm.s32 @p0 $0x1;
	_ =	sfence @p0  }
0x120: {  	[sflag:s0] =	ssyncpa.u1 @p0 $0x1;
	s0 =	simm.s32 @p0 $0x2  }
0x121: {  	[sflag:s0] =	ssyncpa.u1 @p0 $0x1  }
0x122: {  	_ =	strace @p0 $0x90000068  }
0x123: {  	[bflag:$0x2] =	sbarrier.arrive @p0 $0xFFFF  }
0x124: {  	_ =	shalt @p0  }
.LBB3_11:
0x125: {  	_ =	sfence.stream.spmem;
	s0 =	simm.s32 $0x5  }
0x126: {  	s2 =	simm.s32 $0x80;
	s3 =	simm.s32 $0xC0;
	[sflag:s0] =	ssyncpa.u1 $0x0  }
0x127: {  	[tilespmem:s3], [sflag:$0x5] =	stream.linear.gather [spmem:s2], $0x20, $0x38;
	[tilespmem:$0x12120] =	vst v63  }
0x128: {  	s2 =	simm.s32 $0x0;
	s3 =	simm.s32 $0xE0  }
0x129: {  	[tilespmem:s3], [sflag:$0x5] =	stream.linear.gather [spmem:s2], $0x20, $0x38;
	[tilespmem:$0x12120] =	vst v63  }
.Ltmp13:
0x12a: {  	_ = 	snop;
	(pc) =	sbr.rel .LBB3_12-.Ltmp13, $4  }
0x12b: {  	_ =	swait.ge [sflag:s0], $0x40  }
0x12c: {  	[sflag:s0] =	ssyncset.done $0x0  }
0x12d: {  	s31 =	simm.s32 $0x6;
	[sflag:s0] =	ssyncadd.s32 $0xFFFFFFC0  }
0x12e: {  	s4 =	simm.s32 $0x0;
	[sflag:s31] =	ssyncpa.u1 $0x0  }
.LBB3_17:
0x12f: {  	p0 =	sgt.u32 s0, $0x27FF  }
0x130: {  	s5 =	sshrl.u32 @!p0 s0, $0x3  }
0x131: {  	s0 =	sand.u32 @!p0 $0x7, s0;
	s6 =	simm.s32 @!p0 $0xB0;
	s5 =	sadd.s32 @!p0 s1, s5  }
0x132: {  	[tilespmem:s6], [sflag:$0x6] =	stream.linear.gather @!p0 [hbm4b:s5+s0], $0x1, $0x38;
	[tilespmem:$0x12120] =	vst v63  }
0x133: {  	s0 =	simm.s32 @!p0 $0x6  }
0x134: {  	_ =	swait.ge @!p0 [sflag:s0], $0x1  }
0x135: {  	[sflag:s0] =	ssyncset.done @!p0 $0x0  }
0x136: {  	[sflag:s0] =	ssyncadd.s32 @!p0 $0xFFFFFFFF  }
0x137: {  	v2 =	vmov @!p0 s4;
	v1 =	vld.msk @!p0 [tilespmem:$0xB0], $0x1;
	_ =	sdelay $0x3  }
0x138: {  	s0 =	simm.s32 @!p0 $0xE0  }
0x139: {  	[tilespmem:v2+s0+$0x0], v1 =	vst.idx.ret.add.f32.msk @!p0 $0x1, v1  }
0x13a: {  	[tilespmem:s2+$0xC0] =	vst.msk $0x1, v0  }
0x13b: {  	v0 =	vld.msk [tilespmem:s4+$0xE0], $0x1;
	_ =	sdelay $0x4  }
0x13c: {  	[tilespmem:s2+$0xE0] =	vst.msk $0x1, v0;
	s2 =	sadd.s32 $0x1, s2  }
.LBB3_19:
0x13d: {  	s4 =	sadd.s32 $0x1, s4  }
0x13e: {  	p0 =	sne.s32 s4, $0x20  }
.Ltmp14:
0x13f: {  	_ = 	snop;
	(pc) =	sbr.rel @!p0 .LBB3_20-.Ltmp14, $1  }
0x140: {  	_ =	sdelay $0x3  }
.LBB3_12:
0x141: {  	v0 =	vld.msk [tilespmem:s4+$0xC0], $0x1;
	_ =	sdelay $0x4  }
0x142: {  	(v2sf) =	vpush v0, $0x0;
	_ =	sdelay $0xe  }
0x143: {  	s0 =	spop (v2sf)  }
0x144: {  	p0 =	seq.s32 s0, $0xFFFFFFFF  }
.Ltmp15:
0x145: {  	_ = 	snop;
	(pc) =	sbr.rel @p0 .LBB3_19-.Ltmp15, $1  }
0x146: {  	_ =	sdelay $0x3  }
0x147: {  	p0 =	slt.s32 s2, $0x1  }
.Ltmp16:
0x148: {  	_ = 	snop;
	(pc) =	sbr.rel @p0 .LBB3_17-.Ltmp16, $1  }
0x149: {  	_ =	sdelay $0x3  }
0x14a: {  	s5 =	simm.s32 $0xC0;
	p0 =	por $0x0, $0x0  }
0x14b: {  	v1 =	vld.msk @!p0 [tilespmem:s5+$0x0], $0x1;
	_ =	sdelay $0x4  }
0x14c: {  	(v2sf) =	vpush @!p0 v1, $0x0;
	_ =	sdelay $0xd  }
0x14d: {  	p2 =	sne.s32 s2, $0x1  }
.Ltmp17:
0x14e: {  	s6 =	spop @!p0 (v2sf);
	(pc) =	sbr.rel @!p2 .LBB3_16-.Ltmp17, $4  }
0x14f: {  	p1 =	seq.s32 @!p0 s0, s6  }
0x150: {  	s6 =	simm.s32 $0x0;
	p1 =	por !p1, p0  }
0x151: {  	s8 =	simm.s32 $0xFFFFFFFF;
	s6 =	simm.s32 @p1 $0xFFFFFFFF  }
0x152: {  	s7 =	simm.s32 $0x1;
	s6 =	smov.u32 @p0 s8  }
.LBB3_15:
0x153: {  	s8 =	smov.u32 s6;
	p0 =	sne.s32 s6, $0xFFFFFFFF  }
0x154: {  	s5 =	sadd.s32 $0x1, s5;
	s6 =	smov.u32 s7;
	s7 =	sadd.s32 $0x1, s7  }
0x155: {  	p1 =	sne.s32 s2, s7;
	v1 =	vld.msk @!p0 [tilespmem:s5+$0x0], $0x1;
	_ =	sdelay $0x4  }
0x156: {  	(v2sf) =	vpush @!p0 v1, $0x0;
	_ =	sdelay $0xe  }
.Ltmp18:
0x157: {  	s9 =	spop @!p0 (v2sf);
	(pc) =	sbr.rel @p1 .LBB3_15-.Ltmp18, $4  }
0x158: {  	p2 =	seq.s32 @!p0 s0, s9  }
0x159: {  	p2 =	por !p2, p0  }
0x15a: {  	s6 =	simm.s32 @p2 $0xFFFFFFFF  }
0x15b: {  	s6 =	smov.u32 @p0 s8  }
.LBB3_16:
0x15c: {  	p0 =	sne.s32 s6, $0xFFFFFFFF  }
.Ltmp19:
0x15d: {  	_ = 	snop;
	(pc) =	sbr.rel @!p0 .LBB3_17-.Ltmp19, $1  }
0x15e: {  	_ =	sdelay $0x3  }
0x15f: {  	v0 =	vld.msk [tilespmem:s4+$0xE0], $0x1;
	v1 =	vmov s6  }
.Ltmp20:
0x160: {  	_ = 	snop;
	(pc) =	sbr.rel .LBB3_19-.Ltmp20, $2  }
0x161: {  	_ =	sdelay $0x2  }
0x162: {  	[tilespmem:v1+s3+$0x0], v0 =	vst.idx.ret.add.f32.msk $0x1, v0  }
.LBB3_20:
0x163: {  	p0 =	slt.s32 s2, $0x1  }
.Ltmp21:
0x164: {  	_ = 	snop;
	(pc) =	sbr.rel @p0 .LBB3_24-.Ltmp21, $3  }
0x165: {  	_ =	sdelay $0x1  }
0x166: {  	s0 =	simm.s32 $0x6  }
0x167: {  	[sflag:s0] =	ssyncpa.u1 $0x1;
	s0 =	simm.s32 $0x0  }
0x168: {  	s3 =	simm.s32 $0xC0  }
0x169: {  	v0 =	vld.msk [tilespmem:s3+$0x0], $0x1;
	_ =	sdelay $0x4  }
0x16a: {  	(v2sf) =	vpush v0, $0x0;
	_ =	sdelay $0xe  }
0x16b: {  	s2 =	sadd.s32 $0xFFFFFFFF, s2;
	s4 =	spop (v2sf)  }
0x16c: {  	p1 =	sne.s32 s2, $0x0;
	p0 =	sgt.u32 s4, $0x27FF  }
.Ltmp22:
0x16d: {  	s5 =	sshrl.u32 @!p0 s4, $0x3;
	(pc) =	sbr.rel @!p1 .LBB3_23-.Ltmp22, $4  }
0x16e: {  	s3 =	simm.s32 $0xE0;
	s4 =	sand.u32 @!p0 $0x7, s4;
	s5 =	sadd.s32 @!p0 s1, s5  }
0x16f: {  	[hbm4b:s5+s4] =	stream.linear.scatter @!p0 [tilespmem:s3], [sflag:$0x5], $0x1, $0x38;
	[tilespmem:$0x12120] =	vst v63  }
0x170: {  	s5 =	simm.s32 $0x0  }
0x171: {  	s4 =	simm.s32 $0xC1;
	s5 =	simm.s32 @!p0 $0x4  }
.LBB3_22:
0x172: {  	v0 =	vld.msk [tilespmem:s4+$0x0], $0x1;
	s2 =	sadd.s32 $0xFFFFFFFF, s2;
	s0 =	sadd.s32 s0, s5  }
0x173: {  	p0 =	sne.s32 s2, $0x0;
	_ =	sdelay $0x3  }
0x174: {  	(v2sf) =	vpush v0, $0x0;
	_ =	sdelay $0xe  }
.Ltmp23:
0x175: {  	s6 =	spop (v2sf);
	(pc) =	sbr.rel @p0 .LBB3_22-.Ltmp23, $4  }
0x176: {  	s5 =	simm.s32 $0x0;
	p1 =	sgt.u32 s6, $0x27FF  }
0x177: {  	s3 =	sadd.s32 $0x1, s3;
	s5 =	simm.s32 @!p1 $0x4;
	s7 =	sshrl.u32 @!p1 s6, $0x3  }
0x178: {  	s4 =	sadd.s32 $0x1, s4;
	s6 =	sand.u32 @!p1 $0x7, s6;
	s7 =	sadd.s32 @!p1 s1, s7  }
0x179: {  	[hbm4b:s7+s6] =	stream.linear.scatter @!p1 [tilespmem:s3], [sflag:$0x5], $0x1, $0x38;
	[tilespmem:$0x12120] =	vst v63  }
.LBB3_23:
0x17a: {  	s0 =	sadd.s32 s0, s5  }
0x17b: {  	s0 =	sshrl.u32 s0, $0x2  }
.LBB3_24:
0x17c: {  	s1 =	simm.s32 $0x5  }
0x17d: {  	_ =	swait.ge [sflag:s1], s0  }
0x17e: {  	s28 =	ssub.s32 $0x0, s0;
	[sflag:s1] =	ssyncset.done $0x0  }
0x17f: {  	[sflag:s1] =	ssyncadd.s32 s28  }
0x180: {  	[sflag:s1] =	ssyncpa.u1 $0x1  }
0x181: {  	s29 =	simm.s32 $0x1;
	_ =	sfence  }
0x182: {  	s30 =	simm.s32 $0x2;
	[sflag:s29] =	ssyncpa.u1 $0x1  }
0x183: {  	[sflag:s30] =	ssyncpa.u1 $0x1  }
0x184: {  	_ =	strace $0x90000068  }
0x185: {  	[bflag:$0x2] =	sbarrier.arrive $0xFFFF  }
0x186: {  	s31 =	rddreg [dreg:$0x2]  }
0x187: {  	s0 =	sadd.s32 $0x100000, s31  }
0x188: {  	[sflag:s0] =	ssyncadd.tile.s32 $0x1;
	_ =	shalt  }
.Lfunc_end3:
_tile_overlayer_lowered:
.L_overlay_start_3:
0x189: {  	(tag) =	ssettag $0x3  }
0x18a: {  	s0 =	rddreg [dreg:$0x0];
	s2 =	stileid.u32  }
0x18b: {  	s1 =	rddreg [dreg:$0x1];
	p0 =	sne.s32 s2, $0x0  }
0x18c: {  	s3 =	rddreg [dreg:$0x2];
	[bflag:$0x3] =	sbarrier.arrive $0xFFFF;
	s2 =	simm.s32 @!p0 $0x1C01  }
0x18d: {  	[timem:s3], [sflag:s2] =	dma.local @!p0 [hbm:s0], s1  }
0x18e: {  	s0 =	simm.s32 @!p0 $0x1  }
0x18f: {  	_ =	swait.ge @!p0 [sflag:s0], s1  }
0x190: {  	s1 =	ssub.s32 @!p0 $0x0, s1;
	[sflag:s0] =	ssyncset.done @!p0 $0x0  }
0x191: {  	[sflag:s0] =	ssyncadd.s32 @!p0 s1  }
0x192: {  	[bflag:$0x3] =	sbarrier.arrive $0xFFFF  }
0x193: {  	_ =	shalt  }

// kernel: scatter_offload_async_start
scs
__scs_entry_jumppad:
0x0: {  	(pc) =	sbr.rel $0x88, $3  }
0x1: {  	(tag) =	ssettag $0x0;
	lr =	simm.s32 $0x1  }
0x2: {  	[smem:$0x3F93] =	sst lr;
	_ =	strace $0xD0000000  }
0x3: {  	_ = 	snop  }
0x4: {  	_ = 	snop  }
0x5: {  	_ = 	snop  }
0x6: {  	_ = 	snop  }
0x7: {  	_ = 	snop  }
__scs_overlays_trampoline_lowered:
0x8: {  	[smem:$0x3FA2] =	sst s0  }
0x9: {  	[smem:$0x3FA3] =	sst s1  }
0xa: {  	[smem:$0x3FA4] =	sst s2  }
0xb: {  	[smem:$0x3FA5] =	sst s3  }
0xc: {  	[smem:$0x3FA6] =	sst s4  }
0xd: {  	[smem:$0x3FA7] =	sst s5  }
0xe: {  	[smem:$0x3FA8] =	sst s6  }
0xf: {  	[smem:$0x3FA9] =	sst s7  }
0x10: {  	[smem:$0x3FAA] =	sst s8  }
0x11: {  	[smem:$0x3FAB] =	sst s9;
	s0 =	simm.s32 @!p0 $0x0  }
0x12: {  	s1 =	sld [smem:$0x3F91];
	s0 =	simm.s32 @p0 $0x1  }
0x13: {  	[smem:$0x3FAC] =	sst s0;
	s0 =	simm.s32 @!p1 $0x0  }
0x14: {  	s2 =	sld [smem:$0x3F90];
	s0 =	simm.s32 @p1 $0x1  }
0x15: {  	[smem:$0x3FAD] =	sst s0;
	s0 =	simm.s32 @!p2 $0x0  }
0x16: {  	s3 =	sld [smem:$0x3FDB];
	s0 =	simm.s32 @p2 $0x1  }
0x17: {  	s4 =	simm.s32 $0x1BF5;
	[smem:$0x3FAF] =	sst s0  }
0x18: {  	s0 =	sld [smem:$0x3F92];
	_ =	swait.ge [sflag:s4], $0x0  }
0x19: {  	s7 =	sld [smem:$0x3F93]  }
0x1a: {  	s8 =	sadd.s32 $0xFFFFE003, lr  }
0x1b: {  	s9 =	sadd.s32 $0xFFFFFEF7, lr;
	s5 =	simm.s32 $0xFFFFFFFF;
	p2 =	slt.u32 s8, $0xFFFFF086  }
0x1c: {  	p1 =	slt.u32 s9, $0xF7A;
	s5 =	simm.s32 @!p2 $0x0  }
0x1d: {  	s5 =	simm.s32 @p1 $0x1;
	p0 =	seq.s32 s7, s2  }
0x1e: {  	s7 =	smul.u32 @!p0 $0xF7A, s2;
	p2 =	seq.s32 @!p0 s5, $0x0  }
0x1f: {  	s9 =	smul.u32 $0xF7A, s1;
	s8 =	simm.s32 @!p0 $0x1BF5;
	p2 =	por !p2, p0  }
0x20: {  	[sflag:s8] =	ssyncset.s32 @!p0 $0xFFFFF086;
	s6 =	sadd.s32 @!p0 s3, s7;
	s7 =	simm.s32 @!p0 $0x108  }
0x21: {  	s3 =	sadd.s32 s3, s9;
	s6 =	sadd.s32 @!p0 $0x88, s6;
	s7 =	simm.s32 @p2 $0x1082  }
0x22: {  	[simem:s7], [sflag:s8] =	dma.local @!p0 [hbm:s6], $0xF7A  }
0x23: {  	s9 =	sor.u32 $0xD0000000, s2;
	s6 =	simm.s32 $0x108;
	_ =	swait.ge @!p0 [sflag:s8], $0x0  }
0x24: {  	s3 =	sadd.s32 $0x88, s3;
	s6 =	simm.s32 @!p1 $0x1082;
	[sflag:s4] =	ssyncset.s32 $0xFFFFF086  }
0x25: {  	[simem:s6], [sflag:s4] =	dma.local [hbm:s3], $0xF7A  }
0x26: {  	[smem:$0x3F93] =	sst s1;
	(tag) =	ssettag s2;
	_ =	strace s9  }
0x27: {  	s1 =	sld [smem:$0x3FA3]  }
0x28: {  	s2 =	sld [smem:$0x3FA4]  }
0x29: {  	s4 =	sld [smem:$0x3FA6]  }
0x2a: {  	p0 =	seq.s32 s5, $0x0;
	s5 =	sld [smem:$0x3FA7]  }
0x2b: {  	s6 =	sld [smem:$0x3FA8]  }
0x2c: {  	s7 =	sld [smem:$0x3FA9]  }
0x2d: {  	s3 =	simm.s32 $0x108;
	s8 =	sld [smem:$0x3FAA]  }
0x2e: {  	s3 =	simm.s32 @!p0 $0x1082;
	s9 =	sld [smem:$0x3FAB]  }
0x2f: {  	lr =	sadd.s32 s0, s3;
	s0 =	sld [smem:$0x3FA2]  }
0x30: {  	s3 =	sld [smem:$0x3FA5]  }
0x31: {  	[smem:$0x3FAE] =	sst s10  }
0x32: {  	s10 =	sld [smem:$0x3FAC];
	_ =	sdelay $0x3  }
0x33: {  	p0 =	seq.s32 s10, $0x1;
	s10 =	sld [smem:$0x3FAE];
	_ =	sdelay $0x3  }
0x34: {  	[smem:$0x3FAE] =	sst s10  }
0x35: {  	s10 =	sld [smem:$0x3FAD];
	_ =	sdelay $0x3  }
0x36: {  	p1 =	seq.s32 s10, $0x1;
	s10 =	sld [smem:$0x3FAE];
	_ =	sdelay $0x3  }
0x37: {  	[smem:$0x3FAE] =	sst s10  }
0x38: {  	s10 =	sld [smem:$0x3FAF]  }
0x39: {  	_ = 	snop;
	(pc) =	sbr.ind lr, $3  }
0x3a: {  	_ = 	snop  }
0x3b: {  	_ = 	snop  }
0x3c: {  	p2 =	seq.s32 s10, $0x1;
	s10 =	sld [smem:$0x3FAE]  }
0x3d: {  	_ =	shalt  }
0x3e: {  	_ =	shalt  }
0x3f: {  	_ =	shalt  }
0x40: {  	_ =	shalt  }
0x41: {  	_ =	shalt  }
0x42: {  	_ =	shalt  }
0x43: {  	_ =	shalt  }
0x44: {  	_ =	shalt  }
0x45: {  	_ =	shalt  }
0x46: {  	_ =	shalt  }
0x47: {  	_ =	shalt  }
0x48: {  	_ =	shalt  }
0x49: {  	_ =	shalt  }
0x4a: {  	_ =	shalt  }
0x4b: {  	_ =	shalt  }
0x4c: {  	_ =	shalt  }
0x4d: {  	_ =	shalt  }
0x4e: {  	_ =	shalt  }
0x4f: {  	_ =	shalt  }
0x50: {  	_ =	shalt  }
0x51: {  	_ =	shalt  }
0x52: {  	_ =	shalt  }
0x53: {  	_ =	shalt  }
0x54: {  	_ =	shalt  }
0x55: {  	_ =	shalt  }
0x56: {  	_ =	shalt  }
0x57: {  	_ =	shalt  }
0x58: {  	_ =	shalt  }
0x59: {  	_ =	shalt  }
0x5a: {  	_ =	shalt  }
0x5b: {  	_ =	shalt  }
0x5c: {  	_ =	shalt  }
0x5d: {  	_ =	shalt  }
0x5e: {  	_ =	shalt  }
0x5f: {  	_ =	shalt  }
0x60: {  	_ =	shalt  }
0x61: {  	_ =	shalt  }
0x62: {  	_ =	shalt  }
0x63: {  	_ =	shalt  }
0x64: {  	_ =	shalt  }
0x65: {  	_ =	shalt  }
0x66: {  	_ =	shalt  }
0x67: {  	_ =	shalt  }
0x68: {  	_ =	shalt  }
0x69: {  	_ =	shalt  }
0x6a: {  	_ =	shalt  }
0x6b: {  	_ =	shalt  }
0x6c: {  	_ =	shalt  }
0x6d: {  	_ =	shalt  }
0x6e: {  	_ =	shalt  }
0x6f: {  	_ =	shalt  }
0x70: {  	_ =	shalt  }
0x71: {  	_ =	shalt  }
0x72: {  	_ =	shalt  }
0x73: {  	_ =	shalt  }
0x74: {  	_ =	shalt  }
0x75: {  	_ =	shalt  }
0x76: {  	_ =	shalt  }
0x77: {  	_ =	shalt  }
0x78: {  	_ =	shalt  }
0x79: {  	_ =	shalt  }
0x7a: {  	_ =	shalt  }
0x7b: {  	_ =	shalt  }
0x7c: {  	_ =	shalt  }
0x7d: {  	_ =	shalt  }
0x7e: {  	_ =	shalt  }
0x7f: {  	_ =	shalt  }
0x80: {  	_ =	shalt  }
0x81: {  	_ =	shalt  }
0x82: {  	_ =	shalt  }
0x83: {  	_ =	shalt  }
0x84: {  	_ =	shalt  }
0x85: {  	_ =	shalt  }
0x86: {  	_ =	shalt  }
0x87: {  	_ =	shalt  }
.Lfunc_end0:
.L_simem_size_0:
called_computation_lowered:
.L_overlay_start_0:
0x88: {  	s0 =	sld [smem:$0x3FD9]  }
0x89: {  	s1 =	sld [smem:$0x3FFE];
	_ =	sdelay $0x3  }
0x8a: {  	s0 =	sadd.s32 s1, s0  }
0x8b: {  	[smem:$0x3FBA] =	sst s0  }
0x8c: {  	_ = 	snop  }
0x8d: {  	(tm) =	ssettm $0x1  }
0x8e: {  	s14 =	sld [smem:$0x3FFB];
	_ =	sdelay $0x3  }
0x8f: {  	_ =	strace s14  }
0x90: {  	s0 =	sld [smem:$0x3FFC];
	_ =	sdelay $0x3  }
0x91: {  	_ =	strace s0  }
0x92: {  	s0 =	sld [smem:$0x3FFD];
	_ =	sdelay $0x3  }
0x93: {  	_ =	strace s0  }
0x94: {  	_ =	strace $0x8FFFFFFF  }
0x95: {  	s15 =	sld [smem:$0x3FDB];
	_ =	sdelay $0x1  }
0x96: {  	s16 =	simm.s32 $_scs_section_size  }
0x97: {  	s2 =	simm.s32 $_size__tile_overlayer_lowered;
	s3 =	simm.s32 $_tile_overlayer_lowered  }
0x98: {  	s4 =	simm.s32 $0x1BFF;
	s17 =	sshll.u32 s3, $0x1;
	s1 =	sadd.s32 s16, s15  }
0x99: {  	s18 =	simm.s32 $0x0;
	s2 =	sshll.u32 s2, $0x1;
	s3 =	sadd.s32 s17, s1  }
0x9a: {  	[timem:s18], [sflag:s4] =	dma.local [hbm:s3], s2  }
0x9b: {  	_ =	swait.ge [sflag:s4], s2  }
0x9c: {  	s2 =	ssub.s32 $0x0, s2;
	[sflag:s4] =	ssyncset.done $0x0  }
0x9d: {  	[sflag:s4] =	ssyncadd.s32 s2;
	_ =	sdelay $0x1  }
0x9e: {  	s19 =	simm.s32 $0x1B8B  }
0x9f: {  	_ =	swait.ge [sflag:s19], $0x1  }
0xa0: {  	[sflag:s19] =	ssyncset.done $0x0  }
0xa1: {  	s21 =	simm.s32 $0x1B8E;
	s20 =	sld [smem:$0x3FFE];
	[sflag:s19] =	ssyncadd.s32 $0xFFFFFFFF  }
0xa2: {  	s22 =	simm.s32 $execute0_lowered;
	[smem:$0x3FD2] =	sst s21  }
0xa3: {  	s3 =	sshll.u32 s22, $0x1;
	_ =	strace $0x80000046;
	[dreg:$0x1] =	wrdreg $0xFFFFFFFF  }
0xa4: {  	s23 =	simm.s32 $_size_execute0_lowered;
	s3 =	sadd.s32 s1, s3;
	[dreg:$0x0] =	wrdreg $0x0  }
0xa5: {  	s4 =	sshll.u32 s23, $0x1;
	[dreg:$0x2] =	wrdreg s3  }
0xa6: {  	[dreg:$0x3] =	wrdreg s4  }
0xa7: {  	[dreg:$0x4] =	wrdreg $0xC0  }
0xa8: {  	s24 =	simm.s32 $execute1_lowered;
	_ =	task [dreg:s18], $0x5FFFF  }
0xa9: {  	s3 =	sshll.u32 s24, $0x1;
	[dreg:$0x1] =	wrdreg $0xFFFFFFFF  }
0xaa: {  	s1 =	sadd.s32 s1, s3;
	[dreg:$0x0] =	wrdreg $0x60  }
0xab: {  	[dreg:$0x2] =	wrdreg s1  }
0xac: {  	[dreg:$0x3] =	wrdreg s20  }
0xad: {  	[dreg:$0x4] =	wrdreg $0x9  }
0xae: {  	_ =	task.clear_ibuf [dreg:s18], $0x5FFFF;
	_ =	strace $0x90000046  }
0xaf: {  	s25 =	simm.s32 $0x9;
	_ =	strace $0x80000048  }
0xb0: {  	_ =	swait.ge [sflag:s25], $0x1  }
0xb1: {  	[sflag:s25] =	ssyncadd.s32 $0xFFFFFFFF  }
0xb2: {  	_ =	strace $0x90000048  }
0xb3: {  	_ =	strace $0x80000049;
	[dreg:$0x1] =	wrdreg $0xFFFFFFFF  }
0xb4: {  	[dreg:$0x0] =	wrdreg $0x2030  }
0xb5: {  	[dreg:$0x2] =	wrdreg s20  }
0xb6: {  	[dreg:$0x3] =	wrdreg $0xA  }
0xb7: {  	_ =	task.clear_ibuf [dreg:s18], $0x4FFFF;
	_ =	strace $0x90000049  }
0xb8: {  	s26 =	simm.s32 $0xA;
	_ =	strace $0x8000004B  }
0xb9: {  	_ =	swait.ge [sflag:s26], $0x1  }
0xba: {  	[sflag:s26] =	ssyncadd.s32 $0xFFFFFFFF  }
0xbb: {  	_ =	strace $0x9000004B  }
0xbc: {  	_ =	sfence  }
0xbd: {  	s28 =	sld [smem:$0x0];
	_ =	sdelay $0x1  }
0xbe: {  	s29 =	srdreg.scid  }
0xbf: {  	s30 =	sshll.u32 s29, $0xD;
	s31 =	sshrl.u32 s29, $0x2  }
0xc0: {  	s2 =	sand.u32 $0x1, s29;
	s3 =	sand.u32 $0x4000, s30;
	s1 =	sadd.s32 s31, s28  }
0xc1: {  	s2 =	sor.u32 s3, s2;
	s1 =	sshll.u32 s1, $0x11  }
0xc2: {  	s1 =	sor.u32 s1, s2  }
0xc3: {  	s1 =	sadd.s32 $0x8F2B, s1  }
0xc4: {  	[sflag:s1] =	ssyncadd.remote.s32 $0x1  }
0xc5: {  	_ =	sfence.sel $0xFFFF  }
0xc6: {  	[dreg:$0x0] =	wrdreg $0xFFFFFFFF;
	(pc) =	sbr.abs _section_cstart, $3  }
0xc7: {  	[dreg:$0x1] =	wrdreg $0xFFFFFFFF  }
0xc8: {  	_ =	task.clear_ibuf [dreg:s18], $0x2FFFF;
	_ =	strace $0x9FFFFFFF  }
0xc9: {  	(tm) =	ssettm $0x7FFFFFFF  }
tec
execute0_lowered:
.L_overlay_start_1:
0x0: {  	(tag) =	ssettag $0x1  }
0x1: {  	s2 =	rddreg [dreg:$0x0]  }
0x2: {  	s4 =	rddreg [dreg:$0x1]  }
0x3: {  	s0 =	rddreg [dreg:$0x2];
	s5 =	stileid.u32;
	[bflag:$0x3] =	sbarrier.arrive $0xFFFF  }
0x4: {  	s1 =	simm.s32 $_size_execute1_lowered;
	s9 =	simm.s32 $0x1;
	s31 =	simm.s32 $0x2  }
0x5: {  	s10 =	simm.s32 $0x0;
	p0 =	sne.s32 s5, $0x0;
	s1 =	sshll.u32 s1, $0x1  }
0x6: {  	p1 =	seq.s32 s5, $0x0;
	s3 =	simm.s32 @!p0 $0x1C3F;
	s6 =	simm.s32 @!p0 $0x4060  }
0x7: {  	[timem:s6], [sflag:s3] =	dma.local @!p0 [hbm:s2], s1  }
0x8: {  	s9 =	simm.s32 @!p1 $0x0;
	s2 =	smul.u32 $0x280, s5;
	s6 =	simm.s32 @!p0 $0x2800  }
0x9: {  	s3 =	simm.s32 $0x0;
	s5 =	simm.s32 $0x1;
	s6 =	simm.s32 @p0 $0x0  }
.Ltmp0:
0xa: {  	_ =	strace $0x80000047;
	s8 =	ssub.s32 $0x2800, s2;
	(pc) =	sbr.rel .LBB2_1-.Ltmp0, $4  }
0xb: {  	s30 =	sshrl.u32 s2, $0x3;
	p1 =	sne.s32 s8, s6;
	s6 =	simm.s32 $0x1  }
0xc: {  	[sflag:s5] =	ssyncpa.u1 $0x0;
	s7 =	sadd.s32 s30, s4;
	s6 =	simm.s32 @!p1 $0x0  }
0xd: {  	s4 =	sadd.s32 $0x150200, s4;
	[sflag:s31] =	ssyncpa.u1 $0x0;
	s6 =	sadd.s32 s9, s6  }
0xe: {  	s7 =	sadd.s32 $0x14FC00, s7;
	s9 =	simm.s32 $0x0;
	s8 =	sadd.s32 $0x1, s6  }
.LBB2_7:
0xf: {  	p2 =	sne.s32 s9, s8  }
.Ltmp1:
0x10: {  	p1 =	slt.u32 s9, $0x2;
	(pc) =	sbr.rel @!p2 .LBB2_8-.Ltmp1, $4  }
0x11: {  	s10 =	simm.s32 @!p1 $0x2  }
0x12: {  	_ =	swait.ge @!p1 [sflag:s10], $0x280  }
0x13: {  	s11 =	sadd.s32 $0x1, s9;
	[sflag:s10] =	ssyncset.done @!p1 $0x0  }
0x14: {  	s9 =	smov.u32 s11;
	[sflag:s10] =	ssyncadd.s32 @!p1 $0xFFFFFD80;
	s10 =	smov.u32 s2  }
.LBB2_1:
0x15: {  	p1 =	sge.u32 s9, s6  }
0x16: {  	s11 =	sxor.u32 @!p1 $0x1, s9  }
0x17: {  	s11 =	smul.u32 @!p1 $0xA00, s11;
	_ =	sdelay $0x1  }
0x18: {  	s31 =	sadd.s32 $0xFFFFFFFF, s9;
	s12 =	simm.s32 @!p1 $0x0;
	s11 =	sshra.s32 @!p1 s11, $0x2  }
0x19: {  	[tilespmem:s11], [sflag:$0x1] =	stream.linear.gather @!p1 [hbm4b:s7+s12], $0x280, $0x38;
	[tilespmem:$0xA00] =	vst v63  }
0x1a: {  	p1 =	sge.u32 s31, s6  }
.Ltmp2:
0x1b: {  	_ = 	snop;
	(pc) =	sbr.rel @p1 .LBB2_7-.Ltmp2, $1  }
0x1c: {  	_ =	sdelay $0x3  }
0x1d: {  	s11 =	sand.u32 $0x1, s9  }
0x1e: {  	s12 =	simm.s32 $0x280;
	p1 =	seq.s32 s11, $0x1  }
0x1f: {  	s12 =	simm.s32 @!p1 $0x0  }
0x20: {  	v0 =	vmov s12  }
0x21: {  	_ =	swait.ge [sflag:s5], $0x280  }
0x22: {  	[sflag:s5] =	ssyncset.done $0x0;
	s11 =	sor.u32 $0x500, s12  }
0x23: {  	s13 =	simm.s32 $0x0;
	[sflag:s5] =	ssyncadd.s32 $0xFFFFFD80;
	p1 =	por $0x1, $0x1;
	v1 =	vmov s11  }
.LBB2_3:
0x24: {  	s14 =	sor.u32 $0x10, s13  }
0x25: {  	v2 =	vld.idx.msk [tilespmem:v0+s14+$0x0 ss:$0x1], $0xffff  }
0x26: {  	s15 =	sor.u32 $0x20, s13;
	v60 =	vld.idx.msk [tilespmem:v0+s13+$0x0 ss:$0x1], $0xffff  }
0x27: {  	s16 =	sor.u32 $0x30, s13;
	v3 =	vld.idx.msk [tilespmem:v0+s15+$0x0 ss:$0x1], $0xffff  }
0x28: {  	s17 =	sor.u32 $0x40, s13;
	v4 =	vld.idx.msk [tilespmem:v0+s16+$0x0 ss:$0x1], $0xffff  }
0x29: {  	s19 =	sor.u32 $0x60, s13;
	v5 =	vld.idx.msk [tilespmem:v0+s17+$0x0 ss:$0x1], $0xffff  }
0x2a: {  	s18 =	sor.u32 $0x50, s13;
	[tilespmem:v1+s14+$0x0 ss:$0x1] =	vst.idx.msk $0xffff, v2;
	v2 =	vld.idx.msk [tilespmem:v0+s19+$0x0 ss:$0x1], $0xffff  }
0x2b: {  	s23 =	sor.u32 $0x80, s13;
	v6 =	vld.idx.msk [tilespmem:v0+s18+$0x0 ss:$0x1], $0xffff;
	[tilespmem:v1+s13+$0x0 ss:$0x1] =	vst.idx.msk $0xffff, v60  }
0x2c: {  	s24 =	sor.u32 $0x90, s13;
	v58 =	vld.idx.msk [tilespmem:v0+s23+$0x0 ss:$0x1], $0xffff;
	[tilespmem:v1+s15+$0x0 ss:$0x1] =	vst.idx.msk $0xffff, v3  }
0x2d: {  	s22 =	sor.u32 $0x70, s13;
	v59 =	vld.idx.msk [tilespmem:v0+s24+$0x0 ss:$0x1], $0xffff;
	[tilespmem:v1+s16+$0x0 ss:$0x1] =	vst.idx.msk $0xffff, v4  }
0x2e: {  	s25 =	sor.u32 $0xA0, s13;
	v3 =	vld.idx.msk [tilespmem:v0+s22+$0x0 ss:$0x1], $0xffff;
	[tilespmem:v1+s17+$0x0 ss:$0x1] =	vst.idx.msk $0xffff, v5  }
0x2f: {  	s28 =	sor.u32 $0xC0, s13;
	[tilespmem:v1+s19+$0x0 ss:$0x1] =	vst.idx.msk $0xffff, v2;
	v2 =	vld.idx.msk [tilespmem:v0+s25+$0x0 ss:$0x1], $0xffff  }
0x30: {  	s29 =	sor.u32 $0xD0, s13;
	v61 =	vld.idx.msk [tilespmem:v0+s28+$0x0 ss:$0x1], $0xffff;
	[tilespmem:v1+s18+$0x0 ss:$0x1] =	vst.idx.msk $0xffff, v6  }
0x31: {  	s30 =	sor.u32 $0xE0, s13;
	v62 =	vld.idx.msk [tilespmem:v0+s29+$0x0 ss:$0x1], $0xffff;
	[tilespmem:v1+s23+$0x0 ss:$0x1] =	vst.idx.msk $0xffff, v58  }
0x32: {  	s26 =	sor.u32 $0xB0, s13;
	v63 =	vld.idx.msk [tilespmem:v0+s30+$0x0 ss:$0x1], $0xffff;
	[tilespmem:v1+s24+$0x0 ss:$0x1] =	vst.idx.msk $0xffff, v59  }
0x33: {  	s31 =	sor.u32 $0xF0, s13;
	[tilespmem:v1+s22+$0x0 ss:$0x1] =	vst.idx.msk $0xffff, v3;
	v3 =	vld.idx.msk [tilespmem:v0+s26+$0x0 ss:$0x1], $0xffff  }
0x34: {  	p2 =	por p1, p1;
	[tilespmem:v1+s25+$0x0 ss:$0x1] =	vst.idx.msk $0xffff, v2;
	v2 =	vld.idx.msk [tilespmem:v0+s31+$0x0 ss:$0x1], $0xffff  }
.Ltmp3:
0x35: {  	[tilespmem:v1+s28+$0x0 ss:$0x1] =	vst.idx.msk $0xffff, v61;
	(pc) =	sbr.rel @p2 .LBB2_3-.Ltmp3, $4  }
0x36: {  	[tilespmem:v1+s29+$0x0 ss:$0x1] =	vst.idx.msk $0xffff, v62  }
0x37: {  	[tilespmem:v1+s30+$0x0 ss:$0x1] =	vst.idx.msk $0xffff, v63  }
0x38: {  	[tilespmem:v1+s26+$0x0 ss:$0x1] =	vst.idx.msk $0xffff, v3  }
0x39: {  	p1 =	por $0x0, $0x0;
	s13 =	simm.s32 $0x100;
	[tilespmem:v1+s31+$0x0 ss:$0x1] =	vst.idx.msk $0xffff, v2  }
0x3a: {  	s13 =	sadd.s32 $0x700, s12;
	s12 =	sadd.s32 $0x200, s12;
	s14 =	simm.s32 $0x1F0  }
.LBB2_5:
0x3b: {  	s14 =	sadd.s32 $0x10, s14  }
0x3c: {  	v0 =	vld [tilespmem:s12+$0x0];
	p1 =	slt.u32 s14, $0x270  }
.Ltmp4:
0x3d: {  	_ = 	snop;
	(pc) =	sbr.rel @p1 .LBB2_5-.Ltmp4, $2  }
0x3e: {  	_ =	sdelay $0x2  }
0x3f: {  	s12 =	sadd.s32 $0x10, s12;
	[tilespmem:s13+$0x0] =	vst v0;
	s13 =	sadd.s32 $0x10, s13  }
.Ltmp5:
0x40: {  	(pc) =	sbr.rel .LBB2_7-.Ltmp5, $4  }
0x41: {  	_ = 	snop  }
0x42: {  	s10 =	sshrl.u32 s10, $0x3  }
0x43: {  	s10 =	sadd.s32 s4, s10  }
0x44: {  	[hbm4b:s10+s3] =	stream.linear.scatter [tilespmem:s11], [sflag:$0x2], $0x280, $0x38;
	[tilespmem:$0xA00] =	vst v63  }
.LBB2_8:
0x45: {  	_ =	sfence.sel $0x180000  }
0x46: {  	s2 =	simm.s32 $0x1;
	[bflag:$0x0] =	sbarrier.arrive $0xFFFF  }
0x47: {  	s31 =	simm.s32 $0x2;
	[sflag:s2] =	ssyncpa.u1 $0x1  }
0x48: {  	[sflag:s31] =	ssyncpa.u1 $0x1  }
0x49: {  	_ =	strace $0x90000047  }
0x4a: {  	s0 =	sadd.s32 @!p0 $0x100000, s0;
	[bflag:$0x2] =	sbarrier.arrive $0xFFFF  }
0x4b: {  	[sflag:s0] =	ssyncadd.tile.s32 @!p0 $0x1;
	s0 =	simm.s32 @!p0 $0x3F  }
0x4c: {  	_ =	swait.ge @!p0 [sflag:s0], s1  }
0x4d: {  	s1 =	ssub.s32 @!p0 $0x0, s1;
	[sflag:s0] =	ssyncset.done @!p0 $0x0  }
0x4e: {  	[sflag:s0] =	ssyncadd.s32 @!p0 s1  }
0x4f: {  	[bflag:$0x3] =	sbarrier.arrive $0xFFFF  }
0x50: {  	_ =	shalt  }
.Lfunc_end2:
execute1_lowered:
.L_overlay_start_2:
0x51: {  	(tag) =	ssettag $0x2  }
0x52: {  	s0 =	rddreg [dreg:$0x0];
	_ =	strace $0x8000004A;
	s1 =	simm.s32 $0x1  }
0x53: {  	v1 =	vimm.s32 $0xFFFFFFFF;
	[sflag:s1] =	ssyncpa.u1 $0x0  }
0x54: {  	s10 =	stileid.u32;
	s2 =	simm.s32 $0x6000;
	[tilespmem:$0x10] =	vst v1  }
0x55: {  	v0 =	vimm.f32 $0.0e+00;
	s29 =	simm.s32 $0x2;
	s7 =	simm.s32 $0x7;
	s8 =	simm.s32 $0x8;
	[tilespmem:$0x20] =	vst v1  }
0x56: {  	s30 =	simm.s32 $0x9;
	s16 =	simm.s32 $0x0;
	s17 =	simm.s32 $0xFFFFE000;
	[tilespmem:$0x30] =	vst v0  }
0x57: {  	s18 =	simm.s32 $0xF0;
	s19 =	simm.s32 $0xFFFFFFFF;
	s20 =	simm.s32 $0xFFFFC100;
	[tilespmem:$0x40] =	vst v0  }
0x58: {  	s21 =	simm.s32 $0xFFFFFFFE;
	s28 =	smin.u32 s10, $0x8;
	s3 =	sshll.u32 s10, $0x1;
	[tilespmem:$0x50] =	vst v0  }
0x59: {  	s22 =	simm.s32 $0xF;
	p0 =	slt.u32 s10, $0x8;
	[tilespmem:$0x60] =	vst v1;
	s1 =	sadd.s32 s28, s3  }
0x5a: {  	s26 =	simm.s32 $0x0;
	[tilespmem:$0x70] =	vst v1;
	s2 =	simm.s32 @!p0 $0x4000;
	s4 =	sshll.u32 s1, $0xD  }
0x5b: {  	s25 =	simm.s32 $0x0;
	s6 =	sadd.s32 $0xEBC00, s0;
	[tilespmem:$0x80] =	vst v1;
	s2 =	sadd.s32 s2, s4  }
0x5c: {  	s15 =	sshllo.u32 s10, $0x1;
	v1 =	vimm.s32 $0x0;
	[tilespmem:$0xB0] =	vst v0;
	s13 =	sor.u32 $0x80, s3;
	s5 =	smin.u32 s2, $0x50000  }
0x5d: {  	s14 =	sor.u32 $0x81, s3;
	[tilespmem:$0x90] =	vst v1;
	s1 =	sadd.s32 $0x150200, s0;
	s9 =	ssub.s32 s5, s4  }
.Ltmp6:
0x5e: {  	[tilespmem:$0xA0] =	vst v1;
	[sflag:s29] =	ssyncpa.u1 $0x0;
	p0 =	sgt.s32 s9, $0x0;
	(pc) =	sbr.rel .LBB3_1-.Ltmp6, $4  }
0x5f: {  	s0 =	sadd.s32 $0xF5C00, s0;
	[sflag:s7] =	ssyncpa.u1 $0x0;
	s9 =	simm.s32 @!p0 $0x0  }
0x60: {  	[dreg:$0x2] =	wrdreg s0;
	[sflag:s8] =	ssyncpa.u1 $0x0;
	s9 =	sshrl.u32 s9, $0xD  }
0x61: {  	vm0 =	vmmov $0xffff;
	v2 =	vlaneseq.u32;
	s24 =	smov.u32 s4;
	[sflag:s30] =	ssyncpa.u1 $0x0;
	s31 =	sadd.s32 $0x1, s9  }
0x62: {  	vm1 =	vmxor vm1, vm1;
	vm2 =	vmmov $0x1;
	vm3 =	vcmask $0x3F3C;
	p0 =	por $0x0, $0x0;
	s12 =	sadd.s32 $0x2, s9;
	[dreg:$0x3] =	wrdreg s31  }
.LBB3_9:
0x63: {  	p1 =	slt.u32 s25, $0x3  }
0x64: {  	s0 =	simm.s32 @!p1 $0x2  }
0x65: {  	_ =	swait.ge @!p1 [sflag:s0], $0x2000  }
0x66: {  	[sflag:s0] =	ssyncset.done @!p1 $0x0  }
0x67: {  	[sflag:s0] =	ssyncadd.s32 @!p1 $0xFFFFE000;
	s0 =	simm.s32 @!p1 $0x9  }
0x68: {  	_ =	swait.ge @!p1 [sflag:s0], $0x10  }
0x69: {  	s2 =	sadd.s32 $0x2000, s24;
	[sflag:s0] =	ssyncset.done @!p1 $0x0  }
0x6a: {  	[sflag:s0] =	ssyncadd.s32 @!p1 $0xFFFFFFF0;
	p1 =	slt.s32 s2, s5;
	s0 =	smov.u32 s4  }
0x6b: {  	s0 =	smov.u32 @p1 s2;
	p1 =	sne.s32 s25, s12  }
.Ltmp7:
0x6c: {  	_ = 	snop;
	(pc) =	sbr.rel @!p1 .LBB3_10-.Ltmp7, $4  }
0x6d: {  	s31 =	sadd.s32 $0x1, s25  }
0x6e: {  	s17 =	sadd.s32 $0x2000, s17;
	s18 =	sadd.s32 $0x2000, s18;
	s19 =	sadd.s32 $0x1, s19  }
0x6f: {  	s26 =	smov.u32 s24;
	p0 =	por !p0, !p0;
	s20 =	sadd.s32 $0x2000, s20  }
0x70: {  	s21 =	sadd.s32 $0x1, s21;
	s25 =	smov.u32 s31;
	s24 =	smov.u32 s0  }
.LBB3_1:
0x71: {  	p1 =	sge.u32 s25, s9  }
0x72: {  	s0 =	smulhi.u32 @!p1 $0xAAAAAAAB, s25;
	_ =	sdelay $0x1  }
0x73: {  	s0 =	sshrl.u32 @!p1 s0, $0x1  }
0x74: {  	s0 =	smul.u32 @!p1 $0x3, s0;
	_ =	sdelay $0x1  }
0x75: {  	s0 =	ssub.s32 @!p1 s25, s0  }
0x76: {  	s2 =	sshrl.u32 @!p1 s24, $0x3;
	s0 =	sshll.u32 @!p1 s0, $0xD  }
0x77: {  	s10 =	sand.u32 @!p1 $0x7, s24;
	s2 =	sadd.s32 @!p1 s6, s2;
	s0 =	sor.u32 @!p1 $0x100, s0  }
0x78: {  	[tilespmem:s0], [sflag:$0x7] =	stream.linear.gather @!p1 [hbm4b:s2+s10], $0x2000, $0x38;
	[tilespmem:$0x12120] =	vst v63  }
0x79: {  	s2 =	sadd.s32 $0xFFFFFFFF, s25  }
0x7a: {  	p1 =	sge.u32 s2, s9  }
.Ltmp8:
0x7b: {  	_ = 	snop;
	(pc) =	sbr.rel @p1 .LBB3_5-.Ltmp8, $1  }
0x7c: {  	_ =	sdelay $0x3  }
0x7d: {  	s0 =	smulhi.u32 $0xAAAAAAAB, s2;
	_ =	sdelay $0x1  }
0x7e: {  	s0 =	sshrl.u32 s0, $0x1  }
0x7f: {  	s0 =	smul.u32 $0x3, s0;
	_ =	sdelay $0x1  }
0x80: {  	s0 =	ssub.s32 s2, s0  }
0x81: {  	_ =	swait.ge [sflag:s7], $0x2000;
	s0 =	sshll.u32 s0, $0xD  }
0x82: {  	[sflag:s7] =	ssyncset.done $0x0;
	s0 =	sor.u32 $0x100, s0  }
0x83: {  	[sflag:s7] =	ssyncadd.s32 $0xFFFFE000;
	(ifvalue) =	ssetifvalue $0xFFFFFFFF;
	v3 =	vld.msk [tilespmem:s0+$0x0 ss:$0x1], $0xffff;
	_ =	sdelay $0x2  }
0x84: {  	s29 =	smulhi.u32 $0xAAAAAAAB, s19;
	p1 =	sne.s32 s25, $0x1  }
0x85: {  	v4 =	vimm.s32 @!p1 $0x0  }
0x86: {  	s0 =	sshrl.u32 s29, $0x1;
	v4 =	vperm.xlane @!p1 v3, v4  }
0x87: {  	s10 =	sshll.u32 s25, $0x4;
	s0 =	smul.u32 $0xFFFE8000, s0;
	vm4 =	vlt.u32 v3, $0x2800  }
0x88: {  	s10 =	sand.u32 $0x10, s10;
	v3 =	vnsel vm4, $0xFFFFFFFE, v3;
	vm4 =	vlt.u32 @!p1 v4, $0x2800  }
0x89: {  	s0 =	sshra.s32 s0, $0x2;
	[tilespmem:s10+$0x60] =	vst v3;
	v3 =	vnsel @!p1 vm4, $0xFFFFFFFE, v4  }
0x8a: {  	s28 =	sadd.s32 s0, s18;
	[tilespmem:$0x80] =	vst @!p1 v3  }
0x8b: {  	v3 =	vld.msk [tilespmem:s28+$0x0 ss:$0x1], $0xffff;
	_ =	sdelay $0x4  }
0x8c: {  	(xrf1) =	vunique.msk.u32 $0xffff, v3;
	_ =	sdelay $0xd  }
0x8d: {  	v4 =	vimm.s32 $0xFFFFFFFF;
	v5, _, _ =	vpop (xrf1)  }
0x8e: {  	vm5 =	vne.s32 v3, v4;
	vm4 =	veq.s32 v5, v2  }
0x8f: {  	vm6 =	vlt.u32 v3, $0x2800;
	vm4 =	vmand vm5, vm4  }
0x90: {  	vm4 =	vmand vm6, vm4  }
0x91: {  	v4 =	vnsel vm4, $0xFFFFFFFF, v3;
	_ =	sdelay $0x2  }
0x92: {  	s30 =	sand.u32 $0x2000, s17  }
0x93: {  	s31 =	sshll.u32 s2, $0xD;
	s0 =	sor.u32 $0x80F0, s30;
	(ifvalue) =	ssetifvalue $0xFFFFFFFF  }
0x94: {  	v3 =	vperm.xlane v3, v1;
	[tilespmem:s0], [sflag:$0x8] =	stream.indirect_vreg.gather [hbm4b:s1+s16], $0x1, v4, vm0, $0x4038;
	v4 =	vnsel vm6, $0xFFFFFFFE, v4;
	[tilespmem:$0x12120] =	vst v63  }
0x95: {  	s23 =	simm.s32 $0x0;
	s2 =	sand.u32 $0x2000, s31;
	s10 =	sadd.s32 $0xFFFFFFF0, s28;
	[tilespmem:s28+$0x0] =	vst v4  }
.LBB3_3:
0x96: {  	v4 =	vld.msk [tilespmem:s10+$0x0 ss:$0x1], $0xffff;
	s23 =	sadd.s32 $0x10, s23;
	v5 =	vmov v3;
	s28 =	smov.u32 s10  }
0x97: {  	p1 =	slt.u32 s23, $0x1FF0;
	_ =	sdelay $0x4  }
0x98: {  	v3 =	vperm.xlane v4, v1;
	(xrf1) =	vunique.msk.u32 $0xffff, v4;
	_ =	sdelay $0xd  }
0x99: {  	v6, _, _ =	vpop (xrf1)  }
0x9a: {  	vm5 =	vne.s32 v4, v5;
	vm4 =	veq.s32 v6, v2  }
0x9b: {  	vm6 =	vlt.u32 v4, $0x2800;
	vm4 =	vmand vm5, vm4  }
0x9c: {  	vm4 =	vmand vm6, vm4  }
0x9d: {  	v4 =	vnsel vm4, $0xFFFFFFFF, v4  }
.Ltmp9:
0x9e: {  	v5 =	vnsel vm6, $0xFFFFFFFE, v4;
	(pc) =	sbr.rel @p1 .LBB3_3-.Ltmp9, $3  }
0x9f: {  	_ =	sdelay $0x1  }
0xa0: {  	s10 =	sadd.s32 $0xFFFFFFF0, s10;
	s0 =	sadd.s32 $0xFFFFFFF0, s0;
	(ifvalue) =	ssetifvalue $0xFFFFFFFF  }
0xa1: {  	[tilespmem:s0], [sflag:$0x8] =	stream.indirect_vreg.gather [hbm4b:s1+s16], $0x1, v4, vm0, $0x4038;
	[tilespmem:s28+$0x0] =	vst v5  }
0xa2: {  	s0 =	sshrl.u32 s26, $0x3;
	s10 =	rddreg [dreg:$0x2]  }
0xa3: {  	s2 =	sadd.s32 $0xA100, s2;
	s0 =	sadd.s32 s10, s0  }
0xa4: {  	[tilespmem:s2], [sflag:$0x8] =	stream.linear.gather [hbm:s0], $0x2000, $0x38;
	[tilespmem:$0x12120] =	vst v63  }
.LBB3_5:
0xa5: {  	p1 =	slt.u32 s25, $0x2  }
0xa6: {  	p2 =	sge.u32 @!p1 s25, s12  }
0xa7: {  	p1 =	por p1, p2  }
.Ltmp10:
0xa8: {  	_ = 	snop;
	(pc) =	sbr.rel @p1 .LBB3_9-.Ltmp10, $1  }
0xa9: {  	_ =	sdelay $0x3  }
0xaa: {  	s0 =	sadd.s32 $0xFFFFFFFE, s25  }
0xab: {  	s2 =	smulhi.u32 $0xAAAAAAAB, s0;
	_ =	sdelay $0x1  }
0xac: {  	s2 =	sshrl.u32 s2, $0x1  }
0xad: {  	s2 =	smul.u32 $0x3, s2  }
0xae: {  	_ =	swait.ge [sflag:s8], $0x4000  }
0xaf: {  	s10 =	rddreg [dreg:$0x3];
	s0 =	ssub.s32 s0, s2  }
0xb0: {  	[sflag:s8] =	ssyncset.done $0x0;
	p1 =	sne.s32 s25, s10;
	s0 =	sshll.u32 s0, $0xD  }
0xb1: {  	[sflag:s8] =	ssyncadd.s32 $0xFFFFC000;
	s2 =	sadd.s32 @!p1 $0x20FF, s0  }
0xb2: {  	[spmem:s14] =	stream.linear.scatter @!p1 [tilespmem:s2], [sflag:$0x1], $0x1, $0x38;
	[tilespmem:$0x12120] =	vst v63  }
0xb3: {  	s2 =	simm.s32 @!p1 $0x1  }
0xb4: {  	_ =	swait.ge @!p1 [sflag:s2], $0x1  }
0xb5: {  	s10 =	sshll.u32 s25, $0x4;
	[sflag:s2] =	ssyncset.done @!p1 $0x0  }
0xb6: {  	s26 =	sand.u32 $0x10, s10;
	[sflag:s2] =	ssyncadd.s32 @!p1 $0xFFFFFFFF  }
0xb7: {  	s2 =	sxor.u32 $0x10, s26;
	v4 =	vld [tilespmem:s26+$0x10]  }
0xb8: {  	v5 =	vld [tilespmem:s2+$0x60]  }
0xb9: {  	v3 =	vld [tilespmem:$0x80];
	_ =	sdelay $0x2  }
0xba: {  	(v2sf) =	vpush v4, $0x0  }
0xbb: {  	(v2sf) =	vpush v5, $0x0  }
0xbc: {  	(v2sf) =	vpush v3, $0x0;
	_ =	sdelay $0xc  }
0xbd: {  	s11 =	spop (v2sf)  }
0xbe: {  	s23 =	spop (v2sf)  }
0xbf: {  	s29 =	spop (v2sf)  }
0xc0: {  	p2 =	seq.s32 s11, s23;
	p3 =	seq.s32 s29, s11  }
0xc1: {  	p3 =	por p2, p3  }
0xc2: {  	v4 =	vpsel p3, $0xFFFFFFFF, v4  }
0xc3: {  	s23 =	sand.u32 $0x1, s25;
	[tilespmem:s26+$0x10] =	vst.msk $0x1, v4  }
0xc4: {  	s30 =	sshll.u32 s23, $0xD;
	v4 =	vld [tilespmem:$0x30]  }
0xc5: {  	v5 =	vld [tilespmem:s30+$0xA100]  }
0xc6: {  	v6 =	vld [tilespmem:s26+$0x40];
	_ =	sdelay $0x3  }
0xc7: {  	vm4 =	vmmov vm1;
	v5 =	vadd.f32 v5, v4  }
0xc8: {  	vm5 =	vmmov vm2;
	vm4 =	vmmov @p2 vm2;
	s10 =	sshll.u32 s23, $0x4;
	v4 =	vadd.f32 v6, v4  }
0xc9: {  	s28 =	sor.u32 $0x12100, s10;
	vm5 =	vmmov @p3 vm1;
	[tilespmem:s30+$0xA100] =	vst.msk vm4, v5  }
0xca: {  	[tilespmem:s28+$0x0] =	vst.msk vm5, v4  }
0xcb: {  	v4 =	vld [tilespmem:s30+$0x80F0];
	_ =	sdelay $0x3  }
0xcc: {  	v5 =	vimm.f32 $0.0e+00  }
0xcd: {  	v4 =	vshift.insert v4, v5, s22  }
0xce: {  	s11 =	sor.u32 $0x40, s2  }
0xcf: {  	[tilespmem:s11+$0x0] =	vst.msk $0x1, v4  }
0xd0: {  	[tilespmem:s30+$0x80FF] =	vst.msk $0x1, v5  }
0xd1: {  	v4 =	vld [tilespmem:s0+$0x20F0];
	_ =	sdelay $0x1  }
0xd2: {  	s23 =	smulhi.u32 $0xAAAAAAAB, s21;
	_ =	sdelay $0x1  }
0xd3: {  	s10 =	simm.s32 $0x1;
	s0 =	sshrl.u32 s23, $0x1  }
0xd4: {  	s10 =	simm.s32 @!p0 $0x0;
	s0 =	smul.u32 $0xFFFE8000, s0;
	v4 =	vshift.insert v4, v1, s22  }
0xd5: {  	s10 =	sshll.u32 s10, $0xD  }
0xd6: {  	s31 =	sadd.s32 $0xA100, s10;
	s0 =	sshra.s32 s0, $0x2;
	[tilespmem:s2+$0x10] =	vst.msk $0x1, v4  }
0xd7: {  	s11 =	sadd.s32 s0, s20;
	v6 =	vld [tilespmem:s31+$0x0]  }
0xd8: {  	v7 =	vld [tilespmem:s11+$0x0];
	_ =	sdelay $0x3  }
0xd9: {  	v5 =	vadd.f32 v6, v5  }
0xda: {  	vm4 =	vne.s32 v7, $0xFFFFFFFF  }
0xdb: {  	(xrf2) =	vadd.seg.scan.f32 vm4, v5;
	_ =	sdelay $0x3  }
0xdc: {  	s0 =	sadd.s32 $0x6100, s10;
	v5 =	vperm.xlane v4, v1  }
0xdd: {  	v6 =	vld [tilespmem:s0+$0x0]  }
0xde: {  	vm5 =	veq.s32 v7, v3;
	vm6 =	veq.s32 v7, v5  }
0xdf: {  	vm7 =	vgt.u32 v7, $0xFFFFFFFD;
	vm6 =	vmor vm6, vm5  }
0xe0: {  	vm6 =	vmor vm6, vm7  }
0xe1: {  	v9 =	vld [tilespmem:$0xA0];
	v7 =	vsel vm6, $0xFFFFFFFF, v7  }
0xe2: {  	v10 =	vld [tilespmem:$0x90];
	v6 =	vsel vm5, $0x0, v6;
	v8, _, _ =	vpop (xrf2)  }
0xe3: {  	v6 =	vadd.f32 v8, v6  }
0xe4: {  	s2 =	sadd.s32 $0xE100, s10  }
0xe5: {  	vm4 =	vmand vm4, vm3;
	[tilespmem:s2+$0x0] =	vst v6;
	(ifvalue) =	ssetifvalue $0xFFFFFFFF  }
0xe6: {  	vm6 =	veq.s32 v9, $0x1;
	[hbm4b:s1+s16] =	stream.indirect_vreg.scatter [tilespmem:s2], [sflag:$0x2], $0x1, v7, vm0, $0x4038;
	v7 =	vsel vm4, $0x0, v8;
	[tilespmem:$0x12120] =	vst v63  }
0xe7: {  	s23 =	simm.s32 $0x0;
	s10 =	sadd.s32 $0x10, s11;
	vm4 =	vmor vm6, vm5;
	v6 =	vsel vm5, v8, v10;
	v7 =	vshift.insert v7, v0, s22  }
.LBB3_7:
0xe8: {  	v8 =	vld [tilespmem:s10+$0x0];
	s31 =	sadd.s32 $0x10, s31  }
0xe9: {  	s0 =	sadd.s32 $0x10, s0;
	v9 =	vld [tilespmem:s31+$0x0]  }
0xea: {  	s23 =	sadd.s32 $0x10, s23;
	v10 =	vld [tilespmem:s0+$0x0]  }
0xeb: {  	p2 =	slt.u32 s23, $0x1FF0;
	_ =	sdelay $0x2  }
0xec: {  	v7 =	vadd.f32 v9, v7  }
0xed: {  	vm5 =	vne.s32 v8, $0xFFFFFFFF  }
0xee: {  	vm6 =	vmand vm5, vm3;
	(xrf2) =	vadd.seg.scan.f32 vm5, v7;
	_ =	sdelay $0x5  }
0xef: {  	vm7 =	veq.s32 v8, v5;
	vm5 =	veq.s32 v8, v3  }
0xf0: {  	vm8 =	vgt.u32 v8, $0xFFFFFFFD;
	vm4 =	vmor vm4, vm5;
	vm7 =	vmor vm7, vm5  }
0xf1: {  	vm7 =	vmor vm7, vm8  }
0xf2: {  	v8 =	vsel vm7, $0xFFFFFFFF, v8  }
.Ltmp11:
0xf3: {  	v7 =	vsel vm5, $0x0, v10;
	v9, _, _ =	vpop (xrf2);
	(pc) =	sbr.rel @p2 .LBB3_7-.Ltmp11, $4  }
0xf4: {  	v6 =	vsel vm5, v9, v6;
	v10 =	vadd.f32 v9, v7;
	v7 =	vsel vm6, $0x0, v9  }
0xf5: {  	s2 =	sadd.s32 $0x10, s2;
	v7 =	vshift.insert v7, v0, s22  }
0xf6: {  	s10 =	sadd.s32 $0x10, s10;
	[tilespmem:s2+$0x0] =	vst v10;
	(ifvalue) =	ssetifvalue $0xFFFFFFFF  }
0xf7: {  	[hbm4b:s1+s16] =	stream.indirect_vreg.scatter [tilespmem:s2], [sflag:$0x2], $0x1, v8, vm0, $0x4038;
	[tilespmem:$0x12120] =	vst v63  }
0xf8: {  	v3 =	vld [tilespmem:s30+$0x100F0];
	_ =	sdelay $0x4  }
0xf9: {  	v3 =	vshift.insert v3, v0, s22  }
0xfa: {  	s0 =	simm.s32 $0x30  }
0xfb: {  	[tilespmem:s0+$0x0] =	vst.msk $0x1, v3  }
0xfc: {  	v3 =	vsel vm4, $0x1, v1;
	[tilespmem:$0x90] =	vst v6  }
0xfd: {  	s0 =	sadd.s32 @!p1 $0x100FF, s30;
	[tilespmem:$0xA0] =	vst v3  }
0xfe: {  	[spmem:s15] =	stream.linear.scatter @!p1 [tilespmem:s0], [sflag:$0x1], $0x1, $0x38;
	[tilespmem:$0x12120] =	vst v63  }
0xff: {  	s0 =	simm.s32 @!p1 $0x1  }
0x100: {  	v3 =	vmctz.xlane @!p1 vm4;
	_ =	swait.ge @!p1 [sflag:s0], $0x1  }
0x101: {  	(v2sf) =	vpush @!p1 v4, $0x0  }
0x102: {  	(v2sf) =	vpush @!p1 v3, $0x0;
	_ =	sdelay $0xd  }
0x103: {  	s2 =	spop @!p1 (v2sf)  }
0x104: {  	s10 =	spop @!p1 (v2sf)  }
0x105: {  	p2 =	sne.s32 @!p1 s29, s2;
	p3 =	slt.s32 @!p1 s10, $0xF  }
0x106: {  	[sflag:s0] =	ssyncset.done @!p1 $0x0;
	p2 =	por p2, p1;
	p3 =	por !p3, p1  }
0x107: {  	[sflag:s0] =	ssyncadd.s32 @!p1 $0xFFFFFFFF;
	v3 =	vimm.s32 @!p2 $0xFFFFFFFF;
	s10 =	simm.s32 @p3 $0xF  }
0x108: {  	[tilespmem:$0x80] =	vst @!p2 v3;
	s2 =	sadd.s32 @!p1 $0x90, s10  }
0x109: {  	[spmem:s3] =	stream.linear.scatter @!p1 [tilespmem:s2], [sflag:$0x1], $0x1, $0x38;
	[tilespmem:$0x12120] =	vst v63  }
0x10a: {  	_ =	swait.ge @!p1 [sflag:s0], $0x1  }
0x10b: {  	[sflag:s0] =	ssyncset.done @!p1 $0x0  }
0x10c: {  	s2 =	simm.s32 @!p1 $0x80;
	[sflag:s0] =	ssyncadd.s32 @!p1 $0xFFFFFFFF  }
0x10d: {  	[spmem:s13] =	stream.linear.scatter @!p1 [tilespmem:s2], [sflag:$0x1], $0x1, $0x38;
	[tilespmem:$0x12120] =	vst v63  }
0x10e: {  	_ =	swait.ge @!p1 [sflag:s0], $0x1  }
0x10f: {  	[sflag:s0] =	ssyncset.done @!p1 $0x0  }
0x110: {  	[sflag:s0] =	ssyncadd.s32 @!p1 $0xFFFFFFFF;
	(ifvalue) =	ssetifvalue $0xFFFFFFFF;
	v3 =	vld [tilespmem:s26+$0x10];
	_ =	sdelay $0x3  }
.Ltmp12:
0x111: {  	_ = 	snop;
	(pc) =	sbr.rel .LBB3_9-.Ltmp12, $3  }
0x112: {  	_ =	sdelay $0x1  }
0x113: {  	(ifvalue) =	ssetifvalue $0xFFFFFFFF  }
0x114: {  	[hbm4b:s1+s16] =	stream.indirect_vreg.scatter [tilespmem:s28], [sflag:$0x9], $0x1, v3, vm0, $0x4038;
	[tilespmem:$0x12120] =	vst v63  }
.LBB3_10:
0x115: {  	_ =	sfence.sel $0x180000  }
0x116: {  	s0 =	simm.s32 $0x7;
	[bflag:$0x0] =	sbarrier.arrive $0xFFFF  }
0x117: {  	s26 =	simm.s32 $0x8;
	[sflag:s0] =	ssyncpa.u1 $0x1  }
0x118: {  	s28 =	simm.s32 $0x9;
	[sflag:s26] =	ssyncpa.u1 $0x1  }
0x119: {  	[sflag:s28] =	ssyncpa.u1 $0x1  }
0x11a: {  	_ =	sfence.stream.spmem  }
0x11b: {  	s29 =	simm.s32 $0x3;
	[bflag:$0x0] =	sbarrier.arrive $0xFFFF  }
0x11c: {  	s30 =	simm.s32 $0x4;
	[sflag:s29] =	ssyncpa.u1 $0x1  }
0x11d: {  	s31 =	simm.s32 $0x3C;
	s2 =	stileid.u32;
	[sflag:s30] =	ssyncpa.u1 $0x1  }
0x11e: {  	p0 =	sne.s32 s2, $0x0;
	[sflag:s31] =	ssyncpa.u1 $0x1  }
0x11f: {  	s0 =	simm.s32 @p0 $0x1;
	_ =	sfence @p0  }
0x120: {  	[sflag:s0] =	ssyncpa.u1 @p0 $0x1;
	s0 =	simm.s32 @p0 $0x2  }
0x121: {  	[sflag:s0] =	ssyncpa.u1 @p0 $0x1  }
0x122: {  	_ =	strace @p0 $0x9000004A  }
0x123: {  	[bflag:$0x2] =	sbarrier.arrive @p0 $0xFFFF  }
0x124: {  	_ =	shalt @p0  }
.LBB3_11:
0x125: {  	_ =	sfence.stream.spmem;
	s0 =	simm.s32 $0x5  }
0x126: {  	s2 =	simm.s32 $0x80;
	s3 =	simm.s32 $0xC0;
	[sflag:s0] =	ssyncpa.u1 $0x0  }
0x127: {  	[tilespmem:s3], [sflag:$0x5] =	stream.linear.gather [spmem:s2], $0x20, $0x38;
	[tilespmem:$0x12120] =	vst v63  }
0x128: {  	s2 =	simm.s32 $0x0;
	s3 =	simm.s32 $0xE0  }
0x129: {  	[tilespmem:s3], [sflag:$0x5] =	stream.linear.gather [spmem:s2], $0x20, $0x38;
	[tilespmem:$0x12120] =	vst v63  }
.Ltmp13:
0x12a: {  	_ = 	snop;
	(pc) =	sbr.rel .LBB3_12-.Ltmp13, $4  }
0x12b: {  	_ =	swait.ge [sflag:s0], $0x40  }
0x12c: {  	[sflag:s0] =	ssyncset.done $0x0  }
0x12d: {  	s31 =	simm.s32 $0x6;
	[sflag:s0] =	ssyncadd.s32 $0xFFFFFFC0  }
0x12e: {  	s4 =	simm.s32 $0x0;
	[sflag:s31] =	ssyncpa.u1 $0x0  }
.LBB3_17:
0x12f: {  	p0 =	sgt.u32 s0, $0x27FF  }
0x130: {  	s5 =	sshrl.u32 @!p0 s0, $0x3  }
0x131: {  	s0 =	sand.u32 @!p0 $0x7, s0;
	s6 =	simm.s32 @!p0 $0xB0;
	s5 =	sadd.s32 @!p0 s1, s5  }
0x132: {  	[tilespmem:s6], [sflag:$0x6] =	stream.linear.gather @!p0 [hbm4b:s5+s0], $0x1, $0x38;
	[tilespmem:$0x12120] =	vst v63  }
0x133: {  	s0 =	simm.s32 @!p0 $0x6  }
0x134: {  	_ =	swait.ge @!p0 [sflag:s0], $0x1  }
0x135: {  	[sflag:s0] =	ssyncset.done @!p0 $0x0  }
0x136: {  	[sflag:s0] =	ssyncadd.s32 @!p0 $0xFFFFFFFF  }
0x137: {  	v2 =	vmov @!p0 s4;
	v1 =	vld.msk @!p0 [tilespmem:$0xB0], $0x1;
	_ =	sdelay $0x3  }
0x138: {  	s0 =	simm.s32 @!p0 $0xE0  }
0x139: {  	[tilespmem:v2+s0+$0x0], v1 =	vst.idx.ret.add.f32.msk @!p0 $0x1, v1  }
0x13a: {  	[tilespmem:s2+$0xC0] =	vst.msk $0x1, v0  }
0x13b: {  	v0 =	vld.msk [tilespmem:s4+$0xE0], $0x1;
	_ =	sdelay $0x4  }
0x13c: {  	[tilespmem:s2+$0xE0] =	vst.msk $0x1, v0;
	s2 =	sadd.s32 $0x1, s2  }
.LBB3_19:
0x13d: {  	s4 =	sadd.s32 $0x1, s4  }
0x13e: {  	p0 =	sne.s32 s4, $0x20  }
.Ltmp14:
0x13f: {  	_ = 	snop;
	(pc) =	sbr.rel @!p0 .LBB3_20-.Ltmp14, $1  }
0x140: {  	_ =	sdelay $0x3  }
.LBB3_12:
0x141: {  	v0 =	vld.msk [tilespmem:s4+$0xC0], $0x1;
	_ =	sdelay $0x4  }
0x142: {  	(v2sf) =	vpush v0, $0x0;
	_ =	sdelay $0xe  }
0x143: {  	s0 =	spop (v2sf)  }
0x144: {  	p0 =	seq.s32 s0, $0xFFFFFFFF  }
.Ltmp15:
0x145: {  	_ = 	snop;
	(pc) =	sbr.rel @p0 .LBB3_19-.Ltmp15, $1  }
0x146: {  	_ =	sdelay $0x3  }
0x147: {  	p0 =	slt.s32 s2, $0x1  }
.Ltmp16:
0x148: {  	_ = 	snop;
	(pc) =	sbr.rel @p0 .LBB3_17-.Ltmp16, $1  }
0x149: {  	_ =	sdelay $0x3  }
0x14a: {  	s5 =	simm.s32 $0xC0;
	p0 =	por $0x0, $0x0  }
0x14b: {  	v1 =	vld.msk @!p0 [tilespmem:s5+$0x0], $0x1;
	_ =	sdelay $0x4  }
0x14c: {  	(v2sf) =	vpush @!p0 v1, $0x0;
	_ =	sdelay $0xd  }
0x14d: {  	p2 =	sne.s32 s2, $0x1  }
.Ltmp17:
0x14e: {  	s6 =	spop @!p0 (v2sf);
	(pc) =	sbr.rel @!p2 .LBB3_16-.Ltmp17, $4  }
0x14f: {  	p1 =	seq.s32 @!p0 s0, s6  }
0x150: {  	s6 =	simm.s32 $0x0;
	p1 =	por !p1, p0  }
0x151: {  	s8 =	simm.s32 $0xFFFFFFFF;
	s6 =	simm.s32 @p1 $0xFFFFFFFF  }
0x152: {  	s7 =	simm.s32 $0x1;
	s6 =	smov.u32 @p0 s8  }
.LBB3_15:
0x153: {  	s8 =	smov.u32 s6;
	p0 =	sne.s32 s6, $0xFFFFFFFF  }
0x154: {  	s5 =	sadd.s32 $0x1, s5;
	s6 =	smov.u32 s7;
	s7 =	sadd.s32 $0x1, s7  }
0x155: {  	p1 =	sne.s32 s2, s7;
	v1 =	vld.msk @!p0 [tilespmem:s5+$0x0], $0x1;
	_ =	sdelay $0x4  }
0x156: {  	(v2sf) =	vpush @!p0 v1, $0x0;
	_ =	sdelay $0xe  }
.Ltmp18:
0x157: {  	s9 =	spop @!p0 (v2sf);
	(pc) =	sbr.rel @p1 .LBB3_15-.Ltmp18, $4  }
0x158: {  	p2 =	seq.s32 @!p0 s0, s9  }
0x159: {  	p2 =	por !p2, p0  }
0x15a: {  	s6 =	simm.s32 @p2 $0xFFFFFFFF  }
0x15b: {  	s6 =	smov.u32 @p0 s8  }
.LBB3_16:
0x15c: {  	p0 =	sne.s32 s6, $0xFFFFFFFF  }
.Ltmp19:
0x15d: {  	_ = 	snop;
	(pc) =	sbr.rel @!p0 .LBB3_17-.Ltmp19, $1  }
0x15e: {  	_ =	sdelay $0x3  }
0x15f: {  	v0 =	vld.msk [tilespmem:s4+$0xE0], $0x1;
	v1 =	vmov s6  }
.Ltmp20:
0x160: {  	_ = 	snop;
	(pc) =	sbr.rel .LBB3_19-.Ltmp20, $2  }
0x161: {  	_ =	sdelay $0x2  }
0x162: {  	[tilespmem:v1+s3+$0x0], v0 =	vst.idx.ret.add.f32.msk $0x1, v0  }
.LBB3_20:
0x163: {  	p0 =	slt.s32 s2, $0x1  }
.Ltmp21:
0x164: {  	_ = 	snop;
	(pc) =	sbr.rel @p0 .LBB3_24-.Ltmp21, $3  }
0x165: {  	_ =	sdelay $0x1  }
0x166: {  	s0 =	simm.s32 $0x6  }
0x167: {  	[sflag:s0] =	ssyncpa.u1 $0x1;
	s0 =	simm.s32 $0x0  }
0x168: {  	s3 =	simm.s32 $0xC0  }
0x169: {  	v0 =	vld.msk [tilespmem:s3+$0x0], $0x1;
	_ =	sdelay $0x4  }
0x16a: {  	(v2sf) =	vpush v0, $0x0;
	_ =	sdelay $0xe  }
0x16b: {  	s2 =	sadd.s32 $0xFFFFFFFF, s2;
	s4 =	spop (v2sf)  }
0x16c: {  	p1 =	sne.s32 s2, $0x0;
	p0 =	sgt.u32 s4, $0x27FF  }
.Ltmp22:
0x16d: {  	s5 =	sshrl.u32 @!p0 s4, $0x3;
	(pc) =	sbr.rel @!p1 .LBB3_23-.Ltmp22, $4  }
0x16e: {  	s3 =	simm.s32 $0xE0;
	s4 =	sand.u32 @!p0 $0x7, s4;
	s5 =	sadd.s32 @!p0 s1, s5  }
0x16f: {  	[hbm4b:s5+s4] =	stream.linear.scatter @!p0 [tilespmem:s3], [sflag:$0x5], $0x1, $0x38;
	[tilespmem:$0x12120] =	vst v63  }
0x170: {  	s5 =	simm.s32 $0x0  }
0x171: {  	s4 =	simm.s32 $0xC1;
	s5 =	simm.s32 @!p0 $0x4  }
.LBB3_22:
0x172: {  	v0 =	vld.msk [tilespmem:s4+$0x0], $0x1;
	s2 =	sadd.s32 $0xFFFFFFFF, s2;
	s0 =	sadd.s32 s0, s5  }
0x173: {  	p0 =	sne.s32 s2, $0x0;
	_ =	sdelay $0x3  }
0x174: {  	(v2sf) =	vpush v0, $0x0;
	_ =	sdelay $0xe  }
.Ltmp23:
0x175: {  	s6 =	spop (v2sf);
	(pc) =	sbr.rel @p0 .LBB3_22-.Ltmp23, $4  }
0x176: {  	s5 =	simm.s32 $0x0;
	p1 =	sgt.u32 s6, $0x27FF  }
0x177: {  	s3 =	sadd.s32 $0x1, s3;
	s5 =	simm.s32 @!p1 $0x4;
	s7 =	sshrl.u32 @!p1 s6, $0x3  }
0x178: {  	s4 =	sadd.s32 $0x1, s4;
	s6 =	sand.u32 @!p1 $0x7, s6;
	s7 =	sadd.s32 @!p1 s1, s7  }
0x179: {  	[hbm4b:s7+s6] =	stream.linear.scatter @!p1 [tilespmem:s3], [sflag:$0x5], $0x1, $0x38;
	[tilespmem:$0x12120] =	vst v63  }
.LBB3_23:
0x17a: {  	s0 =	sadd.s32 s0, s5  }
0x17b: {  	s0 =	sshrl.u32 s0, $0x2  }
.LBB3_24:
0x17c: {  	s1 =	simm.s32 $0x5  }
0x17d: {  	_ =	swait.ge [sflag:s1], s0  }
0x17e: {  	s28 =	ssub.s32 $0x0, s0;
	[sflag:s1] =	ssyncset.done $0x0  }
0x17f: {  	[sflag:s1] =	ssyncadd.s32 s28  }
0x180: {  	[sflag:s1] =	ssyncpa.u1 $0x1  }
0x181: {  	s29 =	simm.s32 $0x1;
	_ =	sfence  }
0x182: {  	s30 =	simm.s32 $0x2;
	[sflag:s29] =	ssyncpa.u1 $0x1  }
0x183: {  	[sflag:s30] =	ssyncpa.u1 $0x1  }
0x184: {  	_ =	strace $0x9000004A  }
0x185: {  	[bflag:$0x2] =	sbarrier.arrive $0xFFFF  }
0x186: {  	s31 =	rddreg [dreg:$0x1]  }
0x187: {  	s0 =	sadd.s32 $0x100000, s31  }
0x188: {  	[sflag:s0] =	ssyncadd.tile.s32 $0x1;
	_ =	shalt  }
.Lfunc_end3:
_tile_overlayer_lowered:
.L_overlay_start_3:
0x189: {  	(tag) =	ssettag $0x3  }
0x18a: {  	s0 =	rddreg [dreg:$0x0];
	s2 =	stileid.u32  }
0x18b: {  	s1 =	rddreg [dreg:$0x1];
	p0 =	sne.s32 s2, $0x0  }
0x18c: {  	s3 =	rddreg [dreg:$0x2];
	[bflag:$0x3] =	sbarrier.arrive $0xFFFF;
	s2 =	simm.s32 @!p0 $0x1C01  }
0x18d: {  	[timem:s3], [sflag:s2] =	dma.local @!p0 [hbm:s0], s1  }
0x18e: {  	s0 =	simm.s32 @!p0 $0x1  }
0x18f: {  	_ =	swait.ge @!p0 [sflag:s0], s1  }
0x190: {  	s1 =	ssub.s32 @!p0 $0x0, s1;
	[sflag:s0] =	ssyncset.done @!p0 $0x0  }
0x191: {  	[sflag:s0] =	ssyncadd.s32 @!p0 s1  }
0x192: {  	[bflag:$0x3] =	sbarrier.arrive $0xFFFF  }
0x193: {  	_ =	shalt  }

</sc_bundles>
